<compile_context>
chip_gen: v7x
topology: tpu7x:2x2x1
jax: 0.10.2.dev20260603
libtpu: 0.0.44.dev20260713+nightly
codegen_flags: <defaults>
</compile_context>

<pallas_src>
import functools

import jax
import jax.numpy as jnp
from jax import lax
from jax.experimental import pallas as pl
from jax.experimental.pallas import tpu as pltpu
from jax.experimental.pallas import tpu_sc as plsc

NE = 1000000
NR = 1000
D = 32
B = 16384
L = 16
W = 128
SLAB = 1 << 18
CH = 64
NBUF = 2
TB = 16384


def _xpose_body(x0_ref, x1_ref, x2_ref, x3_ref, eye_ref, o_ref):
    x = jnp.concatenate(
        [x0_ref[...], x1_ref[...], x2_ref[...], x3_ref[...]],
        axis=0).astype(jnp.bfloat16)
    o_ref[...] = lax.dot_general(
        x, eye_ref[...], (((0,), (0,)), ((), ())),
        preferred_element_type=jnp.float32)


def _tc_make_wide(ent_t):
    nblk = SLAB // TB
    eye = jnp.eye(W, dtype=jnp.bfloat16)

    last_blk = (NE + TB - 1) // TB - 1

    def in_spec(u):
        return pl.BlockSpec(
            (D, TB), lambda j, u=u: (0, jnp.minimum(u * nblk + j, last_blk)))

    return pl.pallas_call(
        _xpose_body,
        grid=(nblk,),
        in_specs=[in_spec(0), in_spec(1), in_spec(2), in_spec(3),
                  pl.BlockSpec((W, W), lambda j: (0, 0))],
        out_specs=pl.BlockSpec((TB, W), lambda j: (j, 0)),
        out_shape=jax.ShapeDtypeStruct((SLAB, W), jnp.float32),
        compiler_params=pltpu.CompilerParams(
            fuse_transposed_lhs_in_matmul=True),
    )(ent_t, ent_t, ent_t, ent_t, eye)


def _make_sc_call():
    info = plsc.get_sparse_core_info()
    nc, ns = info.num_cores, info.num_subcores
    nw = nc * ns
    bpw = B // nw
    nch = bpw // CH

    mesh = plsc.VectorSubcoreMesh(core_axis_name="c", subcore_axis_name="s")

    @functools.partial(
        pl.kernel,
        mesh=mesh,
        out_type=jax.ShapeDtypeStruct((nw, L), jnp.float32),
        compiler_params=pltpu.CompilerParams(needs_layout_passes=False),
        scratch_types=[
            pltpu.VMEM((bpw,), jnp.int32),
            pltpu.VMEM((bpw,), jnp.int32),
            pltpu.VMEM((bpw,), jnp.int32),
            pltpu.VMEM((bpw,), jnp.int32),
            pltpu.VMEM((bpw,), jnp.int32),
            pltpu.VMEM((bpw,), jnp.int32),
            pltpu.VMEM((bpw,), jnp.int32),
            pltpu.VMEM((bpw,), jnp.int32),
            pltpu.VMEM((NBUF, CH, W), jnp.float32),
            pltpu.VMEM((NBUF, CH, W), jnp.float32),
            pltpu.VMEM((NBUF, CH, W), jnp.float32),
            pltpu.VMEM((D, NR), jnp.float32),
            pltpu.VMEM((L,), jnp.float32),
            pltpu.SemaphoreType.DMA,
            pltpu.SemaphoreType.DMA,
        ],
    )
    def trans_e(ph_hbm, pr_hbm, pt_hbm, nh_hbm, nr_hbm, ent_hbm, rel_hbm,
                out_hbm,
                ph_i, pr_i, pt_i, nh_i, nr_i,
                ph_t, pt_t, nh_t,
                ph_v, pt_v, nh_v,
                rel_v, acc_v, sem0, sem1):
        wid = lax.axis_index("s") * nc + lax.axis_index("c")
        base = wid * bpw
        sems = (sem0, sem1)

        rel_copy = pltpu.async_copy(rel_hbm, rel_v, sem0)

        idx_copies = [
            pltpu.async_copy(src.at[pl.ds(base, bpw)], dst, sem1)
            for src, dst in ((ph_hbm, ph_i), (pr_hbm, pr_i), (pt_hbm, pt_i),
                             (nh_hbm, nh_i), (nr_hbm, nr_i))]
        for c in idx_copies:
            c.wait()

        mask = jnp.full((L,), SLAB - 1, jnp.int32)

        def shift_body(k, _):
            sl = pl.ds(k * L, L)
            ph_t[sl] = ph_i[sl] & mask
            pt_t[sl] = pt_i[sl] & mask
            nh_t[sl] = nh_i[sl] & mask
            return 0
        lax.fori_loop(0, bpw // L, shift_body, 0)
        rel_copy.wait()

        def fire(j, b):
            sl = pl.ds(j * CH, CH)
            pltpu.async_copy(ent_hbm.at[ph_t.at[sl]], ph_v.at[b], sems[b])
            pltpu.async_copy(ent_hbm.at[pt_t.at[sl]], pt_v.at[b], sems[b])
            pltpu.async_copy(ent_hbm.at[nh_t.at[sl]], nh_v.at[b], sems[b])

        def drain(b):
            for buf in (ph_v, pt_v, nh_v):
                pltpu.make_async_copy(
                    ent_hbm.at[pl.ds(0, CH)], buf.at[b], sems[b]).wait()

        fire(0, 0)
        fire(1, 1)

        iota = lax.iota(jnp.int32, L)
        zeros = jnp.zeros((L,), jnp.float32)

        def compute_chunk(j, b, acc):
            phb, ptb, nhb = ph_v.at[b], pt_v.at[b], nh_v.at[b]

            def group(g, acc):
                sl = pl.ds(j * CH + g * L, L)
                rowv = iota + g * L
                cb_ph = (ph_i[sl] >> 18) << 5
                cb_pt = (pt_i[sl] >> 18) << 5
                cb_nh = (nh_i[sl] >> 18) << 5
                pr = pr_i[sl]
                nr = nr_i[sl]
                dpos = zeros
                dneg = zeros
                for d in range(D):
                    dv = jnp.full((L,), d, jnp.int32)
                    phc = plsc.load_gather(phb, [rowv, cb_ph + d])
                    ptc = plsc.load_gather(ptb, [rowv, cb_pt + d])
                    nhc = plsc.load_gather(nhb, [rowv, cb_nh + d])
                    prc = plsc.load_gather(rel_v, [dv, pr])
                    nrc = plsc.load_gather(rel_v, [dv, nr])
                    dpos = dpos + jnp.abs(phc + prc - ptc)
                    dneg = dneg + jnp.abs(nhc + nrc - ptc)
                return acc + jnp.maximum(dpos - dneg + 1.0, 0.0)

            return lax.fori_loop(0, CH // L, group, acc)

        def pair(p, acc):
            for b in range(NBUF):
                j = p * NBUF + b
                drain(b)
                acc = compute_chunk(j, b, acc)

                @pl.when(j + NBUF < nch)
                def _():
                    fire(j + NBUF, b)
            return acc

        acc = lax.fori_loop(0, nch // NBUF, pair, zeros)
        acc_v[...] = acc
        pltpu.sync_copy(acc_v, out_hbm.at[wid])

    return trans_e


def kernel(pos_h, pos_r, pos_t, neg_h, neg_r, neg_t, entity_embds, rel_embds):
    del neg_t
    call = _make_sc_call()
    ent_wide = _tc_make_wide(jnp.transpose(entity_embds))
    rel_t = jnp.transpose(rel_embds)
    partials = call(pos_h.astype(jnp.int32), pos_r.astype(jnp.int32),
                    pos_t.astype(jnp.int32), neg_h.astype(jnp.int32),
                    neg_r.astype(jnp.int32), ent_wide, rel_t)
    return jnp.sum(partials) * (1.0 / B)

# --- scband reference (transcript-rebuilt; emitter-appended) ---
"""Pipeline reference for scband-trans-e-3461743640741 (READ-ONLY COPY).

The authoritative reference and input builder live on the scoring server;
editing this copy changes nothing except your own understanding.
"""

import jax, jax.numpy as jnp
import numpy as np

NE = 1000000
NR = 1000
D = 32
B = 16384

def setup_inputs(seed: int = 0) -> dict:
    key = jax.random.key(seed)
    ks = jax.random.split(key, 8)
    return {
        "pos_h": jax.random.randint(ks[0], (B,), 0, NE),
        "pos_r": jax.random.randint(ks[1], (B,), 0, NR),
        "pos_t": jax.random.randint(ks[2], (B,), 0, NE),
        "neg_h": jax.random.randint(ks[3], (B,), 0, NE),
        "neg_r": jax.random.randint(ks[4], (B,), 0, NR),
        "neg_t": jax.random.randint(ks[5], (B,), 0, NE),
        "entity_embds": jax.random.normal(ks[6], (NE, D), dtype=jnp.float32) * 0.1,
        "rel_embds": jax.random.normal(ks[7], (NR, D), dtype=jnp.float32) * 0.1,
    }

def reference(pos_h, pos_r, pos_t, neg_h, neg_r, neg_t, entity_embds, rel_embds):
    # BaseModel forward: embedding lookups
    pos_h_embs = jnp.take(entity_embds, pos_h, axis=0)
    pos_r_embs = jnp.take(rel_embds, pos_r, axis=0)
    pos_t_embs = jnp.take(entity_embds, pos_t, axis=0)
    neg_h_embs = jnp.take(entity_embds, neg_h, axis=0)
    neg_r_embs = jnp.take(rel_embds, neg_r, axis=0)
    neg_t_embs = jnp.take(entity_embds, neg_t, axis=0)  # computed but unused (faithful to original)
    # L1 distances
    d_pos = jnp.sum(jnp.abs(pos_h_embs + pos_r_embs - pos_t_embs), axis=1)
    # NOTE: original code uses pos_t_embs in the negative distance (faithful reproduction)
    d_neg = jnp.sum(jnp.abs(neg_h_embs + neg_r_embs - pos_t_embs), axis=1)
    # MarginRankingLoss(margin=1.0) with input1=d_neg, input2=d_pos, target=ones
    loss = jnp.mean(jnp.maximum(0.0, -(d_neg - d_pos) + 1.0))
    return loss

if __name__ == "__main__":
    import jax
    _d = setup_inputs()
    print(jax.jit(kernel)(*tuple(_d.values())))

</pallas_src>

<mosaic_0001>
#map = affine_map<(d0, d1) -> (0)>
#map1 = affine_map<(d0, d1) -> (0, 0)>
module attributes {stable_mosaic.version = 14 : i64} {
  func.func @trans_e(%arg0: i32, %arg1: i32, %arg2: memref<16384xi32, #tpu.memory_space<hbm>>, %arg3: memref<16384xi32, #tpu.memory_space<hbm>>, %arg4: memref<16384xi32, #tpu.memory_space<hbm>>, %arg5: memref<16384xi32, #tpu.memory_space<hbm>>, %arg6: memref<16384xi32, #tpu.memory_space<hbm>>, %arg7: memref<262144x128xf32, #tpu.memory_space<hbm>>, %arg8: memref<32x1000xf32, #tpu.memory_space<hbm>>, %arg9: memref<32x16xf32, #tpu.memory_space<hbm>>, %arg10: memref<512xi32, #tpu.memory_space<vmem>>, %arg11: memref<512xi32, #tpu.memory_space<vmem>>, %arg12: memref<512xi32, #tpu.memory_space<vmem>>, %arg13: memref<512xi32, #tpu.memory_space<vmem>>, %arg14: memref<512xi32, #tpu.memory_space<vmem>>, %arg15: memref<512xi32, #tpu.memory_space<vmem>>, %arg16: memref<512xi32, #tpu.memory_space<vmem>>, %arg17: memref<512xi32, #tpu.memory_space<vmem>>, %arg18: memref<2x64x128xf32, #tpu.memory_space<vmem>>, %arg19: memref<2x64x128xf32, #tpu.memory_space<vmem>>, %arg20: memref<2x64x128xf32, #tpu.memory_space<vmem>>, %arg21: memref<32x1000xf32, #tpu.memory_space<vmem>>, %arg22: memref<16xf32, #tpu.memory_space<vmem>>, %arg23: memref<!tpu.dma_semaphore, #tpu.memory_space<semaphore_mem>>, %arg24: memref<!tpu.dma_semaphore, #tpu.memory_space<semaphore_mem>>) attributes {dimension_semantics = [#tpu.dimension_semantics<core_parallel>, #tpu.dimension_semantics<subcore_parallel>], iteration_bounds = array<i64: 2, 16>, scalar_prefetch = 0 : i64, scratch_operands = 15 : i64, tpu.core_type = #tpu.core_type<sc_vector_subcore>, window_params = [{transform_indices = #map}, {transform_indices = #map}, {transform_indices = #map}, {transform_indices = #map}, {transform_indices = #map}, {transform_indices = #map1}, {transform_indices = #map1}, {transform_indices = #map1}]} {
    %mul3A = arith.constant 2 : i32
    %mul3A_0 = arith.muli %arg1, %mul3A : i32
    %add3A = arith.addi %mul3A_0, %arg0 : i32
    %mul3A_1 = arith.constant 512 : i32
    %mul3A_2 = arith.muli %add3A, %mul3A_1 : i32
    tpu.enqueue_dma source(%arg8 : memref<32x1000xf32, #tpu.memory_space<hbm>>) target(%arg21 : memref<32x1000xf32, #tpu.memory_space<vmem>>) target_semaphore(%arg23 : memref<!tpu.dma_semaphore, #tpu.memory_space<semaphore_mem>>)
    %dma_start3A = tpu.memref_slice %arg2[%mul3A_2] : memref<16384xi32, #tpu.memory_space<hbm>> -> memref<512xi32, #tpu.memory_space<hbm>>
    %dma_start3A_3 = tpu.memref_slice %arg2[%mul3A_2] : memref<16384xi32, #tpu.memory_space<hbm>> -> memref<512xi32, #tpu.memory_space<hbm>>
    tpu.enqueue_dma source(%dma_start3A_3 : memref<512xi32, #tpu.memory_space<hbm>>) target(%arg10 : memref<512xi32, #tpu.memory_space<vmem>>) target_semaphore(%arg24 : memref<!tpu.dma_semaphore, #tpu.memory_space<semaphore_mem>>)
    %dma_start3A_4 = tpu.memref_slice %arg3[%mul3A_2] : memref<16384xi32, #tpu.memory_space<hbm>> -> memref<512xi32, #tpu.memory_space<hbm>>
    %dma_start3A_5 = tpu.memref_slice %arg3[%mul3A_2] : memref<16384xi32, #tpu.memory_space<hbm>> -> memref<512xi32, #tpu.memory_space<hbm>>
    tpu.enqueue_dma source(%dma_start3A_5 : memref<512xi32, #tpu.memory_space<hbm>>) target(%arg11 : memref<512xi32, #tpu.memory_space<vmem>>) target_semaphore(%arg24 : memref<!tpu.dma_semaphore, #tpu.memory_space<semaphore_mem>>)
    %dma_start3A_6 = tpu.memref_slice %arg4[%mul3A_2] : memref<16384xi32, #tpu.memory_space<hbm>> -> memref<512xi32, #tpu.memory_space<hbm>>
    %dma_start3A_7 = tpu.memref_slice %arg4[%mul3A_2] : memref<16384xi32, #tpu.memory_space<hbm>> -> memref<512xi32, #tpu.memory_space<hbm>>
    tpu.enqueue_dma source(%dma_start3A_7 : memref<512xi32, #tpu.memory_space<hbm>>) target(%arg12 : memref<512xi32, #tpu.memory_space<vmem>>) target_semaphore(%arg24 : memref<!tpu.dma_semaphore, #tpu.memory_space<semaphore_mem>>)
    %dma_start3A_8 = tpu.memref_slice %arg5[%mul3A_2] : memref<16384xi32, #tpu.memory_space<hbm>> -> memref<512xi32, #tpu.memory_space<hbm>>
    %dma_start3A_9 = tpu.memref_slice %arg5[%mul3A_2] : memref<16384xi32, #tpu.memory_space<hbm>> -> memref<512xi32, #tpu.memory_space<hbm>>
    tpu.enqueue_dma source(%dma_start3A_9 : memref<512xi32, #tpu.memory_space<hbm>>) target(%arg13 : memref<512xi32, #tpu.memory_space<vmem>>) target_semaphore(%arg24 : memref<!tpu.dma_semaphore, #tpu.memory_space<semaphore_mem>>)
    %dma_start3A_10 = tpu.memref_slice %arg6[%mul3A_2] : memref<16384xi32, #tpu.memory_space<hbm>> -> memref<512xi32, #tpu.memory_space<hbm>>
    %dma_start3A_11 = tpu.memref_slice %arg6[%mul3A_2] : memref<16384xi32, #tpu.memory_space<hbm>> -> memref<512xi32, #tpu.memory_space<hbm>>
    tpu.enqueue_dma source(%dma_start3A_11 : memref<512xi32, #tpu.memory_space<hbm>>) target(%arg14 : memref<512xi32, #tpu.memory_space<vmem>>) target_semaphore(%arg24 : memref<!tpu.dma_semaphore, #tpu.memory_space<semaphore_mem>>)
    %dma_wait3A = tpu.memref_slice %arg2[%mul3A_2] : memref<16384xi32, #tpu.memory_space<hbm>> -> memref<512xi32, #tpu.memory_space<hbm>>
    %dma_wait3A_12 = tpu.memref_slice %arg2[%mul3A_2] : memref<16384xi32, #tpu.memory_space<hbm>> -> memref<512xi32, #tpu.memory_space<hbm>>
    tpu.wait_dma2 semaphore(%arg24 : memref<!tpu.dma_semaphore, #tpu.memory_space<semaphore_mem>>) src(%dma_wait3A_12 : memref<512xi32, #tpu.memory_space<hbm>>) dst(%arg10 : memref<512xi32, #tpu.memory_space<vmem>>)
    %dma_wait3A_13 = tpu.memref_slice %arg3[%mul3A_2] : memref<16384xi32, #tpu.memory_space<hbm>> -> memref<512xi32, #tpu.memory_space<hbm>>
    %dma_wait3A_14 = tpu.memref_slice %arg3[%mul3A_2] : memref<16384xi32, #tpu.memory_space<hbm>> -> memref<512xi32, #tpu.memory_space<hbm>>
    tpu.wait_dma2 semaphore(%arg24 : memref<!tpu.dma_semaphore, #tpu.memory_space<semaphore_mem>>) src(%dma_wait3A_14 : memref<512xi32, #tpu.memory_space<hbm>>) dst(%arg11 : memref<512xi32, #tpu.memory_space<vmem>>)
    %dma_wait3A_15 = tpu.memref_slice %arg4[%mul3A_2] : memref<16384xi32, #tpu.memory_space<hbm>> -> memref<512xi32, #tpu.memory_space<hbm>>
    %dma_wait3A_16 = tpu.memref_slice %arg4[%mul3A_2] : memref<16384xi32, #tpu.memory_space<hbm>> -> memref<512xi32, #tpu.memory_space<hbm>>
    tpu.wait_dma2 semaphore(%arg24 : memref<!tpu.dma_semaphore, #tpu.memory_space<semaphore_mem>>) src(%dma_wait3A_16 : memref<512xi32, #tpu.memory_space<hbm>>) dst(%arg12 : memref<512xi32, #tpu.memory_space<vmem>>)
    %dma_wait3A_17 = tpu.memref_slice %arg5[%mul3A_2] : memref<16384xi32, #tpu.memory_space<hbm>> -> memref<512xi32, #tpu.memory_space<hbm>>
    %dma_wait3A_18 = tpu.memref_slice %arg5[%mul3A_2] : memref<16384xi32, #tpu.memory_space<hbm>> -> memref<512xi32, #tpu.memory_space<hbm>>
    tpu.wait_dma2 semaphore(%arg24 : memref<!tpu.dma_semaphore, #tpu.memory_space<semaphore_mem>>) src(%dma_wait3A_18 : memref<512xi32, #tpu.memory_space<hbm>>) dst(%arg13 : memref<512xi32, #tpu.memory_space<vmem>>)
    %dma_wait3A_19 = tpu.memref_slice %arg6[%mul3A_2] : memref<16384xi32, #tpu.memory_space<hbm>> -> memref<512xi32, #tpu.memory_space<hbm>>
    %dma_wait3A_20 = tpu.memref_slice %arg6[%mul3A_2] : memref<16384xi32, #tpu.memory_space<hbm>> -> memref<512xi32, #tpu.memory_space<hbm>>
    tpu.wait_dma2 semaphore(%arg24 : memref<!tpu.dma_semaphore, #tpu.memory_space<semaphore_mem>>) src(%dma_wait3A_20 : memref<512xi32, #tpu.memory_space<hbm>>) dst(%arg14 : memref<512xi32, #tpu.memory_space<vmem>>)
    %broadcast_in_dim3A = arith.constant 262143 : i32
    %broadcast_in_dim3A_21 = vector.broadcast %broadcast_in_dim3A : i32 to vector<16xi32>
    %scan3A = arith.constant 0 : i32
    %scan3A_22 = arith.constant 0 : i32
    %scan3A_23 = arith.constant 32 : i32
    %scan3A_24 = arith.addi %scan3A_22, %scan3A_23 : i32
    %scan3A_25 = arith.constant 1 : i32
    %scan3A_26 = scf.for %scan3A_97 = %scan3A_22 to %scan3A_24 step %scan3A_25 iter_args(%scan3A_98 = %scan3A) -> (i32)  : i32 {
      %mul3A_99 = arith.constant 16 : i32
      %mul3A_100 = arith.muli %scan3A_97, %mul3A_99 : i32
      %get3A = arith.index_cast %mul3A_100 : i32 to index
      %get3A_101 = tpu.vector_load %arg10[%get3A] {strides = array<i32>} : memref<512xi32, #tpu.memory_space<vmem>>, vector<16xi32>,
      %and3A = arith.andi %get3A_101, %broadcast_in_dim3A_21 : vector<16xi32>
      %swap3A_102 = arith.index_cast %mul3A_100 : i32 to index
      %swap3A_103 = tpu.vector_load %arg15[%swap3A_102] {strides = array<i32>} : memref<512xi32, #tpu.memory_space<vmem>>, vector<16xi32>,
      tpu.vector_store %arg15[%swap3A_102], %and3A {strides = array<i32>} : memref<512xi32, #tpu.memory_space<vmem>>, vector<16xi32>,
      %get3A_104 = arith.index_cast %mul3A_100 : i32 to index
      %get3A_105 = tpu.vector_load %arg12[%get3A_104] {strides = array<i32>} : memref<512xi32, #tpu.memory_space<vmem>>, vector<16xi32>,
      %and3A_106 = arith.andi %get3A_105, %broadcast_in_dim3A_21 : vector<16xi32>
      %swap3A_107 = arith.index_cast %mul3A_100 : i32 to index
      %swap3A_108 = tpu.vector_load %arg16[%swap3A_107] {strides = array<i32>} : memref<512xi32, #tpu.memory_space<vmem>>, vector<16xi32>,
      tpu.vector_store %arg16[%swap3A_107], %and3A_106 {strides = array<i32>} : memref<512xi32, #tpu.memory_space<vmem>>, vector<16xi32>,
      %get3A_109 = arith.index_cast %mul3A_100 : i32 to index
      %get3A_110 = tpu.vector_load %arg13[%get3A_109] {strides = array<i32>} : memref<512xi32, #tpu.memory_space<vmem>>, vector<16xi32>,
      %and3A_111 = arith.andi %get3A_110, %broadcast_in_dim3A_21 : vector<16xi32>
      %swap3A_112 = arith.index_cast %mul3A_100 : i32 to index
      %swap3A_113 = tpu.vector_load %arg17[%swap3A_112] {strides = array<i32>} : memref<512xi32, #tpu.memory_space<vmem>>, vector<16xi32>,
      tpu.vector_store %arg17[%swap3A_112], %and3A_111 {strides = array<i32>} : memref<512xi32, #tpu.memory_space<vmem>>, vector<16xi32>,
      %scan3A_114 = arith.constant 0 : i32
      scf.yield %scan3A_114 : i32
    }
    %scan3A_27 = arith.constant 32 : i32
    tpu.wait_dma2 semaphore(%arg23 : memref<!tpu.dma_semaphore, #tpu.memory_space<semaphore_mem>>) src(%arg8 : memref<32x1000xf32, #tpu.memory_space<hbm>>) dst(%arg21 : memref<32x1000xf32, #tpu.memory_space<vmem>>)
    %dma_start3A_28 = arith.constant 0 : i32
    %dma_start3A_29 = arith.constant 0 : i32
    %dma_start3A_30 = arith.constant 0 : i32
    %dma_start3A_31 = tpu.memref_slice %arg18[%dma_start3A_28, %dma_start3A_29, %dma_start3A_30] : memref<2x64x128xf32, #tpu.memory_space<vmem>> -> memref<1x64x128xf32, #tpu.memory_space<vmem>>
    %dma_start3A_32 = tpu.memref_squeeze %dma_start3A_31 : memref<1x64x128xf32, #tpu.memory_space<vmem>> -> memref<64x128xf32, #tpu.memory_space<vmem>>
    %dma_start3A_33 = arith.constant 0 : i32
    %dma_start3A_34 = tpu.memref_slice %arg15[%dma_start3A_33] : memref<512xi32, #tpu.memory_space<vmem>> -> memref<64xi32, #tpu.memory_space<vmem>>
    %dma_start3A_35 = arith.constant 0 : i32
    %dma_start3A_36 = arith.constant 0 : i32
    %dma_start3A_37 = tpu.memref_slice %arg7[%dma_start3A_35, %dma_start3A_36] : memref<262144x128xf32, #tpu.memory_space<hbm>> -> memref<262144x128xf32, #tpu.memory_space<hbm>>
    tpu.enqueue_indirect_dma source(%dma_start3A_37 : memref<262144x128xf32, #tpu.memory_space<hbm>>) target(%dma_start3A_32 : memref<64x128xf32, #tpu.memory_space<vmem>>) offsets(%dma_start3A_34 : memref<64xi32, #tpu.memory_space<vmem>>) semaphore(%arg23 : memref<!tpu.dma_semaphore, #tpu.memory_space<semaphore_mem>>)
    %dma_start3A_38 = arith.constant 0 : i32
    %dma_start3A_39 = arith.constant 0 : i32
    %dma_start3A_40 = arith.constant 0 : i32
    %dma_start3A_41 = tpu.memref_slice %arg19[%dma_start3A_38, %dma_start3A_39, %dma_start3A_40] : memref<2x64x128xf32, #tpu.memory_space<vmem>> -> memref<1x64x128xf32, #tpu.memory_space<vmem>>
    %dma_start3A_42 = tpu.memref_squeeze %dma_start3A_41 : memref<1x64x128xf32, #tpu.memory_space<vmem>> -> memref<64x128xf32, #tpu.memory_space<vmem>>
    %dma_start3A_43 = arith.constant 0 : i32
    %dma_start3A_44 = tpu.memref_slice %arg16[%dma_start3A_43] : memref<512xi32, #tpu.memory_space<vmem>> -> memref<64xi32, #tpu.memory_space<vmem>>
    %dma_start3A_45 = arith.constant 0 : i32
    %dma_start3A_46 = arith.constant 0 : i32
    %dma_start3A_47 = tpu.memref_slice %arg7[%dma_start3A_45, %dma_start3A_46] : memref<262144x128xf32, #tpu.memory_space<hbm>> -> memref<262144x128xf32, #tpu.memory_space<hbm>>
    tpu.enqueue_indirect_dma source(%dma_start3A_47 : memref<262144x128xf32, #tpu.memory_space<hbm>>) target(%dma_start3A_42 : memref<64x128xf32, #tpu.memory_space<vmem>>) offsets(%dma_start3A_44 : memref<64xi32, #tpu.memory_space<vmem>>) semaphore(%arg23 : memref<!tpu.dma_semaphore, #tpu.memory_space<semaphore_mem>>)
    %dma_start3A_48 = arith.constant 0 : i32
    %dma_start3A_49 = arith.constant 0 : i32
    %dma_start3A_50 = arith.constant 0 : i32
    %dma_start3A_51 = tpu.memref_slice %arg20[%dma_start3A_48, %dma_start3A_49, %dma_start3A_50] : memref<2x64x128xf32, #tpu.memory_space<vmem>> -> memref<1x64x128xf32, #tpu.memory_space<vmem>>
    %dma_start3A_52 = tpu.memref_squeeze %dma_start3A_51 : memref<1x64x128xf32, #tpu.memory_space<vmem>> -> memref<64x128xf32, #tpu.memory_space<vmem>>
    %dma_start3A_53 = arith.constant 0 : i32
    %dma_start3A_54 = tpu.memref_slice %arg17[%dma_start3A_53] : memref<512xi32, #tpu.memory_space<vmem>> -> memref<64xi32, #tpu.memory_space<vmem>>
    %dma_start3A_55 = arith.constant 0 : i32
    %dma_start3A_56 = arith.constant 0 : i32
    %dma_start3A_57 = tpu.memref_slice %arg7[%dma_start3A_55, %dma_start3A_56] : memref<262144x128xf32, #tpu.memory_space<hbm>> -> memref<262144x128xf32, #tpu.memory_space<hbm>>
    tpu.enqueue_indirect_dma source(%dma_start3A_57 : memref<262144x128xf32, #tpu.memory_space<hbm>>) target(%dma_start3A_52 : memref<64x128xf32, #tpu.memory_space<vmem>>) offsets(%dma_start3A_54 : memref<64xi32, #tpu.memory_space<vmem>>) semaphore(%arg23 : memref<!tpu.dma_semaphore, #tpu.memory_space<semaphore_mem>>)
    %dma_start3A_58 = arith.constant 1 : i32
    %dma_start3A_59 = arith.constant 0 : i32
    %dma_start3A_60 = arith.constant 0 : i32
    %dma_start3A_61 = tpu.memref_slice %arg18[%dma_start3A_58, %dma_start3A_59, %dma_start3A_60] : memref<2x64x128xf32, #tpu.memory_space<vmem>> -> memref<1x64x128xf32, #tpu.memory_space<vmem>>
    %dma_start3A_62 = tpu.memref_squeeze %dma_start3A_61 : memref<1x64x128xf32, #tpu.memory_space<vmem>> -> memref<64x128xf32, #tpu.memory_space<vmem>>
    %dma_start3A_63 = arith.constant 64 : i32
    %dma_start3A_64 = tpu.memref_slice %arg15[%dma_start3A_63] : memref<512xi32, #tpu.memory_space<vmem>> -> memref<64xi32, #tpu.memory_space<vmem>>
    %dma_start3A_65 = arith.constant 0 : i32
    %dma_start3A_66 = arith.constant 0 : i32
    %dma_start3A_67 = tpu.memref_slice %arg7[%dma_start3A_65, %dma_start3A_66] : memref<262144x128xf32, #tpu.memory_space<hbm>> -> memref<262144x128xf32, #tpu.memory_space<hbm>>
    tpu.enqueue_indirect_dma source(%dma_start3A_67 : memref<262144x128xf32, #tpu.memory_space<hbm>>) target(%dma_start3A_62 : memref<64x128xf32, #tpu.memory_space<vmem>>) offsets(%dma_start3A_64 : memref<64xi32, #tpu.memory_space<vmem>>) semaphore(%arg24 : memref<!tpu.dma_semaphore, #tpu.memory_space<semaphore_mem>>)
    %dma_start3A_68 = arith.constant 1 : i32
    %dma_start3A_69 = arith.constant 0 : i32
    %dma_start3A_70 = arith.constant 0 : i32
    %dma_start3A_71 = tpu.memref_slice %arg19[%dma_start3A_68, %dma_start3A_69, %dma_start3A_70] : memref<2x64x128xf32, #tpu.memory_space<vmem>> -> memref<1x64x128xf32, #tpu.memory_space<vmem>>
    %dma_start3A_72 = tpu.memref_squeeze %dma_start3A_71 : memref<1x64x128xf32, #tpu.memory_space<vmem>> -> memref<64x128xf32, #tpu.memory_space<vmem>>
    %dma_start3A_73 = arith.constant 64 : i32
    %dma_start3A_74 = tpu.memref_slice %arg16[%dma_start3A_73] : memref<512xi32, #tpu.memory_space<vmem>> -> memref<64xi32, #tpu.memory_space<vmem>>
    %dma_start3A_75 = arith.constant 0 : i32
    %dma_start3A_76 = arith.constant 0 : i32
    %dma_start3A_77 = tpu.memref_slice %arg7[%dma_start3A_75, %dma_start3A_76] : memref<262144x128xf32, #tpu.memory_space<hbm>> -> memref<262144x128xf32, #tpu.memory_space<hbm>>
    tpu.enqueue_indirect_dma source(%dma_start3A_77 : memref<262144x128xf32, #tpu.memory_space<hbm>>) target(%dma_start3A_72 : memref<64x128xf32, #tpu.memory_space<vmem>>) offsets(%dma_start3A_74 : memref<64xi32, #tpu.memory_space<vmem>>) semaphore(%arg24 : memref<!tpu.dma_semaphore, #tpu.memory_space<semaphore_mem>>)
    %dma_start3A_78 = arith.constant 1 : i32
    %dma_start3A_79 = arith.constant 0 : i32
    %dma_start3A_80 = arith.constant 0 : i32
    %dma_start3A_81 = tpu.memref_slice %arg20[%dma_start3A_78, %dma_start3A_79, %dma_start3A_80] : memref<2x64x128xf32, #tpu.memory_space<vmem>> -> memref<1x64x128xf32, #tpu.memory_space<vmem>>
    %dma_start3A_82 = tpu.memref_squeeze %dma_start3A_81 : memref<1x64x128xf32, #tpu.memory_space<vmem>> -> memref<64x128xf32, #tpu.memory_space<vmem>>
    %dma_start3A_83 = arith.constant 64 : i32
    %dma_start3A_84 = tpu.memref_slice %arg17[%dma_start3A_83] : memref<512xi32, #tpu.memory_space<vmem>> -> memref<64xi32, #tpu.memory_space<vmem>>
    %dma_start3A_85 = arith.constant 0 : i32
    %dma_start3A_86 = arith.constant 0 : i32
    %dma_start3A_87 = tpu.memref_slice %arg7[%dma_start3A_85, %dma_start3A_86] : memref<262144x128xf32, #tpu.memory_space<hbm>> -> memref<262144x128xf32, #tpu.memory_space<hbm>>
    tpu.enqueue_indirect_dma source(%dma_start3A_87 : memref<262144x128xf32, #tpu.memory_space<hbm>>) target(%dma_start3A_82 : memref<64x128xf32, #tpu.memory_space<vmem>>) offsets(%dma_start3A_84 : memref<64xi32, #tpu.memory_space<vmem>>) semaphore(%arg24 : memref<!tpu.dma_semaphore, #tpu.memory_space<semaphore_mem>>)
    %iota3A = tpu.iota {dimensions = array<i32: 0>} : vector<16xi32>
    %broadcast_in_dim3A_88 = arith.constant 0.000000e+00 : f32
    %broadcast_in_dim3A_89 = vector.broadcast %broadcast_in_dim3A_88 : f32 to vector<16xf32>
    %scan3A_90 = arith.constant 0 : i32
    %scan3A_91 = arith.constant 4 : i32
    %scan3A_92 = arith.addi %scan3A_90, %scan3A_91 : i32
    %scan3A_93 = arith.constant 1 : i32
    %scan3A_94 = scf.for %scan3A_97 = %scan3A_90 to %scan3A_92 step %scan3A_93 iter_args(%scan3A_98 = %broadcast_in_dim3A_89) -> (vector<16xf32>)  : i32 {
      %mul3A_99 = arith.constant 2 : i32
      %mul3A_100 = arith.muli %scan3A_97, %mul3A_99 : i32
      %add3A_101 = arith.constant 0 : i32
      %add3A_102 = arith.addi %mul3A_100, %add3A_101 : i32
      %dma_wait3A_103 = arith.constant 0 : i32
      %dma_wait3A_104 = arith.constant 0 : i32
      %dma_wait3A_105 = arith.constant 0 : i32
      %dma_wait3A_106 = tpu.memref_slice %arg18[%dma_wait3A_103, %dma_wait3A_104, %dma_wait3A_105] : memref<2x64x128xf32, #tpu.memory_space<vmem>> -> memref<1x64x128xf32, #tpu.memory_space<vmem>>
      %dma_wait3A_107 = tpu.memref_squeeze %dma_wait3A_106 : memref<1x64x128xf32, #tpu.memory_space<vmem>> -> memref<64x128xf32, #tpu.memory_space<vmem>>
      %dma_wait3A_108 = arith.constant 0 : i32
      %dma_wait3A_109 = arith.constant 0 : i32
      %dma_wait3A_110 = tpu.memref_slice %arg7[%dma_wait3A_108, %dma_wait3A_109] : memref<262144x128xf32, #tpu.memory_space<hbm>> -> memref<64x128xf32, #tpu.memory_space<hbm>>
      %dma_wait3A_111 = arith.constant 0 : i32
      %dma_wait3A_112 = arith.constant 0 : i32
      %dma_wait3A_113 = tpu.memref_slice %arg18[%dma_wait3A_103, %dma_wait3A_111, %dma_wait3A_112] : memref<2x64x128xf32, #tpu.memory_space<vmem>> -> memref<1x64x128xf32, #tpu.memory_space<vmem>>
      %dma_wait3A_114 = tpu.memref_squeeze %dma_wait3A_113 : memref<1x64x128xf32, #tpu.memory_space<vmem>> -> memref<64x128xf32, #tpu.memory_space<vmem>>
      %dma_wait3A_115 = arith.constant 0 : i32
      %dma_wait3A_116 = arith.constant 0 : i32
      %dma_wait3A_117 = tpu.memref_slice %arg7[%dma_wait3A_115, %dma_wait3A_116] : memref<262144x128xf32, #tpu.memory_space<hbm>> -> memref<64x128xf32, #tpu.memory_space<hbm>>
      tpu.wait_dma2 semaphore(%arg23 : memref<!tpu.dma_semaphore, #tpu.memory_space<semaphore_mem>>) src(%dma_wait3A_117 : memref<64x128xf32, #tpu.memory_space<hbm>>) dst(%dma_wait3A_114 : memref<64x128xf32, #tpu.memory_space<vmem>>)
      %dma_wait3A_118 = arith.constant 0 : i32
      %dma_wait3A_119 = arith.constant 0 : i32
      %dma_wait3A_120 = arith.constant 0 : i32
      %dma_wait3A_121 = tpu.memref_slice %arg19[%dma_wait3A_118, %dma_wait3A_119, %dma_wait3A_120] : memref<2x64x128xf32, #tpu.memory_space<vmem>> -> memref<1x64x128xf32, #tpu.memory_space<vmem>>
      %dma_wait3A_122 = tpu.memref_squeeze %dma_wait3A_121 : memref<1x64x128xf32, #tpu.memory_space<vmem>> -> memref<64x128xf32, #tpu.memory_space<vmem>>
      %dma_wait3A_123 = arith.constant 0 : i32
      %dma_wait3A_124 = arith.constant 0 : i32
      %dma_wait3A_125 = tpu.memref_slice %arg7[%dma_wait3A_123, %dma_wait3A_124] : memref<262144x128xf32, #tpu.memory_space<hbm>> -> memref<64x128xf32, #tpu.memory_space<hbm>>
      %dma_wait3A_126 = arith.constant 0 : i32
      %dma_wait3A_127 = arith.constant 0 : i32
      %dma_wait3A_128 = tpu.memref_slice %arg19[%dma_wait3A_118, %dma_wait3A_126, %dma_wait3A_127] : memref<2x64x128xf32, #tpu.memory_space<vmem>> -> memref<1x64x128xf32, #tpu.memory_space<vmem>>
      %dma_wait3A_129 = tpu.memref_squeeze %dma_wait3A_128 : memref<1x64x128xf32, #tpu.memory_space<vmem>> -> memref<64x128xf32, #tpu.memory_space<vmem>>
      %dma_wait3A_130 = arith.constant 0 : i32
      %dma_wait3A_131 = arith.constant 0 : i32
      %dma_wait3A_132 = tpu.memref_slice %arg7[%dma_wait3A_130, %dma_wait3A_131] : memref<262144x128xf32, #tpu.memory_space<hbm>> -> memref<64x128xf32, #tpu.memory_space<hbm>>
      tpu.wait_dma2 semaphore(%arg23 : memref<!tpu.dma_semaphore, #tpu.memory_space<semaphore_mem>>) src(%dma_wait3A_132 : memref<64x128xf32, #tpu.memory_space<hbm>>) dst(%dma_wait3A_129 : memref<64x128xf32, #tpu.memory_space<vmem>>)
      %dma_wait3A_133 = arith.constant 0 : i32
      %dma_wait3A_134 = arith.constant 0 : i32
      %dma_wait3A_135 = arith.constant 0 : i32
      %dma_wait3A_136 = tpu.memref_slice %arg20[%dma_wait3A_133, %dma_wait3A_134, %dma_wait3A_135] : memref<2x64x128xf32, #tpu.memory_space<vmem>> -> memref<1x64x128xf32, #tpu.memory_space<vmem>>
      %dma_wait3A_137 = tpu.memref_squeeze %dma_wait3A_136 : memref<1x64x128xf32, #tpu.memory_space<vmem>> -> memref<64x128xf32, #tpu.memory_space<vmem>>
      %dma_wait3A_138 = arith.constant 0 : i32
      %dma_wait3A_139 = arith.constant 0 : i32
      %dma_wait3A_140 = tpu.memref_slice %arg7[%dma_wait3A_138, %dma_wait3A_139] : memref<262144x128xf32, #tpu.memory_space<hbm>> -> memref<64x128xf32, #tpu.memory_space<hbm>>
      %dma_wait3A_141 = arith.constant 0 : i32
      %dma_wait3A_142 = arith.constant 0 : i32
      %dma_wait3A_143 = tpu.memref_slice %arg20[%dma_wait3A_133, %dma_wait3A_141, %dma_wait3A_142] : memref<2x64x128xf32, #tpu.memory_space<vmem>> -> memref<1x64x128xf32, #tpu.memory_space<vmem>>
      %dma_wait3A_144 = tpu.memref_squeeze %dma_wait3A_143 : memref<1x64x128xf32, #tpu.memory_space<vmem>> -> memref<64x128xf32, #tpu.memory_space<vmem>>
      %dma_wait3A_145 = arith.constant 0 : i32
      %dma_wait3A_146 = arith.constant 0 : i32
      %dma_wait3A_147 = tpu.memref_slice %arg7[%dma_wait3A_145, %dma_wait3A_146] : memref<262144x128xf32, #tpu.memory_space<hbm>> -> memref<64x128xf32, #tpu.memory_space<hbm>>
      tpu.wait_dma2 semaphore(%arg23 : memref<!tpu.dma_semaphore, #tpu.memory_space<semaphore_mem>>) src(%dma_wait3A_147 : memref<64x128xf32, #tpu.memory_space<hbm>>) dst(%dma_wait3A_144 : memref<64x128xf32, #tpu.memory_space<vmem>>)
      %scan3A_148 = arith.constant 0 : i32
      %scan3A_149 = arith.constant 0 : i32
      %scan3A_150 = arith.constant 0 : i32
      %scan3A_151 = arith.constant 0 : i32
      %scan3A_152 = arith.constant 4 : i32
      %scan3A_153 = arith.addi %scan3A_151, %scan3A_152 : i32
      %scan3A_154 = arith.constant 1 : i32
      %scan3A_155 = scf.for %scan3A_226 = %scan3A_151 to %scan3A_153 step %scan3A_154 iter_args(%scan3A_227 = %scan3A_98) -> (vector<16xf32>)  : i32 {
        %mul3A_228 = arith.constant 64 : i32
        %mul3A_229 = arith.muli %add3A_102, %mul3A_228 : i32
        %mul3A_230 = arith.constant 16 : i32
        %mul3A_231 = arith.muli %scan3A_226, %mul3A_230 : i32
        %add3A_232 = arith.addi %mul3A_229, %mul3A_231 : i32
        %mul3A_233 = arith.constant 16 : i32
        %mul3A_234 = arith.muli %scan3A_226, %mul3A_233 : i32
        %add3A_235 = vector.broadcast %mul3A_234 : i32 to vector<16xi32>
        %add3A_236 = arith.addi %iota3A, %add3A_235 : vector<16xi32>
        %get3A = arith.index_cast %add3A_232 : i32 to index
        %get3A_237 = tpu.vector_load %arg10[%get3A] {strides = array<i32>} : memref<512xi32, #tpu.memory_space<vmem>>, vector<16xi32>,
        %shift_right_arithmetic3A = arith.constant 18 : i32
        %shift_right_arithmetic3A_238 = vector.broadcast %shift_right_arithmetic3A : i32 to vector<16xi32>
        %shift_right_arithmetic3A_239 = arith.shrsi %get3A_237, %shift_right_arithmetic3A_238 : vector<16xi32>
        %shift_left3A = arith.constant 5 : i32
        %shift_left3A_240 = vector.broadcast %shift_left3A : i32 to vector<16xi32>
        %shift_left3A_241 = arith.shli %shift_right_arithmetic3A_239, %shift_left3A_240 : vector<16xi32>
        %get3A_242 = arith.index_cast %add3A_232 : i32 to index
        %get3A_243 = tpu.vector_load %arg12[%get3A_242] {strides = array<i32>} : memref<512xi32, #tpu.memory_space<vmem>>, vector<16xi32>,
        %shift_right_arithmetic3A_244 = arith.constant 18 : i32
        %shift_right_arithmetic3A_245 = vector.broadcast %shift_right_arithmetic3A_244 : i32 to vector<16xi32>
        %shift_right_arithmetic3A_246 = arith.shrsi %get3A_243, %shift_right_arithmetic3A_245 : vector<16xi32>
        %shift_left3A_247 = arith.constant 5 : i32
        %shift_left3A_248 = vector.broadcast %shift_left3A_247 : i32 to vector<16xi32>
        %shift_left3A_249 = arith.shli %shift_right_arithmetic3A_246, %shift_left3A_248 : vector<16xi32>
        %get3A_250 = arith.index_cast %add3A_232 : i32 to index
        %get3A_251 = tpu.vector_load %arg13[%get3A_250] {strides = array<i32>} : memref<512xi32, #tpu.memory_space<vmem>>, vector<16xi32>,
        %shift_right_arithmetic3A_252 = arith.constant 18 : i32
        %shift_right_arithmetic3A_253 = vector.broadcast %shift_right_arithmetic3A_252 : i32 to vector<16xi32>
        %shift_right_arithmetic3A_254 = arith.shrsi %get3A_251, %shift_right_arithmetic3A_253 : vector<16xi32>
        %shift_left3A_255 = arith.constant 5 : i32
        %shift_left3A_256 = vector.broadcast %shift_left3A_255 : i32 to vector<16xi32>
        %shift_left3A_257 = arith.shli %shift_right_arithmetic3A_254, %shift_left3A_256 : vector<16xi32>
        %get3A_258 = arith.index_cast %add3A_232 : i32 to index
        %get3A_259 = tpu.vector_load %arg11[%get3A_258] {strides = array<i32>} : memref<512xi32, #tpu.memory_space<vmem>>, vector<16xi32>,
        %get3A_260 = arith.index_cast %add3A_232 : i32 to index
        %get3A_261 = tpu.vector_load %arg14[%get3A_260] {strides = array<i32>} : memref<512xi32, #tpu.memory_space<vmem>>, vector<16xi32>,
        %broadcast_in_dim3A_262 = arith.constant 0 : i32
        %broadcast_in_dim3A_263 = vector.broadcast %broadcast_in_dim3A_262 : i32 to vector<16xi32>
        %add3A_264 = arith.constant 0 : i32
        %add3A_265 = vector.broadcast %add3A_264 : i32 to vector<16xi32>
        %add3A_266 = arith.addi %shift_left3A_241, %add3A_265 : vector<16xi32>
        %gather3A = arith.constant 0 : i32
        %gather3A_267 = arith.constant 0 : i32
        %gather3A_268 = tpu.memref_slice %arg18[%scan3A_148, %gather3A, %gather3A_267] : memref<2x64x128xf32, #tpu.memory_space<vmem>> -> memref<1x64x128xf32, #tpu.memory_space<vmem>>
        %gather3A_269 = tpu.memref_squeeze %gather3A_268 : memref<1x64x128xf32, #tpu.memory_space<vmem>> -> memref<64x128xf32, #tpu.memory_space<vmem>>
        %gather3A_270 = tpu.vector_load_idx %gather3A_269[%add3A_236, %add3A_266] : memref<64x128xf32, #tpu.memory_space<vmem>>[vector<16xi32>, vector<16xi32>], vector<16xf32>,
        %add3A_271 = arith.constant 0 : i32
        %add3A_272 = vector.broadcast %add3A_271 : i32 to vector<16xi32>
        %add3A_273 = arith.addi %shift_left3A_249, %add3A_272 : vector<16xi32>
        %gather3A_274 = arith.constant 0 : i32
        %gather3A_275 = arith.constant 0 : i32
        %gather3A_276 = tpu.memref_slice %arg19[%scan3A_149, %gather3A_274, %gather3A_275] : memref<2x64x128xf32, #tpu.memory_space<vmem>> -> memref<1x64x128xf32, #tpu.memory_space<vmem>>
        %gather3A_277 = tpu.memref_squeeze %gather3A_276 : memref<1x64x128xf32, #tpu.memory_space<vmem>> -> memref<64x128xf32, #tpu.memory_space<vmem>>
        %gather3A_278 = tpu.vector_load_idx %gather3A_277[%add3A_236, %add3A_273] : memref<64x128xf32, #tpu.memory_space<vmem>>[vector<16xi32>, vector<16xi32>], vector<16xf32>,
        %add3A_279 = arith.constant 0 : i32
        %add3A_280 = vector.broadcast %add3A_279 : i32 to vector<16xi32>
        %add3A_281 = arith.addi %shift_left3A_257, %add3A_280 : vector<16xi32>
        %gather3A_282 = arith.constant 0 : i32
        %gather3A_283 = arith.constant 0 : i32
        %gather3A_284 = tpu.memref_slice %arg20[%scan3A_150, %gather3A_282, %gather3A_283] : memref<2x64x128xf32, #tpu.memory_space<vmem>> -> memref<1x64x128xf32, #tpu.memory_space<vmem>>
        %gather3A_285 = tpu.memref_squeeze %gather3A_284 : memref<1x64x128xf32, #tpu.memory_space<vmem>> -> memref<64x128xf32, #tpu.memory_space<vmem>>
        %gather3A_286 = tpu.vector_load_idx %gather3A_285[%add3A_236, %add3A_281] : memref<64x128xf32, #tpu.memory_space<vmem>>[vector<16xi32>, vector<16xi32>], vector<16xf32>,
        %gather3A_287 = tpu.vector_load_idx %arg21[%broadcast_in_dim3A_263, %get3A_259] : memref<32x1000xf32, #tpu.memory_space<vmem>>[vector<16xi32>, vector<16xi32>], vector<16xf32>,
        %gather3A_288 = tpu.vector_load_idx %arg21[%broadcast_in_dim3A_263, %get3A_261] : memref<32x1000xf32, #tpu.memory_space<vmem>>[vector<16xi32>, vector<16xi32>], vector<16xf32>,
        %add3A_289 = arith.addf %gather3A_270, %gather3A_287 : vector<16xf32>
        %sub3A = arith.subf %add3A_289, %gather3A_278 : vector<16xf32>
        %abs3A = math.absf %sub3A : vector<16xf32>
        %add3A_290 = arith.addf %broadcast_in_dim3A_89, %abs3A : vector<16xf32>
        %add3A_291 = arith.addf %gather3A_286, %gather3A_288 : vector<16xf32>
        %sub3A_292 = arith.subf %add3A_291, %gather3A_278 : vector<16xf32>
        %abs3A_293 = math.absf %sub3A_292 : vector<16xf32>
        %add3A_294 = arith.addf %broadcast_in_dim3A_89, %abs3A_293 : vector<16xf32>
        %broadcast_in_dim3A_295 = arith.constant 1 : i32
        %broadcast_in_dim3A_296 = vector.broadcast %broadcast_in_dim3A_295 : i32 to vector<16xi32>
        %add3A_297 = arith.constant 1 : i32
        %add3A_298 = vector.broadcast %add3A_297 : i32 to vector<16xi32>
        %add3A_299 = arith.addi %shift_left3A_241, %add3A_298 : vector<16xi32>
        %gather3A_300 = arith.constant 0 : i32
        %gather3A_301 = arith.constant 0 : i32
        %gather3A_302 = tpu.memref_slice %arg18[%scan3A_148, %gather3A_300, %gather3A_301] : memref<2x64x128xf32, #tpu.memory_space<vmem>> -> memref<1x64x128xf32, #tpu.memory_space<vmem>>
        %gather3A_303 = tpu.memref_squeeze %gather3A_302 : memref<1x64x128xf32, #tpu.memory_space<vmem>> -> memref<64x128xf32, #tpu.memory_space<vmem>>
        %gather3A_304 = tpu.vector_load_idx %gather3A_303[%add3A_236, %add3A_299] : memref<64x128xf32, #tpu.memory_space<vmem>>[vector<16xi32>, vector<16xi32>], vector<16xf32>,
        %add3A_305 = arith.constant 1 : i32
        %add3A_306 = vector.broadcast %add3A_305 : i32 to vector<16xi32>
        %add3A_307 = arith.addi %shift_left3A_249, %add3A_306 : vector<16xi32>
        %gather3A_308 = arith.constant 0 : i32
        %gather3A_309 = arith.constant 0 : i32
        %gather3A_310 = tpu.memref_slice %arg19[%scan3A_149, %gather3A_308, %gather3A_309] : memref<2x64x128xf32, #tpu.memory_space<vmem>> -> memref<1x64x128xf32, #tpu.memory_space<vmem>>
        %gather3A_311 = tpu.memref_squeeze %gather3A_310 : memref<1x64x128xf32, #tpu.memory_space<vmem>> -> memref<64x128xf32, #tpu.memory_space<vmem>>
        %gather3A_312 = tpu.vector_load_idx %gather3A_311[%add3A_236, %add3A_307] : memref<64x128xf32, #tpu.memory_space<vmem>>[vector<16xi32>, vector<16xi32>], vector<16xf32>,
        %add3A_313 = arith.constant 1 : i32
        %add3A_314 = vector.broadcast %add3A_313 : i32 to vector<16xi32>
        %add3A_315 = arith.addi %shift_left3A_257, %add3A_314 : vector<16xi32>
        %gather3A_316 = arith.constant 0 : i32
        %gather3A_317 = arith.constant 0 : i32
        %gather3A_318 = tpu.memref_slice %arg20[%scan3A_150, %gather3A_316, %gather3A_317] : memref<2x64x128xf32, #tpu.memory_space<vmem>> -> memref<1x64x128xf32, #tpu.memory_space<vmem>>
        %gather3A_319 = tpu.memref_squeeze %gather3A_318 : memref<1x64x128xf32, #tpu.memory_space<vmem>> -> memref<64x128xf32, #tpu.memory_space<vmem>>
        %gather3A_320 = tpu.vector_load_idx %gather3A_319[%add3A_236, %add3A_315] : memref<64x128xf32, #tpu.memory_space<vmem>>[vector<16xi32>, vector<16xi32>], vector<16xf32>,
        %gather3A_321 = tpu.vector_load_idx %arg21[%broadcast_in_dim3A_296, %get3A_259] : memref<32x1000xf32, #tpu.memory_space<vmem>>[vector<16xi32>, vector<16xi32>], vector<16xf32>,
        %gather3A_322 = tpu.vector_load_idx %arg21[%broadcast_in_dim3A_296, %get3A_261] : memref<32x1000xf32, #tpu.memory_space<vmem>>[vector<16xi32>, vector<16xi32>], vector<16xf32>,
        %add3A_323 = arith.addf %gather3A_304, %gather3A_321 : vector<16xf32>
        %sub3A_324 = arith.subf %add3A_323, %gather3A_312 : vector<16xf32>
        %abs3A_325 = math.absf %sub3A_324 : vector<16xf32>
        %add3A_326 = arith.addf %add3A_290, %abs3A_325 : vector<16xf32>
        %add3A_327 = arith.addf %gather3A_320, %gather3A_322 : vector<16xf32>
        %sub3A_328 = arith.subf %add3A_327, %gather3A_312 : vector<16xf32>
        %abs3A_329 = math.absf %sub3A_328 : vector<16xf32>
        %add3A_330 = arith.addf %add3A_294, %abs3A_329 : vector<16xf32>
        %broadcast_in_dim3A_331 = arith.constant 2 : i32
        %broadcast_in_dim3A_332 = vector.broadcast %broadcast_in_dim3A_331 : i32 to vector<16xi32>
        %add3A_333 = arith.constant 2 : i32
        %add3A_334 = vector.broadcast %add3A_333 : i32 to vector<16xi32>
        %add3A_335 = arith.addi %shift_left3A_241, %add3A_334 : vector<16xi32>
        %gather3A_336 = arith.constant 0 : i32
        %gather3A_337 = arith.constant 0 : i32
        %gather3A_338 = tpu.memref_slice %arg18[%scan3A_148, %gather3A_336, %gather3A_337] : memref<2x64x128xf32, #tpu.memory_space<vmem>> -> memref<1x64x128xf32, #tpu.memory_space<vmem>>
        %gather3A_339 = tpu.memref_squeeze %gather3A_338 : memref<1x64x128xf32, #tpu.memory_space<vmem>> -> memref<64x128xf32, #tpu.memory_space<vmem>>
        %gather3A_340 = tpu.vector_load_idx %gather3A_339[%add3A_236, %add3A_335] : memref<64x128xf32, #tpu.memory_space<vmem>>[vector<16xi32>, vector<16xi32>], vector<16xf32>,
        %add3A_341 = arith.constant 2 : i32
        %add3A_342 = vector.broadcast %add3A_341 : i32 to vector<16xi32>
        %add3A_343 = arith.addi %shift_left3A_249, %add3A_342 : vector<16xi32>
        %gather3A_344 = arith.constant 0 : i32
        %gather3A_345 = arith.constant 0 : i32
        %gather3A_346 = tpu.memref_slice %arg19[%scan3A_149, %gather3A_344, %gather3A_345] : memref<2x64x128xf32, #tpu.memory_space<vmem>> -> memref<1x64x128xf32, #tpu.memory_space<vmem>>
        %gather3A_347 = tpu.memref_squeeze %gather3A_346 : memref<1x64x128xf32, #tpu.memory_space<vmem>> -> memref<64x128xf32, #tpu.memory_space<vmem>>
        %gather3A_348 = tpu.vector_load_idx %gather3A_347[%add3A_236, %add3A_343] : memref<64x128xf32, #tpu.memory_space<vmem>>[vector<16xi32>, vector<16xi32>], vector<16xf32>,
        %add3A_349 = arith.constant 2 : i32
        %add3A_350 = vector.broadcast %add3A_349 : i32 to vector<16xi32>
        %add3A_351 = arith.addi %shift_left3A_257, %add3A_350 : vector<16xi32>
        %gather3A_352 = arith.constant 0 : i32
        %gather3A_353 = arith.constant 0 : i32
        %gather3A_354 = tpu.memref_slice %arg20[%scan3A_150, %gather3A_352, %gather3A_353] : memref<2x64x128xf32, #tpu.memory_space<vmem>> -> memref<1x64x128xf32, #tpu.memory_space<vmem>>
        %gather3A_355 = tpu.memref_squeeze %gather3A_354 : memref<1x64x128xf32, #tpu.memory_space<vmem>> -> memref<64x128xf32, #tpu.memory_space<vmem>>
        %gather3A_356 = tpu.vector_load_idx %gather3A_355[%add3A_236, %add3A_351] : memref<64x128xf32, #tpu.memory_space<vmem>>[vector<16xi32>, vector<16xi32>], vector<16xf32>,
        %gather3A_357 = tpu.vector_load_idx %arg21[%broadcast_in_dim3A_332, %get3A_259] : memref<32x1000xf32, #tpu.memory_space<vmem>>[vector<16xi32>, vector<16xi32>], vector<16xf32>,
        %gather3A_358 = tpu.vector_load_idx %arg21[%broadcast_in_dim3A_332, %get3A_261] : memref<32x1000xf32, #tpu.memory_space<vmem>>[vector<16xi32>, vector<16xi32>], vector<16xf32>,
        %add3A_359 = arith.addf %gather3A_340, %gather3A_357 : vector<16xf32>
        %sub3A_360 = arith.subf %add3A_359, %gather3A_348 : vector<16xf32>
        %abs3A_361 = math.absf %sub3A_360 : vector<16xf32>
        %add3A_362 = arith.addf %add3A_326, %abs3A_361 : vector<16xf32>
        %add3A_363 = arith.addf %gather3A_356, %gather3A_358 : vector<16xf32>
        %sub3A_364 = arith.subf %add3A_363, %gather3A_348 : vector<16xf32>
        %abs3A_365 = math.absf %sub3A_364 : vector<16xf32>
        %add3A_366 = arith.addf %add3A_330, %abs3A_365 : vector<16xf32>
        %broadcast_in_dim3A_367 = arith.constant 3 : i32
        %broadcast_in_dim3A_368 = vector.broadcast %broadcast_in_dim3A_367 : i32 to vector<16xi32>
        %add3A_369 = arith.constant 3 : i32
        %add3A_370 = vector.broadcast %add3A_369 : i32 to vector<16xi32>
        %add3A_371 = arith.addi %shift_left3A_241, %add3A_370 : vector<16xi32>
        %gather3A_372 = arith.constant 0 : i32
        %gather3A_373 = arith.constant 0 : i32
        %gather3A_374 = tpu.memref_slice %arg18[%scan3A_148, %gather3A_372, %gather3A_373] : memref<2x64x128xf32, #tpu.memory_space<vmem>> -> memref<1x64x128xf32, #tpu.memory_space<vmem>>
        %gather3A_375 = tpu.memref_squeeze %gather3A_374 : memref<1x64x128xf32, #tpu.memory_space<vmem>> -> memref<64x128xf32, #tpu.memory_space<vmem>>
        %gather3A_376 = tpu.vector_load_idx %gather3A_375[%add3A_236, %add3A_371] : memref<64x128xf32, #tpu.memory_space<vmem>>[vector<16xi32>, vector<16xi32>], vector<16xf32>,
        %add3A_377 = arith.constant 3 : i32
        %add3A_378 = vector.broadcast %add3A_377 : i32 to vector<16xi32>
        %add3A_379 = arith.addi %shift_left3A_249, %add3A_378 : vector<16xi32>
        %gather3A_380 = arith.constant 0 : i32
        %gather3A_381 = arith.constant 0 : i32
        %gather3A_382 = tpu.memref_slice %arg19[%scan3A_149, %gather3A_380, %gather3A_381] : memref<2x64x128xf32, #tpu.memory_space<vmem>> -> memref<1x64x128xf32, #tpu.memory_space<vmem>>
        %gather3A_383 = tpu.memref_squeeze %gather3A_382 : memref<1x64x128xf32, #tpu.memory_space<vmem>> -> memref<64x128xf32, #tpu.memory_space<vmem>>
        %gather3A_384 = tpu.vector_load_idx %gather3A_383[%add3A_236, %add3A_379] : memref<64x128xf32, #tpu.memory_space<vmem>>[vector<16xi32>, vector<16xi32>], vector<16xf32>,
        %add3A_385 = arith.constant 3 : i32
        %add3A_386 = vector.broadcast %add3A_385 : i32 to vector<16xi32>
        %add3A_387 = arith.addi %shift_left3A_257, %add3A_386 : vector<16xi32>
        %gather3A_388 = arith.constant 0 : i32
        %gather3A_389 = arith.constant 0 : i32
        %gather3A_390 = tpu.memref_slice %arg20[%scan3A_150, %gather3A_388, %gather3A_389] : memref<2x64x128xf32, #tpu.memory_space<vmem>> -> memref<1x64x128xf32, #tpu.memory_space<vmem>>
        %gather3A_391 = tpu.memref_squeeze %gather3A_390 : memref<1x64x128xf32, #tpu.memory_space<vmem>> -> memref<64x128xf32, #tpu.memory_space<vmem>>
        %gather3A_392 = tpu.vector_load_idx %gather3A_391[%add3A_236, %add3A_387] : memref<64x128xf32, #tpu.memory_space<vmem>>[vector<16xi32>, vector<16xi32>], vector<16xf32>,
        %gather3A_393 = tpu.vector_load_idx %arg21[%broadcast_in_dim3A_368, %get3A_259] : memref<32x1000xf32, #tpu.memory_space<vmem>>[vector<16xi32>, vector<16xi32>], vector<16xf32>,
        %gather3A_394 = tpu.vector_load_idx %arg21[%broadcast_in_dim3A_368, %get3A_261] : memref<32x1000xf32, #tpu.memory_space<vmem>>[vector<16xi32>, vector<16xi32>], vector<16xf32>,
        %add3A_395 = arith.addf %gather3A_376, %gather3A_393 : vector<16xf32>
        %sub3A_396 = arith.subf %add3A_395, %gather3A_384 : vector<16xf32>
        %abs3A_397 = math.absf %sub3A_396 : vector<16xf32>
        %add3A_398 = arith.addf %add3A_362, %abs3A_397 : vector<16xf32>
        %add3A_399 = arith.addf %gather3A_392, %gather3A_394 : vector<16xf32>
        %sub3A_400 = arith.subf %add3A_399, %gather3A_384 : vector<16xf32>
        %abs3A_401 = math.absf %sub3A_400 : vector<16xf32>
        %add3A_402 = arith.addf %add3A_366, %abs3A_401 : vector<16xf32>
        %broadcast_in_dim3A_403 = arith.constant 4 : i32
        %broadcast_in_dim3A_404 = vector.broadcast %broadcast_in_dim3A_403 : i32 to vector<16xi32>
        %add3A_405 = arith.constant 4 : i32
        %add3A_406 = vector.broadcast %add3A_405 : i32 to vector<16xi32>
        %add3A_407 = arith.addi %shift_left3A_241, %add3A_406 : vector<16xi32>
        %gather3A_408 = arith.constant 0 : i32
        %gather3A_409 = arith.constant 0 : i32
        %gather3A_410 = tpu.memref_slice %arg18[%scan3A_148, %gather3A_408, %gather3A_409] : memref<2x64x128xf32, #tpu.memory_space<vmem>> -> memref<1x64x128xf32, #tpu.memory_space<vmem>>
        %gather3A_411 = tpu.memref_squeeze %gather3A_410 : memref<1x64x128xf32, #tpu.memory_space<vmem>> -> memref<64x128xf32, #tpu.memory_space<vmem>>
        %gather3A_412 = tpu.vector_load_idx %gather3A_411[%add3A_236, %add3A_407] : memref<64x128xf32, #tpu.memory_space<vmem>>[vector<16xi32>, vector<16xi32>], vector<16xf32>,
        %add3A_413 = arith.constant 4 : i32
        %add3A_414 = vector.broadcast %add3A_413 : i32 to vector<16xi32>
        %add3A_415 = arith.addi %shift_left3A_249, %add3A_414 : vector<16xi32>
        %gather3A_416 = arith.constant 0 : i32
        %gather3A_417 = arith.constant 0 : i32
        %gather3A_418 = tpu.memref_slice %arg19[%scan3A_149, %gather3A_416, %gather3A_417] : memref<2x64x128xf32, #tpu.memory_space<vmem>> -> memref<1x64x128xf32, #tpu.memory_space<vmem>>
        %gather3A_419 = tpu.memref_squeeze %gather3A_418 : memref<1x64x128xf32, #tpu.memory_space<vmem>> -> memref<64x128xf32, #tpu.memory_space<vmem>>
        %gather3A_420 = tpu.vector_load_idx %gather3A_419[%add3A_236, %add3A_415] : memref<64x128xf32, #tpu.memory_space<vmem>>[vector<16xi32>, vector<16xi32>], vector<16xf32>,
        %add3A_421 = arith.constant 4 : i32
        %add3A_422 = vector.broadcast %add3A_421 : i32 to vector<16xi32>
        %add3A_423 = arith.addi %shift_left3A_257, %add3A_422 : vector<16xi32>
        %gather3A_424 = arith.constant 0 : i32
        %gather3A_425 = arith.constant 0 : i32
        %gather3A_426 = tpu.memref_slice %arg20[%scan3A_150, %gather3A_424, %gather3A_425] : memref<2x64x128xf32, #tpu.memory_space<vmem>> -> memref<1x64x128xf32, #tpu.memory_space<vmem>>
        %gather3A_427 = tpu.memref_squeeze %gather3A_426 : memref<1x64x128xf32, #tpu.memory_space<vmem>> -> memref<64x128xf32, #tpu.memory_space<vmem>>
        %gather3A_428 = tpu.vector_load_idx %gather3A_427[%add3A_236, %add3A_423] : memref<64x128xf32, #tpu.memory_space<vmem>>[vector<16xi32>, vector<16xi32>], vector<16xf32>,
        %gather3A_429 = tpu.vector_load_idx %arg21[%broadcast_in_dim3A_404, %get3A_259] : memref<32x1000xf32, #tpu.memory_space<vmem>>[vector<16xi32>, vector<16xi32>], vector<16xf32>,
        %gather3A_430 = tpu.vector_load_idx %arg21[%broadcast_in_dim3A_404, %get3A_261] : memref<32x1000xf32, #tpu.memory_space<vmem>>[vector<16xi32>, vector<16xi32>], vector<16xf32>,
        %add3A_431 = arith.addf %gather3A_412, %gather3A_429 : vector<16xf32>
        %sub3A_432 = arith.subf %add3A_431, %gather3A_420 : vector<16xf32>
        %abs3A_433 = math.absf %sub3A_432 : vector<16xf32>
        %add3A_434 = arith.addf %add3A_398, %abs3A_433 : vector<16xf32>
        %add3A_435 = arith.addf %gather3A_428, %gather3A_430 : vector<16xf32>
        %sub3A_436 = arith.subf %add3A_435, %gather3A_420 : vector<16xf32>
        %abs3A_437 = math.absf %sub3A_436 : vector<16xf32>
        %add3A_438 = arith.addf %add3A_402, %abs3A_437 : vector<16xf32>
        %broadcast_in_dim3A_439 = arith.constant 5 : i32
        %broadcast_in_dim3A_440 = vector.broadcast %broadcast_in_dim3A_439 : i32 to vector<16xi32>
        %add3A_441 = arith.constant 5 : i32
        %add3A_442 = vector.broadcast %add3A_441 : i32 to vector<16xi32>
        %add3A_443 = arith.addi %shift_left3A_241, %add3A_442 : vector<16xi32>
        %gather3A_444 = arith.constant 0 : i32
        %gather3A_445 = arith.constant 0 : i32
        %gather3A_446 = tpu.memref_slice %arg18[%scan3A_148, %gather3A_444, %gather3A_445] : memref<2x64x128xf32, #tpu.memory_space<vmem>> -> memref<1x64x128xf32, #tpu.memory_space<vmem>>
        %gather3A_447 = tpu.memref_squeeze %gather3A_446 : memref<1x64x128xf32, #tpu.memory_space<vmem>> -> memref<64x128xf32, #tpu.memory_space<vmem>>
        %gather3A_448 = tpu.vector_load_idx %gather3A_447[%add3A_236, %add3A_443] : memref<64x128xf32, #tpu.memory_space<vmem>>[vector<16xi32>, vector<16xi32>], vector<16xf32>,
        %add3A_449 = arith.constant 5 : i32
        %add3A_450 = vector.broadcast %add3A_449 : i32 to vector<16xi32>
        %add3A_451 = arith.addi %shift_left3A_249, %add3A_450 : vector<16xi32>
        %gather3A_452 = arith.constant 0 : i32
        %gather3A_453 = arith.constant 0 : i32
        %gather3A_454 = tpu.memref_slice %arg19[%scan3A_149, %gather3A_452, %gather3A_453] : memref<2x64x128xf32, #tpu.memory_space<vmem>> -> memref<1x64x128xf32, #tpu.memory_space<vmem>>
        %gather3A_455 = tpu.memref_squeeze %gather3A_454 : memref<1x64x128xf32, #tpu.memory_space<vmem>> -> memref<64x128xf32, #tpu.memory_space<vmem>>
        %gather3A_456 = tpu.vector_load_idx %gather3A_455[%add3A_236, %add3A_451] : memref<64x128xf32, #tpu.memory_space<vmem>>[vector<16xi32>, vector<16xi32>], vector<16xf32>,
        %add3A_457 = arith.constant 5 : i32
        %add3A_458 = vector.broadcast %add3A_457 : i32 to vector<16xi32>
        %add3A_459 = arith.addi %shift_left3A_257, %add3A_458 : vector<16xi32>
        %gather3A_460 = arith.constant 0 : i32
        %gather3A_461 = arith.constant 0 : i32
        %gather3A_462 = tpu.memref_slice %arg20[%scan3A_150, %gather3A_460, %gather3A_461] : memref<2x64x128xf32, #tpu.memory_space<vmem>> -> memref<1x64x128xf32, #tpu.memory_space<vmem>>
        %gather3A_463 = tpu.memref_squeeze %gather3A_462 : memref<1x64x128xf32, #tpu.memory_space<vmem>> -> memref<64x128xf32, #tpu.memory_space<vmem>>
        %gather3A_464 = tpu.vector_load_idx %gather3A_463[%add3A_236, %add3A_459] : memref<64x128xf32, #tpu.memory_space<vmem>>[vector<16xi32>, vector<16xi32>], vector<16xf32>,
        %gather3A_465 = tpu.vector_load_idx %arg21[%broadcast_in_dim3A_440, %get3A_259] : memref<32x1000xf32, #tpu.memory_space<vmem>>[vector<16xi32>, vector<16xi32>], vector<16xf32>,
        %gather3A_466 = tpu.vector_load_idx %arg21[%broadcast_in_dim3A_440, %get3A_261] : memref<32x1000xf32, #tpu.memory_space<vmem>>[vector<16xi32>, vector<16xi32>], vector<16xf32>,
        %add3A_467 = arith.addf %gather3A_448, %gather3A_465 : vector<16xf32>
        %sub3A_468 = arith.subf %add3A_467, %gather3A_456 : vector<16xf32>
        %abs3A_469 = math.absf %sub3A_468 : vector<16xf32>
        %add3A_470 = arith.addf %add3A_434, %abs3A_469 : vector<16xf32>
        %add3A_471 = arith.addf %gather3A_464, %gather3A_466 : vector<16xf32>
        %sub3A_472 = arith.subf %add3A_471, %gather3A_456 : vector<16xf32>
        %abs3A_473 = math.absf %sub3A_472 : vector<16xf32>
        %add3A_474 = arith.addf %add3A_438, %abs3A_473 : vector<16xf32>
        %broadcast_in_dim3A_475 = arith.constant 6 : i32
        %broadcast_in_dim3A_476 = vector.broadcast %broadcast_in_dim3A_475 : i32 to vector<16xi32>
        %add3A_477 = arith.constant 6 : i32
        %add3A_478 = vector.broadcast %add3A_477 : i32 to vector<16xi32>
        %add3A_479 = arith.addi %shift_left3A_241, %add3A_478 : vector<16xi32>
        %gather3A_480 = arith.constant 0 : i32
        %gather3A_481 = arith.constant 0 : i32
        %gather3A_482 = tpu.memref_slice %arg18[%scan3A_148, %gather3A_480, %gather3A_481] : memref<2x64x128xf32, #tpu.memory_space<vmem>> -> memref<1x64x128xf32, #tpu.memory_space<vmem>>
        %gather3A_483 = tpu.memref_squeeze %gather3A_482 : memref<1x64x128xf32, #tpu.memory_space<vmem>> -> memref<64x128xf32, #tpu.memory_space<vmem>>
        %gather3A_484 = tpu.vector_load_idx %gather3A_483[%add3A_236, %add3A_479] : memref<64x128xf32, #tpu.memory_space<vmem>>[vector<16xi32>, vector<16xi32>], vector<16xf32>,
        %add3A_485 = arith.constant 6 : i32
        %add3A_486 = vector.broadcast %add3A_485 : i32 to vector<16xi32>
        %add3A_487 = arith.addi %shift_left3A_249, %add3A_486 : vector<16xi32>
        %gather3A_488 = arith.constant 0 : i32
        %gather3A_489 = arith.constant 0 : i32
        %gather3A_490 = tpu.memref_slice %arg19[%scan3A_149, %gather3A_488, %gather3A_489] : memref<2x64x128xf32, #tpu.memory_space<vmem>> -> memref<1x64x128xf32, #tpu.memory_space<vmem>>
        %gather3A_491 = tpu.memref_squeeze %gather3A_490 : memref<1x64x128xf32, #tpu.memory_space<vmem>> -> memref<64x128xf32, #tpu.memory_space<vmem>>
        %gather3A_492 = tpu.vector_load_idx %gather3A_491[%add3A_236, %add3A_487] : memref<64x128xf32, #tpu.memory_space<vmem>>[vector<16xi32>, vector<16xi32>], vector<16xf32>,
        %add3A_493 = arith.constant 6 : i32
        %add3A_494 = vector.broadcast %add3A_493 : i32 to vector<16xi32>
        %add3A_495 = arith.addi %shift_left3A_257, %add3A_494 : vector<16xi32>
        %gather3A_496 = arith.constant 0 : i32
        %gather3A_497 = arith.constant 0 : i32
        %gather3A_498 = tpu.memref_slice %arg20[%scan3A_150, %gather3A_496, %gather3A_497] : memref<2x64x128xf32, #tpu.memory_space<vmem>> -> memref<1x64x128xf32, #tpu.memory_space<vmem>>
        %gather3A_499 = tpu.memref_squeeze %gather3A_498 : memref<1x64x128xf32, #tpu.memory_space<vmem>> -> memref<64x128xf32, #tpu.memory_space<vmem>>
        %gather3A_500 = tpu.vector_load_idx %gather3A_499[%add3A_236, %add3A_495] : memref<64x128xf32, #tpu.memory_space<vmem>>[vector<16xi32>, vector<16xi32>], vector<16xf32>,
        %gather3A_501 = tpu.vector_load_idx %arg21[%broadcast_in_dim3A_476, %get3A_259] : memref<32x1000xf32, #tpu.memory_space<vmem>>[vector<16xi32>, vector<16xi32>], vector<16xf32>,
        %gather3A_502 = tpu.vector_load_idx %arg21[%broadcast_in_dim3A_476, %get3A_261] : memref<32x1000xf32, #tpu.memory_space<vmem>>[vector<16xi32>, vector<16xi32>], vector<16xf32>,
        %add3A_503 = arith.addf %gather3A_484, %gather3A_501 : vector<16xf32>
        %sub3A_504 = arith.subf %add3A_503, %gather3A_492 : vector<16xf32>
        %abs3A_505 = math.absf %sub3A_504 : vector<16xf32>
        %add3A_506 = arith.addf %add3A_470, %abs3A_505 : vector<16xf32>
        %add3A_507 = arith.addf %gather3A_500, %gather3A_502 : vector<16xf32>
        %sub3A_508 = arith.subf %add3A_507, %gather3A_492 : vector<16xf32>
        %abs3A_509 = math.absf %sub3A_508 : vector<16xf32>
        %add3A_510 = arith.addf %add3A_474, %abs3A_509 : vector<16xf32>
        %broadcast_in_dim3A_511 = arith.constant 7 : i32
        %broadcast_in_dim3A_512 = vector.broadcast %broadcast_in_dim3A_511 : i32 to vector<16xi32>
        %add3A_513 = arith.constant 7 : i32
        %add3A_514 = vector.broadcast %add3A_513 : i32 to vector<16xi32>
        %add3A_515 = arith.addi %shift_left3A_241, %add3A_514 : vector<16xi32>
        %gather3A_516 = arith.constant 0 : i32
        %gather3A_517 = arith.constant 0 : i32
        %gather3A_518 = tpu.memref_slice %arg18[%scan3A_148, %gather3A_516, %gather3A_517] : memref<2x64x128xf32, #tpu.memory_space<vmem>> -> memref<1x64x128xf32, #tpu.memory_space<vmem>>
        %gather3A_519 = tpu.memref_squeeze %gather3A_518 : memref<1x64x128xf32, #tpu.memory_space<vmem>> -> memref<64x128xf32, #tpu.memory_space<vmem>>
        %gather3A_520 = tpu.vector_load_idx %gather3A_519[%add3A_236, %add3A_515] : memref<64x128xf32, #tpu.memory_space<vmem>>[vector<16xi32>, vector<16xi32>], vector<16xf32>,
        %add3A_521 = arith.constant 7 : i32
        %add3A_522 = vector.broadcast %add3A_521 : i32 to vector<16xi32>
        %add3A_523 = arith.addi %shift_left3A_249, %add3A_522 : vector<16xi32>
        %gather3A_524 = arith.constant 0 : i32
        %gather3A_525 = arith.constant 0 : i32
        %gather3A_526 = tpu.memref_slice %arg19[%scan3A_149, %gather3A_524, %gather3A_525] : memref<2x64x128xf32, #tpu.memory_space<vmem>> -> memref<1x64x128xf32, #tpu.memory_space<vmem>>
        %gather3A_527 = tpu.memref_squeeze %gather3A_526 : memref<1x64x128xf32, #tpu.memory_space<vmem>> -> memref<64x128xf32, #tpu.memory_space<vmem>>
        %gather3A_528 = tpu.vector_load_idx %gather3A_527[%add3A_236, %add3A_523] : memref<64x128xf32, #tpu.memory_space<vmem>>[vector<16xi32>, vector<16xi32>], vector<16xf32>,
        %add3A_529 = arith.constant 7 : i32
        %add3A_530 = vector.broadcast %add3A_529 : i32 to vector<16xi32>
        %add3A_531 = arith.addi %shift_left3A_257, %add3A_530 : vector<16xi32>
        %gather3A_532 = arith.constant 0 : i32
        %gather3A_533 = arith.constant 0 : i32
        %gather3A_534 = tpu.memref_slice %arg20[%scan3A_150, %gather3A_532, %gather3A_533] : memref<2x64x128xf32, #tpu.memory_space<vmem>> -> memref<1x64x128xf32, #tpu.memory_space<vmem>>
        %gather3A_535 = tpu.memref_squeeze %gather3A_534 : memref<1x64x128xf32, #tpu.memory_space<vmem>> -> memref<64x128xf32, #tpu.memory_space<vmem>>
        %gather3A_536 = tpu.vector_load_idx %gather3A_535[%add3A_236, %add3A_531] : memref<64x128xf32, #tpu.memory_space<vmem>>[vector<16xi32>, vector<16xi32>], vector<16xf32>,
        %gather3A_537 = tpu.vector_load_idx %arg21[%broadcast_in_dim3A_512, %get3A_259] : memref<32x1000xf32, #tpu.memory_space<vmem>>[vector<16xi32>, vector<16xi32>], vector<16xf32>,
        %gather3A_538 = tpu.vector_load_idx %arg21[%broadcast_in_dim3A_512, %get3A_261] : memref<32x1000xf32, #tpu.memory_space<vmem>>[vector<16xi32>, vector<16xi32>], vector<16xf32>,
        %add3A_539 = arith.addf %gather3A_520, %gather3A_537 : vector<16xf32>
        %sub3A_540 = arith.subf %add3A_539, %gather3A_528 : vector<16xf32>
        %abs3A_541 = math.absf %sub3A_540 : vector<16xf32>
        %add3A_542 = arith.addf %add3A_506, %abs3A_541 : vector<16xf32>
        %add3A_543 = arith.addf %gather3A_536, %gather3A_538 : vector<16xf32>
        %sub3A_544 = arith.subf %add3A_543, %gather3A_528 : vector<16xf32>
        %abs3A_545 = math.absf %sub3A_544 : vector<16xf32>
        %add3A_546 = arith.addf %add3A_510, %abs3A_545 : vector<16xf32>
        %broadcast_in_dim3A_547 = arith.constant 8 : i32
        %broadcast_in_dim3A_548 = vector.broadcast %broadcast_in_dim3A_547 : i32 to vector<16xi32>
        %add3A_549 = arith.constant 8 : i32
        %add3A_550 = vector.broadcast %add3A_549 : i32 to vector<16xi32>
        %add3A_551 = arith.addi %shift_left3A_241, %add3A_550 : vector<16xi32>
        %gather3A_552 = arith.constant 0 : i32
        %gather3A_553 = arith.constant 0 : i32
        %gather3A_554 = tpu.memref_slice %arg18[%scan3A_148, %gather3A_552, %gather3A_553] : memref<2x64x128xf32, #tpu.memory_space<vmem>> -> memref<1x64x128xf32, #tpu.memory_space<vmem>>
        %gather3A_555 = tpu.memref_squeeze %gather3A_554 : memref<1x64x128xf32, #tpu.memory_space<vmem>> -> memref<64x128xf32, #tpu.memory_space<vmem>>
        %gather3A_556 = tpu.vector_load_idx %gather3A_555[%add3A_236, %add3A_551] : memref<64x128xf32, #tpu.memory_space<vmem>>[vector<16xi32>, vector<16xi32>], vector<16xf32>,
        %add3A_557 = arith.constant 8 : i32
        %add3A_558 = vector.broadcast %add3A_557 : i32 to vector<16xi32>
        %add3A_559 = arith.addi %shift_left3A_249, %add3A_558 : vector<16xi32>
        %gather3A_560 = arith.constant 0 : i32
        %gather3A_561 = arith.constant 0 : i32
        %gather3A_562 = tpu.memref_slice %arg19[%scan3A_149, %gather3A_560, %gather3A_561] : memref<2x64x128xf32, #tpu.memory_space<vmem>> -> memref<1x64x128xf32, #tpu.memory_space<vmem>>
        %gather3A_563 = tpu.memref_squeeze %gather3A_562 : memref<1x64x128xf32, #tpu.memory_space<vmem>> -> memref<64x128xf32, #tpu.memory_space<vmem>>
        %gather3A_564 = tpu.vector_load_idx %gather3A_563[%add3A_236, %add3A_559] : memref<64x128xf32, #tpu.memory_space<vmem>>[vector<16xi32>, vector<16xi32>], vector<16xf32>,
        %add3A_565 = arith.constant 8 : i32
        %add3A_566 = vector.broadcast %add3A_565 : i32 to vector<16xi32>
        %add3A_567 = arith.addi %shift_left3A_257, %add3A_566 : vector<16xi32>
        %gather3A_568 = arith.constant 0 : i32
        %gather3A_569 = arith.constant 0 : i32
        %gather3A_570 = tpu.memref_slice %arg20[%scan3A_150, %gather3A_568, %gather3A_569] : memref<2x64x128xf32, #tpu.memory_space<vmem>> -> memref<1x64x128xf32, #tpu.memory_space<vmem>>
        %gather3A_571 = tpu.memref_squeeze %gather3A_570 : memref<1x64x128xf32, #tpu.memory_space<vmem>> -> memref<64x128xf32, #tpu.memory_space<vmem>>
        %gather3A_572 = tpu.vector_load_idx %gather3A_571[%add3A_236, %add3A_567] : memref<64x128xf32, #tpu.memory_space<vmem>>[vector<16xi32>, vector<16xi32>], vector<16xf32>,
        %gather3A_573 = tpu.vector_load_idx %arg21[%broadcast_in_dim3A_548, %get3A_259] : memref<32x1000xf32, #tpu.memory_space<vmem>>[vector<16xi32>, vector<16xi32>], vector<16xf32>,
        %gather3A_574 = tpu.vector_load_idx %arg21[%broadcast_in_dim3A_548, %get3A_261] : memref<32x1000xf32, #tpu.memory_space<vmem>>[vector<16xi32>, vector<16xi32>], vector<16xf32>,
        %add3A_575 = arith.addf %gather3A_556, %gather3A_573 : vector<16xf32>
        %sub3A_576 = arith.subf %add3A_575, %gather3A_564 : vector<16xf32>
        %abs3A_577 = math.absf %sub3A_576 : vector<16xf32>
        %add3A_578 = arith.addf %add3A_542, %abs3A_577 : vector<16xf32>
        %add3A_579 = arith.addf %gather3A_572, %gather3A_574 : vector<16xf32>
        %sub3A_580 = arith.subf %add3A_579, %gather3A_564 : vector<16xf32>
        %abs3A_581 = math.absf %sub3A_580 : vector<16xf32>
        %add3A_582 = arith.addf %add3A_546, %abs3A_581 : vector<16xf32>
        %broadcast_in_dim3A_583 = arith.constant 9 : i32
        %broadcast_in_dim3A_584 = vector.broadcast %broadcast_in_dim3A_583 : i32 to vector<16xi32>
        %add3A_585 = arith.constant 9 : i32
        %add3A_586 = vector.broadcast %add3A_585 : i32 to vector<16xi32>
        %add3A_587 = arith.addi %shift_left3A_241, %add3A_586 : vector<16xi32>
        %gather3A_588 = arith.constant 0 : i32
        %gather3A_589 = arith.constant 0 : i32
        %gather3A_590 = tpu.memref_slice %arg18[%scan3A_148, %gather3A_588, %gather3A_589] : memref<2x64x128xf32, #tpu.memory_space<vmem>> -> memref<1x64x128xf32, #tpu.memory_space<vmem>>
        %gather3A_591 = tpu.memref_squeeze %gather3A_590 : memref<1x64x128xf32, #tpu.memory_space<vmem>> -> memref<64x128xf32, #tpu.memory_space<vmem>>
        %gather3A_592 = tpu.vector_load_idx %gather3A_591[%add3A_236, %add3A_587] : memref<64x128xf32, #tpu.memory_space<vmem>>[vector<16xi32>, vector<16xi32>], vector<16xf32>,
        %add3A_593 = arith.constant 9 : i32
        %add3A_594 = vector.broadcast %add3A_593 : i32 to vector<16xi32>
        %add3A_595 = arith.addi %shift_left3A_249, %add3A_594 : vector<16xi32>
        %gather3A_596 = arith.constant 0 : i32
        %gather3A_597 = arith.constant 0 : i32
        %gather3A_598 = tpu.memref_slice %arg19[%scan3A_149, %gather3A_596, %gather3A_597] : memref<2x64x128xf32, #tpu.memory_space<vmem>> -> memref<1x64x128xf32, #tpu.memory_space<vmem>>
        %gather3A_599 = tpu.memref_squeeze %gather3A_598 : memref<1x64x128xf32, #tpu.memory_space<vmem>> -> memref<64x128xf32, #tpu.memory_space<vmem>>
        %gather3A_600 = tpu.vector_load_idx %gather3A_599[%add3A_236, %add3A_595] : memref<64x128xf32, #tpu.memory_space<vmem>>[vector<16xi32>, vector<16xi32>], vector<16xf32>,
        %add3A_601 = arith.constant 9 : i32
        %add3A_602 = vector.broadcast %add3A_601 : i32 to vector<16xi32>
        %add3A_603 = arith.addi %shift_left3A_257, %add3A_602 : vector<16xi32>
        %gather3A_604 = arith.constant 0 : i32
        %gather3A_605 = arith.constant 0 : i32
        %gather3A_606 = tpu.memref_slice %arg20[%scan3A_150, %gather3A_604, %gather3A_605] : memref<2x64x128xf32, #tpu.memory_space<vmem>> -> memref<1x64x128xf32, #tpu.memory_space<vmem>>
        %gather3A_607 = tpu.memref_squeeze %gather3A_606 : memref<1x64x128xf32, #tpu.memory_space<vmem>> -> memref<64x128xf32, #tpu.memory_space<vmem>>
        %gather3A_608 = tpu.vector_load_idx %gather3A_607[%add3A_236, %add3A_603] : memref<64x128xf32, #tpu.memory_space<vmem>>[vector<16xi32>, vector<16xi32>], vector<16xf32>,
        %gather3A_609 = tpu.vector_load_idx %arg21[%broadcast_in_dim3A_584, %get3A_259] : memref<32x1000xf32, #tpu.memory_space<vmem>>[vector<16xi32>, vector<16xi32>], vector<16xf32>,
        %gather3A_610 = tpu.vector_load_idx %arg21[%broadcast_in_dim3A_584, %get3A_261] : memref<32x1000xf32, #tpu.memory_space<vmem>>[vector<16xi32>, vector<16xi32>], vector<16xf32>,
        %add3A_611 = arith.addf %gather3A_592, %gather3A_609 : vector<16xf32>
        %sub3A_612 = arith.subf %add3A_611, %gather3A_600 : vector<16xf32>
        %abs3A_613 = math.absf %sub3A_612 : vector<16xf32>
        %add3A_614 = arith.addf %add3A_578, %abs3A_613 : vector<16xf32>
        %add3A_615 = arith.addf %gather3A_608, %gather3A_610 : vector<16xf32>
        %sub3A_616 = arith.subf %add3A_615, %gather3A_600 : vector<16xf32>
        %abs3A_617 = math.absf %sub3A_616 : vector<16xf32>
        %add3A_618 = arith.addf %add3A_582, %abs3A_617 : vector<16xf32>
        %broadcast_in_dim3A_619 = arith.constant 10 : i32
        %broadcast_in_dim3A_620 = vector.broadcast %broadcast_in_dim3A_619 : i32 to vector<16xi32>
        %add3A_621 = arith.constant 10 : i32
        %add3A_622 = vector.broadcast %add3A_621 : i32 to vector<16xi32>
        %add3A_623 = arith.addi %shift_left3A_241, %add3A_622 : vector<16xi32>
        %gather3A_624 = arith.constant 0 : i32
        %gather3A_625 = arith.constant 0 : i32
        %gather3A_626 = tpu.memref_slice %arg18[%scan3A_148, %gather3A_624, %gather3A_625] : memref<2x64x128xf32, #tpu.memory_space<vmem>> -> memref<1x64x128xf32, #tpu.memory_space<vmem>>
        %gather3A_627 = tpu.memref_squeeze %gather3A_626 : memref<1x64x128xf32, #tpu.memory_space<vmem>> -> memref<64x128xf32, #tpu.memory_space<vmem>>
        %gather3A_628 = tpu.vector_load_idx %gather3A_627[%add3A_236, %add3A_623] : memref<64x128xf32, #tpu.memory_space<vmem>>[vector<16xi32>, vector<16xi32>], vector<16xf32>,
        %add3A_629 = arith.constant 10 : i32
        %add3A_630 = vector.broadcast %add3A_629 : i32 to vector<16xi32>
        %add3A_631 = arith.addi %shift_left3A_249, %add3A_630 : vector<16xi32>
        %gather3A_632 = arith.constant 0 : i32
        %gather3A_633 = arith.constant 0 : i32
        %gather3A_634 = tpu.memref_slice %arg19[%scan3A_149, %gather3A_632, %gather3A_633] : memref<2x64x128xf32, #tpu.memory_space<vmem>> -> memref<1x64x128xf32, #tpu.memory_space<vmem>>
        %gather3A_635 = tpu.memref_squeeze %gather3A_634 : memref<1x64x128xf32, #tpu.memory_space<vmem>> -> memref<64x128xf32, #tpu.memory_space<vmem>>
        %gather3A_636 = tpu.vector_load_idx %gather3A_635[%add3A_236, %add3A_631] : memref<64x128xf32, #tpu.memory_space<vmem>>[vector<16xi32>, vector<16xi32>], vector<16xf32>,
        %add3A_637 = arith.constant 10 : i32
        %add3A_638 = vector.broadcast %add3A_637 : i32 to vector<16xi32>
        %add3A_639 = arith.addi %shift_left3A_257, %add3A_638 : vector<16xi32>
        %gather3A_640 = arith.constant 0 : i32
        %gather3A_641 = arith.constant 0 : i32
        %gather3A_642 = tpu.memref_slice %arg20[%scan3A_150, %gather3A_640, %gather3A_641] : memref<2x64x128xf32, #tpu.memory_space<vmem>> -> memref<1x64x128xf32, #tpu.memory_space<vmem>>
        %gather3A_643 = tpu.memref_squeeze %gather3A_642 : memref<1x64x128xf32, #tpu.memory_space<vmem>> -> memref<64x128xf32, #tpu.memory_space<vmem>>
        %gather3A_644 = tpu.vector_load_idx %gather3A_643[%add3A_236, %add3A_639] : memref<64x128xf32, #tpu.memory_space<vmem>>[vector<16xi32>, vector<16xi32>], vector<16xf32>,
        %gather3A_645 = tpu.vector_load_idx %arg21[%broadcast_in_dim3A_620, %get3A_259] : memref<32x1000xf32, #tpu.memory_space<vmem>>[vector<16xi32>, vector<16xi32>], vector<16xf32>,
        %gather3A_646 = tpu.vector_load_idx %arg21[%broadcast_in_dim3A_620, %get3A_261] : memref<32x1000xf32, #tpu.memory_space<vmem>>[vector<16xi32>, vector<16xi32>], vector<16xf32>,
        %add3A_647 = arith.addf %gather3A_628, %gather3A_645 : vector<16xf32>
        %sub3A_648 = arith.subf %add3A_647, %gather3A_636 : vector<16xf32>
        %abs3A_649 = math.absf %sub3A_648 : vector<16xf32>
        %add3A_650 = arith.addf %add3A_614, %abs3A_649 : vector<16xf32>
        %add3A_651 = arith.addf %gather3A_644, %gather3A_646 : vector<16xf32>
        %sub3A_652 = arith.subf %add3A_651, %gather3A_636 : vector<16xf32>
        %abs3A_653 = math.absf %sub3A_652 : vector<16xf32>
        %add3A_654 = arith.addf %add3A_618, %abs3A_653 : vector<16xf32>
        %broadcast_in_dim3A_655 = arith.constant 11 : i32
        %broadcast_in_dim3A_656 = vector.broadcast %broadcast_in_dim3A_655 : i32 to vector<16xi32>
        %add3A_657 = arith.constant 11 : i32
        %add3A_658 = vector.broadcast %add3A_657 : i32 to vector<16xi32>
        %add3A_659 = arith.addi %shift_left3A_241, %add3A_658 : vector<16xi32>
        %gather3A_660 = arith.constant 0 : i32
        %gather3A_661 = arith.constant 0 : i32
        %gather3A_662 = tpu.memref_slice %arg18[%scan3A_148, %gather3A_660, %gather3A_661] : memref<2x64x128xf32, #tpu.memory_space<vmem>> -> memref<1x64x128xf32, #tpu.memory_space<vmem>>
        %gather3A_663 = tpu.memref_squeeze %gather3A_662 : memref<1x64x128xf32, #tpu.memory_space<vmem>> -> memref<64x128xf32, #tpu.memory_space<vmem>>
        %gather3A_664 = tpu.vector_load_idx %gather3A_663[%add3A_236, %add3A_659] : memref<64x128xf32, #tpu.memory_space<vmem>>[vector<16xi32>, vector<16xi32>], vector<16xf32>,
        %add3A_665 = arith.constant 11 : i32
        %add3A_666 = vector.broadcast %add3A_665 : i32 to vector<16xi32>
        %add3A_667 = arith.addi %shift_left3A_249, %add3A_666 : vector<16xi32>
        %gather3A_668 = arith.constant 0 : i32
        %gather3A_669 = arith.constant 0 : i32
        %gather3A_670 = tpu.memref_slice %arg19[%scan3A_149, %gather3A_668, %gather3A_669] : memref<2x64x128xf32, #tpu.memory_space<vmem>> -> memref<1x64x128xf32, #tpu.memory_space<vmem>>
        %gather3A_671 = tpu.memref_squeeze %gather3A_670 : memref<1x64x128xf32, #tpu.memory_space<vmem>> -> memref<64x128xf32, #tpu.memory_space<vmem>>
        %gather3A_672 = tpu.vector_load_idx %gather3A_671[%add3A_236, %add3A_667] : memref<64x128xf32, #tpu.memory_space<vmem>>[vector<16xi32>, vector<16xi32>], vector<16xf32>,
        %add3A_673 = arith.constant 11 : i32
        %add3A_674 = vector.broadcast %add3A_673 : i32 to vector<16xi32>
        %add3A_675 = arith.addi %shift_left3A_257, %add3A_674 : vector<16xi32>
        %gather3A_676 = arith.constant 0 : i32
        %gather3A_677 = arith.constant 0 : i32
        %gather3A_678 = tpu.memref_slice %arg20[%scan3A_150, %gather3A_676, %gather3A_677] : memref<2x64x128xf32, #tpu.memory_space<vmem>> -> memref<1x64x128xf32, #tpu.memory_space<vmem>>
        %gather3A_679 = tpu.memref_squeeze %gather3A_678 : memref<1x64x128xf32, #tpu.memory_space<vmem>> -> memref<64x128xf32, #tpu.memory_space<vmem>>
        %gather3A_680 = tpu.vector_load_idx %gather3A_679[%add3A_236, %add3A_675] : memref<64x128xf32, #tpu.memory_space<vmem>>[vector<16xi32>, vector<16xi32>], vector<16xf32>,
        %gather3A_681 = tpu.vector_load_idx %arg21[%broadcast_in_dim3A_656, %get3A_259] : memref<32x1000xf32, #tpu.memory_space<vmem>>[vector<16xi32>, vector<16xi32>], vector<16xf32>,
        %gather3A_682 = tpu.vector_load_idx %arg21[%broadcast_in_dim3A_656, %get3A_261] : memref<32x1000xf32, #tpu.memory_space<vmem>>[vector<16xi32>, vector<16xi32>], vector<16xf32>,
        %add3A_683 = arith.addf %gather3A_664, %gather3A_681 : vector<16xf32>
        %sub3A_684 = arith.subf %add3A_683, %gather3A_672 : vector<16xf32>
        %abs3A_685 = math.absf %sub3A_684 : vector<16xf32>
        %add3A_686 = arith.addf %add3A_650, %abs3A_685 : vector<16xf32>
        %add3A_687 = arith.addf %gather3A_680, %gather3A_682 : vector<16xf32>
        %sub3A_688 = arith.subf %add3A_687, %gather3A_672 : vector<16xf32>
        %abs3A_689 = math.absf %sub3A_688 : vector<16xf32>
        %add3A_690 = arith.addf %add3A_654, %abs3A_689 : vector<16xf32>
        %broadcast_in_dim3A_691 = arith.constant 12 : i32
        %broadcast_in_dim3A_692 = vector.broadcast %broadcast_in_dim3A_691 : i32 to vector<16xi32>
        %add3A_693 = arith.constant 12 : i32
        %add3A_694 = vector.broadcast %add3A_693 : i32 to vector<16xi32>
        %add3A_695 = arith.addi %shift_left3A_241, %add3A_694 : vector<16xi32>
        %gather3A_696 = arith.constant 0 : i32
        %gather3A_697 = arith.constant 0 : i32
        %gather3A_698 = tpu.memref_slice %arg18[%scan3A_148, %gather3A_696, %gather3A_697] : memref<2x64x128xf32, #tpu.memory_space<vmem>> -> memref<1x64x128xf32, #tpu.memory_space<vmem>>
        %gather3A_699 = tpu.memref_squeeze %gather3A_698 : memref<1x64x128xf32, #tpu.memory_space<vmem>> -> memref<64x128xf32, #tpu.memory_space<vmem>>
        %gather3A_700 = tpu.vector_load_idx %gather3A_699[%add3A_236, %add3A_695] : memref<64x128xf32, #tpu.memory_space<vmem>>[vector<16xi32>, vector<16xi32>], vector<16xf32>,
        %add3A_701 = arith.constant 12 : i32
        %add3A_702 = vector.broadcast %add3A_701 : i32 to vector<16xi32>
        %add3A_703 = arith.addi %shift_left3A_249, %add3A_702 : vector<16xi32>
        %gather3A_704 = arith.constant 0 : i32
        %gather3A_705 = arith.constant 0 : i32
        %gather3A_706 = tpu.memref_slice %arg19[%scan3A_149, %gather3A_704, %gather3A_705] : memref<2x64x128xf32, #tpu.memory_space<vmem>> -> memref<1x64x128xf32, #tpu.memory_space<vmem>>
        %gather3A_707 = tpu.memref_squeeze %gather3A_706 : memref<1x64x128xf32, #tpu.memory_space<vmem>> -> memref<64x128xf32, #tpu.memory_space<vmem>>
        %gather3A_708 = tpu.vector_load_idx %gather3A_707[%add3A_236, %add3A_703] : memref<64x128xf32, #tpu.memory_space<vmem>>[vector<16xi32>, vector<16xi32>], vector<16xf32>,
        %add3A_709 = arith.constant 12 : i32
        %add3A_710 = vector.broadcast %add3A_709 : i32 to vector<16xi32>
        %add3A_711 = arith.addi %shift_left3A_257, %add3A_710 : vector<16xi32>
        %gather3A_712 = arith.constant 0 : i32
        %gather3A_713 = arith.constant 0 : i32
        %gather3A_714 = tpu.memref_slice %arg20[%scan3A_150, %gather3A_712, %gather3A_713] : memref<2x64x128xf32, #tpu.memory_space<vmem>> -> memref<1x64x128xf32, #tpu.memory_space<vmem>>
        %gather3A_715 = tpu.memref_squeeze %gather3A_714 : memref<1x64x128xf32, #tpu.memory_space<vmem>> -> memref<64x128xf32, #tpu.memory_space<vmem>>
        %gather3A_716 = tpu.vector_load_idx %gather3A_715[%add3A_236, %add3A_711] : memref<64x128xf32, #tpu.memory_space<vmem>>[vector<16xi32>, vector<16xi32>], vector<16xf32>,
        %gather3A_717 = tpu.vector_load_idx %arg21[%broadcast_in_dim3A_692, %get3A_259] : memref<32x1000xf32, #tpu.memory_space<vmem>>[vector<16xi32>, vector<16xi32>], vector<16xf32>,
        %gather3A_718 = tpu.vector_load_idx %arg21[%broadcast_in_dim3A_692, %get3A_261] : memref<32x1000xf32, #tpu.memory_space<vmem>>[vector<16xi32>, vector<16xi32>], vector<16xf32>,
        %add3A_719 = arith.addf %gather3A_700, %gather3A_717 : vector<16xf32>
        %sub3A_720 = arith.subf %add3A_719, %gather3A_708 : vector<16xf32>
        %abs3A_721 = math.absf %sub3A_720 : vector<16xf32>
        %add3A_722 = arith.addf %add3A_686, %abs3A_721 : vector<16xf32>
        %add3A_723 = arith.addf %gather3A_716, %gather3A_718 : vector<16xf32>
        %sub3A_724 = arith.subf %add3A_723, %gather3A_708 : vector<16xf32>
        %abs3A_725 = math.absf %sub3A_724 : vector<16xf32>
        %add3A_726 = arith.addf %add3A_690, %abs3A_725 : vector<16xf32>
        %broadcast_in_dim3A_727 = arith.constant 13 : i32
        %broadcast_in_dim3A_728 = vector.broadcast %broadcast_in_dim3A_727 : i32 to vector<16xi32>
        %add3A_729 = arith.constant 13 : i32
        %add3A_730 = vector.broadcast %add3A_729 : i32 to vector<16xi32>
        %add3A_731 = arith.addi %shift_left3A_241, %add3A_730 : vector<16xi32>
        %gather3A_732 = arith.constant 0 : i32
        %gather3A_733 = arith.constant 0 : i32
        %gather3A_734 = tpu.memref_slice %arg18[%scan3A_148, %gather3A_732, %gather3A_733] : memref<2x64x128xf32, #tpu.memory_space<vmem>> -> memref<1x64x128xf32, #tpu.memory_space<vmem>>
        %gather3A_735 = tpu.memref_squeeze %gather3A_734 : memref<1x64x128xf32, #tpu.memory_space<vmem>> -> memref<64x128xf32, #tpu.memory_space<vmem>>
        %gather3A_736 = tpu.vector_load_idx %gather3A_735[%add3A_236, %add3A_731] : memref<64x128xf32, #tpu.memory_space<vmem>>[vector<16xi32>, vector<16xi32>], vector<16xf32>,
        %add3A_737 = arith.constant 13 : i32
        %add3A_738 = vector.broadcast %add3A_737 : i32 to vector<16xi32>
        %add3A_739 = arith.addi %shift_left3A_249, %add3A_738 : vector<16xi32>
        %gather3A_740 = arith.constant 0 : i32
        %gather3A_741 = arith.constant 0 : i32
        %gather3A_742 = tpu.memref_slice %arg19[%scan3A_149, %gather3A_740, %gather3A_741] : memref<2x64x128xf32, #tpu.memory_space<vmem>> -> memref<1x64x128xf32, #tpu.memory_space<vmem>>
        %gather3A_743 = tpu.memref_squeeze %gather3A_742 : memref<1x64x128xf32, #tpu.memory_space<vmem>> -> memref<64x128xf32, #tpu.memory_space<vmem>>
        %gather3A_744 = tpu.vector_load_idx %gather3A_743[%add3A_236, %add3A_739] : memref<64x128xf32, #tpu.memory_space<vmem>>[vector<16xi32>, vector<16xi32>], vector<16xf32>,
        %add3A_745 = arith.constant 13 : i32
        %add3A_746 = vector.broadcast %add3A_745 : i32 to vector<16xi32>
        %add3A_747 = arith.addi %shift_left3A_257, %add3A_746 : vector<16xi32>
        %gather3A_748 = arith.constant 0 : i32
        %gather3A_749 = arith.constant 0 : i32
        %gather3A_750 = tpu.memref_slice %arg20[%scan3A_150, %gather3A_748, %gather3A_749] : memref<2x64x128xf32, #tpu.memory_space<vmem>> -> memref<1x64x128xf32, #tpu.memory_space<vmem>>
        %gather3A_751 = tpu.memref_squeeze %gather3A_750 : memref<1x64x128xf32, #tpu.memory_space<vmem>> -> memref<64x128xf32, #tpu.memory_space<vmem>>
        %gather3A_752 = tpu.vector_load_idx %gather3A_751[%add3A_236, %add3A_747] : memref<64x128xf32, #tpu.memory_space<vmem>>[vector<16xi32>, vector<16xi32>], vector<16xf32>,
        %gather3A_753 = tpu.vector_load_idx %arg21[%broadcast_in_dim3A_728, %get3A_259] : memref<32x1000xf32, #tpu.memory_space<vmem>>[vector<16xi32>, vector<16xi32>], vector<16xf32>,
        %gather3A_754 = tpu.vector_load_idx %arg21[%broadcast_in_dim3A_728, %get3A_261] : memref<32x1000xf32, #tpu.memory_space<vmem>>[vector<16xi32>, vector<16xi32>], vector<16xf32>,
        %add3A_755 = arith.addf %gather3A_736, %gather3A_753 : vector<16xf32>
        %sub3A_756 = arith.subf %add3A_755, %gather3A_744 : vector<16xf32>
        %abs3A_757 = math.absf %sub3A_756 : vector<16xf32>
        %add3A_758 = arith.addf %add3A_722, %abs3A_757 : vector<16xf32>
        %add3A_759 = arith.addf %gather3A_752, %gather3A_754 : vector<16xf32>
        %sub3A_760 = arith.subf %add3A_759, %gather3A_744 : vector<16xf32>
        %abs3A_761 = math.absf %sub3A_760 : vector<16xf32>
        %add3A_762 = arith.addf %add3A_726, %abs3A_761 : vector<16xf32>
        %broadcast_in_dim3A_763 = arith.constant 14 : i32
        %broadcast_in_dim3A_764 = vector.broadcast %broadcast_in_dim3A_763 : i32 to vector<16xi32>
        %add3A_765 = arith.constant 14 : i32
        %add3A_766 = vector.broadcast %add3A_765 : i32 to vector<16xi32>
        %add3A_767 = arith.addi %shift_left3A_241, %add3A_766 : vector<16xi32>
        %gather3A_768 = arith.constant 0 : i32
        %gather3A_769 = arith.constant 0 : i32
        %gather3A_770 = tpu.memref_slice %arg18[%scan3A_148, %gather3A_768, %gather3A_769] : memref<2x64x128xf32, #tpu.memory_space<vmem>> -> memref<1x64x128xf32, #tpu.memory_space<vmem>>
        %gather3A_771 = tpu.memref_squeeze %gather3A_770 : memref<1x64x128xf32, #tpu.memory_space<vmem>> -> memref<64x128xf32, #tpu.memory_space<vmem>>
        %gather3A_772 = tpu.vector_load_idx %gather3A_771[%add3A_236, %add3A_767] : memref<64x128xf32, #tpu.memory_space<vmem>>[vector<16xi32>, vector<16xi32>], vector<16xf32>,
        %add3A_773 = arith.constant 14 : i32
        %add3A_774 = vector.broadcast %add3A_773 : i32 to vector<16xi32>
        %add3A_775 = arith.addi %shift_left3A_249, %add3A_774 : vector<16xi32>
        %gather3A_776 = arith.constant 0 : i32
        %gather3A_777 = arith.constant 0 : i32
        %gather3A_778 = tpu.memref_slice %arg19[%scan3A_149, %gather3A_776, %gather3A_777] : memref<2x64x128xf32, #tpu.memory_space<vmem>> -> memref<1x64x128xf32, #tpu.memory_space<vmem>>
        %gather3A_779 = tpu.memref_squeeze %gather3A_778 : memref<1x64x128xf32, #tpu.memory_space<vmem>> -> memref<64x128xf32, #tpu.memory_space<vmem>>
        %gather3A_780 = tpu.vector_load_idx %gather3A_779[%add3A_236, %add3A_775] : memref<64x128xf32, #tpu.memory_space<vmem>>[vector<16xi32>, vector<16xi32>], vector<16xf32>,
        %add3A_781 = arith.constant 14 : i32
        %add3A_782 = vector.broadcast %add3A_781 : i32 to vector<16xi32>
        %add3A_783 = arith.addi %shift_left3A_257, %add3A_782 : vector<16xi32>
        %gather3A_784 = arith.constant 0 : i32
        %gather3A_785 = arith.constant 0 : i32
        %gather3A_786 = tpu.memref_slice %arg20[%scan3A_150, %gather3A_784, %gather3A_785] : memref<2x64x128xf32, #tpu.memory_space<vmem>> -> memref<1x64x128xf32, #tpu.memory_space<vmem>>
        %gather3A_787 = tpu.memref_squeeze %gather3A_786 : memref<1x64x128xf32, #tpu.memory_space<vmem>> -> memref<64x128xf32, #tpu.memory_space<vmem>>
        %gather3A_788 = tpu.vector_load_idx %gather3A_787[%add3A_236, %add3A_783] : memref<64x128xf32, #tpu.memory_space<vmem>>[vector<16xi32>, vector<16xi32>], vector<16xf32>,
        %gather3A_789 = tpu.vector_load_idx %arg21[%broadcast_in_dim3A_764, %get3A_259] : memref<32x1000xf32, #tpu.memory_space<vmem>>[vector<16xi32>, vector<16xi32>], vector<16xf32>,
        %gather3A_790 = tpu.vector_load_idx %arg21[%broadcast_in_dim3A_764, %get3A_261] : memref<32x1000xf32, #tpu.memory_space<vmem>>[vector<16xi32>, vector<16xi32>], vector<16xf32>,
        %add3A_791 = arith.addf %gather3A_772, %gather3A_789 : vector<16xf32>
        %sub3A_792 = arith.subf %add3A_791, %gather3A_780 : vector<16xf32>
        %abs3A_793 = math.absf %sub3A_792 : vector<16xf32>
        %add3A_794 = arith.addf %add3A_758, %abs3A_793 : vector<16xf32>
        %add3A_795 = arith.addf %gather3A_788, %gather3A_790 : vector<16xf32>
        %sub3A_796 = arith.subf %add3A_795, %gather3A_780 : vector<16xf32>
        %abs3A_797 = math.absf %sub3A_796 : vector<16xf32>
        %add3A_798 = arith.addf %add3A_762, %abs3A_797 : vector<16xf32>
        %broadcast_in_dim3A_799 = arith.constant 15 : i32
        %broadcast_in_dim3A_800 = vector.broadcast %broadcast_in_dim3A_799 : i32 to vector<16xi32>
        %add3A_801 = arith.constant 15 : i32
        %add3A_802 = vector.broadcast %add3A_801 : i32 to vector<16xi32>
        %add3A_803 = arith.addi %shift_left3A_241, %add3A_802 : vector<16xi32>
        %gather3A_804 = arith.constant 0 : i32
        %gather3A_805 = arith.constant 0 : i32
        %gather3A_806 = tpu.memref_slice %arg18[%scan3A_148, %gather3A_804, %gather3A_805] : memref<2x64x128xf32, #tpu.memory_space<vmem>> -> memref<1x64x128xf32, #tpu.memory_space<vmem>>
        %gather3A_807 = tpu.memref_squeeze %gather3A_806 : memref<1x64x128xf32, #tpu.memory_space<vmem>> -> memref<64x128xf32, #tpu.memory_space<vmem>>
        %gather3A_808 = tpu.vector_load_idx %gather3A_807[%add3A_236, %add3A_803] : memref<64x128xf32, #tpu.memory_space<vmem>>[vector<16xi32>, vector<16xi32>], vector<16xf32>,
        %add3A_809 = arith.constant 15 : i32
        %add3A_810 = vector.broadcast %add3A_809 : i32 to vector<16xi32>
        %add3A_811 = arith.addi %shift_left3A_249, %add3A_810 : vector<16xi32>
        %gather3A_812 = arith.constant 0 : i32
        %gather3A_813 = arith.constant 0 : i32
        %gather3A_814 = tpu.memref_slice %arg19[%scan3A_149, %gather3A_812, %gather3A_813] : memref<2x64x128xf32, #tpu.memory_space<vmem>> -> memref<1x64x128xf32, #tpu.memory_space<vmem>>
        %gather3A_815 = tpu.memref_squeeze %gather3A_814 : memref<1x64x128xf32, #tpu.memory_space<vmem>> -> memref<64x128xf32, #tpu.memory_space<vmem>>
        %gather3A_816 = tpu.vector_load_idx %gather3A_815[%add3A_236, %add3A_811] : memref<64x128xf32, #tpu.memory_space<vmem>>[vector<16xi32>, vector<16xi32>], vector<16xf32>,
        %add3A_817 = arith.constant 15 : i32
        %add3A_818 = vector.broadcast %add3A_817 : i32 to vector<16xi32>
        %add3A_819 = arith.addi %shift_left3A_257, %add3A_818 : vector<16xi32>
        %gather3A_820 = arith.constant 0 : i32
        %gather3A_821 = arith.constant 0 : i32
        %gather3A_822 = tpu.memref_slice %arg20[%scan3A_150, %gather3A_820, %gather3A_821] : memref<2x64x128xf32, #tpu.memory_space<vmem>> -> memref<1x64x128xf32, #tpu.memory_space<vmem>>
        %gather3A_823 = tpu.memref_squeeze %gather3A_822 : memref<1x64x128xf32, #tpu.memory_space<vmem>> -> memref<64x128xf32, #tpu.memory_space<vmem>>
        %gather3A_824 = tpu.vector_load_idx %gather3A_823[%add3A_236, %add3A_819] : memref<64x128xf32, #tpu.memory_space<vmem>>[vector<16xi32>, vector<16xi32>], vector<16xf32>,
        %gather3A_825 = tpu.vector_load_idx %arg21[%broadcast_in_dim3A_800, %get3A_259] : memref<32x1000xf32, #tpu.memory_space<vmem>>[vector<16xi32>, vector<16xi32>], vector<16xf32>,
        %gather3A_826 = tpu.vector_load_idx %arg21[%broadcast_in_dim3A_800, %get3A_261] : memref<32x1000xf32, #tpu.memory_space<vmem>>[vector<16xi32>, vector<16xi32>], vector<16xf32>,
        %add3A_827 = arith.addf %gather3A_808, %gather3A_825 : vector<16xf32>
        %sub3A_828 = arith.subf %add3A_827, %gather3A_816 : vector<16xf32>
        %abs3A_829 = math.absf %sub3A_828 : vector<16xf32>
        %add3A_830 = arith.addf %add3A_794, %abs3A_829 : vector<16xf32>
        %add3A_831 = arith.addf %gather3A_824, %gather3A_826 : vector<16xf32>
        %sub3A_832 = arith.subf %add3A_831, %gather3A_816 : vector<16xf32>
        %abs3A_833 = math.absf %sub3A_832 : vector<16xf32>
        %add3A_834 = arith.addf %add3A_798, %abs3A_833 : vector<16xf32>
        %broadcast_in_dim3A_835 = arith.constant 16 : i32
        %broadcast_in_dim3A_836 = vector.broadcast %broadcast_in_dim3A_835 : i32 to vector<16xi32>
        %add3A_837 = arith.constant 16 : i32
        %add3A_838 = vector.broadcast %add3A_837 : i32 to vector<16xi32>
        %add3A_839 = arith.addi %shift_left3A_241, %add3A_838 : vector<16xi32>
        %gather3A_840 = arith.constant 0 : i32
        %gather3A_841 = arith.constant 0 : i32
        %gather3A_842 = tpu.memref_slice %arg18[%scan3A_148, %gather3A_840, %gather3A_841] : memref<2x64x128xf32, #tpu.memory_space<vmem>> -> memref<1x64x128xf32, #tpu.memory_space<vmem>>
        %gather3A_843 = tpu.memref_squeeze %gather3A_842 : memref<1x64x128xf32, #tpu.memory_space<vmem>> -> memref<64x128xf32, #tpu.memory_space<vmem>>
        %gather3A_844 = tpu.vector_load_idx %gather3A_843[%add3A_236, %add3A_839] : memref<64x128xf32, #tpu.memory_space<vmem>>[vector<16xi32>, vector<16xi32>], vector<16xf32>,
        %add3A_845 = arith.constant 16 : i32
        %add3A_846 = vector.broadcast %add3A_845 : i32 to vector<16xi32>
        %add3A_847 = arith.addi %shift_left3A_249, %add3A_846 : vector<16xi32>
        %gather3A_848 = arith.constant 0 : i32
        %gather3A_849 = arith.constant 0 : i32
        %gather3A_850 = tpu.memref_slice %arg19[%scan3A_149, %gather3A_848, %gather3A_849] : memref<2x64x128xf32, #tpu.memory_space<vmem>> -> memref<1x64x128xf32, #tpu.memory_space<vmem>>
        %gather3A_851 = tpu.memref_squeeze %gather3A_850 : memref<1x64x128xf32, #tpu.memory_space<vmem>> -> memref<64x128xf32, #tpu.memory_space<vmem>>
        %gather3A_852 = tpu.vector_load_idx %gather3A_851[%add3A_236, %add3A_847] : memref<64x128xf32, #tpu.memory_space<vmem>>[vector<16xi32>, vector<16xi32>], vector<16xf32>,
        %add3A_853 = arith.constant 16 : i32
        %add3A_854 = vector.broadcast %add3A_853 : i32 to vector<16xi32>
        %add3A_855 = arith.addi %shift_left3A_257, %add3A_854 : vector<16xi32>
        %gather3A_856 = arith.constant 0 : i32
        %gather3A_857 = arith.constant 0 : i32
        %gather3A_858 = tpu.memref_slice %arg20[%scan3A_150, %gather3A_856, %gather3A_857] : memref<2x64x128xf32, #tpu.memory_space<vmem>> -> memref<1x64x128xf32, #tpu.memory_space<vmem>>
        %gather3A_859 = tpu.memref_squeeze %gather3A_858 : memref<1x64x128xf32, #tpu.memory_space<vmem>> -> memref<64x128xf32, #tpu.memory_space<vmem>>
        %gather3A_860 = tpu.vector_load_idx %gather3A_859[%add3A_236, %add3A_855] : memref<64x128xf32, #tpu.memory_space<vmem>>[vector<16xi32>, vector<16xi32>], vector<16xf32>,
        %gather3A_861 = tpu.vector_load_idx %arg21[%broadcast_in_dim3A_836, %get3A_259] : memref<32x1000xf32, #tpu.memory_space<vmem>>[vector<16xi32>, vector<16xi32>], vector<16xf32>,
        %gather3A_862 = tpu.vector_load_idx %arg21[%broadcast_in_dim3A_836, %get3A_261] : memref<32x1000xf32, #tpu.memory_space<vmem>>[vector<16xi32>, vector<16xi32>], vector<16xf32>,
        %add3A_863 = arith.addf %gather3A_844, %gather3A_861 : vector<16xf32>
        %sub3A_864 = arith.subf %add3A_863, %gather3A_852 : vector<16xf32>
        %abs3A_865 = math.absf %sub3A_864 : vector<16xf32>
        %add3A_866 = arith.addf %add3A_830, %abs3A_865 : vector<16xf32>
        %add3A_867 = arith.addf %gather3A_860, %gather3A_862 : vector<16xf32>
        %sub3A_868 = arith.subf %add3A_867, %gather3A_852 : vector<16xf32>
        %abs3A_869 = math.absf %sub3A_868 : vector<16xf32>
        %add3A_870 = arith.addf %add3A_834, %abs3A_869 : vector<16xf32>
        %broadcast_in_dim3A_871 = arith.constant 17 : i32
        %broadcast_in_dim3A_872 = vector.broadcast %broadcast_in_dim3A_871 : i32 to vector<16xi32>
        %add3A_873 = arith.constant 17 : i32
        %add3A_874 = vector.broadcast %add3A_873 : i32 to vector<16xi32>
        %add3A_875 = arith.addi %shift_left3A_241, %add3A_874 : vector<16xi32>
        %gather3A_876 = arith.constant 0 : i32
        %gather3A_877 = arith.constant 0 : i32
        %gather3A_878 = tpu.memref_slice %arg18[%scan3A_148, %gather3A_876, %gather3A_877] : memref<2x64x128xf32, #tpu.memory_space<vmem>> -> memref<1x64x128xf32, #tpu.memory_space<vmem>>
        %gather3A_879 = tpu.memref_squeeze %gather3A_878 : memref<1x64x128xf32, #tpu.memory_space<vmem>> -> memref<64x128xf32, #tpu.memory_space<vmem>>
        %gather3A_880 = tpu.vector_load_idx %gather3A_879[%add3A_236, %add3A_875] : memref<64x128xf32, #tpu.memory_space<vmem>>[vector<16xi32>, vector<16xi32>], vector<16xf32>,
        %add3A_881 = arith.constant 17 : i32
        %add3A_882 = vector.broadcast %add3A_881 : i32 to vector<16xi32>
        %add3A_883 = arith.addi %shift_left3A_249, %add3A_882 : vector<16xi32>
        %gather3A_884 = arith.constant 0 : i32
        %gather3A_885 = arith.constant 0 : i32
        %gather3A_886 = tpu.memref_slice %arg19[%scan3A_149, %gather3A_884, %gather3A_885] : memref<2x64x128xf32, #tpu.memory_space<vmem>> -> memref<1x64x128xf32, #tpu.memory_space<vmem>>
        %gather3A_887 = tpu.memref_squeeze %gather3A_886 : memref<1x64x128xf32, #tpu.memory_space<vmem>> -> memref<64x128xf32, #tpu.memory_space<vmem>>
        %gather3A_888 = tpu.vector_load_idx %gather3A_887[%add3A_236, %add3A_883] : memref<64x128xf32, #tpu.memory_space<vmem>>[vector<16xi32>, vector<16xi32>], vector<16xf32>,
        %add3A_889 = arith.constant 17 : i32
        %add3A_890 = vector.broadcast %add3A_889 : i32 to vector<16xi32>
        %add3A_891 = arith.addi %shift_left3A_257, %add3A_890 : vector<16xi32>
        %gather3A_892 = arith.constant 0 : i32
        %gather3A_893 = arith.constant 0 : i32
        %gather3A_894 = tpu.memref_slice %arg20[%scan3A_150, %gather3A_892, %gather3A_893] : memref<2x64x128xf32, #tpu.memory_space<vmem>> -> memref<1x64x128xf32, #tpu.memory_space<vmem>>
        %gather3A_895 = tpu.memref_squeeze %gather3A_894 : memref<1x64x128xf32, #tpu.memory_space<vmem>> -> memref<64x128xf32, #tpu.memory_space<vmem>>
        %gather3A_896 = tpu.vector_load_idx %gather3A_895[%add3A_236, %add3A_891] : memref<64x128xf32, #tpu.memory_space<vmem>>[vector<16xi32>, vector<16xi32>], vector<16xf32>,
        %gather3A_897 = tpu.vector_load_idx %arg21[%broadcast_in_dim3A_872, %get3A_259] : memref<32x1000xf32, #tpu.memory_space<vmem>>[vector<16xi32>, vector<16xi32>], vector<16xf32>,
        %gather3A_898 = tpu.vector_load_idx %arg21[%broadcast_in_dim3A_872, %get3A_261] : memref<32x1000xf32, #tpu.memory_space<vmem>>[vector<16xi32>, vector<16xi32>], vector<16xf32>,
        %add3A_899 = arith.addf %gather3A_880, %gather3A_897 : vector<16xf32>
        %sub3A_900 = arith.subf %add3A_899, %gather3A_888 : vector<16xf32>
        %abs3A_901 = math.absf %sub3A_900 : vector<16xf32>
        %add3A_902 = arith.addf %add3A_866, %abs3A_901 : vector<16xf32>
        %add3A_903 = arith.addf %gather3A_896, %gather3A_898 : vector<16xf32>
        %sub3A_904 = arith.subf %add3A_903, %gather3A_888 : vector<16xf32>
        %abs3A_905 = math.absf %sub3A_904 : vector<16xf32>
        %add3A_906 = arith.addf %add3A_870, %abs3A_905 : vector<16xf32>
        %broadcast_in_dim3A_907 = arith.constant 18 : i32
        %broadcast_in_dim3A_908 = vector.broadcast %broadcast_in_dim3A_907 : i32 to vector<16xi32>
        %add3A_909 = arith.constant 18 : i32
        %add3A_910 = vector.broadcast %add3A_909 : i32 to vector<16xi32>
        %add3A_911 = arith.addi %shift_left3A_241, %add3A_910 : vector<16xi32>
        %gather3A_912 = arith.constant 0 : i32
        %gather3A_913 = arith.constant 0 : i32
        %gather3A_914 = tpu.memref_slice %arg18[%scan3A_148, %gather3A_912, %gather3A_913] : memref<2x64x128xf32, #tpu.memory_space<vmem>> -> memref<1x64x128xf32, #tpu.memory_space<vmem>>
        %gather3A_915 = tpu.memref_squeeze %gather3A_914 : memref<1x64x128xf32, #tpu.memory_space<vmem>> -> memref<64x128xf32, #tpu.memory_space<vmem>>
        %gather3A_916 = tpu.vector_load_idx %gather3A_915[%add3A_236, %add3A_911] : memref<64x128xf32, #tpu.memory_space<vmem>>[vector<16xi32>, vector<16xi32>], vector<16xf32>,
        %add3A_917 = arith.constant 18 : i32
        %add3A_918 = vector.broadcast %add3A_917 : i32 to vector<16xi32>
        %add3A_919 = arith.addi %shift_left3A_249, %add3A_918 : vector<16xi32>
        %gather3A_920 = arith.constant 0 : i32
        %gather3A_921 = arith.constant 0 : i32
        %gather3A_922 = tpu.memref_slice %arg19[%scan3A_149, %gather3A_920, %gather3A_921] : memref<2x64x128xf32, #tpu.memory_space<vmem>> -> memref<1x64x128xf32, #tpu.memory_space<vmem>>
        %gather3A_923 = tpu.memref_squeeze %gather3A_922 : memref<1x64x128xf32, #tpu.memory_space<vmem>> -> memref<64x128xf32, #tpu.memory_space<vmem>>
        %gather3A_924 = tpu.vector_load_idx %gather3A_923[%add3A_236, %add3A_919] : memref<64x128xf32, #tpu.memory_space<vmem>>[vector<16xi32>, vector<16xi32>], vector<16xf32>,
        %add3A_925 = arith.constant 18 : i32
        %add3A_926 = vector.broadcast %add3A_925 : i32 to vector<16xi32>
        %add3A_927 = arith.addi %shift_left3A_257, %add3A_926 : vector<16xi32>
        %gather3A_928 = arith.constant 0 : i32
        %gather3A_929 = arith.constant 0 : i32
        %gather3A_930 = tpu.memref_slice %arg20[%scan3A_150, %gather3A_928, %gather3A_929] : memref<2x64x128xf32, #tpu.memory_space<vmem>> -> memref<1x64x128xf32, #tpu.memory_space<vmem>>
        %gather3A_931 = tpu.memref_squeeze %gather3A_930 : memref<1x64x128xf32, #tpu.memory_space<vmem>> -> memref<64x128xf32, #tpu.memory_space<vmem>>
        %gather3A_932 = tpu.vector_load_idx %gather3A_931[%add3A_236, %add3A_927] : memref<64x128xf32, #tpu.memory_space<vmem>>[vector<16xi32>, vector<16xi32>], vector<16xf32>,
        %gather3A_933 = tpu.vector_load_idx %arg21[%broadcast_in_dim3A_908, %get3A_259] : memref<32x1000xf32, #tpu.memory_space<vmem>>[vector<16xi32>, vector<16xi32>], vector<16xf32>,
        %gather3A_934 = tpu.vector_load_idx %arg21[%broadcast_in_dim3A_908, %get3A_261] : memref<32x1000xf32, #tpu.memory_space<vmem>>[vector<16xi32>, vector<16xi32>], vector<16xf32>,
        %add3A_935 = arith.addf %gather3A_916, %gather3A_933 : vector<16xf32>
        %sub3A_936 = arith.subf %add3A_935, %gather3A_924 : vector<16xf32>
        %abs3A_937 = math.absf %sub3A_936 : vector<16xf32>
        %add3A_938 = arith.addf %add3A_902, %abs3A_937 : vector<16xf32>
        %add3A_939 = arith.addf %gather3A_932, %gather3A_934 : vector<16xf32>
        %sub3A_940 = arith.subf %add3A_939, %gather3A_924 : vector<16xf32>
        %abs3A_941 = math.absf %sub3A_940 : vector<16xf32>
        %add3A_942 = arith.addf %add3A_906, %abs3A_941 : vector<16xf32>
        %broadcast_in_dim3A_943 = arith.constant 19 : i32
        %broadcast_in_dim3A_944 = vector.broadcast %broadcast_in_dim3A_943 : i32 to vector<16xi32>
        %add3A_945 = arith.constant 19 : i32
        %add3A_946 = vector.broadcast %add3A_945 : i32 to vector<16xi32>
        %add3A_947 = arith.addi %shift_left3A_241, %add3A_946 : vector<16xi32>
        %gather3A_948 = arith.constant 0 : i32
        %gather3A_949 = arith.constant 0 : i32
        %gather3A_950 = tpu.memref_slice %arg18[%scan3A_148, %gather3A_948, %gather3A_949] : memref<2x64x128xf32, #tpu.memory_space<vmem>> -> memref<1x64x128xf32, #tpu.memory_space<vmem>>
        %gather3A_951 = tpu.memref_squeeze %gather3A_950 : memref<1x64x128xf32, #tpu.memory_space<vmem>> -> memref<64x128xf32, #tpu.memory_space<vmem>>
        %gather3A_952 = tpu.vector_load_idx %gather3A_951[%add3A_236, %add3A_947] : memref<64x128xf32, #tpu.memory_space<vmem>>[vector<16xi32>, vector<16xi32>], vector<16xf32>,
        %add3A_953 = arith.constant 19 : i32
        %add3A_954 = vector.broadcast %add3A_953 : i32 to vector<16xi32>
        %add3A_955 = arith.addi %shift_left3A_249, %add3A_954 : vector<16xi32>
        %gather3A_956 = arith.constant 0 : i32
        %gather3A_957 = arith.constant 0 : i32
        %gather3A_958 = tpu.memref_slice %arg19[%scan3A_149, %gather3A_956, %gather3A_957] : memref<2x64x128xf32, #tpu.memory_space<vmem>> -> memref<1x64x128xf32, #tpu.memory_space<vmem>>
        %gather3A_959 = tpu.memref_squeeze %gather3A_958 : memref<1x64x128xf32, #tpu.memory_space<vmem>> -> memref<64x128xf32, #tpu.memory_space<vmem>>
        %gather3A_960 = tpu.vector_load_idx %gather3A_959[%add3A_236, %add3A_955] : memref<64x128xf32, #tpu.memory_space<vmem>>[vector<16xi32>, vector<16xi32>], vector<16xf32>,
        %add3A_961 = arith.constant 19 : i32
        %add3A_962 = vector.broadcast %add3A_961 : i32 to vector<16xi32>
        %add3A_963 = arith.addi %shift_left3A_257, %add3A_962 : vector<16xi32>
        %gather3A_964 = arith.constant 0 : i32
        %gather3A_965 = arith.constant 0 : i32
        %gather3A_966 = tpu.memref_slice %arg20[%scan3A_150, %gather3A_964, %gather3A_965] : memref<2x64x128xf32, #tpu.memory_space<vmem>> -> memref<1x64x128xf32, #tpu.memory_space<vmem>>
        %gather3A_967 = tpu.memref_squeeze %gather3A_966 : memref<1x64x128xf32, #tpu.memory_space<vmem>> -> memref<64x128xf32, #tpu.memory_space<vmem>>
        %gather3A_968 = tpu.vector_load_idx %gather3A_967[%add3A_236, %add3A_963] : memref<64x128xf32, #tpu.memory_space<vmem>>[vector<16xi32>, vector<16xi32>], vector<16xf32>,
        %gather3A_969 = tpu.vector_load_idx %arg21[%broadcast_in_dim3A_944, %get3A_259] : memref<32x1000xf32, #tpu.memory_space<vmem>>[vector<16xi32>, vector<16xi32>], vector<16xf32>,
        %gather3A_970 = tpu.vector_load_idx %arg21[%broadcast_in_dim3A_944, %get3A_261] : memref<32x1000xf32, #tpu.memory_space<vmem>>[vector<16xi32>, vector<16xi32>], vector<16xf32>,
        %add3A_971 = arith.addf %gather3A_952, %gather3A_969 : vector<16xf32>
        %sub3A_972 = arith.subf %add3A_971, %gather3A_960 : vector<16xf32>
        %abs3A_973 = math.absf %sub3A_972 : vector<16xf32>
        %add3A_974 = arith.addf %add3A_938, %abs3A_973 : vector<16xf32>
        %add3A_975 = arith.addf %gather3A_968, %gather3A_970 : vector<16xf32>
        %sub3A_976 = arith.subf %add3A_975, %gather3A_960 : vector<16xf32>
        %abs3A_977 = math.absf %sub3A_976 : vector<16xf32>
        %add3A_978 = arith.addf %add3A_942, %abs3A_977 : vector<16xf32>
        %broadcast_in_dim3A_979 = arith.constant 20 : i32
        %broadcast_in_dim3A_980 = vector.broadcast %broadcast_in_dim3A_979 : i32 to vector<16xi32>
        %add3A_981 = arith.constant 20 : i32
        %add3A_982 = vector.broadcast %add3A_981 : i32 to vector<16xi32>
        %add3A_983 = arith.addi %shift_left3A_241, %add3A_982 : vector<16xi32>
        %gather3A_984 = arith.constant 0 : i32
        %gather3A_985 = arith.constant 0 : i32
        %gather3A_986 = tpu.memref_slice %arg18[%scan3A_148, %gather3A_984, %gather3A_985] : memref<2x64x128xf32, #tpu.memory_space<vmem>> -> memref<1x64x128xf32, #tpu.memory_space<vmem>>
        %gather3A_987 = tpu.memref_squeeze %gather3A_986 : memref<1x64x128xf32, #tpu.memory_space<vmem>> -> memref<64x128xf32, #tpu.memory_space<vmem>>
        %gather3A_988 = tpu.vector_load_idx %gather3A_987[%add3A_236, %add3A_983] : memref<64x128xf32, #tpu.memory_space<vmem>>[vector<16xi32>, vector<16xi32>], vector<16xf32>,
        %add3A_989 = arith.constant 20 : i32
        %add3A_990 = vector.broadcast %add3A_989 : i32 to vector<16xi32>
        %add3A_991 = arith.addi %shift_left3A_249, %add3A_990 : vector<16xi32>
        %gather3A_992 = arith.constant 0 : i32
        %gather3A_993 = arith.constant 0 : i32
        %gather3A_994 = tpu.memref_slice %arg19[%scan3A_149, %gather3A_992, %gather3A_993] : memref<2x64x128xf32, #tpu.memory_space<vmem>> -> memref<1x64x128xf32, #tpu.memory_space<vmem>>
        %gather3A_995 = tpu.memref_squeeze %gather3A_994 : memref<1x64x128xf32, #tpu.memory_space<vmem>> -> memref<64x128xf32, #tpu.memory_space<vmem>>
        %gather3A_996 = tpu.vector_load_idx %gather3A_995[%add3A_236, %add3A_991] : memref<64x128xf32, #tpu.memory_space<vmem>>[vector<16xi32>, vector<16xi32>], vector<16xf32>,
        %add3A_997 = arith.constant 20 : i32
        %add3A_998 = vector.broadcast %add3A_997 : i32 to vector<16xi32>
        %add3A_999 = arith.addi %shift_left3A_257, %add3A_998 : vector<16xi32>
        %gather3A_1000 = arith.constant 0 : i32
        %gather3A_1001 = arith.constant 0 : i32
        %gather3A_1002 = tpu.memref_slice %arg20[%scan3A_150, %gather3A_1000, %gather3A_1001] : memref<2x64x128xf32, #tpu.memory_space<vmem>> -> memref<1x64x128xf32, #tpu.memory_space<vmem>>
        %gather3A_1003 = tpu.memref_squeeze %gather3A_1002 : memref<1x64x128xf32, #tpu.memory_space<vmem>> -> memref<64x128xf32, #tpu.memory_space<vmem>>
        %gather3A_1004 = tpu.vector_load_idx %gather3A_1003[%add3A_236, %add3A_999] : memref<64x128xf32, #tpu.memory_space<vmem>>[vector<16xi32>, vector<16xi32>], vector<16xf32>,
        %gather3A_1005 = tpu.vector_load_idx %arg21[%broadcast_in_dim3A_980, %get3A_259] : memref<32x1000xf32, #tpu.memory_space<vmem>>[vector<16xi32>, vector<16xi32>], vector<16xf32>,
        %gather3A_1006 = tpu.vector_load_idx %arg21[%broadcast_in_dim3A_980, %get3A_261] : memref<32x1000xf32, #tpu.memory_space<vmem>>[vector<16xi32>, vector<16xi32>], vector<16xf32>,
        %add3A_1007 = arith.addf %gather3A_988, %gather3A_1005 : vector<16xf32>
        %sub3A_1008 = arith.subf %add3A_1007, %gather3A_996 : vector<16xf32>
        %abs3A_1009 = math.absf %sub3A_1008 : vector<16xf32>
        %add3A_1010 = arith.addf %add3A_974, %abs3A_1009 : vector<16xf32>
        %add3A_1011 = arith.addf %gather3A_1004, %gather3A_1006 : vector<16xf32>
        %sub3A_1012 = arith.subf %add3A_1011, %gather3A_996 : vector<16xf32>
        %abs3A_1013 = math.absf %sub3A_1012 : vector<16xf32>
        %add3A_1014 = arith.addf %add3A_978, %abs3A_1013 : vector<16xf32>
        %broadcast_in_dim3A_1015 = arith.constant 21 : i32
        %broadcast_in_dim3A_1016 = vector.broadcast %broadcast_in_dim3A_1015 : i32 to vector<16xi32>
        %add3A_1017 = arith.constant 21 : i32
        %add3A_1018 = vector.broadcast %add3A_1017 : i32 to vector<16xi32>
        %add3A_1019 = arith.addi %shift_left3A_241, %add3A_1018 : vector<16xi32>
        %gather3A_1020 = arith.constant 0 : i32
        %gather3A_1021 = arith.constant 0 : i32
        %gather3A_1022 = tpu.memref_slice %arg18[%scan3A_148, %gather3A_1020, %gather3A_1021] : memref<2x64x128xf32, #tpu.memory_space<vmem>> -> memref<1x64x128xf32, #tpu.memory_space<vmem>>
        %gather3A_1023 = tpu.memref_squeeze %gather3A_1022 : memref<1x64x128xf32, #tpu.memory_space<vmem>> -> memref<64x128xf32, #tpu.memory_space<vmem>>
        %gather3A_1024 = tpu.vector_load_idx %gather3A_1023[%add3A_236, %add3A_1019] : memref<64x128xf32, #tpu.memory_space<vmem>>[vector<16xi32>, vector<16xi32>], vector<16xf32>,
        %add3A_1025 = arith.constant 21 : i32
        %add3A_1026 = vector.broadcast %add3A_1025 : i32 to vector<16xi32>
        %add3A_1027 = arith.addi %shift_left3A_249, %add3A_1026 : vector<16xi32>
        %gather3A_1028 = arith.constant 0 : i32
        %gather3A_1029 = arith.constant 0 : i32
        %gather3A_1030 = tpu.memref_slice %arg19[%scan3A_149, %gather3A_1028, %gather3A_1029] : memref<2x64x128xf32, #tpu.memory_space<vmem>> -> memref<1x64x128xf32, #tpu.memory_space<vmem>>
        %gather3A_1031 = tpu.memref_squeeze %gather3A_1030 : memref<1x64x128xf32, #tpu.memory_space<vmem>> -> memref<64x128xf32, #tpu.memory_space<vmem>>
        %gather3A_1032 = tpu.vector_load_idx %gather3A_1031[%add3A_236, %add3A_1027] : memref<64x128xf32, #tpu.memory_space<vmem>>[vector<16xi32>, vector<16xi32>], vector<16xf32>,
        %add3A_1033 = arith.constant 21 : i32
        %add3A_1034 = vector.broadcast %add3A_1033 : i32 to vector<16xi32>
        %add3A_1035 = arith.addi %shift_left3A_257, %add3A_1034 : vector<16xi32>
        %gather3A_1036 = arith.constant 0 : i32
        %gather3A_1037 = arith.constant 0 : i32
        %gather3A_1038 = tpu.memref_slice %arg20[%scan3A_150, %gather3A_1036, %gather3A_1037] : memref<2x64x128xf32, #tpu.memory_space<vmem>> -> memref<1x64x128xf32, #tpu.memory_space<vmem>>
        %gather3A_1039 = tpu.memref_squeeze %gather3A_1038 : memref<1x64x128xf32, #tpu.memory_space<vmem>> -> memref<64x128xf32, #tpu.memory_space<vmem>>
        %gather3A_1040 = tpu.vector_load_idx %gather3A_1039[%add3A_236, %add3A_1035] : memref<64x128xf32, #tpu.memory_space<vmem>>[vector<16xi32>, vector<16xi32>], vector<16xf32>,
        %gather3A_1041 = tpu.vector_load_idx %arg21[%broadcast_in_dim3A_1016, %get3A_259] : memref<32x1000xf32, #tpu.memory_space<vmem>>[vector<16xi32>, vector<16xi32>], vector<16xf32>,
        %gather3A_1042 = tpu.vector_load_idx %arg21[%broadcast_in_dim3A_1016, %get3A_261] : memref<32x1000xf32, #tpu.memory_space<vmem>>[vector<16xi32>, vector<16xi32>], vector<16xf32>,
        %add3A_1043 = arith.addf %gather3A_1024, %gather3A_1041 : vector<16xf32>
        %sub3A_1044 = arith.subf %add3A_1043, %gather3A_1032 : vector<16xf32>
        %abs3A_1045 = math.absf %sub3A_1044 : vector<16xf32>
        %add3A_1046 = arith.addf %add3A_1010, %abs3A_1045 : vector<16xf32>
        %add3A_1047 = arith.addf %gather3A_1040, %gather3A_1042 : vector<16xf32>
        %sub3A_1048 = arith.subf %add3A_1047, %gather3A_1032 : vector<16xf32>
        %abs3A_1049 = math.absf %sub3A_1048 : vector<16xf32>
        %add3A_1050 = arith.addf %add3A_1014, %abs3A_1049 : vector<16xf32>
        %broadcast_in_dim3A_1051 = arith.constant 22 : i32
        %broadcast_in_dim3A_1052 = vector.broadcast %broadcast_in_dim3A_1051 : i32 to vector<16xi32>
        %add3A_1053 = arith.constant 22 : i32
        %add3A_1054 = vector.broadcast %add3A_1053 : i32 to vector<16xi32>
        %add3A_1055 = arith.addi %shift_left3A_241, %add3A_1054 : vector<16xi32>
        %gather3A_1056 = arith.constant 0 : i32
        %gather3A_1057 = arith.constant 0 : i32
        %gather3A_1058 = tpu.memref_slice %arg18[%scan3A_148, %gather3A_1056, %gather3A_1057] : memref<2x64x128xf32, #tpu.memory_space<vmem>> -> memref<1x64x128xf32, #tpu.memory_space<vmem>>
        %gather3A_1059 = tpu.memref_squeeze %gather3A_1058 : memref<1x64x128xf32, #tpu.memory_space<vmem>> -> memref<64x128xf32, #tpu.memory_space<vmem>>
        %gather3A_1060 = tpu.vector_load_idx %gather3A_1059[%add3A_236, %add3A_1055] : memref<64x128xf32, #tpu.memory_space<vmem>>[vector<16xi32>, vector<16xi32>], vector<16xf32>,
        %add3A_1061 = arith.constant 22 : i32
        %add3A_1062 = vector.broadcast %add3A_1061 : i32 to vector<16xi32>
        %add3A_1063 = arith.addi %shift_left3A_249, %add3A_1062 : vector<16xi32>
        %gather3A_1064 = arith.constant 0 : i32
        %gather3A_1065 = arith.constant 0 : i32
        %gather3A_1066 = tpu.memref_slice %arg19[%scan3A_149, %gather3A_1064, %gather3A_1065] : memref<2x64x128xf32, #tpu.memory_space<vmem>> -> memref<1x64x128xf32, #tpu.memory_space<vmem>>
        %gather3A_1067 = tpu.memref_squeeze %gather3A_1066 : memref<1x64x128xf32, #tpu.memory_space<vmem>> -> memref<64x128xf32, #tpu.memory_space<vmem>>
        %gather3A_1068 = tpu.vector_load_idx %gather3A_1067[%add3A_236, %add3A_1063] : memref<64x128xf32, #tpu.memory_space<vmem>>[vector<16xi32>, vector<16xi32>], vector<16xf32>,
        %add3A_1069 = arith.constant 22 : i32
        %add3A_1070 = vector.broadcast %add3A_1069 : i32 to vector<16xi32>
        %add3A_1071 = arith.addi %shift_left3A_257, %add3A_1070 : vector<16xi32>
        %gather3A_1072 = arith.constant 0 : i32
        %gather3A_1073 = arith.constant 0 : i32
        %gather3A_1074 = tpu.memref_slice %arg20[%scan3A_150, %gather3A_1072, %gather3A_1073] : memref<2x64x128xf32, #tpu.memory_space<vmem>> -> memref<1x64x128xf32, #tpu.memory_space<vmem>>
        %gather3A_1075 = tpu.memref_squeeze %gather3A_1074 : memref<1x64x128xf32, #tpu.memory_space<vmem>> -> memref<64x128xf32, #tpu.memory_space<vmem>>
        %gather3A_1076 = tpu.vector_load_idx %gather3A_1075[%add3A_236, %add3A_1071] : memref<64x128xf32, #tpu.memory_space<vmem>>[vector<16xi32>, vector<16xi32>], vector<16xf32>,
        %gather3A_1077 = tpu.vector_load_idx %arg21[%broadcast_in_dim3A_1052, %get3A_259] : memref<32x1000xf32, #tpu.memory_space<vmem>>[vector<16xi32>, vector<16xi32>], vector<16xf32>,
        %gather3A_1078 = tpu.vector_load_idx %arg21[%broadcast_in_dim3A_1052, %get3A_261] : memref<32x1000xf32, #tpu.memory_space<vmem>>[vector<16xi32>, vector<16xi32>], vector<16xf32>,
        %add3A_1079 = arith.addf %gather3A_1060, %gather3A_1077 : vector<16xf32>
        %sub3A_1080 = arith.subf %add3A_1079, %gather3A_1068 : vector<16xf32>
        %abs3A_1081 = math.absf %sub3A_1080 : vector<16xf32>
        %add3A_1082 = arith.addf %add3A_1046, %abs3A_1081 : vector<16xf32>
        %add3A_1083 = arith.addf %gather3A_1076, %gather3A_1078 : vector<16xf32>
        %sub3A_1084 = arith.subf %add3A_1083, %gather3A_1068 : vector<16xf32>
        %abs3A_1085 = math.absf %sub3A_1084 : vector<16xf32>
        %add3A_1086 = arith.addf %add3A_1050, %abs3A_1085 : vector<16xf32>
        %broadcast_in_dim3A_1087 = arith.constant 23 : i32
        %broadcast_in_dim3A_1088 = vector.broadcast %broadcast_in_dim3A_1087 : i32 to vector<16xi32>
        %add3A_1089 = arith.constant 23 : i32
        %add3A_1090 = vector.broadcast %add3A_1089 : i32 to vector<16xi32>
        %add3A_1091 = arith.addi %shift_left3A_241, %add3A_1090 : vector<16xi32>
        %gather3A_1092 = arith.constant 0 : i32
        %gather3A_1093 = arith.constant 0 : i32
        %gather3A_1094 = tpu.memref_slice %arg18[%scan3A_148, %gather3A_1092, %gather3A_1093] : memref<2x64x128xf32, #tpu.memory_space<vmem>> -> memref<1x64x128xf32, #tpu.memory_space<vmem>>
        %gather3A_1095 = tpu.memref_squeeze %gather3A_1094 : memref<1x64x128xf32, #tpu.memory_space<vmem>> -> memref<64x128xf32, #tpu.memory_space<vmem>>
        %gather3A_1096 = tpu.vector_load_idx %gather3A_1095[%add3A_236, %add3A_1091] : memref<64x128xf32, #tpu.memory_space<vmem>>[vector<16xi32>, vector<16xi32>], vector<16xf32>,
        %add3A_1097 = arith.constant 23 : i32
        %add3A_1098 = vector.broadcast %add3A_1097 : i32 to vector<16xi32>
        %add3A_1099 = arith.addi %shift_left3A_249, %add3A_1098 : vector<16xi32>
        %gather3A_1100 = arith.constant 0 : i32
        %gather3A_1101 = arith.constant 0 : i32
        %gather3A_1102 = tpu.memref_slice %arg19[%scan3A_149, %gather3A_1100, %gather3A_1101] : memref<2x64x128xf32, #tpu.memory_space<vmem>> -> memref<1x64x128xf32, #tpu.memory_space<vmem>>
        %gather3A_1103 = tpu.memref_squeeze %gather3A_1102 : memref<1x64x128xf32, #tpu.memory_space<vmem>> -> memref<64x128xf32, #tpu.memory_space<vmem>>
        %gather3A_1104 = tpu.vector_load_idx %gather3A_1103[%add3A_236, %add3A_1099] : memref<64x128xf32, #tpu.memory_space<vmem>>[vector<16xi32>, vector<16xi32>], vector<16xf32>,
        %add3A_1105 = arith.constant 23 : i32
        %add3A_1106 = vector.broadcast %add3A_1105 : i32 to vector<16xi32>
        %add3A_1107 = arith.addi %shift_left3A_257, %add3A_1106 : vector<16xi32>
        %gather3A_1108 = arith.constant 0 : i32
        %gather3A_1109 = arith.constant 0 : i32
        %gather3A_1110 = tpu.memref_slice %arg20[%scan3A_150, %gather3A_1108, %gather3A_1109] : memref<2x64x128xf32, #tpu.memory_space<vmem>> -> memref<1x64x128xf32, #tpu.memory_space<vmem>>
        %gather3A_1111 = tpu.memref_squeeze %gather3A_1110 : memref<1x64x128xf32, #tpu.memory_space<vmem>> -> memref<64x128xf32, #tpu.memory_space<vmem>>
        %gather3A_1112 = tpu.vector_load_idx %gather3A_1111[%add3A_236, %add3A_1107] : memref<64x128xf32, #tpu.memory_space<vmem>>[vector<16xi32>, vector<16xi32>], vector<16xf32>,
        %gather3A_1113 = tpu.vector_load_idx %arg21[%broadcast_in_dim3A_1088, %get3A_259] : memref<32x1000xf32, #tpu.memory_space<vmem>>[vector<16xi32>, vector<16xi32>], vector<16xf32>,
        %gather3A_1114 = tpu.vector_load_idx %arg21[%broadcast_in_dim3A_1088, %get3A_261] : memref<32x1000xf32, #tpu.memory_space<vmem>>[vector<16xi32>, vector<16xi32>], vector<16xf32>,
        %add3A_1115 = arith.addf %gather3A_1096, %gather3A_1113 : vector<16xf32>
        %sub3A_1116 = arith.subf %add3A_1115, %gather3A_1104 : vector<16xf32>
        %abs3A_1117 = math.absf %sub3A_1116 : vector<16xf32>
        %add3A_1118 = arith.addf %add3A_1082, %abs3A_1117 : vector<16xf32>
        %add3A_1119 = arith.addf %gather3A_1112, %gather3A_1114 : vector<16xf32>
        %sub3A_1120 = arith.subf %add3A_1119, %gather3A_1104 : vector<16xf32>
        %abs3A_1121 = math.absf %sub3A_1120 : vector<16xf32>
        %add3A_1122 = arith.addf %add3A_1086, %abs3A_1121 : vector<16xf32>
        %broadcast_in_dim3A_1123 = arith.constant 24 : i32
        %broadcast_in_dim3A_1124 = vector.broadcast %broadcast_in_dim3A_1123 : i32 to vector<16xi32>
        %add3A_1125 = arith.constant 24 : i32
        %add3A_1126 = vector.broadcast %add3A_1125 : i32 to vector<16xi32>
        %add3A_1127 = arith.addi %shift_left3A_241, %add3A_1126 : vector<16xi32>
        %gather3A_1128 = arith.constant 0 : i32
        %gather3A_1129 = arith.constant 0 : i32
        %gather3A_1130 = tpu.memref_slice %arg18[%scan3A_148, %gather3A_1128, %gather3A_1129] : memref<2x64x128xf32, #tpu.memory_space<vmem>> -> memref<1x64x128xf32, #tpu.memory_space<vmem>>
        %gather3A_1131 = tpu.memref_squeeze %gather3A_1130 : memref<1x64x128xf32, #tpu.memory_space<vmem>> -> memref<64x128xf32, #tpu.memory_space<vmem>>
        %gather3A_1132 = tpu.vector_load_idx %gather3A_1131[%add3A_236, %add3A_1127] : memref<64x128xf32, #tpu.memory_space<vmem>>[vector<16xi32>, vector<16xi32>], vector<16xf32>,
        %add3A_1133 = arith.constant 24 : i32
        %add3A_1134 = vector.broadcast %add3A_1133 : i32 to vector<16xi32>
        %add3A_1135 = arith.addi %shift_left3A_249, %add3A_1134 : vector<16xi32>
        %gather3A_1136 = arith.constant 0 : i32
        %gather3A_1137 = arith.constant 0 : i32
        %gather3A_1138 = tpu.memref_slice %arg19[%scan3A_149, %gather3A_1136, %gather3A_1137] : memref<2x64x128xf32, #tpu.memory_space<vmem>> -> memref<1x64x128xf32, #tpu.memory_space<vmem>>
        %gather3A_1139 = tpu.memref_squeeze %gather3A_1138 : memref<1x64x128xf32, #tpu.memory_space<vmem>> -> memref<64x128xf32, #tpu.memory_space<vmem>>
        %gather3A_1140 = tpu.vector_load_idx %gather3A_1139[%add3A_236, %add3A_1135] : memref<64x128xf32, #tpu.memory_space<vmem>>[vector<16xi32>, vector<16xi32>], vector<16xf32>,
        %add3A_1141 = arith.constant 24 : i32
        %add3A_1142 = vector.broadcast %add3A_1141 : i32 to vector<16xi32>
        %add3A_1143 = arith.addi %shift_left3A_257, %add3A_1142 : vector<16xi32>
        %gather3A_1144 = arith.constant 0 : i32
        %gather3A_1145 = arith.constant 0 : i32
        %gather3A_1146 = tpu.memref_slice %arg20[%scan3A_150, %gather3A_1144, %gather3A_1145] : memref<2x64x128xf32, #tpu.memory_space<vmem>> -> memref<1x64x128xf32, #tpu.memory_space<vmem>>
        %gather3A_1147 = tpu.memref_squeeze %gather3A_1146 : memref<1x64x128xf32, #tpu.memory_space<vmem>> -> memref<64x128xf32, #tpu.memory_space<vmem>>
        %gather3A_1148 = tpu.vector_load_idx %gather3A_1147[%add3A_236, %add3A_1143] : memref<64x128xf32, #tpu.memory_space<vmem>>[vector<16xi32>, vector<16xi32>], vector<16xf32>,
        %gather3A_1149 = tpu.vector_load_idx %arg21[%broadcast_in_dim3A_1124, %get3A_259] : memref<32x1000xf32, #tpu.memory_space<vmem>>[vector<16xi32>, vector<16xi32>], vector<16xf32>,
        %gather3A_1150 = tpu.vector_load_idx %arg21[%broadcast_in_dim3A_1124, %get3A_261] : memref<32x1000xf32, #tpu.memory_space<vmem>>[vector<16xi32>, vector<16xi32>], vector<16xf32>,
        %add3A_1151 = arith.addf %gather3A_1132, %gather3A_1149 : vector<16xf32>
        %sub3A_1152 = arith.subf %add3A_1151, %gather3A_1140 : vector<16xf32>
        %abs3A_1153 = math.absf %sub3A_1152 : vector<16xf32>
        %add3A_1154 = arith.addf %add3A_1118, %abs3A_1153 : vector<16xf32>
        %add3A_1155 = arith.addf %gather3A_1148, %gather3A_1150 : vector<16xf32>
        %sub3A_1156 = arith.subf %add3A_1155, %gather3A_1140 : vector<16xf32>
        %abs3A_1157 = math.absf %sub3A_1156 : vector<16xf32>
        %add3A_1158 = arith.addf %add3A_1122, %abs3A_1157 : vector<16xf32>
        %broadcast_in_dim3A_1159 = arith.constant 25 : i32
        %broadcast_in_dim3A_1160 = vector.broadcast %broadcast_in_dim3A_1159 : i32 to vector<16xi32>
        %add3A_1161 = arith.constant 25 : i32
        %add3A_1162 = vector.broadcast %add3A_1161 : i32 to vector<16xi32>
        %add3A_1163 = arith.addi %shift_left3A_241, %add3A_1162 : vector<16xi32>
        %gather3A_1164 = arith.constant 0 : i32
        %gather3A_1165 = arith.constant 0 : i32
        %gather3A_1166 = tpu.memref_slice %arg18[%scan3A_148, %gather3A_1164, %gather3A_1165] : memref<2x64x128xf32, #tpu.memory_space<vmem>> -> memref<1x64x128xf32, #tpu.memory_space<vmem>>
        %gather3A_1167 = tpu.memref_squeeze %gather3A_1166 : memref<1x64x128xf32, #tpu.memory_space<vmem>> -> memref<64x128xf32, #tpu.memory_space<vmem>>
        %gather3A_1168 = tpu.vector_load_idx %gather3A_1167[%add3A_236, %add3A_1163] : memref<64x128xf32, #tpu.memory_space<vmem>>[vector<16xi32>, vector<16xi32>], vector<16xf32>,
        %add3A_1169 = arith.constant 25 : i32
        %add3A_1170 = vector.broadcast %add3A_1169 : i32 to vector<16xi32>
        %add3A_1171 = arith.addi %shift_left3A_249, %add3A_1170 : vector<16xi32>
        %gather3A_1172 = arith.constant 0 : i32
        %gather3A_1173 = arith.constant 0 : i32
        %gather3A_1174 = tpu.memref_slice %arg19[%scan3A_149, %gather3A_1172, %gather3A_1173] : memref<2x64x128xf32, #tpu.memory_space<vmem>> -> memref<1x64x128xf32, #tpu.memory_space<vmem>>
        %gather3A_1175 = tpu.memref_squeeze %gather3A_1174 : memref<1x64x128xf32, #tpu.memory_space<vmem>> -> memref<64x128xf32, #tpu.memory_space<vmem>>
        %gather3A_1176 = tpu.vector_load_idx %gather3A_1175[%add3A_236, %add3A_1171] : memref<64x128xf32, #tpu.memory_space<vmem>>[vector<16xi32>, vector<16xi32>], vector<16xf32>,
        %add3A_1177 = arith.constant 25 : i32
        %add3A_1178 = vector.broadcast %add3A_1177 : i32 to vector<16xi32>
        %add3A_1179 = arith.addi %shift_left3A_257, %add3A_1178 : vector<16xi32>
        %gather3A_1180 = arith.constant 0 : i32
        %gather3A_1181 = arith.constant 0 : i32
        %gather3A_1182 = tpu.memref_slice %arg20[%scan3A_150, %gather3A_1180, %gather3A_1181] : memref<2x64x128xf32, #tpu.memory_space<vmem>> -> memref<1x64x128xf32, #tpu.memory_space<vmem>>
        %gather3A_1183 = tpu.memref_squeeze %gather3A_1182 : memref<1x64x128xf32, #tpu.memory_space<vmem>> -> memref<64x128xf32, #tpu.memory_space<vmem>>
        %gather3A_1184 = tpu.vector_load_idx %gather3A_1183[%add3A_236, %add3A_1179] : memref<64x128xf32, #tpu.memory_space<vmem>>[vector<16xi32>, vector<16xi32>], vector<16xf32>,
        %gather3A_1185 = tpu.vector_load_idx %arg21[%broadcast_in_dim3A_1160, %get3A_259] : memref<32x1000xf32, #tpu.memory_space<vmem>>[vector<16xi32>, vector<16xi32>], vector<16xf32>,
        %gather3A_1186 = tpu.vector_load_idx %arg21[%broadcast_in_dim3A_1160, %get3A_261] : memref<32x1000xf32, #tpu.memory_space<vmem>>[vector<16xi32>, vector<16xi32>], vector<16xf32>,
        %add3A_1187 = arith.addf %gather3A_1168, %gather3A_1185 : vector<16xf32>
        %sub3A_1188 = arith.subf %add3A_1187, %gather3A_1176 : vector<16xf32>
        %abs3A_1189 = math.absf %sub3A_1188 : vector<16xf32>
        %add3A_1190 = arith.addf %add3A_1154, %abs3A_1189 : vector<16xf32>
        %add3A_1191 = arith.addf %gather3A_1184, %gather3A_1186 : vector<16xf32>
        %sub3A_1192 = arith.subf %add3A_1191, %gather3A_1176 : vector<16xf32>
        %abs3A_1193 = math.absf %sub3A_1192 : vector<16xf32>
        %add3A_1194 = arith.addf %add3A_1158, %abs3A_1193 : vector<16xf32>
        %broadcast_in_dim3A_1195 = arith.constant 26 : i32
        %broadcast_in_dim3A_1196 = vector.broadcast %broadcast_in_dim3A_1195 : i32 to vector<16xi32>
        %add3A_1197 = arith.constant 26 : i32
        %add3A_1198 = vector.broadcast %add3A_1197 : i32 to vector<16xi32>
        %add3A_1199 = arith.addi %shift_left3A_241, %add3A_1198 : vector<16xi32>
        %gather3A_1200 = arith.constant 0 : i32
        %gather3A_1201 = arith.constant 0 : i32
        %gather3A_1202 = tpu.memref_slice %arg18[%scan3A_148, %gather3A_1200, %gather3A_1201] : memref<2x64x128xf32, #tpu.memory_space<vmem>> -> memref<1x64x128xf32, #tpu.memory_space<vmem>>
        %gather3A_1203 = tpu.memref_squeeze %gather3A_1202 : memref<1x64x128xf32, #tpu.memory_space<vmem>> -> memref<64x128xf32, #tpu.memory_space<vmem>>
        %gather3A_1204 = tpu.vector_load_idx %gather3A_1203[%add3A_236, %add3A_1199] : memref<64x128xf32, #tpu.memory_space<vmem>>[vector<16xi32>, vector<16xi32>], vector<16xf32>,
        %add3A_1205 = arith.constant 26 : i32
        %add3A_1206 = vector.broadcast %add3A_1205 : i32 to vector<16xi32>
        %add3A_1207 = arith.addi %shift_left3A_249, %add3A_1206 : vector<16xi32>
        %gather3A_1208 = arith.constant 0 : i32
        %gather3A_1209 = arith.constant 0 : i32
        %gather3A_1210 = tpu.memref_slice %arg19[%scan3A_149, %gather3A_1208, %gather3A_1209] : memref<2x64x128xf32, #tpu.memory_space<vmem>> -> memref<1x64x128xf32, #tpu.memory_space<vmem>>
        %gather3A_1211 = tpu.memref_squeeze %gather3A_1210 : memref<1x64x128xf32, #tpu.memory_space<vmem>> -> memref<64x128xf32, #tpu.memory_space<vmem>>
        %gather3A_1212 = tpu.vector_load_idx %gather3A_1211[%add3A_236, %add3A_1207] : memref<64x128xf32, #tpu.memory_space<vmem>>[vector<16xi32>, vector<16xi32>], vector<16xf32>,
        %add3A_1213 = arith.constant 26 : i32
        %add3A_1214 = vector.broadcast %add3A_1213 : i32 to vector<16xi32>
        %add3A_1215 = arith.addi %shift_left3A_257, %add3A_1214 : vector<16xi32>
        %gather3A_1216 = arith.constant 0 : i32
        %gather3A_1217 = arith.constant 0 : i32
        %gather3A_1218 = tpu.memref_slice %arg20[%scan3A_150, %gather3A_1216, %gather3A_1217] : memref<2x64x128xf32, #tpu.memory_space<vmem>> -> memref<1x64x128xf32, #tpu.memory_space<vmem>>
        %gather3A_1219 = tpu.memref_squeeze %gather3A_1218 : memref<1x64x128xf32, #tpu.memory_space<vmem>> -> memref<64x128xf32, #tpu.memory_space<vmem>>
        %gather3A_1220 = tpu.vector_load_idx %gather3A_1219[%add3A_236, %add3A_1215] : memref<64x128xf32, #tpu.memory_space<vmem>>[vector<16xi32>, vector<16xi32>], vector<16xf32>,
        %gather3A_1221 = tpu.vector_load_idx %arg21[%broadcast_in_dim3A_1196, %get3A_259] : memref<32x1000xf32, #tpu.memory_space<vmem>>[vector<16xi32>, vector<16xi32>], vector<16xf32>,
        %gather3A_1222 = tpu.vector_load_idx %arg21[%broadcast_in_dim3A_1196, %get3A_261] : memref<32x1000xf32, #tpu.memory_space<vmem>>[vector<16xi32>, vector<16xi32>], vector<16xf32>,
        %add3A_1223 = arith.addf %gather3A_1204, %gather3A_1221 : vector<16xf32>
        %sub3A_1224 = arith.subf %add3A_1223, %gather3A_1212 : vector<16xf32>
        %abs3A_1225 = math.absf %sub3A_1224 : vector<16xf32>
        %add3A_1226 = arith.addf %add3A_1190, %abs3A_1225 : vector<16xf32>
        %add3A_1227 = arith.addf %gather3A_1220, %gather3A_1222 : vector<16xf32>
        %sub3A_1228 = arith.subf %add3A_1227, %gather3A_1212 : vector<16xf32>
        %abs3A_1229 = math.absf %sub3A_1228 : vector<16xf32>
        %add3A_1230 = arith.addf %add3A_1194, %abs3A_1229 : vector<16xf32>
        %broadcast_in_dim3A_1231 = arith.constant 27 : i32
        %broadcast_in_dim3A_1232 = vector.broadcast %broadcast_in_dim3A_1231 : i32 to vector<16xi32>
        %add3A_1233 = arith.constant 27 : i32
        %add3A_1234 = vector.broadcast %add3A_1233 : i32 to vector<16xi32>
        %add3A_1235 = arith.addi %shift_left3A_241, %add3A_1234 : vector<16xi32>
        %gather3A_1236 = arith.constant 0 : i32
        %gather3A_1237 = arith.constant 0 : i32
        %gather3A_1238 = tpu.memref_slice %arg18[%scan3A_148, %gather3A_1236, %gather3A_1237] : memref<2x64x128xf32, #tpu.memory_space<vmem>> -> memref<1x64x128xf32, #tpu.memory_space<vmem>>
        %gather3A_1239 = tpu.memref_squeeze %gather3A_1238 : memref<1x64x128xf32, #tpu.memory_space<vmem>> -> memref<64x128xf32, #tpu.memory_space<vmem>>
        %gather3A_1240 = tpu.vector_load_idx %gather3A_1239[%add3A_236, %add3A_1235] : memref<64x128xf32, #tpu.memory_space<vmem>>[vector<16xi32>, vector<16xi32>], vector<16xf32>,
        %add3A_1241 = arith.constant 27 : i32
        %add3A_1242 = vector.broadcast %add3A_1241 : i32 to vector<16xi32>
        %add3A_1243 = arith.addi %shift_left3A_249, %add3A_1242 : vector<16xi32>
        %gather3A_1244 = arith.constant 0 : i32
        %gather3A_1245 = arith.constant 0 : i32
        %gather3A_1246 = tpu.memref_slice %arg19[%scan3A_149, %gather3A_1244, %gather3A_1245] : memref<2x64x128xf32, #tpu.memory_space<vmem>> -> memref<1x64x128xf32, #tpu.memory_space<vmem>>
        %gather3A_1247 = tpu.memref_squeeze %gather3A_1246 : memref<1x64x128xf32, #tpu.memory_space<vmem>> -> memref<64x128xf32, #tpu.memory_space<vmem>>
        %gather3A_1248 = tpu.vector_load_idx %gather3A_1247[%add3A_236, %add3A_1243] : memref<64x128xf32, #tpu.memory_space<vmem>>[vector<16xi32>, vector<16xi32>], vector<16xf32>,
        %add3A_1249 = arith.constant 27 : i32
        %add3A_1250 = vector.broadcast %add3A_1249 : i32 to vector<16xi32>
        %add3A_1251 = arith.addi %shift_left3A_257, %add3A_1250 : vector<16xi32>
        %gather3A_1252 = arith.constant 0 : i32
        %gather3A_1253 = arith.constant 0 : i32
        %gather3A_1254 = tpu.memref_slice %arg20[%scan3A_150, %gather3A_1252, %gather3A_1253] : memref<2x64x128xf32, #tpu.memory_space<vmem>> -> memref<1x64x128xf32, #tpu.memory_space<vmem>>
        %gather3A_1255 = tpu.memref_squeeze %gather3A_1254 : memref<1x64x128xf32, #tpu.memory_space<vmem>> -> memref<64x128xf32, #tpu.memory_space<vmem>>
        %gather3A_1256 = tpu.vector_load_idx %gather3A_1255[%add3A_236, %add3A_1251] : memref<64x128xf32, #tpu.memory_space<vmem>>[vector<16xi32>, vector<16xi32>], vector<16xf32>,
        %gather3A_1257 = tpu.vector_load_idx %arg21[%broadcast_in_dim3A_1232, %get3A_259] : memref<32x1000xf32, #tpu.memory_space<vmem>>[vector<16xi32>, vector<16xi32>], vector<16xf32>,
        %gather3A_1258 = tpu.vector_load_idx %arg21[%broadcast_in_dim3A_1232, %get3A_261] : memref<32x1000xf32, #tpu.memory_space<vmem>>[vector<16xi32>, vector<16xi32>], vector<16xf32>,
        %add3A_1259 = arith.addf %gather3A_1240, %gather3A_1257 : vector<16xf32>
        %sub3A_1260 = arith.subf %add3A_1259, %gather3A_1248 : vector<16xf32>
        %abs3A_1261 = math.absf %sub3A_1260 : vector<16xf32>
        %add3A_1262 = arith.addf %add3A_1226, %abs3A_1261 : vector<16xf32>
        %add3A_1263 = arith.addf %gather3A_1256, %gather3A_1258 : vector<16xf32>
        %sub3A_1264 = arith.subf %add3A_1263, %gather3A_1248 : vector<16xf32>
        %abs3A_1265 = math.absf %sub3A_1264 : vector<16xf32>
        %add3A_1266 = arith.addf %add3A_1230, %abs3A_1265 : vector<16xf32>
        %broadcast_in_dim3A_1267 = arith.constant 28 : i32
        %broadcast_in_dim3A_1268 = vector.broadcast %broadcast_in_dim3A_1267 : i32 to vector<16xi32>
        %add3A_1269 = arith.constant 28 : i32
        %add3A_1270 = vector.broadcast %add3A_1269 : i32 to vector<16xi32>
        %add3A_1271 = arith.addi %shift_left3A_241, %add3A_1270 : vector<16xi32>
        %gather3A_1272 = arith.constant 0 : i32
        %gather3A_1273 = arith.constant 0 : i32
        %gather3A_1274 = tpu.memref_slice %arg18[%scan3A_148, %gather3A_1272, %gather3A_1273] : memref<2x64x128xf32, #tpu.memory_space<vmem>> -> memref<1x64x128xf32, #tpu.memory_space<vmem>>
        %gather3A_1275 = tpu.memref_squeeze %gather3A_1274 : memref<1x64x128xf32, #tpu.memory_space<vmem>> -> memref<64x128xf32, #tpu.memory_space<vmem>>
        %gather3A_1276 = tpu.vector_load_idx %gather3A_1275[%add3A_236, %add3A_1271] : memref<64x128xf32, #tpu.memory_space<vmem>>[vector<16xi32>, vector<16xi32>], vector<16xf32>,
        %add3A_1277 = arith.constant 28 : i32
        %add3A_1278 = vector.broadcast %add3A_1277 : i32 to vector<16xi32>
        %add3A_1279 = arith.addi %shift_left3A_249, %add3A_1278 : vector<16xi32>
        %gather3A_1280 = arith.constant 0 : i32
        %gather3A_1281 = arith.constant 0 : i32
        %gather3A_1282 = tpu.memref_slice %arg19[%scan3A_149, %gather3A_1280, %gather3A_1281] : memref<2x64x128xf32, #tpu.memory_space<vmem>> -> memref<1x64x128xf32, #tpu.memory_space<vmem>>
        %gather3A_1283 = tpu.memref_squeeze %gather3A_1282 : memref<1x64x128xf32, #tpu.memory_space<vmem>> -> memref<64x128xf32, #tpu.memory_space<vmem>>
        %gather3A_1284 = tpu.vector_load_idx %gather3A_1283[%add3A_236, %add3A_1279] : memref<64x128xf32, #tpu.memory_space<vmem>>[vector<16xi32>, vector<16xi32>], vector<16xf32>,
        %add3A_1285 = arith.constant 28 : i32
        %add3A_1286 = vector.broadcast %add3A_1285 : i32 to vector<16xi32>
        %add3A_1287 = arith.addi %shift_left3A_257, %add3A_1286 : vector<16xi32>
        %gather3A_1288 = arith.constant 0 : i32
        %gather3A_1289 = arith.constant 0 : i32
        %gather3A_1290 = tpu.memref_slice %arg20[%scan3A_150, %gather3A_1288, %gather3A_1289] : memref<2x64x128xf32, #tpu.memory_space<vmem>> -> memref<1x64x128xf32, #tpu.memory_space<vmem>>
        %gather3A_1291 = tpu.memref_squeeze %gather3A_1290 : memref<1x64x128xf32, #tpu.memory_space<vmem>> -> memref<64x128xf32, #tpu.memory_space<vmem>>
        %gather3A_1292 = tpu.vector_load_idx %gather3A_1291[%add3A_236, %add3A_1287] : memref<64x128xf32, #tpu.memory_space<vmem>>[vector<16xi32>, vector<16xi32>], vector<16xf32>,
        %gather3A_1293 = tpu.vector_load_idx %arg21[%broadcast_in_dim3A_1268, %get3A_259] : memref<32x1000xf32, #tpu.memory_space<vmem>>[vector<16xi32>, vector<16xi32>], vector<16xf32>,
        %gather3A_1294 = tpu.vector_load_idx %arg21[%broadcast_in_dim3A_1268, %get3A_261] : memref<32x1000xf32, #tpu.memory_space<vmem>>[vector<16xi32>, vector<16xi32>], vector<16xf32>,
        %add3A_1295 = arith.addf %gather3A_1276, %gather3A_1293 : vector<16xf32>
        %sub3A_1296 = arith.subf %add3A_1295, %gather3A_1284 : vector<16xf32>
        %abs3A_1297 = math.absf %sub3A_1296 : vector<16xf32>
        %add3A_1298 = arith.addf %add3A_1262, %abs3A_1297 : vector<16xf32>
        %add3A_1299 = arith.addf %gather3A_1292, %gather3A_1294 : vector<16xf32>
        %sub3A_1300 = arith.subf %add3A_1299, %gather3A_1284 : vector<16xf32>
        %abs3A_1301 = math.absf %sub3A_1300 : vector<16xf32>
        %add3A_1302 = arith.addf %add3A_1266, %abs3A_1301 : vector<16xf32>
        %broadcast_in_dim3A_1303 = arith.constant 29 : i32
        %broadcast_in_dim3A_1304 = vector.broadcast %broadcast_in_dim3A_1303 : i32 to vector<16xi32>
        %add3A_1305 = arith.constant 29 : i32
        %add3A_1306 = vector.broadcast %add3A_1305 : i32 to vector<16xi32>
        %add3A_1307 = arith.addi %shift_left3A_241, %add3A_1306 : vector<16xi32>
        %gather3A_1308 = arith.constant 0 : i32
        %gather3A_1309 = arith.constant 0 : i32
        %gather3A_1310 = tpu.memref_slice %arg18[%scan3A_148, %gather3A_1308, %gather3A_1309] : memref<2x64x128xf32, #tpu.memory_space<vmem>> -> memref<1x64x128xf32, #tpu.memory_space<vmem>>
        %gather3A_1311 = tpu.memref_squeeze %gather3A_1310 : memref<1x64x128xf32, #tpu.memory_space<vmem>> -> memref<64x128xf32, #tpu.memory_space<vmem>>
        %gather3A_1312 = tpu.vector_load_idx %gather3A_1311[%add3A_236, %add3A_1307] : memref<64x128xf32, #tpu.memory_space<vmem>>[vector<16xi32>, vector<16xi32>], vector<16xf32>,
        %add3A_1313 = arith.constant 29 : i32
        %add3A_1314 = vector.broadcast %add3A_1313 : i32 to vector<16xi32>
        %add3A_1315 = arith.addi %shift_left3A_249, %add3A_1314 : vector<16xi32>
        %gather3A_1316 = arith.constant 0 : i32
        %gather3A_1317 = arith.constant 0 : i32
        %gather3A_1318 = tpu.memref_slice %arg19[%scan3A_149, %gather3A_1316, %gather3A_1317] : memref<2x64x128xf32, #tpu.memory_space<vmem>> -> memref<1x64x128xf32, #tpu.memory_space<vmem>>
        %gather3A_1319 = tpu.memref_squeeze %gather3A_1318 : memref<1x64x128xf32, #tpu.memory_space<vmem>> -> memref<64x128xf32, #tpu.memory_space<vmem>>
        %gather3A_1320 = tpu.vector_load_idx %gather3A_1319[%add3A_236, %add3A_1315] : memref<64x128xf32, #tpu.memory_space<vmem>>[vector<16xi32>, vector<16xi32>], vector<16xf32>,
        %add3A_1321 = arith.constant 29 : i32
        %add3A_1322 = vector.broadcast %add3A_1321 : i32 to vector<16xi32>
        %add3A_1323 = arith.addi %shift_left3A_257, %add3A_1322 : vector<16xi32>
        %gather3A_1324 = arith.constant 0 : i32
        %gather3A_1325 = arith.constant 0 : i32
        %gather3A_1326 = tpu.memref_slice %arg20[%scan3A_150, %gather3A_1324, %gather3A_1325] : memref<2x64x128xf32, #tpu.memory_space<vmem>> -> memref<1x64x128xf32, #tpu.memory_space<vmem>>
        %gather3A_1327 = tpu.memref_squeeze %gather3A_1326 : memref<1x64x128xf32, #tpu.memory_space<vmem>> -> memref<64x128xf32, #tpu.memory_space<vmem>>
        %gather3A_1328 = tpu.vector_load_idx %gather3A_1327[%add3A_236, %add3A_1323] : memref<64x128xf32, #tpu.memory_space<vmem>>[vector<16xi32>, vector<16xi32>], vector<16xf32>,
        %gather3A_1329 = tpu.vector_load_idx %arg21[%broadcast_in_dim3A_1304, %get3A_259] : memref<32x1000xf32, #tpu.memory_space<vmem>>[vector<16xi32>, vector<16xi32>], vector<16xf32>,
        %gather3A_1330 = tpu.vector_load_idx %arg21[%broadcast_in_dim3A_1304, %get3A_261] : memref<32x1000xf32, #tpu.memory_space<vmem>>[vector<16xi32>, vector<16xi32>], vector<16xf32>,
        %add3A_1331 = arith.addf %gather3A_1312, %gather3A_1329 : vector<16xf32>
        %sub3A_1332 = arith.subf %add3A_1331, %gather3A_1320 : vector<16xf32>
        %abs3A_1333 = math.absf %sub3A_1332 : vector<16xf32>
        %add3A_1334 = arith.addf %add3A_1298, %abs3A_1333 : vector<16xf32>
        %add3A_1335 = arith.addf %gather3A_1328, %gather3A_1330 : vector<16xf32>
        %sub3A_1336 = arith.subf %add3A_1335, %gather3A_1320 : vector<16xf32>
        %abs3A_1337 = math.absf %sub3A_1336 : vector<16xf32>
        %add3A_1338 = arith.addf %add3A_1302, %abs3A_1337 : vector<16xf32>
        %broadcast_in_dim3A_1339 = arith.constant 30 : i32
        %broadcast_in_dim3A_1340 = vector.broadcast %broadcast_in_dim3A_1339 : i32 to vector<16xi32>
        %add3A_1341 = arith.constant 30 : i32
        %add3A_1342 = vector.broadcast %add3A_1341 : i32 to vector<16xi32>
        %add3A_1343 = arith.addi %shift_left3A_241, %add3A_1342 : vector<16xi32>
        %gather3A_1344 = arith.constant 0 : i32
        %gather3A_1345 = arith.constant 0 : i32
        %gather3A_1346 = tpu.memref_slice %arg18[%scan3A_148, %gather3A_1344, %gather3A_1345] : memref<2x64x128xf32, #tpu.memory_space<vmem>> -> memref<1x64x128xf32, #tpu.memory_space<vmem>>
        %gather3A_1347 = tpu.memref_squeeze %gather3A_1346 : memref<1x64x128xf32, #tpu.memory_space<vmem>> -> memref<64x128xf32, #tpu.memory_space<vmem>>
        %gather3A_1348 = tpu.vector_load_idx %gather3A_1347[%add3A_236, %add3A_1343] : memref<64x128xf32, #tpu.memory_space<vmem>>[vector<16xi32>, vector<16xi32>], vector<16xf32>,
        %add3A_1349 = arith.constant 30 : i32
        %add3A_1350 = vector.broadcast %add3A_1349 : i32 to vector<16xi32>
        %add3A_1351 = arith.addi %shift_left3A_249, %add3A_1350 : vector<16xi32>
        %gather3A_1352 = arith.constant 0 : i32
        %gather3A_1353 = arith.constant 0 : i32
        %gather3A_1354 = tpu.memref_slice %arg19[%scan3A_149, %gather3A_1352, %gather3A_1353] : memref<2x64x128xf32, #tpu.memory_space<vmem>> -> memref<1x64x128xf32, #tpu.memory_space<vmem>>
        %gather3A_1355 = tpu.memref_squeeze %gather3A_1354 : memref<1x64x128xf32, #tpu.memory_space<vmem>> -> memref<64x128xf32, #tpu.memory_space<vmem>>
        %gather3A_1356 = tpu.vector_load_idx %gather3A_1355[%add3A_236, %add3A_1351] : memref<64x128xf32, #tpu.memory_space<vmem>>[vector<16xi32>, vector<16xi32>], vector<16xf32>,
        %add3A_1357 = arith.constant 30 : i32
        %add3A_1358 = vector.broadcast %add3A_1357 : i32 to vector<16xi32>
        %add3A_1359 = arith.addi %shift_left3A_257, %add3A_1358 : vector<16xi32>
        %gather3A_1360 = arith.constant 0 : i32
        %gather3A_1361 = arith.constant 0 : i32
        %gather3A_1362 = tpu.memref_slice %arg20[%scan3A_150, %gather3A_1360, %gather3A_1361] : memref<2x64x128xf32, #tpu.memory_space<vmem>> -> memref<1x64x128xf32, #tpu.memory_space<vmem>>
        %gather3A_1363 = tpu.memref_squeeze %gather3A_1362 : memref<1x64x128xf32, #tpu.memory_space<vmem>> -> memref<64x128xf32, #tpu.memory_space<vmem>>
        %gather3A_1364 = tpu.vector_load_idx %gather3A_1363[%add3A_236, %add3A_1359] : memref<64x128xf32, #tpu.memory_space<vmem>>[vector<16xi32>, vector<16xi32>], vector<16xf32>,
        %gather3A_1365 = tpu.vector_load_idx %arg21[%broadcast_in_dim3A_1340, %get3A_259] : memref<32x1000xf32, #tpu.memory_space<vmem>>[vector<16xi32>, vector<16xi32>], vector<16xf32>,
        %gather3A_1366 = tpu.vector_load_idx %arg21[%broadcast_in_dim3A_1340, %get3A_261] : memref<32x1000xf32, #tpu.memory_space<vmem>>[vector<16xi32>, vector<16xi32>], vector<16xf32>,
        %add3A_1367 = arith.addf %gather3A_1348, %gather3A_1365 : vector<16xf32>
        %sub3A_1368 = arith.subf %add3A_1367, %gather3A_1356 : vector<16xf32>
        %abs3A_1369 = math.absf %sub3A_1368 : vector<16xf32>
        %add3A_1370 = arith.addf %add3A_1334, %abs3A_1369 : vector<16xf32>
        %add3A_1371 = arith.addf %gather3A_1364, %gather3A_1366 : vector<16xf32>
        %sub3A_1372 = arith.subf %add3A_1371, %gather3A_1356 : vector<16xf32>
        %abs3A_1373 = math.absf %sub3A_1372 : vector<16xf32>
        %add3A_1374 = arith.addf %add3A_1338, %abs3A_1373 : vector<16xf32>
        %broadcast_in_dim3A_1375 = arith.constant 31 : i32
        %broadcast_in_dim3A_1376 = vector.broadcast %broadcast_in_dim3A_1375 : i32 to vector<16xi32>
        %add3A_1377 = arith.constant 31 : i32
        %add3A_1378 = vector.broadcast %add3A_1377 : i32 to vector<16xi32>
        %add3A_1379 = arith.addi %shift_left3A_241, %add3A_1378 : vector<16xi32>
        %gather3A_1380 = arith.constant 0 : i32
        %gather3A_1381 = arith.constant 0 : i32
        %gather3A_1382 = tpu.memref_slice %arg18[%scan3A_148, %gather3A_1380, %gather3A_1381] : memref<2x64x128xf32, #tpu.memory_space<vmem>> -> memref<1x64x128xf32, #tpu.memory_space<vmem>>
        %gather3A_1383 = tpu.memref_squeeze %gather3A_1382 : memref<1x64x128xf32, #tpu.memory_space<vmem>> -> memref<64x128xf32, #tpu.memory_space<vmem>>
        %gather3A_1384 = tpu.vector_load_idx %gather3A_1383[%add3A_236, %add3A_1379] : memref<64x128xf32, #tpu.memory_space<vmem>>[vector<16xi32>, vector<16xi32>], vector<16xf32>,
        %add3A_1385 = arith.constant 31 : i32
        %add3A_1386 = vector.broadcast %add3A_1385 : i32 to vector<16xi32>
        %add3A_1387 = arith.addi %shift_left3A_249, %add3A_1386 : vector<16xi32>
        %gather3A_1388 = arith.constant 0 : i32
        %gather3A_1389 = arith.constant 0 : i32
        %gather3A_1390 = tpu.memref_slice %arg19[%scan3A_149, %gather3A_1388, %gather3A_1389] : memref<2x64x128xf32, #tpu.memory_space<vmem>> -> memref<1x64x128xf32, #tpu.memory_space<vmem>>
        %gather3A_1391 = tpu.memref_squeeze %gather3A_1390 : memref<1x64x128xf32, #tpu.memory_space<vmem>> -> memref<64x128xf32, #tpu.memory_space<vmem>>
        %gather3A_1392 = tpu.vector_load_idx %gather3A_1391[%add3A_236, %add3A_1387] : memref<64x128xf32, #tpu.memory_space<vmem>>[vector<16xi32>, vector<16xi32>], vector<16xf32>,
        %add3A_1393 = arith.constant 31 : i32
        %add3A_1394 = vector.broadcast %add3A_1393 : i32 to vector<16xi32>
        %add3A_1395 = arith.addi %shift_left3A_257, %add3A_1394 : vector<16xi32>
        %gather3A_1396 = arith.constant 0 : i32
        %gather3A_1397 = arith.constant 0 : i32
        %gather3A_1398 = tpu.memref_slice %arg20[%scan3A_150, %gather3A_1396, %gather3A_1397] : memref<2x64x128xf32, #tpu.memory_space<vmem>> -> memref<1x64x128xf32, #tpu.memory_space<vmem>>
        %gather3A_1399 = tpu.memref_squeeze %gather3A_1398 : memref<1x64x128xf32, #tpu.memory_space<vmem>> -> memref<64x128xf32, #tpu.memory_space<vmem>>
        %gather3A_1400 = tpu.vector_load_idx %gather3A_1399[%add3A_236, %add3A_1395] : memref<64x128xf32, #tpu.memory_space<vmem>>[vector<16xi32>, vector<16xi32>], vector<16xf32>,
        %gather3A_1401 = tpu.vector_load_idx %arg21[%broadcast_in_dim3A_1376, %get3A_259] : memref<32x1000xf32, #tpu.memory_space<vmem>>[vector<16xi32>, vector<16xi32>], vector<16xf32>,
        %gather3A_1402 = tpu.vector_load_idx %arg21[%broadcast_in_dim3A_1376, %get3A_261] : memref<32x1000xf32, #tpu.memory_space<vmem>>[vector<16xi32>, vector<16xi32>], vector<16xf32>,
        %add3A_1403 = arith.addf %gather3A_1384, %gather3A_1401 : vector<16xf32>
        %sub3A_1404 = arith.subf %add3A_1403, %gather3A_1392 : vector<16xf32>
        %abs3A_1405 = math.absf %sub3A_1404 : vector<16xf32>
        %add3A_1406 = arith.addf %add3A_1370, %abs3A_1405 : vector<16xf32>
        %add3A_1407 = arith.addf %gather3A_1400, %gather3A_1402 : vector<16xf32>
        %sub3A_1408 = arith.subf %add3A_1407, %gather3A_1392 : vector<16xf32>
        %abs3A_1409 = math.absf %sub3A_1408 : vector<16xf32>
        %add3A_1410 = arith.addf %add3A_1374, %abs3A_1409 : vector<16xf32>
        %sub3A_1411 = arith.subf %add3A_1406, %add3A_1410 : vector<16xf32>
        %add3A_1412 = arith.constant 1.000000e+00 : f32
        %add3A_1413 = vector.broadcast %add3A_1412 : f32 to vector<16xf32>
        %add3A_1414 = arith.addf %sub3A_1411, %add3A_1413 : vector<16xf32>
        %max3A = arith.constant 0.000000e+00 : f32
        %max3A_1415 = vector.broadcast %max3A : f32 to vector<16xf32>
        %max3A_1416 = arith.maximumf %add3A_1414, %max3A_1415 : vector<16xf32>
        %add3A_1417 = arith.addf %scan3A_227, %max3A_1416 : vector<16xf32>
        scf.yield %add3A_1417 : vector<16xf32>
      }
      %scan3A_156 = arith.constant 4 : i32
      %add3A_157 = arith.constant 2 : i32
      %add3A_158 = arith.addi %add3A_102, %add3A_157 : i32
      %lt3A = arith.constant 8 : i32
      %lt3A_159 = arith.cmpi slt, %add3A_158, %lt3A : i32
      %convert_element_type3A = arith.extui %lt3A_159 : i1 to i32
      %cond3A = arith.constant 0 : i32
      %cond3A_160 = arith.cmpi ne, %convert_element_type3A, %cond3A : i32
      scf.if %cond3A_160 {
        %add3A_226 = arith.constant 2 : i32
        %add3A_227 = arith.addi %add3A_102, %add3A_226 : i32
        %mul3A_228 = arith.constant 64 : i32
        %mul3A_229 = arith.muli %add3A_227, %mul3A_228 : i32
        %dma_start3A_230 = arith.constant 0 : i32
        %dma_start3A_231 = arith.constant 0 : i32
        %dma_start3A_232 = arith.constant 0 : i32
        %dma_start3A_233 = tpu.memref_slice %arg18[%dma_start3A_230, %dma_start3A_231, %dma_start3A_232] : memref<2x64x128xf32, #tpu.memory_space<vmem>> -> memref<1x64x128xf32, #tpu.memory_space<vmem>>
        %dma_start3A_234 = tpu.memref_squeeze %dma_start3A_233 : memref<1x64x128xf32, #tpu.memory_space<vmem>> -> memref<64x128xf32, #tpu.memory_space<vmem>>
        %dma_start3A_235 = tpu.memref_slice %arg15[%mul3A_229] : memref<512xi32, #tpu.memory_space<vmem>> -> memref<64xi32, #tpu.memory_space<vmem>>
        %dma_start3A_236 = arith.constant 0 : i32
        %dma_start3A_237 = arith.constant 0 : i32
        %dma_start3A_238 = tpu.memref_slice %arg7[%dma_start3A_236, %dma_start3A_237] : memref<262144x128xf32, #tpu.memory_space<hbm>> -> memref<262144x128xf32, #tpu.memory_space<hbm>>
        tpu.enqueue_indirect_dma source(%dma_start3A_238 : memref<262144x128xf32, #tpu.memory_space<hbm>>) target(%dma_start3A_234 : memref<64x128xf32, #tpu.memory_space<vmem>>) offsets(%dma_start3A_235 : memref<64xi32, #tpu.memory_space<vmem>>) semaphore(%arg23 : memref<!tpu.dma_semaphore, #tpu.memory_space<semaphore_mem>>)
        %dma_start3A_239 = arith.constant 0 : i32
        %dma_start3A_240 = arith.constant 0 : i32
        %dma_start3A_241 = arith.constant 0 : i32
        %dma_start3A_242 = tpu.memref_slice %arg19[%dma_start3A_239, %dma_start3A_240, %dma_start3A_241] : memref<2x64x128xf32, #tpu.memory_space<vmem>> -> memref<1x64x128xf32, #tpu.memory_space<vmem>>
        %dma_start3A_243 = tpu.memref_squeeze %dma_start3A_242 : memref<1x64x128xf32, #tpu.memory_space<vmem>> -> memref<64x128xf32, #tpu.memory_space<vmem>>
        %dma_start3A_244 = tpu.memref_slice %arg16[%mul3A_229] : memref<512xi32, #tpu.memory_space<vmem>> -> memref<64xi32, #tpu.memory_space<vmem>>
        %dma_start3A_245 = arith.constant 0 : i32
        %dma_start3A_246 = arith.constant 0 : i32
        %dma_start3A_247 = tpu.memref_slice %arg7[%dma_start3A_245, %dma_start3A_246] : memref<262144x128xf32, #tpu.memory_space<hbm>> -> memref<262144x128xf32, #tpu.memory_space<hbm>>
        tpu.enqueue_indirect_dma source(%dma_start3A_247 : memref<262144x128xf32, #tpu.memory_space<hbm>>) target(%dma_start3A_243 : memref<64x128xf32, #tpu.memory_space<vmem>>) offsets(%dma_start3A_244 : memref<64xi32, #tpu.memory_space<vmem>>) semaphore(%arg23 : memref<!tpu.dma_semaphore, #tpu.memory_space<semaphore_mem>>)
        %dma_start3A_248 = arith.constant 0 : i32
        %dma_start3A_249 = arith.constant 0 : i32
        %dma_start3A_250 = arith.constant 0 : i32
        %dma_start3A_251 = tpu.memref_slice %arg20[%dma_start3A_248, %dma_start3A_249, %dma_start3A_250] : memref<2x64x128xf32, #tpu.memory_space<vmem>> -> memref<1x64x128xf32, #tpu.memory_space<vmem>>
        %dma_start3A_252 = tpu.memref_squeeze %dma_start3A_251 : memref<1x64x128xf32, #tpu.memory_space<vmem>> -> memref<64x128xf32, #tpu.memory_space<vmem>>
        %dma_start3A_253 = tpu.memref_slice %arg17[%mul3A_229] : memref<512xi32, #tpu.memory_space<vmem>> -> memref<64xi32, #tpu.memory_space<vmem>>
        %dma_start3A_254 = arith.constant 0 : i32
        %dma_start3A_255 = arith.constant 0 : i32
        %dma_start3A_256 = tpu.memref_slice %arg7[%dma_start3A_254, %dma_start3A_255] : memref<262144x128xf32, #tpu.memory_space<hbm>> -> memref<262144x128xf32, #tpu.memory_space<hbm>>
        tpu.enqueue_indirect_dma source(%dma_start3A_256 : memref<262144x128xf32, #tpu.memory_space<hbm>>) target(%dma_start3A_252 : memref<64x128xf32, #tpu.memory_space<vmem>>) offsets(%dma_start3A_253 : memref<64xi32, #tpu.memory_space<vmem>>) semaphore(%arg23 : memref<!tpu.dma_semaphore, #tpu.memory_space<semaphore_mem>>)
      } else {
      }
      %mul3A_161 = arith.constant 2 : i32
      %mul3A_162 = arith.muli %scan3A_97, %mul3A_161 : i32
      %add3A_163 = arith.constant 1 : i32
      %add3A_164 = arith.addi %mul3A_162, %add3A_163 : i32
      %dma_wait3A_165 = arith.constant 1 : i32
      %dma_wait3A_166 = arith.constant 0 : i32
      %dma_wait3A_167 = arith.constant 0 : i32
      %dma_wait3A_168 = tpu.memref_slice %arg18[%dma_wait3A_165, %dma_wait3A_166, %dma_wait3A_167] : memref<2x64x128xf32, #tpu.memory_space<vmem>> -> memref<1x64x128xf32, #tpu.memory_space<vmem>>
      %dma_wait3A_169 = tpu.memref_squeeze %dma_wait3A_168 : memref<1x64x128xf32, #tpu.memory_space<vmem>> -> memref<64x128xf32, #tpu.memory_space<vmem>>
      %dma_wait3A_170 = arith.constant 0 : i32
      %dma_wait3A_171 = arith.constant 0 : i32
      %dma_wait3A_172 = tpu.memref_slice %arg7[%dma_wait3A_170, %dma_wait3A_171] : memref<262144x128xf32, #tpu.memory_space<hbm>> -> memref<64x128xf32, #tpu.memory_space<hbm>>
      %dma_wait3A_173 = arith.constant 0 : i32
      %dma_wait3A_174 = arith.constant 0 : i32
      %dma_wait3A_175 = tpu.memref_slice %arg18[%dma_wait3A_165, %dma_wait3A_173, %dma_wait3A_174] : memref<2x64x128xf32, #tpu.memory_space<vmem>> -> memref<1x64x128xf32, #tpu.memory_space<vmem>>
      %dma_wait3A_176 = tpu.memref_squeeze %dma_wait3A_175 : memref<1x64x128xf32, #tpu.memory_space<vmem>> -> memref<64x128xf32, #tpu.memory_space<vmem>>
      %dma_wait3A_177 = arith.constant 0 : i32
      %dma_wait3A_178 = arith.constant 0 : i32
      %dma_wait3A_179 = tpu.memref_slice %arg7[%dma_wait3A_177, %dma_wait3A_178] : memref<262144x128xf32, #tpu.memory_space<hbm>> -> memref<64x128xf32, #tpu.memory_space<hbm>>
      tpu.wait_dma2 semaphore(%arg24 : memref<!tpu.dma_semaphore, #tpu.memory_space<semaphore_mem>>) src(%dma_wait3A_179 : memref<64x128xf32, #tpu.memory_space<hbm>>) dst(%dma_wait3A_176 : memref<64x128xf32, #tpu.memory_space<vmem>>)
      %dma_wait3A_180 = arith.constant 1 : i32
      %dma_wait3A_181 = arith.constant 0 : i32
      %dma_wait3A_182 = arith.constant 0 : i32
      %dma_wait3A_183 = tpu.memref_slice %arg19[%dma_wait3A_180, %dma_wait3A_181, %dma_wait3A_182] : memref<2x64x128xf32, #tpu.memory_space<vmem>> -> memref<1x64x128xf32, #tpu.memory_space<vmem>>
      %dma_wait3A_184 = tpu.memref_squeeze %dma_wait3A_183 : memref<1x64x128xf32, #tpu.memory_space<vmem>> -> memref<64x128xf32, #tpu.memory_space<vmem>>
      %dma_wait3A_185 = arith.constant 0 : i32
      %dma_wait3A_186 = arith.constant 0 : i32
      %dma_wait3A_187 = tpu.memref_slice %arg7[%dma_wait3A_185, %dma_wait3A_186] : memref<262144x128xf32, #tpu.memory_space<hbm>> -> memref<64x128xf32, #tpu.memory_space<hbm>>
      %dma_wait3A_188 = arith.constant 0 : i32
      %dma_wait3A_189 = arith.constant 0 : i32
      %dma_wait3A_190 = tpu.memref_slice %arg19[%dma_wait3A_180, %dma_wait3A_188, %dma_wait3A_189] : memref<2x64x128xf32, #tpu.memory_space<vmem>> -> memref<1x64x128xf32, #tpu.memory_space<vmem>>
      %dma_wait3A_191 = tpu.memref_squeeze %dma_wait3A_190 : memref<1x64x128xf32, #tpu.memory_space<vmem>> -> memref<64x128xf32, #tpu.memory_space<vmem>>
      %dma_wait3A_192 = arith.constant 0 : i32
      %dma_wait3A_193 = arith.constant 0 : i32
      %dma_wait3A_194 = tpu.memref_slice %arg7[%dma_wait3A_192, %dma_wait3A_193] : memref<262144x128xf32, #tpu.memory_space<hbm>> -> memref<64x128xf32, #tpu.memory_space<hbm>>
      tpu.wait_dma2 semaphore(%arg24 : memref<!tpu.dma_semaphore, #tpu.memory_space<semaphore_mem>>) src(%dma_wait3A_194 : memref<64x128xf32, #tpu.memory_space<hbm>>) dst(%dma_wait3A_191 : memref<64x128xf32, #tpu.memory_space<vmem>>)
      %dma_wait3A_195 = arith.constant 1 : i32
      %dma_wait3A_196 = arith.constant 0 : i32
      %dma_wait3A_197 = arith.constant 0 : i32
      %dma_wait3A_198 = tpu.memref_slice %arg20[%dma_wait3A_195, %dma_wait3A_196, %dma_wait3A_197] : memref<2x64x128xf32, #tpu.memory_space<vmem>> -> memref<1x64x128xf32, #tpu.memory_space<vmem>>
      %dma_wait3A_199 = tpu.memref_squeeze %dma_wait3A_198 : memref<1x64x128xf32, #tpu.memory_space<vmem>> -> memref<64x128xf32, #tpu.memory_space<vmem>>
      %dma_wait3A_200 = arith.constant 0 : i32
      %dma_wait3A_201 = arith.constant 0 : i32
      %dma_wait3A_202 = tpu.memref_slice %arg7[%dma_wait3A_200, %dma_wait3A_201] : memref<262144x128xf32, #tpu.memory_space<hbm>> -> memref<64x128xf32, #tpu.memory_space<hbm>>
      %dma_wait3A_203 = arith.constant 0 : i32
      %dma_wait3A_204 = arith.constant 0 : i32
      %dma_wait3A_205 = tpu.memref_slice %arg20[%dma_wait3A_195, %dma_wait3A_203, %dma_wait3A_204] : memref<2x64x128xf32, #tpu.memory_space<vmem>> -> memref<1x64x128xf32, #tpu.memory_space<vmem>>
      %dma_wait3A_206 = tpu.memref_squeeze %dma_wait3A_205 : memref<1x64x128xf32, #tpu.memory_space<vmem>> -> memref<64x128xf32, #tpu.memory_space<vmem>>
      %dma_wait3A_207 = arith.constant 0 : i32
      %dma_wait3A_208 = arith.constant 0 : i32
      %dma_wait3A_209 = tpu.memref_slice %arg7[%dma_wait3A_207, %dma_wait3A_208] : memref<262144x128xf32, #tpu.memory_space<hbm>> -> memref<64x128xf32, #tpu.memory_space<hbm>>
      tpu.wait_dma2 semaphore(%arg24 : memref<!tpu.dma_semaphore, #tpu.memory_space<semaphore_mem>>) src(%dma_wait3A_209 : memref<64x128xf32, #tpu.memory_space<hbm>>) dst(%dma_wait3A_206 : memref<64x128xf32, #tpu.memory_space<vmem>>)
      %scan3A_210 = arith.constant 1 : i32
      %scan3A_211 = arith.constant 1 : i32
      %scan3A_212 = arith.constant 1 : i32
      %scan3A_213 = arith.constant 0 : i32
      %scan3A_214 = arith.constant 4 : i32
      %scan3A_215 = arith.addi %scan3A_213, %scan3A_214 : i32
      %scan3A_216 = arith.constant 1 : i32
      %scan3A_217 = scf.for %scan3A_226 = %scan3A_213 to %scan3A_215 step %scan3A_216 iter_args(%scan3A_227 = %scan3A_155) -> (vector<16xf32>)  : i32 {
        %mul3A_228 = arith.constant 64 : i32
        %mul3A_229 = arith.muli %add3A_164, %mul3A_228 : i32
        %mul3A_230 = arith.constant 16 : i32
        %mul3A_231 = arith.muli %scan3A_226, %mul3A_230 : i32
        %add3A_232 = arith.addi %mul3A_229, %mul3A_231 : i32
        %mul3A_233 = arith.constant 16 : i32
        %mul3A_234 = arith.muli %scan3A_226, %mul3A_233 : i32
        %add3A_235 = vector.broadcast %mul3A_234 : i32 to vector<16xi32>
        %add3A_236 = arith.addi %iota3A, %add3A_235 : vector<16xi32>
        %get3A = arith.index_cast %add3A_232 : i32 to index
        %get3A_237 = tpu.vector_load %arg10[%get3A] {strides = array<i32>} : memref<512xi32, #tpu.memory_space<vmem>>, vector<16xi32>,
        %shift_right_arithmetic3A = arith.constant 18 : i32
        %shift_right_arithmetic3A_238 = vector.broadcast %shift_right_arithmetic3A : i32 to vector<16xi32>
        %shift_right_arithmetic3A_239 = arith.shrsi %get3A_237, %shift_right_arithmetic3A_238 : vector<16xi32>
        %shift_left3A = arith.constant 5 : i32
        %shift_left3A_240 = vector.broadcast %shift_left3A : i32 to vector<16xi32>
        %shift_left3A_241 = arith.shli %shift_right_arithmetic3A_239, %shift_left3A_240 : vector<16xi32>
        %get3A_242 = arith.index_cast %add3A_232 : i32 to index
        %get3A_243 = tpu.vector_load %arg12[%get3A_242] {strides = array<i32>} : memref<512xi32, #tpu.memory_space<vmem>>, vector<16xi32>,
        %shift_right_arithmetic3A_244 = arith.constant 18 : i32
        %shift_right_arithmetic3A_245 = vector.broadcast %shift_right_arithmetic3A_244 : i32 to vector<16xi32>
        %shift_right_arithmetic3A_246 = arith.shrsi %get3A_243, %shift_right_arithmetic3A_245 : vector<16xi32>
        %shift_left3A_247 = arith.constant 5 : i32
        %shift_left3A_248 = vector.broadcast %shift_left3A_247 : i32 to vector<16xi32>
        %shift_left3A_249 = arith.shli %shift_right_arithmetic3A_246, %shift_left3A_248 : vector<16xi32>
        %get3A_250 = arith.index_cast %add3A_232 : i32 to index
        %get3A_251 = tpu.vector_load %arg13[%get3A_250] {strides = array<i32>} : memref<512xi32, #tpu.memory_space<vmem>>, vector<16xi32>,
        %shift_right_arithmetic3A_252 = arith.constant 18 : i32
        %shift_right_arithmetic3A_253 = vector.broadcast %shift_right_arithmetic3A_252 : i32 to vector<16xi32>
        %shift_right_arithmetic3A_254 = arith.shrsi %get3A_251, %shift_right_arithmetic3A_253 : vector<16xi32>
        %shift_left3A_255 = arith.constant 5 : i32
        %shift_left3A_256 = vector.broadcast %shift_left3A_255 : i32 to vector<16xi32>
        %shift_left3A_257 = arith.shli %shift_right_arithmetic3A_254, %shift_left3A_256 : vector<16xi32>
        %get3A_258 = arith.index_cast %add3A_232 : i32 to index
        %get3A_259 = tpu.vector_load %arg11[%get3A_258] {strides = array<i32>} : memref<512xi32, #tpu.memory_space<vmem>>, vector<16xi32>,
        %get3A_260 = arith.index_cast %add3A_232 : i32 to index
        %get3A_261 = tpu.vector_load %arg14[%get3A_260] {strides = array<i32>} : memref<512xi32, #tpu.memory_space<vmem>>, vector<16xi32>,
        %broadcast_in_dim3A_262 = arith.constant 0 : i32
        %broadcast_in_dim3A_263 = vector.broadcast %broadcast_in_dim3A_262 : i32 to vector<16xi32>
        %add3A_264 = arith.constant 0 : i32
        %add3A_265 = vector.broadcast %add3A_264 : i32 to vector<16xi32>
        %add3A_266 = arith.addi %shift_left3A_241, %add3A_265 : vector<16xi32>
        %gather3A = arith.constant 0 : i32
        %gather3A_267 = arith.constant 0 : i32
        %gather3A_268 = tpu.memref_slice %arg18[%scan3A_210, %gather3A, %gather3A_267] : memref<2x64x128xf32, #tpu.memory_space<vmem>> -> memref<1x64x128xf32, #tpu.memory_space<vmem>>
        %gather3A_269 = tpu.memref_squeeze %gather3A_268 : memref<1x64x128xf32, #tpu.memory_space<vmem>> -> memref<64x128xf32, #tpu.memory_space<vmem>>
        %gather3A_270 = tpu.vector_load_idx %gather3A_269[%add3A_236, %add3A_266] : memref<64x128xf32, #tpu.memory_space<vmem>>[vector<16xi32>, vector<16xi32>], vector<16xf32>,
        %add3A_271 = arith.constant 0 : i32
        %add3A_272 = vector.broadcast %add3A_271 : i32 to vector<16xi32>
        %add3A_273 = arith.addi %shift_left3A_249, %add3A_272 : vector<16xi32>
        %gather3A_274 = arith.constant 0 : i32
        %gather3A_275 = arith.constant 0 : i32
        %gather3A_276 = tpu.memref_slice %arg19[%scan3A_211, %gather3A_274, %gather3A_275] : memref<2x64x128xf32, #tpu.memory_space<vmem>> -> memref<1x64x128xf32, #tpu.memory_space<vmem>>
        %gather3A_277 = tpu.memref_squeeze %gather3A_276 : memref<1x64x128xf32, #tpu.memory_space<vmem>> -> memref<64x128xf32, #tpu.memory_space<vmem>>
        %gather3A_278 = tpu.vector_load_idx %gather3A_277[%add3A_236, %add3A_273] : memref<64x128xf32, #tpu.memory_space<vmem>>[vector<16xi32>, vector<16xi32>], vector<16xf32>,
        %add3A_279 = arith.constant 0 : i32
        %add3A_280 = vector.broadcast %add3A_279 : i32 to vector<16xi32>
        %add3A_281 = arith.addi %shift_left3A_257, %add3A_280 : vector<16xi32>
        %gather3A_282 = arith.constant 0 : i32
        %gather3A_283 = arith.constant 0 : i32
        %gather3A_284 = tpu.memref_slice %arg20[%scan3A_212, %gather3A_282, %gather3A_283] : memref<2x64x128xf32, #tpu.memory_space<vmem>> -> memref<1x64x128xf32, #tpu.memory_space<vmem>>
        %gather3A_285 = tpu.memref_squeeze %gather3A_284 : memref<1x64x128xf32, #tpu.memory_space<vmem>> -> memref<64x128xf32, #tpu.memory_space<vmem>>
        %gather3A_286 = tpu.vector_load_idx %gather3A_285[%add3A_236, %add3A_281] : memref<64x128xf32, #tpu.memory_space<vmem>>[vector<16xi32>, vector<16xi32>], vector<16xf32>,
        %gather3A_287 = tpu.vector_load_idx %arg21[%broadcast_in_dim3A_263, %get3A_259] : memref<32x1000xf32, #tpu.memory_space<vmem>>[vector<16xi32>, vector<16xi32>], vector<16xf32>,
        %gather3A_288 = tpu.vector_load_idx %arg21[%broadcast_in_dim3A_263, %get3A_261] : memref<32x1000xf32, #tpu.memory_space<vmem>>[vector<16xi32>, vector<16xi32>], vector<16xf32>,
        %add3A_289 = arith.addf %gather3A_270, %gather3A_287 : vector<16xf32>
        %sub3A = arith.subf %add3A_289, %gather3A_278 : vector<16xf32>
        %abs3A = math.absf %sub3A : vector<16xf32>
        %add3A_290 = arith.addf %broadcast_in_dim3A_89, %abs3A : vector<16xf32>
        %add3A_291 = arith.addf %gather3A_286, %gather3A_288 : vector<16xf32>
        %sub3A_292 = arith.subf %add3A_291, %gather3A_278 : vector<16xf32>
        %abs3A_293 = math.absf %sub3A_292 : vector<16xf32>
        %add3A_294 = arith.addf %broadcast_in_dim3A_89, %abs3A_293 : vector<16xf32>
        %broadcast_in_dim3A_295 = arith.constant 1 : i32
        %broadcast_in_dim3A_296 = vector.broadcast %broadcast_in_dim3A_295 : i32 to vector<16xi32>
        %add3A_297 = arith.constant 1 : i32
        %add3A_298 = vector.broadcast %add3A_297 : i32 to vector<16xi32>
        %add3A_299 = arith.addi %shift_left3A_241, %add3A_298 : vector<16xi32>
        %gather3A_300 = arith.constant 0 : i32
        %gather3A_301 = arith.constant 0 : i32
        %gather3A_302 = tpu.memref_slice %arg18[%scan3A_210, %gather3A_300, %gather3A_301] : memref<2x64x128xf32, #tpu.memory_space<vmem>> -> memref<1x64x128xf32, #tpu.memory_space<vmem>>
        %gather3A_303 = tpu.memref_squeeze %gather3A_302 : memref<1x64x128xf32, #tpu.memory_space<vmem>> -> memref<64x128xf32, #tpu.memory_space<vmem>>
        %gather3A_304 = tpu.vector_load_idx %gather3A_303[%add3A_236, %add3A_299] : memref<64x128xf32, #tpu.memory_space<vmem>>[vector<16xi32>, vector<16xi32>], vector<16xf32>,
        %add3A_305 = arith.constant 1 : i32
        %add3A_306 = vector.broadcast %add3A_305 : i32 to vector<16xi32>
        %add3A_307 = arith.addi %shift_left3A_249, %add3A_306 : vector<16xi32>
        %gather3A_308 = arith.constant 0 : i32
        %gather3A_309 = arith.constant 0 : i32
        %gather3A_310 = tpu.memref_slice %arg19[%scan3A_211, %gather3A_308, %gather3A_309] : memref<2x64x128xf32, #tpu.memory_space<vmem>> -> memref<1x64x128xf32, #tpu.memory_space<vmem>>
        %gather3A_311 = tpu.memref_squeeze %gather3A_310 : memref<1x64x128xf32, #tpu.memory_space<vmem>> -> memref<64x128xf32, #tpu.memory_space<vmem>>
        %gather3A_312 = tpu.vector_load_idx %gather3A_311[%add3A_236, %add3A_307] : memref<64x128xf32, #tpu.memory_space<vmem>>[vector<16xi32>, vector<16xi32>], vector<16xf32>,
        %add3A_313 = arith.constant 1 : i32
        %add3A_314 = vector.broadcast %add3A_313 : i32 to vector<16xi32>
        %add3A_315 = arith.addi %shift_left3A_257, %add3A_314 : vector<16xi32>
        %gather3A_316 = arith.constant 0 : i32
        %gather3A_317 = arith.constant 0 : i32
        %gather3A_318 = tpu.memref_slice %arg20[%scan3A_212, %gather3A_316, %gather3A_317] : memref<2x64x128xf32, #tpu.memory_space<vmem>> -> memref<1x64x128xf32, #tpu.memory_space<vmem>>
        %gather3A_319 = tpu.memref_squeeze %gather3A_318 : memref<1x64x128xf32, #tpu.memory_space<vmem>> -> memref<64x128xf32, #tpu.memory_space<vmem>>
        %gather3A_320 = tpu.vector_load_idx %gather3A_319[%add3A_236, %add3A_315] : memref<64x128xf32, #tpu.memory_space<vmem>>[vector<16xi32>, vector<16xi32>], vector<16xf32>,
        %gather3A_321 = tpu.vector_load_idx %arg21[%broadcast_in_dim3A_296, %get3A_259] : memref<32x1000xf32, #tpu.memory_space<vmem>>[vector<16xi32>, vector<16xi32>], vector<16xf32>,
        %gather3A_322 = tpu.vector_load_idx %arg21[%broadcast_in_dim3A_296, %get3A_261] : memref<32x1000xf32, #tpu.memory_space<vmem>>[vector<16xi32>, vector<16xi32>], vector<16xf32>,
        %add3A_323 = arith.addf %gather3A_304, %gather3A_321 : vector<16xf32>
        %sub3A_324 = arith.subf %add3A_323, %gather3A_312 : vector<16xf32>
        %abs3A_325 = math.absf %sub3A_324 : vector<16xf32>
        %add3A_326 = arith.addf %add3A_290, %abs3A_325 : vector<16xf32>
        %add3A_327 = arith.addf %gather3A_320, %gather3A_322 : vector<16xf32>
        %sub3A_328 = arith.subf %add3A_327, %gather3A_312 : vector<16xf32>
        %abs3A_329 = math.absf %sub3A_328 : vector<16xf32>
        %add3A_330 = arith.addf %add3A_294, %abs3A_329 : vector<16xf32>
        %broadcast_in_dim3A_331 = arith.constant 2 : i32
        %broadcast_in_dim3A_332 = vector.broadcast %broadcast_in_dim3A_331 : i32 to vector<16xi32>
        %add3A_333 = arith.constant 2 : i32
        %add3A_334 = vector.broadcast %add3A_333 : i32 to vector<16xi32>
        %add3A_335 = arith.addi %shift_left3A_241, %add3A_334 : vector<16xi32>
        %gather3A_336 = arith.constant 0 : i32
        %gather3A_337 = arith.constant 0 : i32
        %gather3A_338 = tpu.memref_slice %arg18[%scan3A_210, %gather3A_336, %gather3A_337] : memref<2x64x128xf32, #tpu.memory_space<vmem>> -> memref<1x64x128xf32, #tpu.memory_space<vmem>>
        %gather3A_339 = tpu.memref_squeeze %gather3A_338 : memref<1x64x128xf32, #tpu.memory_space<vmem>> -> memref<64x128xf32, #tpu.memory_space<vmem>>
        %gather3A_340 = tpu.vector_load_idx %gather3A_339[%add3A_236, %add3A_335] : memref<64x128xf32, #tpu.memory_space<vmem>>[vector<16xi32>, vector<16xi32>], vector<16xf32>,
        %add3A_341 = arith.constant 2 : i32
        %add3A_342 = vector.broadcast %add3A_341 : i32 to vector<16xi32>
        %add3A_343 = arith.addi %shift_left3A_249, %add3A_342 : vector<16xi32>
        %gather3A_344 = arith.constant 0 : i32
        %gather3A_345 = arith.constant 0 : i32
        %gather3A_346 = tpu.memref_slice %arg19[%scan3A_211, %gather3A_344, %gather3A_345] : memref<2x64x128xf32, #tpu.memory_space<vmem>> -> memref<1x64x128xf32, #tpu.memory_space<vmem>>
        %gather3A_347 = tpu.memref_squeeze %gather3A_346 : memref<1x64x128xf32, #tpu.memory_space<vmem>> -> memref<64x128xf32, #tpu.memory_space<vmem>>
        %gather3A_348 = tpu.vector_load_idx %gather3A_347[%add3A_236, %add3A_343] : memref<64x128xf32, #tpu.memory_space<vmem>>[vector<16xi32>, vector<16xi32>], vector<16xf32>,
        %add3A_349 = arith.constant 2 : i32
        %add3A_350 = vector.broadcast %add3A_349 : i32 to vector<16xi32>
        %add3A_351 = arith.addi %shift_left3A_257, %add3A_350 : vector<16xi32>
        %gather3A_352 = arith.constant 0 : i32
        %gather3A_353 = arith.constant 0 : i32
        %gather3A_354 = tpu.memref_slice %arg20[%scan3A_212, %gather3A_352, %gather3A_353] : memref<2x64x128xf32, #tpu.memory_space<vmem>> -> memref<1x64x128xf32, #tpu.memory_space<vmem>>
        %gather3A_355 = tpu.memref_squeeze %gather3A_354 : memref<1x64x128xf32, #tpu.memory_space<vmem>> -> memref<64x128xf32, #tpu.memory_space<vmem>>
        %gather3A_356 = tpu.vector_load_idx %gather3A_355[%add3A_236, %add3A_351] : memref<64x128xf32, #tpu.memory_space<vmem>>[vector<16xi32>, vector<16xi32>], vector<16xf32>,
        %gather3A_357 = tpu.vector_load_idx %arg21[%broadcast_in_dim3A_332, %get3A_259] : memref<32x1000xf32, #tpu.memory_space<vmem>>[vector<16xi32>, vector<16xi32>], vector<16xf32>,
        %gather3A_358 = tpu.vector_load_idx %arg21[%broadcast_in_dim3A_332, %get3A_261] : memref<32x1000xf32, #tpu.memory_space<vmem>>[vector<16xi32>, vector<16xi32>], vector<16xf32>,
        %add3A_359 = arith.addf %gather3A_340, %gather3A_357 : vector<16xf32>
        %sub3A_360 = arith.subf %add3A_359, %gather3A_348 : vector<16xf32>
        %abs3A_361 = math.absf %sub3A_360 : vector<16xf32>
        %add3A_362 = arith.addf %add3A_326, %abs3A_361 : vector<16xf32>
        %add3A_363 = arith.addf %gather3A_356, %gather3A_358 : vector<16xf32>
        %sub3A_364 = arith.subf %add3A_363, %gather3A_348 : vector<16xf32>
        %abs3A_365 = math.absf %sub3A_364 : vector<16xf32>
        %add3A_366 = arith.addf %add3A_330, %abs3A_365 : vector<16xf32>
        %broadcast_in_dim3A_367 = arith.constant 3 : i32
        %broadcast_in_dim3A_368 = vector.broadcast %broadcast_in_dim3A_367 : i32 to vector<16xi32>
        %add3A_369 = arith.constant 3 : i32
        %add3A_370 = vector.broadcast %add3A_369 : i32 to vector<16xi32>
        %add3A_371 = arith.addi %shift_left3A_241, %add3A_370 : vector<16xi32>
        %gather3A_372 = arith.constant 0 : i32
        %gather3A_373 = arith.constant 0 : i32
        %gather3A_374 = tpu.memref_slice %arg18[%scan3A_210, %gather3A_372, %gather3A_373] : memref<2x64x128xf32, #tpu.memory_space<vmem>> -> memref<1x64x128xf32, #tpu.memory_space<vmem>>
        %gather3A_375 = tpu.memref_squeeze %gather3A_374 : memref<1x64x128xf32, #tpu.memory_space<vmem>> -> memref<64x128xf32, #tpu.memory_space<vmem>>
        %gather3A_376 = tpu.vector_load_idx %gather3A_375[%add3A_236, %add3A_371] : memref<64x128xf32, #tpu.memory_space<vmem>>[vector<16xi32>, vector<16xi32>], vector<16xf32>,
        %add3A_377 = arith.constant 3 : i32
        %add3A_378 = vector.broadcast %add3A_377 : i32 to vector<16xi32>
        %add3A_379 = arith.addi %shift_left3A_249, %add3A_378 : vector<16xi32>
        %gather3A_380 = arith.constant 0 : i32
        %gather3A_381 = arith.constant 0 : i32
        %gather3A_382 = tpu.memref_slice %arg19[%scan3A_211, %gather3A_380, %gather3A_381] : memref<2x64x128xf32, #tpu.memory_space<vmem>> -> memref<1x64x128xf32, #tpu.memory_space<vmem>>
        %gather3A_383 = tpu.memref_squeeze %gather3A_382 : memref<1x64x128xf32, #tpu.memory_space<vmem>> -> memref<64x128xf32, #tpu.memory_space<vmem>>
        %gather3A_384 = tpu.vector_load_idx %gather3A_383[%add3A_236, %add3A_379] : memref<64x128xf32, #tpu.memory_space<vmem>>[vector<16xi32>, vector<16xi32>], vector<16xf32>,
        %add3A_385 = arith.constant 3 : i32
        %add3A_386 = vector.broadcast %add3A_385 : i32 to vector<16xi32>
        %add3A_387 = arith.addi %shift_left3A_257, %add3A_386 : vector<16xi32>
        %gather3A_388 = arith.constant 0 : i32
        %gather3A_389 = arith.constant 0 : i32
        %gather3A_390 = tpu.memref_slice %arg20[%scan3A_212, %gather3A_388, %gather3A_389] : memref<2x64x128xf32, #tpu.memory_space<vmem>> -> memref<1x64x128xf32, #tpu.memory_space<vmem>>
        %gather3A_391 = tpu.memref_squeeze %gather3A_390 : memref<1x64x128xf32, #tpu.memory_space<vmem>> -> memref<64x128xf32, #tpu.memory_space<vmem>>
        %gather3A_392 = tpu.vector_load_idx %gather3A_391[%add3A_236, %add3A_387] : memref<64x128xf32, #tpu.memory_space<vmem>>[vector<16xi32>, vector<16xi32>], vector<16xf32>,
        %gather3A_393 = tpu.vector_load_idx %arg21[%broadcast_in_dim3A_368, %get3A_259] : memref<32x1000xf32, #tpu.memory_space<vmem>>[vector<16xi32>, vector<16xi32>], vector<16xf32>,
        %gather3A_394 = tpu.vector_load_idx %arg21[%broadcast_in_dim3A_368, %get3A_261] : memref<32x1000xf32, #tpu.memory_space<vmem>>[vector<16xi32>, vector<16xi32>], vector<16xf32>,
        %add3A_395 = arith.addf %gather3A_376, %gather3A_393 : vector<16xf32>
        %sub3A_396 = arith.subf %add3A_395, %gather3A_384 : vector<16xf32>
        %abs3A_397 = math.absf %sub3A_396 : vector<16xf32>
        %add3A_398 = arith.addf %add3A_362, %abs3A_397 : vector<16xf32>
        %add3A_399 = arith.addf %gather3A_392, %gather3A_394 : vector<16xf32>
        %sub3A_400 = arith.subf %add3A_399, %gather3A_384 : vector<16xf32>
        %abs3A_401 = math.absf %sub3A_400 : vector<16xf32>
        %add3A_402 = arith.addf %add3A_366, %abs3A_401 : vector<16xf32>
        %broadcast_in_dim3A_403 = arith.constant 4 : i32
        %broadcast_in_dim3A_404 = vector.broadcast %broadcast_in_dim3A_403 : i32 to vector<16xi32>
        %add3A_405 = arith.constant 4 : i32
        %add3A_406 = vector.broadcast %add3A_405 : i32 to vector<16xi32>
        %add3A_407 = arith.addi %shift_left3A_241, %add3A_406 : vector<16xi32>
        %gather3A_408 = arith.constant 0 : i32
        %gather3A_409 = arith.constant 0 : i32
        %gather3A_410 = tpu.memref_slice %arg18[%scan3A_210, %gather3A_408, %gather3A_409] : memref<2x64x128xf32, #tpu.memory_space<vmem>> -> memref<1x64x128xf32, #tpu.memory_space<vmem>>
        %gather3A_411 = tpu.memref_squeeze %gather3A_410 : memref<1x64x128xf32, #tpu.memory_space<vmem>> -> memref<64x128xf32, #tpu.memory_space<vmem>>
        %gather3A_412 = tpu.vector_load_idx %gather3A_411[%add3A_236, %add3A_407] : memref<64x128xf32, #tpu.memory_space<vmem>>[vector<16xi32>, vector<16xi32>], vector<16xf32>,
        %add3A_413 = arith.constant 4 : i32
        %add3A_414 = vector.broadcast %add3A_413 : i32 to vector<16xi32>
        %add3A_415 = arith.addi %shift_left3A_249, %add3A_414 : vector<16xi32>
        %gather3A_416 = arith.constant 0 : i32
        %gather3A_417 = arith.constant 0 : i32
        %gather3A_418 = tpu.memref_slice %arg19[%scan3A_211, %gather3A_416, %gather3A_417] : memref<2x64x128xf32, #tpu.memory_space<vmem>> -> memref<1x64x128xf32, #tpu.memory_space<vmem>>
        %gather3A_419 = tpu.memref_squeeze %gather3A_418 : memref<1x64x128xf32, #tpu.memory_space<vmem>> -> memref<64x128xf32, #tpu.memory_space<vmem>>
        %gather3A_420 = tpu.vector_load_idx %gather3A_419[%add3A_236, %add3A_415] : memref<64x128xf32, #tpu.memory_space<vmem>>[vector<16xi32>, vector<16xi32>], vector<16xf32>,
        %add3A_421 = arith.constant 4 : i32
        %add3A_422 = vector.broadcast %add3A_421 : i32 to vector<16xi32>
        %add3A_423 = arith.addi %shift_left3A_257, %add3A_422 : vector<16xi32>
        %gather3A_424 = arith.constant 0 : i32
        %gather3A_425 = arith.constant 0 : i32
        %gather3A_426 = tpu.memref_slice %arg20[%scan3A_212, %gather3A_424, %gather3A_425] : memref<2x64x128xf32, #tpu.memory_space<vmem>> -> memref<1x64x128xf32, #tpu.memory_space<vmem>>
        %gather3A_427 = tpu.memref_squeeze %gather3A_426 : memref<1x64x128xf32, #tpu.memory_space<vmem>> -> memref<64x128xf32, #tpu.memory_space<vmem>>
        %gather3A_428 = tpu.vector_load_idx %gather3A_427[%add3A_236, %add3A_423] : memref<64x128xf32, #tpu.memory_space<vmem>>[vector<16xi32>, vector<16xi32>], vector<16xf32>,
        %gather3A_429 = tpu.vector_load_idx %arg21[%broadcast_in_dim3A_404, %get3A_259] : memref<32x1000xf32, #tpu.memory_space<vmem>>[vector<16xi32>, vector<16xi32>], vector<16xf32>,
        %gather3A_430 = tpu.vector_load_idx %arg21[%broadcast_in_dim3A_404, %get3A_261] : memref<32x1000xf32, #tpu.memory_space<vmem>>[vector<16xi32>, vector<16xi32>], vector<16xf32>,
        %add3A_431 = arith.addf %gather3A_412, %gather3A_429 : vector<16xf32>
        %sub3A_432 = arith.subf %add3A_431, %gather3A_420 : vector<16xf32>
        %abs3A_433 = math.absf %sub3A_432 : vector<16xf32>
        %add3A_434 = arith.addf %add3A_398, %abs3A_433 : vector<16xf32>
        %add3A_435 = arith.addf %gather3A_428, %gather3A_430 : vector<16xf32>
        %sub3A_436 = arith.subf %add3A_435, %gather3A_420 : vector<16xf32>
        %abs3A_437 = math.absf %sub3A_436 : vector<16xf32>
        %add3A_438 = arith.addf %add3A_402, %abs3A_437 : vector<16xf32>
        %broadcast_in_dim3A_439 = arith.constant 5 : i32
        %broadcast_in_dim3A_440 = vector.broadcast %broadcast_in_dim3A_439 : i32 to vector<16xi32>
        %add3A_441 = arith.constant 5 : i32
        %add3A_442 = vector.broadcast %add3A_441 : i32 to vector<16xi32>
        %add3A_443 = arith.addi %shift_left3A_241, %add3A_442 : vector<16xi32>
        %gather3A_444 = arith.constant 0 : i32
        %gather3A_445 = arith.constant 0 : i32
        %gather3A_446 = tpu.memref_slice %arg18[%scan3A_210, %gather3A_444, %gather3A_445] : memref<2x64x128xf32, #tpu.memory_space<vmem>> -> memref<1x64x128xf32, #tpu.memory_space<vmem>>
        %gather3A_447 = tpu.memref_squeeze %gather3A_446 : memref<1x64x128xf32, #tpu.memory_space<vmem>> -> memref<64x128xf32, #tpu.memory_space<vmem>>
        %gather3A_448 = tpu.vector_load_idx %gather3A_447[%add3A_236, %add3A_443] : memref<64x128xf32, #tpu.memory_space<vmem>>[vector<16xi32>, vector<16xi32>], vector<16xf32>,
        %add3A_449 = arith.constant 5 : i32
        %add3A_450 = vector.broadcast %add3A_449 : i32 to vector<16xi32>
        %add3A_451 = arith.addi %shift_left3A_249, %add3A_450 : vector<16xi32>
        %gather3A_452 = arith.constant 0 : i32
        %gather3A_453 = arith.constant 0 : i32
        %gather3A_454 = tpu.memref_slice %arg19[%scan3A_211, %gather3A_452, %gather3A_453] : memref<2x64x128xf32, #tpu.memory_space<vmem>> -> memref<1x64x128xf32, #tpu.memory_space<vmem>>
        %gather3A_455 = tpu.memref_squeeze %gather3A_454 : memref<1x64x128xf32, #tpu.memory_space<vmem>> -> memref<64x128xf32, #tpu.memory_space<vmem>>
        %gather3A_456 = tpu.vector_load_idx %gather3A_455[%add3A_236, %add3A_451] : memref<64x128xf32, #tpu.memory_space<vmem>>[vector<16xi32>, vector<16xi32>], vector<16xf32>,
        %add3A_457 = arith.constant 5 : i32
        %add3A_458 = vector.broadcast %add3A_457 : i32 to vector<16xi32>
        %add3A_459 = arith.addi %shift_left3A_257, %add3A_458 : vector<16xi32>
        %gather3A_460 = arith.constant 0 : i32
        %gather3A_461 = arith.constant 0 : i32
        %gather3A_462 = tpu.memref_slice %arg20[%scan3A_212, %gather3A_460, %gather3A_461] : memref<2x64x128xf32, #tpu.memory_space<vmem>> -> memref<1x64x128xf32, #tpu.memory_space<vmem>>
        %gather3A_463 = tpu.memref_squeeze %gather3A_462 : memref<1x64x128xf32, #tpu.memory_space<vmem>> -> memref<64x128xf32, #tpu.memory_space<vmem>>
        %gather3A_464 = tpu.vector_load_idx %gather3A_463[%add3A_236, %add3A_459] : memref<64x128xf32, #tpu.memory_space<vmem>>[vector<16xi32>, vector<16xi32>], vector<16xf32>,
        %gather3A_465 = tpu.vector_load_idx %arg21[%broadcast_in_dim3A_440, %get3A_259] : memref<32x1000xf32, #tpu.memory_space<vmem>>[vector<16xi32>, vector<16xi32>], vector<16xf32>,
        %gather3A_466 = tpu.vector_load_idx %arg21[%broadcast_in_dim3A_440, %get3A_261] : memref<32x1000xf32, #tpu.memory_space<vmem>>[vector<16xi32>, vector<16xi32>], vector<16xf32>,
        %add3A_467 = arith.addf %gather3A_448, %gather3A_465 : vector<16xf32>
        %sub3A_468 = arith.subf %add3A_467, %gather3A_456 : vector<16xf32>
        %abs3A_469 = math.absf %sub3A_468 : vector<16xf32>
        %add3A_470 = arith.addf %add3A_434, %abs3A_469 : vector<16xf32>
        %add3A_471 = arith.addf %gather3A_464, %gather3A_466 : vector<16xf32>
        %sub3A_472 = arith.subf %add3A_471, %gather3A_456 : vector<16xf32>
        %abs3A_473 = math.absf %sub3A_472 : vector<16xf32>
        %add3A_474 = arith.addf %add3A_438, %abs3A_473 : vector<16xf32>
        %broadcast_in_dim3A_475 = arith.constant 6 : i32
        %broadcast_in_dim3A_476 = vector.broadcast %broadcast_in_dim3A_475 : i32 to vector<16xi32>
        %add3A_477 = arith.constant 6 : i32
        %add3A_478 = vector.broadcast %add3A_477 : i32 to vector<16xi32>
        %add3A_479 = arith.addi %shift_left3A_241, %add3A_478 : vector<16xi32>
        %gather3A_480 = arith.constant 0 : i32
        %gather3A_481 = arith.constant 0 : i32
        %gather3A_482 = tpu.memref_slice %arg18[%scan3A_210, %gather3A_480, %gather3A_481] : memref<2x64x128xf32, #tpu.memory_space<vmem>> -> memref<1x64x128xf32, #tpu.memory_space<vmem>>
        %gather3A_483 = tpu.memref_squeeze %gather3A_482 : memref<1x64x128xf32, #tpu.memory_space<vmem>> -> memref<64x128xf32, #tpu.memory_space<vmem>>
        %gather3A_484 = tpu.vector_load_idx %gather3A_483[%add3A_236, %add3A_479] : memref<64x128xf32, #tpu.memory_space<vmem>>[vector<16xi32>, vector<16xi32>], vector<16xf32>,
        %add3A_485 = arith.constant 6 : i32
        %add3A_486 = vector.broadcast %add3A_485 : i32 to vector<16xi32>
        %add3A_487 = arith.addi %shift_left3A_249, %add3A_486 : vector<16xi32>
        %gather3A_488 = arith.constant 0 : i32
        %gather3A_489 = arith.constant 0 : i32
        %gather3A_490 = tpu.memref_slice %arg19[%scan3A_211, %gather3A_488, %gather3A_489] : memref<2x64x128xf32, #tpu.memory_space<vmem>> -> memref<1x64x128xf32, #tpu.memory_space<vmem>>
        %gather3A_491 = tpu.memref_squeeze %gather3A_490 : memref<1x64x128xf32, #tpu.memory_space<vmem>> -> memref<64x128xf32, #tpu.memory_space<vmem>>
        %gather3A_492 = tpu.vector_load_idx %gather3A_491[%add3A_236, %add3A_487] : memref<64x128xf32, #tpu.memory_space<vmem>>[vector<16xi32>, vector<16xi32>], vector<16xf32>,
        %add3A_493 = arith.constant 6 : i32
        %add3A_494 = vector.broadcast %add3A_493 : i32 to vector<16xi32>
        %add3A_495 = arith.addi %shift_left3A_257, %add3A_494 : vector<16xi32>
        %gather3A_496 = arith.constant 0 : i32
        %gather3A_497 = arith.constant 0 : i32
        %gather3A_498 = tpu.memref_slice %arg20[%scan3A_212, %gather3A_496, %gather3A_497] : memref<2x64x128xf32, #tpu.memory_space<vmem>> -> memref<1x64x128xf32, #tpu.memory_space<vmem>>
        %gather3A_499 = tpu.memref_squeeze %gather3A_498 : memref<1x64x128xf32, #tpu.memory_space<vmem>> -> memref<64x128xf32, #tpu.memory_space<vmem>>
        %gather3A_500 = tpu.vector_load_idx %gather3A_499[%add3A_236, %add3A_495] : memref<64x128xf32, #tpu.memory_space<vmem>>[vector<16xi32>, vector<16xi32>], vector<16xf32>,
        %gather3A_501 = tpu.vector_load_idx %arg21[%broadcast_in_dim3A_476, %get3A_259] : memref<32x1000xf32, #tpu.memory_space<vmem>>[vector<16xi32>, vector<16xi32>], vector<16xf32>,
        %gather3A_502 = tpu.vector_load_idx %arg21[%broadcast_in_dim3A_476, %get3A_261] : memref<32x1000xf32, #tpu.memory_space<vmem>>[vector<16xi32>, vector<16xi32>], vector<16xf32>,
        %add3A_503 = arith.addf %gather3A_484, %gather3A_501 : vector<16xf32>
        %sub3A_504 = arith.subf %add3A_503, %gather3A_492 : vector<16xf32>
        %abs3A_505 = math.absf %sub3A_504 : vector<16xf32>
        %add3A_506 = arith.addf %add3A_470, %abs3A_505 : vector<16xf32>
        %add3A_507 = arith.addf %gather3A_500, %gather3A_502 : vector<16xf32>
        %sub3A_508 = arith.subf %add3A_507, %gather3A_492 : vector<16xf32>
        %abs3A_509 = math.absf %sub3A_508 : vector<16xf32>
        %add3A_510 = arith.addf %add3A_474, %abs3A_509 : vector<16xf32>
        %broadcast_in_dim3A_511 = arith.constant 7 : i32
        %broadcast_in_dim3A_512 = vector.broadcast %broadcast_in_dim3A_511 : i32 to vector<16xi32>
        %add3A_513 = arith.constant 7 : i32
        %add3A_514 = vector.broadcast %add3A_513 : i32 to vector<16xi32>
        %add3A_515 = arith.addi %shift_left3A_241, %add3A_514 : vector<16xi32>
        %gather3A_516 = arith.constant 0 : i32
        %gather3A_517 = arith.constant 0 : i32
        %gather3A_518 = tpu.memref_slice %arg18[%scan3A_210, %gather3A_516, %gather3A_517] : memref<2x64x128xf32, #tpu.memory_space<vmem>> -> memref<1x64x128xf32, #tpu.memory_space<vmem>>
        %gather3A_519 = tpu.memref_squeeze %gather3A_518 : memref<1x64x128xf32, #tpu.memory_space<vmem>> -> memref<64x128xf32, #tpu.memory_space<vmem>>
        %gather3A_520 = tpu.vector_load_idx %gather3A_519[%add3A_236, %add3A_515] : memref<64x128xf32, #tpu.memory_space<vmem>>[vector<16xi32>, vector<16xi32>], vector<16xf32>,
        %add3A_521 = arith.constant 7 : i32
        %add3A_522 = vector.broadcast %add3A_521 : i32 to vector<16xi32>
        %add3A_523 = arith.addi %shift_left3A_249, %add3A_522 : vector<16xi32>
        %gather3A_524 = arith.constant 0 : i32
        %gather3A_525 = arith.constant 0 : i32
        %gather3A_526 = tpu.memref_slice %arg19[%scan3A_211, %gather3A_524, %gather3A_525] : memref<2x64x128xf32, #tpu.memory_space<vmem>> -> memref<1x64x128xf32, #tpu.memory_space<vmem>>
        %gather3A_527 = tpu.memref_squeeze %gather3A_526 : memref<1x64x128xf32, #tpu.memory_space<vmem>> -> memref<64x128xf32, #tpu.memory_space<vmem>>
        %gather3A_528 = tpu.vector_load_idx %gather3A_527[%add3A_236, %add3A_523] : memref<64x128xf32, #tpu.memory_space<vmem>>[vector<16xi32>, vector<16xi32>], vector<16xf32>,
        %add3A_529 = arith.constant 7 : i32
        %add3A_530 = vector.broadcast %add3A_529 : i32 to vector<16xi32>
        %add3A_531 = arith.addi %shift_left3A_257, %add3A_530 : vector<16xi32>
        %gather3A_532 = arith.constant 0 : i32
        %gather3A_533 = arith.constant 0 : i32
        %gather3A_534 = tpu.memref_slice %arg20[%scan3A_212, %gather3A_532, %gather3A_533] : memref<2x64x128xf32, #tpu.memory_space<vmem>> -> memref<1x64x128xf32, #tpu.memory_space<vmem>>
        %gather3A_535 = tpu.memref_squeeze %gather3A_534 : memref<1x64x128xf32, #tpu.memory_space<vmem>> -> memref<64x128xf32, #tpu.memory_space<vmem>>
        %gather3A_536 = tpu.vector_load_idx %gather3A_535[%add3A_236, %add3A_531] : memref<64x128xf32, #tpu.memory_space<vmem>>[vector<16xi32>, vector<16xi32>], vector<16xf32>,
        %gather3A_537 = tpu.vector_load_idx %arg21[%broadcast_in_dim3A_512, %get3A_259] : memref<32x1000xf32, #tpu.memory_space<vmem>>[vector<16xi32>, vector<16xi32>], vector<16xf32>,
        %gather3A_538 = tpu.vector_load_idx %arg21[%broadcast_in_dim3A_512, %get3A_261] : memref<32x1000xf32, #tpu.memory_space<vmem>>[vector<16xi32>, vector<16xi32>], vector<16xf32>,
        %add3A_539 = arith.addf %gather3A_520, %gather3A_537 : vector<16xf32>
        %sub3A_540 = arith.subf %add3A_539, %gather3A_528 : vector<16xf32>
        %abs3A_541 = math.absf %sub3A_540 : vector<16xf32>
        %add3A_542 = arith.addf %add3A_506, %abs3A_541 : vector<16xf32>
        %add3A_543 = arith.addf %gather3A_536, %gather3A_538 : vector<16xf32>
        %sub3A_544 = arith.subf %add3A_543, %gather3A_528 : vector<16xf32>
        %abs3A_545 = math.absf %sub3A_544 : vector<16xf32>
        %add3A_546 = arith.addf %add3A_510, %abs3A_545 : vector<16xf32>
        %broadcast_in_dim3A_547 = arith.constant 8 : i32
        %broadcast_in_dim3A_548 = vector.broadcast %broadcast_in_dim3A_547 : i32 to vector<16xi32>
        %add3A_549 = arith.constant 8 : i32
        %add3A_550 = vector.broadcast %add3A_549 : i32 to vector<16xi32>
        %add3A_551 = arith.addi %shift_left3A_241, %add3A_550 : vector<16xi32>
        %gather3A_552 = arith.constant 0 : i32
        %gather3A_553 = arith.constant 0 : i32
        %gather3A_554 = tpu.memref_slice %arg18[%scan3A_210, %gather3A_552, %gather3A_553] : memref<2x64x128xf32, #tpu.memory_space<vmem>> -> memref<1x64x128xf32, #tpu.memory_space<vmem>>
        %gather3A_555 = tpu.memref_squeeze %gather3A_554 : memref<1x64x128xf32, #tpu.memory_space<vmem>> -> memref<64x128xf32, #tpu.memory_space<vmem>>
        %gather3A_556 = tpu.vector_load_idx %gather3A_555[%add3A_236, %add3A_551] : memref<64x128xf32, #tpu.memory_space<vmem>>[vector<16xi32>, vector<16xi32>], vector<16xf32>,
        %add3A_557 = arith.constant 8 : i32
        %add3A_558 = vector.broadcast %add3A_557 : i32 to vector<16xi32>
        %add3A_559 = arith.addi %shift_left3A_249, %add3A_558 : vector<16xi32>
        %gather3A_560 = arith.constant 0 : i32
        %gather3A_561 = arith.constant 0 : i32
        %gather3A_562 = tpu.memref_slice %arg19[%scan3A_211, %gather3A_560, %gather3A_561] : memref<2x64x128xf32, #tpu.memory_space<vmem>> -> memref<1x64x128xf32, #tpu.memory_space<vmem>>
        %gather3A_563 = tpu.memref_squeeze %gather3A_562 : memref<1x64x128xf32, #tpu.memory_space<vmem>> -> memref<64x128xf32, #tpu.memory_space<vmem>>
        %gather3A_564 = tpu.vector_load_idx %gather3A_563[%add3A_236, %add3A_559] : memref<64x128xf32, #tpu.memory_space<vmem>>[vector<16xi32>, vector<16xi32>], vector<16xf32>,
        %add3A_565 = arith.constant 8 : i32
        %add3A_566 = vector.broadcast %add3A_565 : i32 to vector<16xi32>
        %add3A_567 = arith.addi %shift_left3A_257, %add3A_566 : vector<16xi32>
        %gather3A_568 = arith.constant 0 : i32
        %gather3A_569 = arith.constant 0 : i32
        %gather3A_570 = tpu.memref_slice %arg20[%scan3A_212, %gather3A_568, %gather3A_569] : memref<2x64x128xf32, #tpu.memory_space<vmem>> -> memref<1x64x128xf32, #tpu.memory_space<vmem>>
        %gather3A_571 = tpu.memref_squeeze %gather3A_570 : memref<1x64x128xf32, #tpu.memory_space<vmem>> -> memref<64x128xf32, #tpu.memory_space<vmem>>
        %gather3A_572 = tpu.vector_load_idx %gather3A_571[%add3A_236, %add3A_567] : memref<64x128xf32, #tpu.memory_space<vmem>>[vector<16xi32>, vector<16xi32>], vector<16xf32>,
        %gather3A_573 = tpu.vector_load_idx %arg21[%broadcast_in_dim3A_548, %get3A_259] : memref<32x1000xf32, #tpu.memory_space<vmem>>[vector<16xi32>, vector<16xi32>], vector<16xf32>,
        %gather3A_574 = tpu.vector_load_idx %arg21[%broadcast_in_dim3A_548, %get3A_261] : memref<32x1000xf32, #tpu.memory_space<vmem>>[vector<16xi32>, vector<16xi32>], vector<16xf32>,
        %add3A_575 = arith.addf %gather3A_556, %gather3A_573 : vector<16xf32>
        %sub3A_576 = arith.subf %add3A_575, %gather3A_564 : vector<16xf32>
        %abs3A_577 = math.absf %sub3A_576 : vector<16xf32>
        %add3A_578 = arith.addf %add3A_542, %abs3A_577 : vector<16xf32>
        %add3A_579 = arith.addf %gather3A_572, %gather3A_574 : vector<16xf32>
        %sub3A_580 = arith.subf %add3A_579, %gather3A_564 : vector<16xf32>
        %abs3A_581 = math.absf %sub3A_580 : vector<16xf32>
        %add3A_582 = arith.addf %add3A_546, %abs3A_581 : vector<16xf32>
        %broadcast_in_dim3A_583 = arith.constant 9 : i32
        %broadcast_in_dim3A_584 = vector.broadcast %broadcast_in_dim3A_583 : i32 to vector<16xi32>
        %add3A_585 = arith.constant 9 : i32
        %add3A_586 = vector.broadcast %add3A_585 : i32 to vector<16xi32>
        %add3A_587 = arith.addi %shift_left3A_241, %add3A_586 : vector<16xi32>
        %gather3A_588 = arith.constant 0 : i32
        %gather3A_589 = arith.constant 0 : i32
        %gather3A_590 = tpu.memref_slice %arg18[%scan3A_210, %gather3A_588, %gather3A_589] : memref<2x64x128xf32, #tpu.memory_space<vmem>> -> memref<1x64x128xf32, #tpu.memory_space<vmem>>
        %gather3A_591 = tpu.memref_squeeze %gather3A_590 : memref<1x64x128xf32, #tpu.memory_space<vmem>> -> memref<64x128xf32, #tpu.memory_space<vmem>>
        %gather3A_592 = tpu.vector_load_idx %gather3A_591[%add3A_236, %add3A_587] : memref<64x128xf32, #tpu.memory_space<vmem>>[vector<16xi32>, vector<16xi32>], vector<16xf32>,
        %add3A_593 = arith.constant 9 : i32
        %add3A_594 = vector.broadcast %add3A_593 : i32 to vector<16xi32>
        %add3A_595 = arith.addi %shift_left3A_249, %add3A_594 : vector<16xi32>
        %gather3A_596 = arith.constant 0 : i32
        %gather3A_597 = arith.constant 0 : i32
        %gather3A_598 = tpu.memref_slice %arg19[%scan3A_211, %gather3A_596, %gather3A_597] : memref<2x64x128xf32, #tpu.memory_space<vmem>> -> memref<1x64x128xf32, #tpu.memory_space<vmem>>
        %gather3A_599 = tpu.memref_squeeze %gather3A_598 : memref<1x64x128xf32, #tpu.memory_space<vmem>> -> memref<64x128xf32, #tpu.memory_space<vmem>>
        %gather3A_600 = tpu.vector_load_idx %gather3A_599[%add3A_236, %add3A_595] : memref<64x128xf32, #tpu.memory_space<vmem>>[vector<16xi32>, vector<16xi32>], vector<16xf32>,
        %add3A_601 = arith.constant 9 : i32
        %add3A_602 = vector.broadcast %add3A_601 : i32 to vector<16xi32>
        %add3A_603 = arith.addi %shift_left3A_257, %add3A_602 : vector<16xi32>
        %gather3A_604 = arith.constant 0 : i32
        %gather3A_605 = arith.constant 0 : i32
        %gather3A_606 = tpu.memref_slice %arg20[%scan3A_212, %gather3A_604, %gather3A_605] : memref<2x64x128xf32, #tpu.memory_space<vmem>> -> memref<1x64x128xf32, #tpu.memory_space<vmem>>
        %gather3A_607 = tpu.memref_squeeze %gather3A_606 : memref<1x64x128xf32, #tpu.memory_space<vmem>> -> memref<64x128xf32, #tpu.memory_space<vmem>>
        %gather3A_608 = tpu.vector_load_idx %gather3A_607[%add3A_236, %add3A_603] : memref<64x128xf32, #tpu.memory_space<vmem>>[vector<16xi32>, vector<16xi32>], vector<16xf32>,
        %gather3A_609 = tpu.vector_load_idx %arg21[%broadcast_in_dim3A_584, %get3A_259] : memref<32x1000xf32, #tpu.memory_space<vmem>>[vector<16xi32>, vector<16xi32>], vector<16xf32>,
        %gather3A_610 = tpu.vector_load_idx %arg21[%broadcast_in_dim3A_584, %get3A_261] : memref<32x1000xf32, #tpu.memory_space<vmem>>[vector<16xi32>, vector<16xi32>], vector<16xf32>,
        %add3A_611 = arith.addf %gather3A_592, %gather3A_609 : vector<16xf32>
        %sub3A_612 = arith.subf %add3A_611, %gather3A_600 : vector<16xf32>
        %abs3A_613 = math.absf %sub3A_612 : vector<16xf32>
        %add3A_614 = arith.addf %add3A_578, %abs3A_613 : vector<16xf32>
        %add3A_615 = arith.addf %gather3A_608, %gather3A_610 : vector<16xf32>
        %sub3A_616 = arith.subf %add3A_615, %gather3A_600 : vector<16xf32>
        %abs3A_617 = math.absf %sub3A_616 : vector<16xf32>
        %add3A_618 = arith.addf %add3A_582, %abs3A_617 : vector<16xf32>
        %broadcast_in_dim3A_619 = arith.constant 10 : i32
        %broadcast_in_dim3A_620 = vector.broadcast %broadcast_in_dim3A_619 : i32 to vector<16xi32>
        %add3A_621 = arith.constant 10 : i32
        %add3A_622 = vector.broadcast %add3A_621 : i32 to vector<16xi32>
        %add3A_623 = arith.addi %shift_left3A_241, %add3A_622 : vector<16xi32>
        %gather3A_624 = arith.constant 0 : i32
        %gather3A_625 = arith.constant 0 : i32
        %gather3A_626 = tpu.memref_slice %arg18[%scan3A_210, %gather3A_624, %gather3A_625] : memref<2x64x128xf32, #tpu.memory_space<vmem>> -> memref<1x64x128xf32, #tpu.memory_space<vmem>>
        %gather3A_627 = tpu.memref_squeeze %gather3A_626 : memref<1x64x128xf32, #tpu.memory_space<vmem>> -> memref<64x128xf32, #tpu.memory_space<vmem>>
        %gather3A_628 = tpu.vector_load_idx %gather3A_627[%add3A_236, %add3A_623] : memref<64x128xf32, #tpu.memory_space<vmem>>[vector<16xi32>, vector<16xi32>], vector<16xf32>,
        %add3A_629 = arith.constant 10 : i32
        %add3A_630 = vector.broadcast %add3A_629 : i32 to vector<16xi32>
        %add3A_631 = arith.addi %shift_left3A_249, %add3A_630 : vector<16xi32>
        %gather3A_632 = arith.constant 0 : i32
        %gather3A_633 = arith.constant 0 : i32
        %gather3A_634 = tpu.memref_slice %arg19[%scan3A_211, %gather3A_632, %gather3A_633] : memref<2x64x128xf32, #tpu.memory_space<vmem>> -> memref<1x64x128xf32, #tpu.memory_space<vmem>>
        %gather3A_635 = tpu.memref_squeeze %gather3A_634 : memref<1x64x128xf32, #tpu.memory_space<vmem>> -> memref<64x128xf32, #tpu.memory_space<vmem>>
        %gather3A_636 = tpu.vector_load_idx %gather3A_635[%add3A_236, %add3A_631] : memref<64x128xf32, #tpu.memory_space<vmem>>[vector<16xi32>, vector<16xi32>], vector<16xf32>,
        %add3A_637 = arith.constant 10 : i32
        %add3A_638 = vector.broadcast %add3A_637 : i32 to vector<16xi32>
        %add3A_639 = arith.addi %shift_left3A_257, %add3A_638 : vector<16xi32>
        %gather3A_640 = arith.constant 0 : i32
        %gather3A_641 = arith.constant 0 : i32
        %gather3A_642 = tpu.memref_slice %arg20[%scan3A_212, %gather3A_640, %gather3A_641] : memref<2x64x128xf32, #tpu.memory_space<vmem>> -> memref<1x64x128xf32, #tpu.memory_space<vmem>>
        %gather3A_643 = tpu.memref_squeeze %gather3A_642 : memref<1x64x128xf32, #tpu.memory_space<vmem>> -> memref<64x128xf32, #tpu.memory_space<vmem>>
        %gather3A_644 = tpu.vector_load_idx %gather3A_643[%add3A_236, %add3A_639] : memref<64x128xf32, #tpu.memory_space<vmem>>[vector<16xi32>, vector<16xi32>], vector<16xf32>,
        %gather3A_645 = tpu.vector_load_idx %arg21[%broadcast_in_dim3A_620, %get3A_259] : memref<32x1000xf32, #tpu.memory_space<vmem>>[vector<16xi32>, vector<16xi32>], vector<16xf32>,
        %gather3A_646 = tpu.vector_load_idx %arg21[%broadcast_in_dim3A_620, %get3A_261] : memref<32x1000xf32, #tpu.memory_space<vmem>>[vector<16xi32>, vector<16xi32>], vector<16xf32>,
        %add3A_647 = arith.addf %gather3A_628, %gather3A_645 : vector<16xf32>
        %sub3A_648 = arith.subf %add3A_647, %gather3A_636 : vector<16xf32>
        %abs3A_649 = math.absf %sub3A_648 : vector<16xf32>
        %add3A_650 = arith.addf %add3A_614, %abs3A_649 : vector<16xf32>
        %add3A_651 = arith.addf %gather3A_644, %gather3A_646 : vector<16xf32>
        %sub3A_652 = arith.subf %add3A_651, %gather3A_636 : vector<16xf32>
        %abs3A_653 = math.absf %sub3A_652 : vector<16xf32>
        %add3A_654 = arith.addf %add3A_618, %abs3A_653 : vector<16xf32>
        %broadcast_in_dim3A_655 = arith.constant 11 : i32
        %broadcast_in_dim3A_656 = vector.broadcast %broadcast_in_dim3A_655 : i32 to vector<16xi32>
        %add3A_657 = arith.constant 11 : i32
        %add3A_658 = vector.broadcast %add3A_657 : i32 to vector<16xi32>
        %add3A_659 = arith.addi %shift_left3A_241, %add3A_658 : vector<16xi32>
        %gather3A_660 = arith.constant 0 : i32
        %gather3A_661 = arith.constant 0 : i32
        %gather3A_662 = tpu.memref_slice %arg18[%scan3A_210, %gather3A_660, %gather3A_661] : memref<2x64x128xf32, #tpu.memory_space<vmem>> -> memref<1x64x128xf32, #tpu.memory_space<vmem>>
        %gather3A_663 = tpu.memref_squeeze %gather3A_662 : memref<1x64x128xf32, #tpu.memory_space<vmem>> -> memref<64x128xf32, #tpu.memory_space<vmem>>
        %gather3A_664 = tpu.vector_load_idx %gather3A_663[%add3A_236, %add3A_659] : memref<64x128xf32, #tpu.memory_space<vmem>>[vector<16xi32>, vector<16xi32>], vector<16xf32>,
        %add3A_665 = arith.constant 11 : i32
        %add3A_666 = vector.broadcast %add3A_665 : i32 to vector<16xi32>
        %add3A_667 = arith.addi %shift_left3A_249, %add3A_666 : vector<16xi32>
        %gather3A_668 = arith.constant 0 : i32
        %gather3A_669 = arith.constant 0 : i32
        %gather3A_670 = tpu.memref_slice %arg19[%scan3A_211, %gather3A_668, %gather3A_669] : memref<2x64x128xf32, #tpu.memory_space<vmem>> -> memref<1x64x128xf32, #tpu.memory_space<vmem>>
        %gather3A_671 = tpu.memref_squeeze %gather3A_670 : memref<1x64x128xf32, #tpu.memory_space<vmem>> -> memref<64x128xf32, #tpu.memory_space<vmem>>
        %gather3A_672 = tpu.vector_load_idx %gather3A_671[%add3A_236, %add3A_667] : memref<64x128xf32, #tpu.memory_space<vmem>>[vector<16xi32>, vector<16xi32>], vector<16xf32>,
        %add3A_673 = arith.constant 11 : i32
        %add3A_674 = vector.broadcast %add3A_673 : i32 to vector<16xi32>
        %add3A_675 = arith.addi %shift_left3A_257, %add3A_674 : vector<16xi32>
        %gather3A_676 = arith.constant 0 : i32
        %gather3A_677 = arith.constant 0 : i32
        %gather3A_678 = tpu.memref_slice %arg20[%scan3A_212, %gather3A_676, %gather3A_677] : memref<2x64x128xf32, #tpu.memory_space<vmem>> -> memref<1x64x128xf32, #tpu.memory_space<vmem>>
        %gather3A_679 = tpu.memref_squeeze %gather3A_678 : memref<1x64x128xf32, #tpu.memory_space<vmem>> -> memref<64x128xf32, #tpu.memory_space<vmem>>
        %gather3A_680 = tpu.vector_load_idx %gather3A_679[%add3A_236, %add3A_675] : memref<64x128xf32, #tpu.memory_space<vmem>>[vector<16xi32>, vector<16xi32>], vector<16xf32>,
        %gather3A_681 = tpu.vector_load_idx %arg21[%broadcast_in_dim3A_656, %get3A_259] : memref<32x1000xf32, #tpu.memory_space<vmem>>[vector<16xi32>, vector<16xi32>], vector<16xf32>,
        %gather3A_682 = tpu.vector_load_idx %arg21[%broadcast_in_dim3A_656, %get3A_261] : memref<32x1000xf32, #tpu.memory_space<vmem>>[vector<16xi32>, vector<16xi32>], vector<16xf32>,
        %add3A_683 = arith.addf %gather3A_664, %gather3A_681 : vector<16xf32>
        %sub3A_684 = arith.subf %add3A_683, %gather3A_672 : vector<16xf32>
        %abs3A_685 = math.absf %sub3A_684 : vector<16xf32>
        %add3A_686 = arith.addf %add3A_650, %abs3A_685 : vector<16xf32>
        %add3A_687 = arith.addf %gather3A_680, %gather3A_682 : vector<16xf32>
        %sub3A_688 = arith.subf %add3A_687, %gather3A_672 : vector<16xf32>
        %abs3A_689 = math.absf %sub3A_688 : vector<16xf32>
        %add3A_690 = arith.addf %add3A_654, %abs3A_689 : vector<16xf32>
        %broadcast_in_dim3A_691 = arith.constant 12 : i32
        %broadcast_in_dim3A_692 = vector.broadcast %broadcast_in_dim3A_691 : i32 to vector<16xi32>
        %add3A_693 = arith.constant 12 : i32
        %add3A_694 = vector.broadcast %add3A_693 : i32 to vector<16xi32>
        %add3A_695 = arith.addi %shift_left3A_241, %add3A_694 : vector<16xi32>
        %gather3A_696 = arith.constant 0 : i32
        %gather3A_697 = arith.constant 0 : i32
        %gather3A_698 = tpu.memref_slice %arg18[%scan3A_210, %gather3A_696, %gather3A_697] : memref<2x64x128xf32, #tpu.memory_space<vmem>> -> memref<1x64x128xf32, #tpu.memory_space<vmem>>
        %gather3A_699 = tpu.memref_squeeze %gather3A_698 : memref<1x64x128xf32, #tpu.memory_space<vmem>> -> memref<64x128xf32, #tpu.memory_space<vmem>>
        %gather3A_700 = tpu.vector_load_idx %gather3A_699[%add3A_236, %add3A_695] : memref<64x128xf32, #tpu.memory_space<vmem>>[vector<16xi32>, vector<16xi32>], vector<16xf32>,
        %add3A_701 = arith.constant 12 : i32
        %add3A_702 = vector.broadcast %add3A_701 : i32 to vector<16xi32>
        %add3A_703 = arith.addi %shift_left3A_249, %add3A_702 : vector<16xi32>
        %gather3A_704 = arith.constant 0 : i32
        %gather3A_705 = arith.constant 0 : i32
        %gather3A_706 = tpu.memref_slice %arg19[%scan3A_211, %gather3A_704, %gather3A_705] : memref<2x64x128xf32, #tpu.memory_space<vmem>> -> memref<1x64x128xf32, #tpu.memory_space<vmem>>
        %gather3A_707 = tpu.memref_squeeze %gather3A_706 : memref<1x64x128xf32, #tpu.memory_space<vmem>> -> memref<64x128xf32, #tpu.memory_space<vmem>>
        %gather3A_708 = tpu.vector_load_idx %gather3A_707[%add3A_236, %add3A_703] : memref<64x128xf32, #tpu.memory_space<vmem>>[vector<16xi32>, vector<16xi32>], vector<16xf32>,
        %add3A_709 = arith.constant 12 : i32
        %add3A_710 = vector.broadcast %add3A_709 : i32 to vector<16xi32>
        %add3A_711 = arith.addi %shift_left3A_257, %add3A_710 : vector<16xi32>
        %gather3A_712 = arith.constant 0 : i32
        %gather3A_713 = arith.constant 0 : i32
        %gather3A_714 = tpu.memref_slice %arg20[%scan3A_212, %gather3A_712, %gather3A_713] : memref<2x64x128xf32, #tpu.memory_space<vmem>> -> memref<1x64x128xf32, #tpu.memory_space<vmem>>
        %gather3A_715 = tpu.memref_squeeze %gather3A_714 : memref<1x64x128xf32, #tpu.memory_space<vmem>> -> memref<64x128xf32, #tpu.memory_space<vmem>>
        %gather3A_716 = tpu.vector_load_idx %gather3A_715[%add3A_236, %add3A_711] : memref<64x128xf32, #tpu.memory_space<vmem>>[vector<16xi32>, vector<16xi32>], vector<16xf32>,
        %gather3A_717 = tpu.vector_load_idx %arg21[%broadcast_in_dim3A_692, %get3A_259] : memref<32x1000xf32, #tpu.memory_space<vmem>>[vector<16xi32>, vector<16xi32>], vector<16xf32>,
        %gather3A_718 = tpu.vector_load_idx %arg21[%broadcast_in_dim3A_692, %get3A_261] : memref<32x1000xf32, #tpu.memory_space<vmem>>[vector<16xi32>, vector<16xi32>], vector<16xf32>,
        %add3A_719 = arith.addf %gather3A_700, %gather3A_717 : vector<16xf32>
        %sub3A_720 = arith.subf %add3A_719, %gather3A_708 : vector<16xf32>
        %abs3A_721 = math.absf %sub3A_720 : vector<16xf32>
        %add3A_722 = arith.addf %add3A_686, %abs3A_721 : vector<16xf32>
        %add3A_723 = arith.addf %gather3A_716, %gather3A_718 : vector<16xf32>
        %sub3A_724 = arith.subf %add3A_723, %gather3A_708 : vector<16xf32>
        %abs3A_725 = math.absf %sub3A_724 : vector<16xf32>
        %add3A_726 = arith.addf %add3A_690, %abs3A_725 : vector<16xf32>
        %broadcast_in_dim3A_727 = arith.constant 13 : i32
        %broadcast_in_dim3A_728 = vector.broadcast %broadcast_in_dim3A_727 : i32 to vector<16xi32>
        %add3A_729 = arith.constant 13 : i32
        %add3A_730 = vector.broadcast %add3A_729 : i32 to vector<16xi32>
        %add3A_731 = arith.addi %shift_left3A_241, %add3A_730 : vector<16xi32>
        %gather3A_732 = arith.constant 0 : i32
        %gather3A_733 = arith.constant 0 : i32
        %gather3A_734 = tpu.memref_slice %arg18[%scan3A_210, %gather3A_732, %gather3A_733] : memref<2x64x128xf32, #tpu.memory_space<vmem>> -> memref<1x64x128xf32, #tpu.memory_space<vmem>>
        %gather3A_735 = tpu.memref_squeeze %gather3A_734 : memref<1x64x128xf32, #tpu.memory_space<vmem>> -> memref<64x128xf32, #tpu.memory_space<vmem>>
        %gather3A_736 = tpu.vector_load_idx %gather3A_735[%add3A_236, %add3A_731] : memref<64x128xf32, #tpu.memory_space<vmem>>[vector<16xi32>, vector<16xi32>], vector<16xf32>,
        %add3A_737 = arith.constant 13 : i32
        %add3A_738 = vector.broadcast %add3A_737 : i32 to vector<16xi32>
        %add3A_739 = arith.addi %shift_left3A_249, %add3A_738 : vector<16xi32>
        %gather3A_740 = arith.constant 0 : i32
        %gather3A_741 = arith.constant 0 : i32
        %gather3A_742 = tpu.memref_slice %arg19[%scan3A_211, %gather3A_740, %gather3A_741] : memref<2x64x128xf32, #tpu.memory_space<vmem>> -> memref<1x64x128xf32, #tpu.memory_space<vmem>>
        %gather3A_743 = tpu.memref_squeeze %gather3A_742 : memref<1x64x128xf32, #tpu.memory_space<vmem>> -> memref<64x128xf32, #tpu.memory_space<vmem>>
        %gather3A_744 = tpu.vector_load_idx %gather3A_743[%add3A_236, %add3A_739] : memref<64x128xf32, #tpu.memory_space<vmem>>[vector<16xi32>, vector<16xi32>], vector<16xf32>,
        %add3A_745 = arith.constant 13 : i32
        %add3A_746 = vector.broadcast %add3A_745 : i32 to vector<16xi32>
        %add3A_747 = arith.addi %shift_left3A_257, %add3A_746 : vector<16xi32>
        %gather3A_748 = arith.constant 0 : i32
        %gather3A_749 = arith.constant 0 : i32
        %gather3A_750 = tpu.memref_slice %arg20[%scan3A_212, %gather3A_748, %gather3A_749] : memref<2x64x128xf32, #tpu.memory_space<vmem>> -> memref<1x64x128xf32, #tpu.memory_space<vmem>>
        %gather3A_751 = tpu.memref_squeeze %gather3A_750 : memref<1x64x128xf32, #tpu.memory_space<vmem>> -> memref<64x128xf32, #tpu.memory_space<vmem>>
        %gather3A_752 = tpu.vector_load_idx %gather3A_751[%add3A_236, %add3A_747] : memref<64x128xf32, #tpu.memory_space<vmem>>[vector<16xi32>, vector<16xi32>], vector<16xf32>,
        %gather3A_753 = tpu.vector_load_idx %arg21[%broadcast_in_dim3A_728, %get3A_259] : memref<32x1000xf32, #tpu.memory_space<vmem>>[vector<16xi32>, vector<16xi32>], vector<16xf32>,
        %gather3A_754 = tpu.vector_load_idx %arg21[%broadcast_in_dim3A_728, %get3A_261] : memref<32x1000xf32, #tpu.memory_space<vmem>>[vector<16xi32>, vector<16xi32>], vector<16xf32>,
        %add3A_755 = arith.addf %gather3A_736, %gather3A_753 : vector<16xf32>
        %sub3A_756 = arith.subf %add3A_755, %gather3A_744 : vector<16xf32>
        %abs3A_757 = math.absf %sub3A_756 : vector<16xf32>
        %add3A_758 = arith.addf %add3A_722, %abs3A_757 : vector<16xf32>
        %add3A_759 = arith.addf %gather3A_752, %gather3A_754 : vector<16xf32>
        %sub3A_760 = arith.subf %add3A_759, %gather3A_744 : vector<16xf32>
        %abs3A_761 = math.absf %sub3A_760 : vector<16xf32>
        %add3A_762 = arith.addf %add3A_726, %abs3A_761 : vector<16xf32>
        %broadcast_in_dim3A_763 = arith.constant 14 : i32
        %broadcast_in_dim3A_764 = vector.broadcast %broadcast_in_dim3A_763 : i32 to vector<16xi32>
        %add3A_765 = arith.constant 14 : i32
        %add3A_766 = vector.broadcast %add3A_765 : i32 to vector<16xi32>
        %add3A_767 = arith.addi %shift_left3A_241, %add3A_766 : vector<16xi32>
        %gather3A_768 = arith.constant 0 : i32
        %gather3A_769 = arith.constant 0 : i32
        %gather3A_770 = tpu.memref_slice %arg18[%scan3A_210, %gather3A_768, %gather3A_769] : memref<2x64x128xf32, #tpu.memory_space<vmem>> -> memref<1x64x128xf32, #tpu.memory_space<vmem>>
        %gather3A_771 = tpu.memref_squeeze %gather3A_770 : memref<1x64x128xf32, #tpu.memory_space<vmem>> -> memref<64x128xf32, #tpu.memory_space<vmem>>
        %gather3A_772 = tpu.vector_load_idx %gather3A_771[%add3A_236, %add3A_767] : memref<64x128xf32, #tpu.memory_space<vmem>>[vector<16xi32>, vector<16xi32>], vector<16xf32>,
        %add3A_773 = arith.constant 14 : i32
        %add3A_774 = vector.broadcast %add3A_773 : i32 to vector<16xi32>
        %add3A_775 = arith.addi %shift_left3A_249, %add3A_774 : vector<16xi32>
        %gather3A_776 = arith.constant 0 : i32
        %gather3A_777 = arith.constant 0 : i32
        %gather3A_778 = tpu.memref_slice %arg19[%scan3A_211, %gather3A_776, %gather3A_777] : memref<2x64x128xf32, #tpu.memory_space<vmem>> -> memref<1x64x128xf32, #tpu.memory_space<vmem>>
        %gather3A_779 = tpu.memref_squeeze %gather3A_778 : memref<1x64x128xf32, #tpu.memory_space<vmem>> -> memref<64x128xf32, #tpu.memory_space<vmem>>
        %gather3A_780 = tpu.vector_load_idx %gather3A_779[%add3A_236, %add3A_775] : memref<64x128xf32, #tpu.memory_space<vmem>>[vector<16xi32>, vector<16xi32>], vector<16xf32>,
        %add3A_781 = arith.constant 14 : i32
        %add3A_782 = vector.broadcast %add3A_781 : i32 to vector<16xi32>
        %add3A_783 = arith.addi %shift_left3A_257, %add3A_782 : vector<16xi32>
        %gather3A_784 = arith.constant 0 : i32
        %gather3A_785 = arith.constant 0 : i32
        %gather3A_786 = tpu.memref_slice %arg20[%scan3A_212, %gather3A_784, %gather3A_785] : memref<2x64x128xf32, #tpu.memory_space<vmem>> -> memref<1x64x128xf32, #tpu.memory_space<vmem>>
        %gather3A_787 = tpu.memref_squeeze %gather3A_786 : memref<1x64x128xf32, #tpu.memory_space<vmem>> -> memref<64x128xf32, #tpu.memory_space<vmem>>
        %gather3A_788 = tpu.vector_load_idx %gather3A_787[%add3A_236, %add3A_783] : memref<64x128xf32, #tpu.memory_space<vmem>>[vector<16xi32>, vector<16xi32>], vector<16xf32>,
        %gather3A_789 = tpu.vector_load_idx %arg21[%broadcast_in_dim3A_764, %get3A_259] : memref<32x1000xf32, #tpu.memory_space<vmem>>[vector<16xi32>, vector<16xi32>], vector<16xf32>,
        %gather3A_790 = tpu.vector_load_idx %arg21[%broadcast_in_dim3A_764, %get3A_261] : memref<32x1000xf32, #tpu.memory_space<vmem>>[vector<16xi32>, vector<16xi32>], vector<16xf32>,
        %add3A_791 = arith.addf %gather3A_772, %gather3A_789 : vector<16xf32>
        %sub3A_792 = arith.subf %add3A_791, %gather3A_780 : vector<16xf32>
        %abs3A_793 = math.absf %sub3A_792 : vector<16xf32>
        %add3A_794 = arith.addf %add3A_758, %abs3A_793 : vector<16xf32>
        %add3A_795 = arith.addf %gather3A_788, %gather3A_790 : vector<16xf32>
        %sub3A_796 = arith.subf %add3A_795, %gather3A_780 : vector<16xf32>
        %abs3A_797 = math.absf %sub3A_796 : vector<16xf32>
        %add3A_798 = arith.addf %add3A_762, %abs3A_797 : vector<16xf32>
        %broadcast_in_dim3A_799 = arith.constant 15 : i32
        %broadcast_in_dim3A_800 = vector.broadcast %broadcast_in_dim3A_799 : i32 to vector<16xi32>
        %add3A_801 = arith.constant 15 : i32
        %add3A_802 = vector.broadcast %add3A_801 : i32 to vector<16xi32>
        %add3A_803 = arith.addi %shift_left3A_241, %add3A_802 : vector<16xi32>
        %gather3A_804 = arith.constant 0 : i32
        %gather3A_805 = arith.constant 0 : i32
        %gather3A_806 = tpu.memref_slice %arg18[%scan3A_210, %gather3A_804, %gather3A_805] : memref<2x64x128xf32, #tpu.memory_space<vmem>> -> memref<1x64x128xf32, #tpu.memory_space<vmem>>
        %gather3A_807 = tpu.memref_squeeze %gather3A_806 : memref<1x64x128xf32, #tpu.memory_space<vmem>> -> memref<64x128xf32, #tpu.memory_space<vmem>>
        %gather3A_808 = tpu.vector_load_idx %gather3A_807[%add3A_236, %add3A_803] : memref<64x128xf32, #tpu.memory_space<vmem>>[vector<16xi32>, vector<16xi32>], vector<16xf32>,
        %add3A_809 = arith.constant 15 : i32
        %add3A_810 = vector.broadcast %add3A_809 : i32 to vector<16xi32>
        %add3A_811 = arith.addi %shift_left3A_249, %add3A_810 : vector<16xi32>
        %gather3A_812 = arith.constant 0 : i32
        %gather3A_813 = arith.constant 0 : i32
        %gather3A_814 = tpu.memref_slice %arg19[%scan3A_211, %gather3A_812, %gather3A_813] : memref<2x64x128xf32, #tpu.memory_space<vmem>> -> memref<1x64x128xf32, #tpu.memory_space<vmem>>
        %gather3A_815 = tpu.memref_squeeze %gather3A_814 : memref<1x64x128xf32, #tpu.memory_space<vmem>> -> memref<64x128xf32, #tpu.memory_space<vmem>>
        %gather3A_816 = tpu.vector_load_idx %gather3A_815[%add3A_236, %add3A_811] : memref<64x128xf32, #tpu.memory_space<vmem>>[vector<16xi32>, vector<16xi32>], vector<16xf32>,
        %add3A_817 = arith.constant 15 : i32
        %add3A_818 = vector.broadcast %add3A_817 : i32 to vector<16xi32>
        %add3A_819 = arith.addi %shift_left3A_257, %add3A_818 : vector<16xi32>
        %gather3A_820 = arith.constant 0 : i32
        %gather3A_821 = arith.constant 0 : i32
        %gather3A_822 = tpu.memref_slice %arg20[%scan3A_212, %gather3A_820, %gather3A_821] : memref<2x64x128xf32, #tpu.memory_space<vmem>> -> memref<1x64x128xf32, #tpu.memory_space<vmem>>
        %gather3A_823 = tpu.memref_squeeze %gather3A_822 : memref<1x64x128xf32, #tpu.memory_space<vmem>> -> memref<64x128xf32, #tpu.memory_space<vmem>>
        %gather3A_824 = tpu.vector_load_idx %gather3A_823[%add3A_236, %add3A_819] : memref<64x128xf32, #tpu.memory_space<vmem>>[vector<16xi32>, vector<16xi32>], vector<16xf32>,
        %gather3A_825 = tpu.vector_load_idx %arg21[%broadcast_in_dim3A_800, %get3A_259] : memref<32x1000xf32, #tpu.memory_space<vmem>>[vector<16xi32>, vector<16xi32>], vector<16xf32>,
        %gather3A_826 = tpu.vector_load_idx %arg21[%broadcast_in_dim3A_800, %get3A_261] : memref<32x1000xf32, #tpu.memory_space<vmem>>[vector<16xi32>, vector<16xi32>], vector<16xf32>,
        %add3A_827 = arith.addf %gather3A_808, %gather3A_825 : vector<16xf32>
        %sub3A_828 = arith.subf %add3A_827, %gather3A_816 : vector<16xf32>
        %abs3A_829 = math.absf %sub3A_828 : vector<16xf32>
        %add3A_830 = arith.addf %add3A_794, %abs3A_829 : vector<16xf32>
        %add3A_831 = arith.addf %gather3A_824, %gather3A_826 : vector<16xf32>
        %sub3A_832 = arith.subf %add3A_831, %gather3A_816 : vector<16xf32>
        %abs3A_833 = math.absf %sub3A_832 : vector<16xf32>
        %add3A_834 = arith.addf %add3A_798, %abs3A_833 : vector<16xf32>
        %broadcast_in_dim3A_835 = arith.constant 16 : i32
        %broadcast_in_dim3A_836 = vector.broadcast %broadcast_in_dim3A_835 : i32 to vector<16xi32>
        %add3A_837 = arith.constant 16 : i32
        %add3A_838 = vector.broadcast %add3A_837 : i32 to vector<16xi32>
        %add3A_839 = arith.addi %shift_left3A_241, %add3A_838 : vector<16xi32>
        %gather3A_840 = arith.constant 0 : i32
        %gather3A_841 = arith.constant 0 : i32
        %gather3A_842 = tpu.memref_slice %arg18[%scan3A_210, %gather3A_840, %gather3A_841] : memref<2x64x128xf32, #tpu.memory_space<vmem>> -> memref<1x64x128xf32, #tpu.memory_space<vmem>>
        %gather3A_843 = tpu.memref_squeeze %gather3A_842 : memref<1x64x128xf32, #tpu.memory_space<vmem>> -> memref<64x128xf32, #tpu.memory_space<vmem>>
        %gather3A_844 = tpu.vector_load_idx %gather3A_843[%add3A_236, %add3A_839] : memref<64x128xf32, #tpu.memory_space<vmem>>[vector<16xi32>, vector<16xi32>], vector<16xf32>,
        %add3A_845 = arith.constant 16 : i32
        %add3A_846 = vector.broadcast %add3A_845 : i32 to vector<16xi32>
        %add3A_847 = arith.addi %shift_left3A_249, %add3A_846 : vector<16xi32>
        %gather3A_848 = arith.constant 0 : i32
        %gather3A_849 = arith.constant 0 : i32
        %gather3A_850 = tpu.memref_slice %arg19[%scan3A_211, %gather3A_848, %gather3A_849] : memref<2x64x128xf32, #tpu.memory_space<vmem>> -> memref<1x64x128xf32, #tpu.memory_space<vmem>>
        %gather3A_851 = tpu.memref_squeeze %gather3A_850 : memref<1x64x128xf32, #tpu.memory_space<vmem>> -> memref<64x128xf32, #tpu.memory_space<vmem>>
        %gather3A_852 = tpu.vector_load_idx %gather3A_851[%add3A_236, %add3A_847] : memref<64x128xf32, #tpu.memory_space<vmem>>[vector<16xi32>, vector<16xi32>], vector<16xf32>,
        %add3A_853 = arith.constant 16 : i32
        %add3A_854 = vector.broadcast %add3A_853 : i32 to vector<16xi32>
        %add3A_855 = arith.addi %shift_left3A_257, %add3A_854 : vector<16xi32>
        %gather3A_856 = arith.constant 0 : i32
        %gather3A_857 = arith.constant 0 : i32
        %gather3A_858 = tpu.memref_slice %arg20[%scan3A_212, %gather3A_856, %gather3A_857] : memref<2x64x128xf32, #tpu.memory_space<vmem>> -> memref<1x64x128xf32, #tpu.memory_space<vmem>>
        %gather3A_859 = tpu.memref_squeeze %gather3A_858 : memref<1x64x128xf32, #tpu.memory_space<vmem>> -> memref<64x128xf32, #tpu.memory_space<vmem>>
        %gather3A_860 = tpu.vector_load_idx %gather3A_859[%add3A_236, %add3A_855] : memref<64x128xf32, #tpu.memory_space<vmem>>[vector<16xi32>, vector<16xi32>], vector<16xf32>,
        %gather3A_861 = tpu.vector_load_idx %arg21[%broadcast_in_dim3A_836, %get3A_259] : memref<32x1000xf32, #tpu.memory_space<vmem>>[vector<16xi32>, vector<16xi32>], vector<16xf32>,
        %gather3A_862 = tpu.vector_load_idx %arg21[%broadcast_in_dim3A_836, %get3A_261] : memref<32x1000xf32, #tpu.memory_space<vmem>>[vector<16xi32>, vector<16xi32>], vector<16xf32>,
        %add3A_863 = arith.addf %gather3A_844, %gather3A_861 : vector<16xf32>
        %sub3A_864 = arith.subf %add3A_863, %gather3A_852 : vector<16xf32>
        %abs3A_865 = math.absf %sub3A_864 : vector<16xf32>
        %add3A_866 = arith.addf %add3A_830, %abs3A_865 : vector<16xf32>
        %add3A_867 = arith.addf %gather3A_860, %gather3A_862 : vector<16xf32>
        %sub3A_868 = arith.subf %add3A_867, %gather3A_852 : vector<16xf32>
        %abs3A_869 = math.absf %sub3A_868 : vector<16xf32>
        %add3A_870 = arith.addf %add3A_834, %abs3A_869 : vector<16xf32>
        %broadcast_in_dim3A_871 = arith.constant 17 : i32
        %broadcast_in_dim3A_872 = vector.broadcast %broadcast_in_dim3A_871 : i32 to vector<16xi32>
        %add3A_873 = arith.constant 17 : i32
        %add3A_874 = vector.broadcast %add3A_873 : i32 to vector<16xi32>
        %add3A_875 = arith.addi %shift_left3A_241, %add3A_874 : vector<16xi32>
        %gather3A_876 = arith.constant 0 : i32
        %gather3A_877 = arith.constant 0 : i32
        %gather3A_878 = tpu.memref_slice %arg18[%scan3A_210, %gather3A_876, %gather3A_877] : memref<2x64x128xf32, #tpu.memory_space<vmem>> -> memref<1x64x128xf32, #tpu.memory_space<vmem>>
        %gather3A_879 = tpu.memref_squeeze %gather3A_878 : memref<1x64x128xf32, #tpu.memory_space<vmem>> -> memref<64x128xf32, #tpu.memory_space<vmem>>
        %gather3A_880 = tpu.vector_load_idx %gather3A_879[%add3A_236, %add3A_875] : memref<64x128xf32, #tpu.memory_space<vmem>>[vector<16xi32>, vector<16xi32>], vector<16xf32>,
        %add3A_881 = arith.constant 17 : i32
        %add3A_882 = vector.broadcast %add3A_881 : i32 to vector<16xi32>
        %add3A_883 = arith.addi %shift_left3A_249, %add3A_882 : vector<16xi32>
        %gather3A_884 = arith.constant 0 : i32
        %gather3A_885 = arith.constant 0 : i32
        %gather3A_886 = tpu.memref_slice %arg19[%scan3A_211, %gather3A_884, %gather3A_885] : memref<2x64x128xf32, #tpu.memory_space<vmem>> -> memref<1x64x128xf32, #tpu.memory_space<vmem>>
        %gather3A_887 = tpu.memref_squeeze %gather3A_886 : memref<1x64x128xf32, #tpu.memory_space<vmem>> -> memref<64x128xf32, #tpu.memory_space<vmem>>
        %gather3A_888 = tpu.vector_load_idx %gather3A_887[%add3A_236, %add3A_883] : memref<64x128xf32, #tpu.memory_space<vmem>>[vector<16xi32>, vector<16xi32>], vector<16xf32>,
        %add3A_889 = arith.constant 17 : i32
        %add3A_890 = vector.broadcast %add3A_889 : i32 to vector<16xi32>
        %add3A_891 = arith.addi %shift_left3A_257, %add3A_890 : vector<16xi32>
        %gather3A_892 = arith.constant 0 : i32
        %gather3A_893 = arith.constant 0 : i32
        %gather3A_894 = tpu.memref_slice %arg20[%scan3A_212, %gather3A_892, %gather3A_893] : memref<2x64x128xf32, #tpu.memory_space<vmem>> -> memref<1x64x128xf32, #tpu.memory_space<vmem>>
        %gather3A_895 = tpu.memref_squeeze %gather3A_894 : memref<1x64x128xf32, #tpu.memory_space<vmem>> -> memref<64x128xf32, #tpu.memory_space<vmem>>
        %gather3A_896 = tpu.vector_load_idx %gather3A_895[%add3A_236, %add3A_891] : memref<64x128xf32, #tpu.memory_space<vmem>>[vector<16xi32>, vector<16xi32>], vector<16xf32>,
        %gather3A_897 = tpu.vector_load_idx %arg21[%broadcast_in_dim3A_872, %get3A_259] : memref<32x1000xf32, #tpu.memory_space<vmem>>[vector<16xi32>, vector<16xi32>], vector<16xf32>,
        %gather3A_898 = tpu.vector_load_idx %arg21[%broadcast_in_dim3A_872, %get3A_261] : memref<32x1000xf32, #tpu.memory_space<vmem>>[vector<16xi32>, vector<16xi32>], vector<16xf32>,
        %add3A_899 = arith.addf %gather3A_880, %gather3A_897 : vector<16xf32>
        %sub3A_900 = arith.subf %add3A_899, %gather3A_888 : vector<16xf32>
        %abs3A_901 = math.absf %sub3A_900 : vector<16xf32>
        %add3A_902 = arith.addf %add3A_866, %abs3A_901 : vector<16xf32>
        %add3A_903 = arith.addf %gather3A_896, %gather3A_898 : vector<16xf32>
        %sub3A_904 = arith.subf %add3A_903, %gather3A_888 : vector<16xf32>
        %abs3A_905 = math.absf %sub3A_904 : vector<16xf32>
        %add3A_906 = arith.addf %add3A_870, %abs3A_905 : vector<16xf32>
        %broadcast_in_dim3A_907 = arith.constant 18 : i32
        %broadcast_in_dim3A_908 = vector.broadcast %broadcast_in_dim3A_907 : i32 to vector<16xi32>
        %add3A_909 = arith.constant 18 : i32
        %add3A_910 = vector.broadcast %add3A_909 : i32 to vector<16xi32>
        %add3A_911 = arith.addi %shift_left3A_241, %add3A_910 : vector<16xi32>
        %gather3A_912 = arith.constant 0 : i32
        %gather3A_913 = arith.constant 0 : i32
        %gather3A_914 = tpu.memref_slice %arg18[%scan3A_210, %gather3A_912, %gather3A_913] : memref<2x64x128xf32, #tpu.memory_space<vmem>> -> memref<1x64x128xf32, #tpu.memory_space<vmem>>
        %gather3A_915 = tpu.memref_squeeze %gather3A_914 : memref<1x64x128xf32, #tpu.memory_space<vmem>> -> memref<64x128xf32, #tpu.memory_space<vmem>>
        %gather3A_916 = tpu.vector_load_idx %gather3A_915[%add3A_236, %add3A_911] : memref<64x128xf32, #tpu.memory_space<vmem>>[vector<16xi32>, vector<16xi32>], vector<16xf32>,
        %add3A_917 = arith.constant 18 : i32
        %add3A_918 = vector.broadcast %add3A_917 : i32 to vector<16xi32>
        %add3A_919 = arith.addi %shift_left3A_249, %add3A_918 : vector<16xi32>
        %gather3A_920 = arith.constant 0 : i32
        %gather3A_921 = arith.constant 0 : i32
        %gather3A_922 = tpu.memref_slice %arg19[%scan3A_211, %gather3A_920, %gather3A_921] : memref<2x64x128xf32, #tpu.memory_space<vmem>> -> memref<1x64x128xf32, #tpu.memory_space<vmem>>
        %gather3A_923 = tpu.memref_squeeze %gather3A_922 : memref<1x64x128xf32, #tpu.memory_space<vmem>> -> memref<64x128xf32, #tpu.memory_space<vmem>>
        %gather3A_924 = tpu.vector_load_idx %gather3A_923[%add3A_236, %add3A_919] : memref<64x128xf32, #tpu.memory_space<vmem>>[vector<16xi32>, vector<16xi32>], vector<16xf32>,
        %add3A_925 = arith.constant 18 : i32
        %add3A_926 = vector.broadcast %add3A_925 : i32 to vector<16xi32>
        %add3A_927 = arith.addi %shift_left3A_257, %add3A_926 : vector<16xi32>
        %gather3A_928 = arith.constant 0 : i32
        %gather3A_929 = arith.constant 0 : i32
        %gather3A_930 = tpu.memref_slice %arg20[%scan3A_212, %gather3A_928, %gather3A_929] : memref<2x64x128xf32, #tpu.memory_space<vmem>> -> memref<1x64x128xf32, #tpu.memory_space<vmem>>
        %gather3A_931 = tpu.memref_squeeze %gather3A_930 : memref<1x64x128xf32, #tpu.memory_space<vmem>> -> memref<64x128xf32, #tpu.memory_space<vmem>>
        %gather3A_932 = tpu.vector_load_idx %gather3A_931[%add3A_236, %add3A_927] : memref<64x128xf32, #tpu.memory_space<vmem>>[vector<16xi32>, vector<16xi32>], vector<16xf32>,
        %gather3A_933 = tpu.vector_load_idx %arg21[%broadcast_in_dim3A_908, %get3A_259] : memref<32x1000xf32, #tpu.memory_space<vmem>>[vector<16xi32>, vector<16xi32>], vector<16xf32>,
        %gather3A_934 = tpu.vector_load_idx %arg21[%broadcast_in_dim3A_908, %get3A_261] : memref<32x1000xf32, #tpu.memory_space<vmem>>[vector<16xi32>, vector<16xi32>], vector<16xf32>,
        %add3A_935 = arith.addf %gather3A_916, %gather3A_933 : vector<16xf32>
        %sub3A_936 = arith.subf %add3A_935, %gather3A_924 : vector<16xf32>
        %abs3A_937 = math.absf %sub3A_936 : vector<16xf32>
        %add3A_938 = arith.addf %add3A_902, %abs3A_937 : vector<16xf32>
        %add3A_939 = arith.addf %gather3A_932, %gather3A_934 : vector<16xf32>
        %sub3A_940 = arith.subf %add3A_939, %gather3A_924 : vector<16xf32>
        %abs3A_941 = math.absf %sub3A_940 : vector<16xf32>
        %add3A_942 = arith.addf %add3A_906, %abs3A_941 : vector<16xf32>
        %broadcast_in_dim3A_943 = arith.constant 19 : i32
        %broadcast_in_dim3A_944 = vector.broadcast %broadcast_in_dim3A_943 : i32 to vector<16xi32>
        %add3A_945 = arith.constant 19 : i32
        %add3A_946 = vector.broadcast %add3A_945 : i32 to vector<16xi32>
        %add3A_947 = arith.addi %shift_left3A_241, %add3A_946 : vector<16xi32>
        %gather3A_948 = arith.constant 0 : i32
        %gather3A_949 = arith.constant 0 : i32
        %gather3A_950 = tpu.memref_slice %arg18[%scan3A_210, %gather3A_948, %gather3A_949] : memref<2x64x128xf32, #tpu.memory_space<vmem>> -> memref<1x64x128xf32, #tpu.memory_space<vmem>>
        %gather3A_951 = tpu.memref_squeeze %gather3A_950 : memref<1x64x128xf32, #tpu.memory_space<vmem>> -> memref<64x128xf32, #tpu.memory_space<vmem>>
        %gather3A_952 = tpu.vector_load_idx %gather3A_951[%add3A_236, %add3A_947] : memref<64x128xf32, #tpu.memory_space<vmem>>[vector<16xi32>, vector<16xi32>], vector<16xf32>,
        %add3A_953 = arith.constant 19 : i32
        %add3A_954 = vector.broadcast %add3A_953 : i32 to vector<16xi32>
        %add3A_955 = arith.addi %shift_left3A_249, %add3A_954 : vector<16xi32>
        %gather3A_956 = arith.constant 0 : i32
        %gather3A_957 = arith.constant 0 : i32
        %gather3A_958 = tpu.memref_slice %arg19[%scan3A_211, %gather3A_956, %gather3A_957] : memref<2x64x128xf32, #tpu.memory_space<vmem>> -> memref<1x64x128xf32, #tpu.memory_space<vmem>>
        %gather3A_959 = tpu.memref_squeeze %gather3A_958 : memref<1x64x128xf32, #tpu.memory_space<vmem>> -> memref<64x128xf32, #tpu.memory_space<vmem>>
        %gather3A_960 = tpu.vector_load_idx %gather3A_959[%add3A_236, %add3A_955] : memref<64x128xf32, #tpu.memory_space<vmem>>[vector<16xi32>, vector<16xi32>], vector<16xf32>,
        %add3A_961 = arith.constant 19 : i32
        %add3A_962 = vector.broadcast %add3A_961 : i32 to vector<16xi32>
        %add3A_963 = arith.addi %shift_left3A_257, %add3A_962 : vector<16xi32>
        %gather3A_964 = arith.constant 0 : i32
        %gather3A_965 = arith.constant 0 : i32
        %gather3A_966 = tpu.memref_slice %arg20[%scan3A_212, %gather3A_964, %gather3A_965] : memref<2x64x128xf32, #tpu.memory_space<vmem>> -> memref<1x64x128xf32, #tpu.memory_space<vmem>>
        %gather3A_967 = tpu.memref_squeeze %gather3A_966 : memref<1x64x128xf32, #tpu.memory_space<vmem>> -> memref<64x128xf32, #tpu.memory_space<vmem>>
        %gather3A_968 = tpu.vector_load_idx %gather3A_967[%add3A_236, %add3A_963] : memref<64x128xf32, #tpu.memory_space<vmem>>[vector<16xi32>, vector<16xi32>], vector<16xf32>,
        %gather3A_969 = tpu.vector_load_idx %arg21[%broadcast_in_dim3A_944, %get3A_259] : memref<32x1000xf32, #tpu.memory_space<vmem>>[vector<16xi32>, vector<16xi32>], vector<16xf32>,
        %gather3A_970 = tpu.vector_load_idx %arg21[%broadcast_in_dim3A_944, %get3A_261] : memref<32x1000xf32, #tpu.memory_space<vmem>>[vector<16xi32>, vector<16xi32>], vector<16xf32>,
        %add3A_971 = arith.addf %gather3A_952, %gather3A_969 : vector<16xf32>
        %sub3A_972 = arith.subf %add3A_971, %gather3A_960 : vector<16xf32>
        %abs3A_973 = math.absf %sub3A_972 : vector<16xf32>
        %add3A_974 = arith.addf %add3A_938, %abs3A_973 : vector<16xf32>
        %add3A_975 = arith.addf %gather3A_968, %gather3A_970 : vector<16xf32>
        %sub3A_976 = arith.subf %add3A_975, %gather3A_960 : vector<16xf32>
        %abs3A_977 = math.absf %sub3A_976 : vector<16xf32>
        %add3A_978 = arith.addf %add3A_942, %abs3A_977 : vector<16xf32>
        %broadcast_in_dim3A_979 = arith.constant 20 : i32
        %broadcast_in_dim3A_980 = vector.broadcast %broadcast_in_dim3A_979 : i32 to vector<16xi32>
        %add3A_981 = arith.constant 20 : i32
        %add3A_982 = vector.broadcast %add3A_981 : i32 to vector<16xi32>
        %add3A_983 = arith.addi %shift_left3A_241, %add3A_982 : vector<16xi32>
        %gather3A_984 = arith.constant 0 : i32
        %gather3A_985 = arith.constant 0 : i32
        %gather3A_986 = tpu.memref_slice %arg18[%scan3A_210, %gather3A_984, %gather3A_985] : memref<2x64x128xf32, #tpu.memory_space<vmem>> -> memref<1x64x128xf32, #tpu.memory_space<vmem>>
        %gather3A_987 = tpu.memref_squeeze %gather3A_986 : memref<1x64x128xf32, #tpu.memory_space<vmem>> -> memref<64x128xf32, #tpu.memory_space<vmem>>
        %gather3A_988 = tpu.vector_load_idx %gather3A_987[%add3A_236, %add3A_983] : memref<64x128xf32, #tpu.memory_space<vmem>>[vector<16xi32>, vector<16xi32>], vector<16xf32>,
        %add3A_989 = arith.constant 20 : i32
        %add3A_990 = vector.broadcast %add3A_989 : i32 to vector<16xi32>
        %add3A_991 = arith.addi %shift_left3A_249, %add3A_990 : vector<16xi32>
        %gather3A_992 = arith.constant 0 : i32
        %gather3A_993 = arith.constant 0 : i32
        %gather3A_994 = tpu.memref_slice %arg19[%scan3A_211, %gather3A_992, %gather3A_993] : memref<2x64x128xf32, #tpu.memory_space<vmem>> -> memref<1x64x128xf32, #tpu.memory_space<vmem>>
        %gather3A_995 = tpu.memref_squeeze %gather3A_994 : memref<1x64x128xf32, #tpu.memory_space<vmem>> -> memref<64x128xf32, #tpu.memory_space<vmem>>
        %gather3A_996 = tpu.vector_load_idx %gather3A_995[%add3A_236, %add3A_991] : memref<64x128xf32, #tpu.memory_space<vmem>>[vector<16xi32>, vector<16xi32>], vector<16xf32>,
        %add3A_997 = arith.constant 20 : i32
        %add3A_998 = vector.broadcast %add3A_997 : i32 to vector<16xi32>
        %add3A_999 = arith.addi %shift_left3A_257, %add3A_998 : vector<16xi32>
        %gather3A_1000 = arith.constant 0 : i32
        %gather3A_1001 = arith.constant 0 : i32
        %gather3A_1002 = tpu.memref_slice %arg20[%scan3A_212, %gather3A_1000, %gather3A_1001] : memref<2x64x128xf32, #tpu.memory_space<vmem>> -> memref<1x64x128xf32, #tpu.memory_space<vmem>>
        %gather3A_1003 = tpu.memref_squeeze %gather3A_1002 : memref<1x64x128xf32, #tpu.memory_space<vmem>> -> memref<64x128xf32, #tpu.memory_space<vmem>>
        %gather3A_1004 = tpu.vector_load_idx %gather3A_1003[%add3A_236, %add3A_999] : memref<64x128xf32, #tpu.memory_space<vmem>>[vector<16xi32>, vector<16xi32>], vector<16xf32>,
        %gather3A_1005 = tpu.vector_load_idx %arg21[%broadcast_in_dim3A_980, %get3A_259] : memref<32x1000xf32, #tpu.memory_space<vmem>>[vector<16xi32>, vector<16xi32>], vector<16xf32>,
        %gather3A_1006 = tpu.vector_load_idx %arg21[%broadcast_in_dim3A_980, %get3A_261] : memref<32x1000xf32, #tpu.memory_space<vmem>>[vector<16xi32>, vector<16xi32>], vector<16xf32>,
        %add3A_1007 = arith.addf %gather3A_988, %gather3A_1005 : vector<16xf32>
        %sub3A_1008 = arith.subf %add3A_1007, %gather3A_996 : vector<16xf32>
        %abs3A_1009 = math.absf %sub3A_1008 : vector<16xf32>
        %add3A_1010 = arith.addf %add3A_974, %abs3A_1009 : vector<16xf32>
        %add3A_1011 = arith.addf %gather3A_1004, %gather3A_1006 : vector<16xf32>
        %sub3A_1012 = arith.subf %add3A_1011, %gather3A_996 : vector<16xf32>
        %abs3A_1013 = math.absf %sub3A_1012 : vector<16xf32>
        %add3A_1014 = arith.addf %add3A_978, %abs3A_1013 : vector<16xf32>
        %broadcast_in_dim3A_1015 = arith.constant 21 : i32
        %broadcast_in_dim3A_1016 = vector.broadcast %broadcast_in_dim3A_1015 : i32 to vector<16xi32>
        %add3A_1017 = arith.constant 21 : i32
        %add3A_1018 = vector.broadcast %add3A_1017 : i32 to vector<16xi32>
        %add3A_1019 = arith.addi %shift_left3A_241, %add3A_1018 : vector<16xi32>
        %gather3A_1020 = arith.constant 0 : i32
        %gather3A_1021 = arith.constant 0 : i32
        %gather3A_1022 = tpu.memref_slice %arg18[%scan3A_210, %gather3A_1020, %gather3A_1021] : memref<2x64x128xf32, #tpu.memory_space<vmem>> -> memref<1x64x128xf32, #tpu.memory_space<vmem>>
        %gather3A_1023 = tpu.memref_squeeze %gather3A_1022 : memref<1x64x128xf32, #tpu.memory_space<vmem>> -> memref<64x128xf32, #tpu.memory_space<vmem>>
        %gather3A_1024 = tpu.vector_load_idx %gather3A_1023[%add3A_236, %add3A_1019] : memref<64x128xf32, #tpu.memory_space<vmem>>[vector<16xi32>, vector<16xi32>], vector<16xf32>,
        %add3A_1025 = arith.constant 21 : i32
        %add3A_1026 = vector.broadcast %add3A_1025 : i32 to vector<16xi32>
        %add3A_1027 = arith.addi %shift_left3A_249, %add3A_1026 : vector<16xi32>
        %gather3A_1028 = arith.constant 0 : i32
        %gather3A_1029 = arith.constant 0 : i32
        %gather3A_1030 = tpu.memref_slice %arg19[%scan3A_211, %gather3A_1028, %gather3A_1029] : memref<2x64x128xf32, #tpu.memory_space<vmem>> -> memref<1x64x128xf32, #tpu.memory_space<vmem>>
        %gather3A_1031 = tpu.memref_squeeze %gather3A_1030 : memref<1x64x128xf32, #tpu.memory_space<vmem>> -> memref<64x128xf32, #tpu.memory_space<vmem>>
        %gather3A_1032 = tpu.vector_load_idx %gather3A_1031[%add3A_236, %add3A_1027] : memref<64x128xf32, #tpu.memory_space<vmem>>[vector<16xi32>, vector<16xi32>], vector<16xf32>,
        %add3A_1033 = arith.constant 21 : i32
        %add3A_1034 = vector.broadcast %add3A_1033 : i32 to vector<16xi32>
        %add3A_1035 = arith.addi %shift_left3A_257, %add3A_1034 : vector<16xi32>
        %gather3A_1036 = arith.constant 0 : i32
        %gather3A_1037 = arith.constant 0 : i32
        %gather3A_1038 = tpu.memref_slice %arg20[%scan3A_212, %gather3A_1036, %gather3A_1037] : memref<2x64x128xf32, #tpu.memory_space<vmem>> -> memref<1x64x128xf32, #tpu.memory_space<vmem>>
        %gather3A_1039 = tpu.memref_squeeze %gather3A_1038 : memref<1x64x128xf32, #tpu.memory_space<vmem>> -> memref<64x128xf32, #tpu.memory_space<vmem>>
        %gather3A_1040 = tpu.vector_load_idx %gather3A_1039[%add3A_236, %add3A_1035] : memref<64x128xf32, #tpu.memory_space<vmem>>[vector<16xi32>, vector<16xi32>], vector<16xf32>,
        %gather3A_1041 = tpu.vector_load_idx %arg21[%broadcast_in_dim3A_1016, %get3A_259] : memref<32x1000xf32, #tpu.memory_space<vmem>>[vector<16xi32>, vector<16xi32>], vector<16xf32>,
        %gather3A_1042 = tpu.vector_load_idx %arg21[%broadcast_in_dim3A_1016, %get3A_261] : memref<32x1000xf32, #tpu.memory_space<vmem>>[vector<16xi32>, vector<16xi32>], vector<16xf32>,
        %add3A_1043 = arith.addf %gather3A_1024, %gather3A_1041 : vector<16xf32>
        %sub3A_1044 = arith.subf %add3A_1043, %gather3A_1032 : vector<16xf32>
        %abs3A_1045 = math.absf %sub3A_1044 : vector<16xf32>
        %add3A_1046 = arith.addf %add3A_1010, %abs3A_1045 : vector<16xf32>
        %add3A_1047 = arith.addf %gather3A_1040, %gather3A_1042 : vector<16xf32>
        %sub3A_1048 = arith.subf %add3A_1047, %gather3A_1032 : vector<16xf32>
        %abs3A_1049 = math.absf %sub3A_1048 : vector<16xf32>
        %add3A_1050 = arith.addf %add3A_1014, %abs3A_1049 : vector<16xf32>
        %broadcast_in_dim3A_1051 = arith.constant 22 : i32
        %broadcast_in_dim3A_1052 = vector.broadcast %broadcast_in_dim3A_1051 : i32 to vector<16xi32>
        %add3A_1053 = arith.constant 22 : i32
        %add3A_1054 = vector.broadcast %add3A_1053 : i32 to vector<16xi32>
        %add3A_1055 = arith.addi %shift_left3A_241, %add3A_1054 : vector<16xi32>
        %gather3A_1056 = arith.constant 0 : i32
        %gather3A_1057 = arith.constant 0 : i32
        %gather3A_1058 = tpu.memref_slice %arg18[%scan3A_210, %gather3A_1056, %gather3A_1057] : memref<2x64x128xf32, #tpu.memory_space<vmem>> -> memref<1x64x128xf32, #tpu.memory_space<vmem>>
        %gather3A_1059 = tpu.memref_squeeze %gather3A_1058 : memref<1x64x128xf32, #tpu.memory_space<vmem>> -> memref<64x128xf32, #tpu.memory_space<vmem>>
        %gather3A_1060 = tpu.vector_load_idx %gather3A_1059[%add3A_236, %add3A_1055] : memref<64x128xf32, #tpu.memory_space<vmem>>[vector<16xi32>, vector<16xi32>], vector<16xf32>,
        %add3A_1061 = arith.constant 22 : i32
        %add3A_1062 = vector.broadcast %add3A_1061 : i32 to vector<16xi32>
        %add3A_1063 = arith.addi %shift_left3A_249, %add3A_1062 : vector<16xi32>
        %gather3A_1064 = arith.constant 0 : i32
        %gather3A_1065 = arith.constant 0 : i32
        %gather3A_1066 = tpu.memref_slice %arg19[%scan3A_211, %gather3A_1064, %gather3A_1065] : memref<2x64x128xf32, #tpu.memory_space<vmem>> -> memref<1x64x128xf32, #tpu.memory_space<vmem>>
        %gather3A_1067 = tpu.memref_squeeze %gather3A_1066 : memref<1x64x128xf32, #tpu.memory_space<vmem>> -> memref<64x128xf32, #tpu.memory_space<vmem>>
        %gather3A_1068 = tpu.vector_load_idx %gather3A_1067[%add3A_236, %add3A_1063] : memref<64x128xf32, #tpu.memory_space<vmem>>[vector<16xi32>, vector<16xi32>], vector<16xf32>,
        %add3A_1069 = arith.constant 22 : i32
        %add3A_1070 = vector.broadcast %add3A_1069 : i32 to vector<16xi32>
        %add3A_1071 = arith.addi %shift_left3A_257, %add3A_1070 : vector<16xi32>
        %gather3A_1072 = arith.constant 0 : i32
        %gather3A_1073 = arith.constant 0 : i32
        %gather3A_1074 = tpu.memref_slice %arg20[%scan3A_212, %gather3A_1072, %gather3A_1073] : memref<2x64x128xf32, #tpu.memory_space<vmem>> -> memref<1x64x128xf32, #tpu.memory_space<vmem>>
        %gather3A_1075 = tpu.memref_squeeze %gather3A_1074 : memref<1x64x128xf32, #tpu.memory_space<vmem>> -> memref<64x128xf32, #tpu.memory_space<vmem>>
        %gather3A_1076 = tpu.vector_load_idx %gather3A_1075[%add3A_236, %add3A_1071] : memref<64x128xf32, #tpu.memory_space<vmem>>[vector<16xi32>, vector<16xi32>], vector<16xf32>,
        %gather3A_1077 = tpu.vector_load_idx %arg21[%broadcast_in_dim3A_1052, %get3A_259] : memref<32x1000xf32, #tpu.memory_space<vmem>>[vector<16xi32>, vector<16xi32>], vector<16xf32>,
        %gather3A_1078 = tpu.vector_load_idx %arg21[%broadcast_in_dim3A_1052, %get3A_261] : memref<32x1000xf32, #tpu.memory_space<vmem>>[vector<16xi32>, vector<16xi32>], vector<16xf32>,
        %add3A_1079 = arith.addf %gather3A_1060, %gather3A_1077 : vector<16xf32>
        %sub3A_1080 = arith.subf %add3A_1079, %gather3A_1068 : vector<16xf32>
        %abs3A_1081 = math.absf %sub3A_1080 : vector<16xf32>
        %add3A_1082 = arith.addf %add3A_1046, %abs3A_1081 : vector<16xf32>
        %add3A_1083 = arith.addf %gather3A_1076, %gather3A_1078 : vector<16xf32>
        %sub3A_1084 = arith.subf %add3A_1083, %gather3A_1068 : vector<16xf32>
        %abs3A_1085 = math.absf %sub3A_1084 : vector<16xf32>
        %add3A_1086 = arith.addf %add3A_1050, %abs3A_1085 : vector<16xf32>
        %broadcast_in_dim3A_1087 = arith.constant 23 : i32
        %broadcast_in_dim3A_1088 = vector.broadcast %broadcast_in_dim3A_1087 : i32 to vector<16xi32>
        %add3A_1089 = arith.constant 23 : i32
        %add3A_1090 = vector.broadcast %add3A_1089 : i32 to vector<16xi32>
        %add3A_1091 = arith.addi %shift_left3A_241, %add3A_1090 : vector<16xi32>
        %gather3A_1092 = arith.constant 0 : i32
        %gather3A_1093 = arith.constant 0 : i32
        %gather3A_1094 = tpu.memref_slice %arg18[%scan3A_210, %gather3A_1092, %gather3A_1093] : memref<2x64x128xf32, #tpu.memory_space<vmem>> -> memref<1x64x128xf32, #tpu.memory_space<vmem>>
        %gather3A_1095 = tpu.memref_squeeze %gather3A_1094 : memref<1x64x128xf32, #tpu.memory_space<vmem>> -> memref<64x128xf32, #tpu.memory_space<vmem>>
        %gather3A_1096 = tpu.vector_load_idx %gather3A_1095[%add3A_236, %add3A_1091] : memref<64x128xf32, #tpu.memory_space<vmem>>[vector<16xi32>, vector<16xi32>], vector<16xf32>,
        %add3A_1097 = arith.constant 23 : i32
        %add3A_1098 = vector.broadcast %add3A_1097 : i32 to vector<16xi32>
        %add3A_1099 = arith.addi %shift_left3A_249, %add3A_1098 : vector<16xi32>
        %gather3A_1100 = arith.constant 0 : i32
        %gather3A_1101 = arith.constant 0 : i32
        %gather3A_1102 = tpu.memref_slice %arg19[%scan3A_211, %gather3A_1100, %gather3A_1101] : memref<2x64x128xf32, #tpu.memory_space<vmem>> -> memref<1x64x128xf32, #tpu.memory_space<vmem>>
        %gather3A_1103 = tpu.memref_squeeze %gather3A_1102 : memref<1x64x128xf32, #tpu.memory_space<vmem>> -> memref<64x128xf32, #tpu.memory_space<vmem>>
        %gather3A_1104 = tpu.vector_load_idx %gather3A_1103[%add3A_236, %add3A_1099] : memref<64x128xf32, #tpu.memory_space<vmem>>[vector<16xi32>, vector<16xi32>], vector<16xf32>,
        %add3A_1105 = arith.constant 23 : i32
        %add3A_1106 = vector.broadcast %add3A_1105 : i32 to vector<16xi32>
        %add3A_1107 = arith.addi %shift_left3A_257, %add3A_1106 : vector<16xi32>
        %gather3A_1108 = arith.constant 0 : i32
        %gather3A_1109 = arith.constant 0 : i32
        %gather3A_1110 = tpu.memref_slice %arg20[%scan3A_212, %gather3A_1108, %gather3A_1109] : memref<2x64x128xf32, #tpu.memory_space<vmem>> -> memref<1x64x128xf32, #tpu.memory_space<vmem>>
        %gather3A_1111 = tpu.memref_squeeze %gather3A_1110 : memref<1x64x128xf32, #tpu.memory_space<vmem>> -> memref<64x128xf32, #tpu.memory_space<vmem>>
        %gather3A_1112 = tpu.vector_load_idx %gather3A_1111[%add3A_236, %add3A_1107] : memref<64x128xf32, #tpu.memory_space<vmem>>[vector<16xi32>, vector<16xi32>], vector<16xf32>,
        %gather3A_1113 = tpu.vector_load_idx %arg21[%broadcast_in_dim3A_1088, %get3A_259] : memref<32x1000xf32, #tpu.memory_space<vmem>>[vector<16xi32>, vector<16xi32>], vector<16xf32>,
        %gather3A_1114 = tpu.vector_load_idx %arg21[%broadcast_in_dim3A_1088, %get3A_261] : memref<32x1000xf32, #tpu.memory_space<vmem>>[vector<16xi32>, vector<16xi32>], vector<16xf32>,
        %add3A_1115 = arith.addf %gather3A_1096, %gather3A_1113 : vector<16xf32>
        %sub3A_1116 = arith.subf %add3A_1115, %gather3A_1104 : vector<16xf32>
        %abs3A_1117 = math.absf %sub3A_1116 : vector<16xf32>
        %add3A_1118 = arith.addf %add3A_1082, %abs3A_1117 : vector<16xf32>
        %add3A_1119 = arith.addf %gather3A_1112, %gather3A_1114 : vector<16xf32>
        %sub3A_1120 = arith.subf %add3A_1119, %gather3A_1104 : vector<16xf32>
        %abs3A_1121 = math.absf %sub3A_1120 : vector<16xf32>
        %add3A_1122 = arith.addf %add3A_1086, %abs3A_1121 : vector<16xf32>
        %broadcast_in_dim3A_1123 = arith.constant 24 : i32
        %broadcast_in_dim3A_1124 = vector.broadcast %broadcast_in_dim3A_1123 : i32 to vector<16xi32>
        %add3A_1125 = arith.constant 24 : i32
        %add3A_1126 = vector.broadcast %add3A_1125 : i32 to vector<16xi32>
        %add3A_1127 = arith.addi %shift_left3A_241, %add3A_1126 : vector<16xi32>
        %gather3A_1128 = arith.constant 0 : i32
        %gather3A_1129 = arith.constant 0 : i32
        %gather3A_1130 = tpu.memref_slice %arg18[%scan3A_210, %gather3A_1128, %gather3A_1129] : memref<2x64x128xf32, #tpu.memory_space<vmem>> -> memref<1x64x128xf32, #tpu.memory_space<vmem>>
        %gather3A_1131 = tpu.memref_squeeze %gather3A_1130 : memref<1x64x128xf32, #tpu.memory_space<vmem>> -> memref<64x128xf32, #tpu.memory_space<vmem>>
        %gather3A_1132 = tpu.vector_load_idx %gather3A_1131[%add3A_236, %add3A_1127] : memref<64x128xf32, #tpu.memory_space<vmem>>[vector<16xi32>, vector<16xi32>], vector<16xf32>,
        %add3A_1133 = arith.constant 24 : i32
        %add3A_1134 = vector.broadcast %add3A_1133 : i32 to vector<16xi32>
        %add3A_1135 = arith.addi %shift_left3A_249, %add3A_1134 : vector<16xi32>
        %gather3A_1136 = arith.constant 0 : i32
        %gather3A_1137 = arith.constant 0 : i32
        %gather3A_1138 = tpu.memref_slice %arg19[%scan3A_211, %gather3A_1136, %gather3A_1137] : memref<2x64x128xf32, #tpu.memory_space<vmem>> -> memref<1x64x128xf32, #tpu.memory_space<vmem>>
        %gather3A_1139 = tpu.memref_squeeze %gather3A_1138 : memref<1x64x128xf32, #tpu.memory_space<vmem>> -> memref<64x128xf32, #tpu.memory_space<vmem>>
        %gather3A_1140 = tpu.vector_load_idx %gather3A_1139[%add3A_236, %add3A_1135] : memref<64x128xf32, #tpu.memory_space<vmem>>[vector<16xi32>, vector<16xi32>], vector<16xf32>,
        %add3A_1141 = arith.constant 24 : i32
        %add3A_1142 = vector.broadcast %add3A_1141 : i32 to vector<16xi32>
        %add3A_1143 = arith.addi %shift_left3A_257, %add3A_1142 : vector<16xi32>
        %gather3A_1144 = arith.constant 0 : i32
        %gather3A_1145 = arith.constant 0 : i32
        %gather3A_1146 = tpu.memref_slice %arg20[%scan3A_212, %gather3A_1144, %gather3A_1145] : memref<2x64x128xf32, #tpu.memory_space<vmem>> -> memref<1x64x128xf32, #tpu.memory_space<vmem>>
        %gather3A_1147 = tpu.memref_squeeze %gather3A_1146 : memref<1x64x128xf32, #tpu.memory_space<vmem>> -> memref<64x128xf32, #tpu.memory_space<vmem>>
        %gather3A_1148 = tpu.vector_load_idx %gather3A_1147[%add3A_236, %add3A_1143] : memref<64x128xf32, #tpu.memory_space<vmem>>[vector<16xi32>, vector<16xi32>], vector<16xf32>,
        %gather3A_1149 = tpu.vector_load_idx %arg21[%broadcast_in_dim3A_1124, %get3A_259] : memref<32x1000xf32, #tpu.memory_space<vmem>>[vector<16xi32>, vector<16xi32>], vector<16xf32>,
        %gather3A_1150 = tpu.vector_load_idx %arg21[%broadcast_in_dim3A_1124, %get3A_261] : memref<32x1000xf32, #tpu.memory_space<vmem>>[vector<16xi32>, vector<16xi32>], vector<16xf32>,
        %add3A_1151 = arith.addf %gather3A_1132, %gather3A_1149 : vector<16xf32>
        %sub3A_1152 = arith.subf %add3A_1151, %gather3A_1140 : vector<16xf32>
        %abs3A_1153 = math.absf %sub3A_1152 : vector<16xf32>
        %add3A_1154 = arith.addf %add3A_1118, %abs3A_1153 : vector<16xf32>
        %add3A_1155 = arith.addf %gather3A_1148, %gather3A_1150 : vector<16xf32>
        %sub3A_1156 = arith.subf %add3A_1155, %gather3A_1140 : vector<16xf32>
        %abs3A_1157 = math.absf %sub3A_1156 : vector<16xf32>
        %add3A_1158 = arith.addf %add3A_1122, %abs3A_1157 : vector<16xf32>
        %broadcast_in_dim3A_1159 = arith.constant 25 : i32
        %broadcast_in_dim3A_1160 = vector.broadcast %broadcast_in_dim3A_1159 : i32 to vector<16xi32>
        %add3A_1161 = arith.constant 25 : i32
        %add3A_1162 = vector.broadcast %add3A_1161 : i32 to vector<16xi32>
        %add3A_1163 = arith.addi %shift_left3A_241, %add3A_1162 : vector<16xi32>
        %gather3A_1164 = arith.constant 0 : i32
        %gather3A_1165 = arith.constant 0 : i32
        %gather3A_1166 = tpu.memref_slice %arg18[%scan3A_210, %gather3A_1164, %gather3A_1165] : memref<2x64x128xf32, #tpu.memory_space<vmem>> -> memref<1x64x128xf32, #tpu.memory_space<vmem>>
        %gather3A_1167 = tpu.memref_squeeze %gather3A_1166 : memref<1x64x128xf32, #tpu.memory_space<vmem>> -> memref<64x128xf32, #tpu.memory_space<vmem>>
        %gather3A_1168 = tpu.vector_load_idx %gather3A_1167[%add3A_236, %add3A_1163] : memref<64x128xf32, #tpu.memory_space<vmem>>[vector<16xi32>, vector<16xi32>], vector<16xf32>,
        %add3A_1169 = arith.constant 25 : i32
        %add3A_1170 = vector.broadcast %add3A_1169 : i32 to vector<16xi32>
        %add3A_1171 = arith.addi %shift_left3A_249, %add3A_1170 : vector<16xi32>
        %gather3A_1172 = arith.constant 0 : i32
        %gather3A_1173 = arith.constant 0 : i32
        %gather3A_1174 = tpu.memref_slice %arg19[%scan3A_211, %gather3A_1172, %gather3A_1173] : memref<2x64x128xf32, #tpu.memory_space<vmem>> -> memref<1x64x128xf32, #tpu.memory_space<vmem>>
        %gather3A_1175 = tpu.memref_squeeze %gather3A_1174 : memref<1x64x128xf32, #tpu.memory_space<vmem>> -> memref<64x128xf32, #tpu.memory_space<vmem>>
        %gather3A_1176 = tpu.vector_load_idx %gather3A_1175[%add3A_236, %add3A_1171] : memref<64x128xf32, #tpu.memory_space<vmem>>[vector<16xi32>, vector<16xi32>], vector<16xf32>,
        %add3A_1177 = arith.constant 25 : i32
        %add3A_1178 = vector.broadcast %add3A_1177 : i32 to vector<16xi32>
        %add3A_1179 = arith.addi %shift_left3A_257, %add3A_1178 : vector<16xi32>
        %gather3A_1180 = arith.constant 0 : i32
        %gather3A_1181 = arith.constant 0 : i32
        %gather3A_1182 = tpu.memref_slice %arg20[%scan3A_212, %gather3A_1180, %gather3A_1181] : memref<2x64x128xf32, #tpu.memory_space<vmem>> -> memref<1x64x128xf32, #tpu.memory_space<vmem>>
        %gather3A_1183 = tpu.memref_squeeze %gather3A_1182 : memref<1x64x128xf32, #tpu.memory_space<vmem>> -> memref<64x128xf32, #tpu.memory_space<vmem>>
        %gather3A_1184 = tpu.vector_load_idx %gather3A_1183[%add3A_236, %add3A_1179] : memref<64x128xf32, #tpu.memory_space<vmem>>[vector<16xi32>, vector<16xi32>], vector<16xf32>,
        %gather3A_1185 = tpu.vector_load_idx %arg21[%broadcast_in_dim3A_1160, %get3A_259] : memref<32x1000xf32, #tpu.memory_space<vmem>>[vector<16xi32>, vector<16xi32>], vector<16xf32>,
        %gather3A_1186 = tpu.vector_load_idx %arg21[%broadcast_in_dim3A_1160, %get3A_261] : memref<32x1000xf32, #tpu.memory_space<vmem>>[vector<16xi32>, vector<16xi32>], vector<16xf32>,
        %add3A_1187 = arith.addf %gather3A_1168, %gather3A_1185 : vector<16xf32>
        %sub3A_1188 = arith.subf %add3A_1187, %gather3A_1176 : vector<16xf32>
        %abs3A_1189 = math.absf %sub3A_1188 : vector<16xf32>
        %add3A_1190 = arith.addf %add3A_1154, %abs3A_1189 : vector<16xf32>
        %add3A_1191 = arith.addf %gather3A_1184, %gather3A_1186 : vector<16xf32>
        %sub3A_1192 = arith.subf %add3A_1191, %gather3A_1176 : vector<16xf32>
        %abs3A_1193 = math.absf %sub3A_1192 : vector<16xf32>
        %add3A_1194 = arith.addf %add3A_1158, %abs3A_1193 : vector<16xf32>
        %broadcast_in_dim3A_1195 = arith.constant 26 : i32
        %broadcast_in_dim3A_1196 = vector.broadcast %broadcast_in_dim3A_1195 : i32 to vector<16xi32>
        %add3A_1197 = arith.constant 26 : i32
        %add3A_1198 = vector.broadcast %add3A_1197 : i32 to vector<16xi32>
        %add3A_1199 = arith.addi %shift_left3A_241, %add3A_1198 : vector<16xi32>
        %gather3A_1200 = arith.constant 0 : i32
        %gather3A_1201 = arith.constant 0 : i32
        %gather3A_1202 = tpu.memref_slice %arg18[%scan3A_210, %gather3A_1200, %gather3A_1201] : memref<2x64x128xf32, #tpu.memory_space<vmem>> -> memref<1x64x128xf32, #tpu.memory_space<vmem>>
        %gather3A_1203 = tpu.memref_squeeze %gather3A_1202 : memref<1x64x128xf32, #tpu.memory_space<vmem>> -> memref<64x128xf32, #tpu.memory_space<vmem>>
        %gather3A_1204 = tpu.vector_load_idx %gather3A_1203[%add3A_236, %add3A_1199] : memref<64x128xf32, #tpu.memory_space<vmem>>[vector<16xi32>, vector<16xi32>], vector<16xf32>,
        %add3A_1205 = arith.constant 26 : i32
        %add3A_1206 = vector.broadcast %add3A_1205 : i32 to vector<16xi32>
        %add3A_1207 = arith.addi %shift_left3A_249, %add3A_1206 : vector<16xi32>
        %gather3A_1208 = arith.constant 0 : i32
        %gather3A_1209 = arith.constant 0 : i32
        %gather3A_1210 = tpu.memref_slice %arg19[%scan3A_211, %gather3A_1208, %gather3A_1209] : memref<2x64x128xf32, #tpu.memory_space<vmem>> -> memref<1x64x128xf32, #tpu.memory_space<vmem>>
        %gather3A_1211 = tpu.memref_squeeze %gather3A_1210 : memref<1x64x128xf32, #tpu.memory_space<vmem>> -> memref<64x128xf32, #tpu.memory_space<vmem>>
        %gather3A_1212 = tpu.vector_load_idx %gather3A_1211[%add3A_236, %add3A_1207] : memref<64x128xf32, #tpu.memory_space<vmem>>[vector<16xi32>, vector<16xi32>], vector<16xf32>,
        %add3A_1213 = arith.constant 26 : i32
        %add3A_1214 = vector.broadcast %add3A_1213 : i32 to vector<16xi32>
        %add3A_1215 = arith.addi %shift_left3A_257, %add3A_1214 : vector<16xi32>
        %gather3A_1216 = arith.constant 0 : i32
        %gather3A_1217 = arith.constant 0 : i32
        %gather3A_1218 = tpu.memref_slice %arg20[%scan3A_212, %gather3A_1216, %gather3A_1217] : memref<2x64x128xf32, #tpu.memory_space<vmem>> -> memref<1x64x128xf32, #tpu.memory_space<vmem>>
        %gather3A_1219 = tpu.memref_squeeze %gather3A_1218 : memref<1x64x128xf32, #tpu.memory_space<vmem>> -> memref<64x128xf32, #tpu.memory_space<vmem>>
        %gather3A_1220 = tpu.vector_load_idx %gather3A_1219[%add3A_236, %add3A_1215] : memref<64x128xf32, #tpu.memory_space<vmem>>[vector<16xi32>, vector<16xi32>], vector<16xf32>,
        %gather3A_1221 = tpu.vector_load_idx %arg21[%broadcast_in_dim3A_1196, %get3A_259] : memref<32x1000xf32, #tpu.memory_space<vmem>>[vector<16xi32>, vector<16xi32>], vector<16xf32>,
        %gather3A_1222 = tpu.vector_load_idx %arg21[%broadcast_in_dim3A_1196, %get3A_261] : memref<32x1000xf32, #tpu.memory_space<vmem>>[vector<16xi32>, vector<16xi32>], vector<16xf32>,
        %add3A_1223 = arith.addf %gather3A_1204, %gather3A_1221 : vector<16xf32>
        %sub3A_1224 = arith.subf %add3A_1223, %gather3A_1212 : vector<16xf32>
        %abs3A_1225 = math.absf %sub3A_1224 : vector<16xf32>
        %add3A_1226 = arith.addf %add3A_1190, %abs3A_1225 : vector<16xf32>
        %add3A_1227 = arith.addf %gather3A_1220, %gather3A_1222 : vector<16xf32>
        %sub3A_1228 = arith.subf %add3A_1227, %gather3A_1212 : vector<16xf32>
        %abs3A_1229 = math.absf %sub3A_1228 : vector<16xf32>
        %add3A_1230 = arith.addf %add3A_1194, %abs3A_1229 : vector<16xf32>
        %broadcast_in_dim3A_1231 = arith.constant 27 : i32
        %broadcast_in_dim3A_1232 = vector.broadcast %broadcast_in_dim3A_1231 : i32 to vector<16xi32>
        %add3A_1233 = arith.constant 27 : i32
        %add3A_1234 = vector.broadcast %add3A_1233 : i32 to vector<16xi32>
        %add3A_1235 = arith.addi %shift_left3A_241, %add3A_1234 : vector<16xi32>
        %gather3A_1236 = arith.constant 0 : i32
        %gather3A_1237 = arith.constant 0 : i32
        %gather3A_1238 = tpu.memref_slice %arg18[%scan3A_210, %gather3A_1236, %gather3A_1237] : memref<2x64x128xf32, #tpu.memory_space<vmem>> -> memref<1x64x128xf32, #tpu.memory_space<vmem>>
        %gather3A_1239 = tpu.memref_squeeze %gather3A_1238 : memref<1x64x128xf32, #tpu.memory_space<vmem>> -> memref<64x128xf32, #tpu.memory_space<vmem>>
        %gather3A_1240 = tpu.vector_load_idx %gather3A_1239[%add3A_236, %add3A_1235] : memref<64x128xf32, #tpu.memory_space<vmem>>[vector<16xi32>, vector<16xi32>], vector<16xf32>,
        %add3A_1241 = arith.constant 27 : i32
        %add3A_1242 = vector.broadcast %add3A_1241 : i32 to vector<16xi32>
        %add3A_1243 = arith.addi %shift_left3A_249, %add3A_1242 : vector<16xi32>
        %gather3A_1244 = arith.constant 0 : i32
        %gather3A_1245 = arith.constant 0 : i32
        %gather3A_1246 = tpu.memref_slice %arg19[%scan3A_211, %gather3A_1244, %gather3A_1245] : memref<2x64x128xf32, #tpu.memory_space<vmem>> -> memref<1x64x128xf32, #tpu.memory_space<vmem>>
        %gather3A_1247 = tpu.memref_squeeze %gather3A_1246 : memref<1x64x128xf32, #tpu.memory_space<vmem>> -> memref<64x128xf32, #tpu.memory_space<vmem>>
        %gather3A_1248 = tpu.vector_load_idx %gather3A_1247[%add3A_236, %add3A_1243] : memref<64x128xf32, #tpu.memory_space<vmem>>[vector<16xi32>, vector<16xi32>], vector<16xf32>,
        %add3A_1249 = arith.constant 27 : i32
        %add3A_1250 = vector.broadcast %add3A_1249 : i32 to vector<16xi32>
        %add3A_1251 = arith.addi %shift_left3A_257, %add3A_1250 : vector<16xi32>
        %gather3A_1252 = arith.constant 0 : i32
        %gather3A_1253 = arith.constant 0 : i32
        %gather3A_1254 = tpu.memref_slice %arg20[%scan3A_212, %gather3A_1252, %gather3A_1253] : memref<2x64x128xf32, #tpu.memory_space<vmem>> -> memref<1x64x128xf32, #tpu.memory_space<vmem>>
        %gather3A_1255 = tpu.memref_squeeze %gather3A_1254 : memref<1x64x128xf32, #tpu.memory_space<vmem>> -> memref<64x128xf32, #tpu.memory_space<vmem>>
        %gather3A_1256 = tpu.vector_load_idx %gather3A_1255[%add3A_236, %add3A_1251] : memref<64x128xf32, #tpu.memory_space<vmem>>[vector<16xi32>, vector<16xi32>], vector<16xf32>,
        %gather3A_1257 = tpu.vector_load_idx %arg21[%broadcast_in_dim3A_1232, %get3A_259] : memref<32x1000xf32, #tpu.memory_space<vmem>>[vector<16xi32>, vector<16xi32>], vector<16xf32>,
        %gather3A_1258 = tpu.vector_load_idx %arg21[%broadcast_in_dim3A_1232, %get3A_261] : memref<32x1000xf32, #tpu.memory_space<vmem>>[vector<16xi32>, vector<16xi32>], vector<16xf32>,
        %add3A_1259 = arith.addf %gather3A_1240, %gather3A_1257 : vector<16xf32>
        %sub3A_1260 = arith.subf %add3A_1259, %gather3A_1248 : vector<16xf32>
        %abs3A_1261 = math.absf %sub3A_1260 : vector<16xf32>
        %add3A_1262 = arith.addf %add3A_1226, %abs3A_1261 : vector<16xf32>
        %add3A_1263 = arith.addf %gather3A_1256, %gather3A_1258 : vector<16xf32>
        %sub3A_1264 = arith.subf %add3A_1263, %gather3A_1248 : vector<16xf32>
        %abs3A_1265 = math.absf %sub3A_1264 : vector<16xf32>
        %add3A_1266 = arith.addf %add3A_1230, %abs3A_1265 : vector<16xf32>
        %broadcast_in_dim3A_1267 = arith.constant 28 : i32
        %broadcast_in_dim3A_1268 = vector.broadcast %broadcast_in_dim3A_1267 : i32 to vector<16xi32>
        %add3A_1269 = arith.constant 28 : i32
        %add3A_1270 = vector.broadcast %add3A_1269 : i32 to vector<16xi32>
        %add3A_1271 = arith.addi %shift_left3A_241, %add3A_1270 : vector<16xi32>
        %gather3A_1272 = arith.constant 0 : i32
        %gather3A_1273 = arith.constant 0 : i32
        %gather3A_1274 = tpu.memref_slice %arg18[%scan3A_210, %gather3A_1272, %gather3A_1273] : memref<2x64x128xf32, #tpu.memory_space<vmem>> -> memref<1x64x128xf32, #tpu.memory_space<vmem>>
        %gather3A_1275 = tpu.memref_squeeze %gather3A_1274 : memref<1x64x128xf32, #tpu.memory_space<vmem>> -> memref<64x128xf32, #tpu.memory_space<vmem>>
        %gather3A_1276 = tpu.vector_load_idx %gather3A_1275[%add3A_236, %add3A_1271] : memref<64x128xf32, #tpu.memory_space<vmem>>[vector<16xi32>, vector<16xi32>], vector<16xf32>,
        %add3A_1277 = arith.constant 28 : i32
        %add3A_1278 = vector.broadcast %add3A_1277 : i32 to vector<16xi32>
        %add3A_1279 = arith.addi %shift_left3A_249, %add3A_1278 : vector<16xi32>
        %gather3A_1280 = arith.constant 0 : i32
        %gather3A_1281 = arith.constant 0 : i32
        %gather3A_1282 = tpu.memref_slice %arg19[%scan3A_211, %gather3A_1280, %gather3A_1281] : memref<2x64x128xf32, #tpu.memory_space<vmem>> -> memref<1x64x128xf32, #tpu.memory_space<vmem>>
        %gather3A_1283 = tpu.memref_squeeze %gather3A_1282 : memref<1x64x128xf32, #tpu.memory_space<vmem>> -> memref<64x128xf32, #tpu.memory_space<vmem>>
        %gather3A_1284 = tpu.vector_load_idx %gather3A_1283[%add3A_236, %add3A_1279] : memref<64x128xf32, #tpu.memory_space<vmem>>[vector<16xi32>, vector<16xi32>], vector<16xf32>,
        %add3A_1285 = arith.constant 28 : i32
        %add3A_1286 = vector.broadcast %add3A_1285 : i32 to vector<16xi32>
        %add3A_1287 = arith.addi %shift_left3A_257, %add3A_1286 : vector<16xi32>
        %gather3A_1288 = arith.constant 0 : i32
        %gather3A_1289 = arith.constant 0 : i32
        %gather3A_1290 = tpu.memref_slice %arg20[%scan3A_212, %gather3A_1288, %gather3A_1289] : memref<2x64x128xf32, #tpu.memory_space<vmem>> -> memref<1x64x128xf32, #tpu.memory_space<vmem>>
        %gather3A_1291 = tpu.memref_squeeze %gather3A_1290 : memref<1x64x128xf32, #tpu.memory_space<vmem>> -> memref<64x128xf32, #tpu.memory_space<vmem>>
        %gather3A_1292 = tpu.vector_load_idx %gather3A_1291[%add3A_236, %add3A_1287] : memref<64x128xf32, #tpu.memory_space<vmem>>[vector<16xi32>, vector<16xi32>], vector<16xf32>,
        %gather3A_1293 = tpu.vector_load_idx %arg21[%broadcast_in_dim3A_1268, %get3A_259] : memref<32x1000xf32, #tpu.memory_space<vmem>>[vector<16xi32>, vector<16xi32>], vector<16xf32>,
        %gather3A_1294 = tpu.vector_load_idx %arg21[%broadcast_in_dim3A_1268, %get3A_261] : memref<32x1000xf32, #tpu.memory_space<vmem>>[vector<16xi32>, vector<16xi32>], vector<16xf32>,
        %add3A_1295 = arith.addf %gather3A_1276, %gather3A_1293 : vector<16xf32>
        %sub3A_1296 = arith.subf %add3A_1295, %gather3A_1284 : vector<16xf32>
        %abs3A_1297 = math.absf %sub3A_1296 : vector<16xf32>
        %add3A_1298 = arith.addf %add3A_1262, %abs3A_1297 : vector<16xf32>
        %add3A_1299 = arith.addf %gather3A_1292, %gather3A_1294 : vector<16xf32>
        %sub3A_1300 = arith.subf %add3A_1299, %gather3A_1284 : vector<16xf32>
        %abs3A_1301 = math.absf %sub3A_1300 : vector<16xf32>
        %add3A_1302 = arith.addf %add3A_1266, %abs3A_1301 : vector<16xf32>
        %broadcast_in_dim3A_1303 = arith.constant 29 : i32
        %broadcast_in_dim3A_1304 = vector.broadcast %broadcast_in_dim3A_1303 : i32 to vector<16xi32>
        %add3A_1305 = arith.constant 29 : i32
        %add3A_1306 = vector.broadcast %add3A_1305 : i32 to vector<16xi32>
        %add3A_1307 = arith.addi %shift_left3A_241, %add3A_1306 : vector<16xi32>
        %gather3A_1308 = arith.constant 0 : i32
        %gather3A_1309 = arith.constant 0 : i32
        %gather3A_1310 = tpu.memref_slice %arg18[%scan3A_210, %gather3A_1308, %gather3A_1309] : memref<2x64x128xf32, #tpu.memory_space<vmem>> -> memref<1x64x128xf32, #tpu.memory_space<vmem>>
        %gather3A_1311 = tpu.memref_squeeze %gather3A_1310 : memref<1x64x128xf32, #tpu.memory_space<vmem>> -> memref<64x128xf32, #tpu.memory_space<vmem>>
        %gather3A_1312 = tpu.vector_load_idx %gather3A_1311[%add3A_236, %add3A_1307] : memref<64x128xf32, #tpu.memory_space<vmem>>[vector<16xi32>, vector<16xi32>], vector<16xf32>,
        %add3A_1313 = arith.constant 29 : i32
        %add3A_1314 = vector.broadcast %add3A_1313 : i32 to vector<16xi32>
        %add3A_1315 = arith.addi %shift_left3A_249, %add3A_1314 : vector<16xi32>
        %gather3A_1316 = arith.constant 0 : i32
        %gather3A_1317 = arith.constant 0 : i32
        %gather3A_1318 = tpu.memref_slice %arg19[%scan3A_211, %gather3A_1316, %gather3A_1317] : memref<2x64x128xf32, #tpu.memory_space<vmem>> -> memref<1x64x128xf32, #tpu.memory_space<vmem>>
        %gather3A_1319 = tpu.memref_squeeze %gather3A_1318 : memref<1x64x128xf32, #tpu.memory_space<vmem>> -> memref<64x128xf32, #tpu.memory_space<vmem>>
        %gather3A_1320 = tpu.vector_load_idx %gather3A_1319[%add3A_236, %add3A_1315] : memref<64x128xf32, #tpu.memory_space<vmem>>[vector<16xi32>, vector<16xi32>], vector<16xf32>,
        %add3A_1321 = arith.constant 29 : i32
        %add3A_1322 = vector.broadcast %add3A_1321 : i32 to vector<16xi32>
        %add3A_1323 = arith.addi %shift_left3A_257, %add3A_1322 : vector<16xi32>
        %gather3A_1324 = arith.constant 0 : i32
        %gather3A_1325 = arith.constant 0 : i32
        %gather3A_1326 = tpu.memref_slice %arg20[%scan3A_212, %gather3A_1324, %gather3A_1325] : memref<2x64x128xf32, #tpu.memory_space<vmem>> -> memref<1x64x128xf32, #tpu.memory_space<vmem>>
        %gather3A_1327 = tpu.memref_squeeze %gather3A_1326 : memref<1x64x128xf32, #tpu.memory_space<vmem>> -> memref<64x128xf32, #tpu.memory_space<vmem>>
        %gather3A_1328 = tpu.vector_load_idx %gather3A_1327[%add3A_236, %add3A_1323] : memref<64x128xf32, #tpu.memory_space<vmem>>[vector<16xi32>, vector<16xi32>], vector<16xf32>,
        %gather3A_1329 = tpu.vector_load_idx %arg21[%broadcast_in_dim3A_1304, %get3A_259] : memref<32x1000xf32, #tpu.memory_space<vmem>>[vector<16xi32>, vector<16xi32>], vector<16xf32>,
        %gather3A_1330 = tpu.vector_load_idx %arg21[%broadcast_in_dim3A_1304, %get3A_261] : memref<32x1000xf32, #tpu.memory_space<vmem>>[vector<16xi32>, vector<16xi32>], vector<16xf32>,
        %add3A_1331 = arith.addf %gather3A_1312, %gather3A_1329 : vector<16xf32>
        %sub3A_1332 = arith.subf %add3A_1331, %gather3A_1320 : vector<16xf32>
        %abs3A_1333 = math.absf %sub3A_1332 : vector<16xf32>
        %add3A_1334 = arith.addf %add3A_1298, %abs3A_1333 : vector<16xf32>
        %add3A_1335 = arith.addf %gather3A_1328, %gather3A_1330 : vector<16xf32>
        %sub3A_1336 = arith.subf %add3A_1335, %gather3A_1320 : vector<16xf32>
        %abs3A_1337 = math.absf %sub3A_1336 : vector<16xf32>
        %add3A_1338 = arith.addf %add3A_1302, %abs3A_1337 : vector<16xf32>
        %broadcast_in_dim3A_1339 = arith.constant 30 : i32
        %broadcast_in_dim3A_1340 = vector.broadcast %broadcast_in_dim3A_1339 : i32 to vector<16xi32>
        %add3A_1341 = arith.constant 30 : i32
        %add3A_1342 = vector.broadcast %add3A_1341 : i32 to vector<16xi32>
        %add3A_1343 = arith.addi %shift_left3A_241, %add3A_1342 : vector<16xi32>
        %gather3A_1344 = arith.constant 0 : i32
        %gather3A_1345 = arith.constant 0 : i32
        %gather3A_1346 = tpu.memref_slice %arg18[%scan3A_210, %gather3A_1344, %gather3A_1345] : memref<2x64x128xf32, #tpu.memory_space<vmem>> -> memref<1x64x128xf32, #tpu.memory_space<vmem>>
        %gather3A_1347 = tpu.memref_squeeze %gather3A_1346 : memref<1x64x128xf32, #tpu.memory_space<vmem>> -> memref<64x128xf32, #tpu.memory_space<vmem>>
        %gather3A_1348 = tpu.vector_load_idx %gather3A_1347[%add3A_236, %add3A_1343] : memref<64x128xf32, #tpu.memory_space<vmem>>[vector<16xi32>, vector<16xi32>], vector<16xf32>,
        %add3A_1349 = arith.constant 30 : i32
        %add3A_1350 = vector.broadcast %add3A_1349 : i32 to vector<16xi32>
        %add3A_1351 = arith.addi %shift_left3A_249, %add3A_1350 : vector<16xi32>
        %gather3A_1352 = arith.constant 0 : i32
        %gather3A_1353 = arith.constant 0 : i32
        %gather3A_1354 = tpu.memref_slice %arg19[%scan3A_211, %gather3A_1352, %gather3A_1353] : memref<2x64x128xf32, #tpu.memory_space<vmem>> -> memref<1x64x128xf32, #tpu.memory_space<vmem>>
        %gather3A_1355 = tpu.memref_squeeze %gather3A_1354 : memref<1x64x128xf32, #tpu.memory_space<vmem>> -> memref<64x128xf32, #tpu.memory_space<vmem>>
        %gather3A_1356 = tpu.vector_load_idx %gather3A_1355[%add3A_236, %add3A_1351] : memref<64x128xf32, #tpu.memory_space<vmem>>[vector<16xi32>, vector<16xi32>], vector<16xf32>,
        %add3A_1357 = arith.constant 30 : i32
        %add3A_1358 = vector.broadcast %add3A_1357 : i32 to vector<16xi32>
        %add3A_1359 = arith.addi %shift_left3A_257, %add3A_1358 : vector<16xi32>
        %gather3A_1360 = arith.constant 0 : i32
        %gather3A_1361 = arith.constant 0 : i32
        %gather3A_1362 = tpu.memref_slice %arg20[%scan3A_212, %gather3A_1360, %gather3A_1361] : memref<2x64x128xf32, #tpu.memory_space<vmem>> -> memref<1x64x128xf32, #tpu.memory_space<vmem>>
        %gather3A_1363 = tpu.memref_squeeze %gather3A_1362 : memref<1x64x128xf32, #tpu.memory_space<vmem>> -> memref<64x128xf32, #tpu.memory_space<vmem>>
        %gather3A_1364 = tpu.vector_load_idx %gather3A_1363[%add3A_236, %add3A_1359] : memref<64x128xf32, #tpu.memory_space<vmem>>[vector<16xi32>, vector<16xi32>], vector<16xf32>,
        %gather3A_1365 = tpu.vector_load_idx %arg21[%broadcast_in_dim3A_1340, %get3A_259] : memref<32x1000xf32, #tpu.memory_space<vmem>>[vector<16xi32>, vector<16xi32>], vector<16xf32>,
        %gather3A_1366 = tpu.vector_load_idx %arg21[%broadcast_in_dim3A_1340, %get3A_261] : memref<32x1000xf32, #tpu.memory_space<vmem>>[vector<16xi32>, vector<16xi32>], vector<16xf32>,
        %add3A_1367 = arith.addf %gather3A_1348, %gather3A_1365 : vector<16xf32>
        %sub3A_1368 = arith.subf %add3A_1367, %gather3A_1356 : vector<16xf32>
        %abs3A_1369 = math.absf %sub3A_1368 : vector<16xf32>
        %add3A_1370 = arith.addf %add3A_1334, %abs3A_1369 : vector<16xf32>
        %add3A_1371 = arith.addf %gather3A_1364, %gather3A_1366 : vector<16xf32>
        %sub3A_1372 = arith.subf %add3A_1371, %gather3A_1356 : vector<16xf32>
        %abs3A_1373 = math.absf %sub3A_1372 : vector<16xf32>
        %add3A_1374 = arith.addf %add3A_1338, %abs3A_1373 : vector<16xf32>
        %broadcast_in_dim3A_1375 = arith.constant 31 : i32
        %broadcast_in_dim3A_1376 = vector.broadcast %broadcast_in_dim3A_1375 : i32 to vector<16xi32>
        %add3A_1377 = arith.constant 31 : i32
        %add3A_1378 = vector.broadcast %add3A_1377 : i32 to vector<16xi32>
        %add3A_1379 = arith.addi %shift_left3A_241, %add3A_1378 : vector<16xi32>
        %gather3A_1380 = arith.constant 0 : i32
        %gather3A_1381 = arith.constant 0 : i32
        %gather3A_1382 = tpu.memref_slice %arg18[%scan3A_210, %gather3A_1380, %gather3A_1381] : memref<2x64x128xf32, #tpu.memory_space<vmem>> -> memref<1x64x128xf32, #tpu.memory_space<vmem>>
        %gather3A_1383 = tpu.memref_squeeze %gather3A_1382 : memref<1x64x128xf32, #tpu.memory_space<vmem>> -> memref<64x128xf32, #tpu.memory_space<vmem>>
        %gather3A_1384 = tpu.vector_load_idx %gather3A_1383[%add3A_236, %add3A_1379] : memref<64x128xf32, #tpu.memory_space<vmem>>[vector<16xi32>, vector<16xi32>], vector<16xf32>,
        %add3A_1385 = arith.constant 31 : i32
        %add3A_1386 = vector.broadcast %add3A_1385 : i32 to vector<16xi32>
        %add3A_1387 = arith.addi %shift_left3A_249, %add3A_1386 : vector<16xi32>
        %gather3A_1388 = arith.constant 0 : i32
        %gather3A_1389 = arith.constant 0 : i32
        %gather3A_1390 = tpu.memref_slice %arg19[%scan3A_211, %gather3A_1388, %gather3A_1389] : memref<2x64x128xf32, #tpu.memory_space<vmem>> -> memref<1x64x128xf32, #tpu.memory_space<vmem>>
        %gather3A_1391 = tpu.memref_squeeze %gather3A_1390 : memref<1x64x128xf32, #tpu.memory_space<vmem>> -> memref<64x128xf32, #tpu.memory_space<vmem>>
        %gather3A_1392 = tpu.vector_load_idx %gather3A_1391[%add3A_236, %add3A_1387] : memref<64x128xf32, #tpu.memory_space<vmem>>[vector<16xi32>, vector<16xi32>], vector<16xf32>,
        %add3A_1393 = arith.constant 31 : i32
        %add3A_1394 = vector.broadcast %add3A_1393 : i32 to vector<16xi32>
        %add3A_1395 = arith.addi %shift_left3A_257, %add3A_1394 : vector<16xi32>
        %gather3A_1396 = arith.constant 0 : i32
        %gather3A_1397 = arith.constant 0 : i32
        %gather3A_1398 = tpu.memref_slice %arg20[%scan3A_212, %gather3A_1396, %gather3A_1397] : memref<2x64x128xf32, #tpu.memory_space<vmem>> -> memref<1x64x128xf32, #tpu.memory_space<vmem>>
        %gather3A_1399 = tpu.memref_squeeze %gather3A_1398 : memref<1x64x128xf32, #tpu.memory_space<vmem>> -> memref<64x128xf32, #tpu.memory_space<vmem>>
        %gather3A_1400 = tpu.vector_load_idx %gather3A_1399[%add3A_236, %add3A_1395] : memref<64x128xf32, #tpu.memory_space<vmem>>[vector<16xi32>, vector<16xi32>], vector<16xf32>,
        %gather3A_1401 = tpu.vector_load_idx %arg21[%broadcast_in_dim3A_1376, %get3A_259] : memref<32x1000xf32, #tpu.memory_space<vmem>>[vector<16xi32>, vector<16xi32>], vector<16xf32>,
        %gather3A_1402 = tpu.vector_load_idx %arg21[%broadcast_in_dim3A_1376, %get3A_261] : memref<32x1000xf32, #tpu.memory_space<vmem>>[vector<16xi32>, vector<16xi32>], vector<16xf32>,
        %add3A_1403 = arith.addf %gather3A_1384, %gather3A_1401 : vector<16xf32>
        %sub3A_1404 = arith.subf %add3A_1403, %gather3A_1392 : vector<16xf32>
        %abs3A_1405 = math.absf %sub3A_1404 : vector<16xf32>
        %add3A_1406 = arith.addf %add3A_1370, %abs3A_1405 : vector<16xf32>
        %add3A_1407 = arith.addf %gather3A_1400, %gather3A_1402 : vector<16xf32>
        %sub3A_1408 = arith.subf %add3A_1407, %gather3A_1392 : vector<16xf32>
        %abs3A_1409 = math.absf %sub3A_1408 : vector<16xf32>
        %add3A_1410 = arith.addf %add3A_1374, %abs3A_1409 : vector<16xf32>
        %sub3A_1411 = arith.subf %add3A_1406, %add3A_1410 : vector<16xf32>
        %add3A_1412 = arith.constant 1.000000e+00 : f32
        %add3A_1413 = vector.broadcast %add3A_1412 : f32 to vector<16xf32>
        %add3A_1414 = arith.addf %sub3A_1411, %add3A_1413 : vector<16xf32>
        %max3A = arith.constant 0.000000e+00 : f32
        %max3A_1415 = vector.broadcast %max3A : f32 to vector<16xf32>
        %max3A_1416 = arith.maximumf %add3A_1414, %max3A_1415 : vector<16xf32>
        %add3A_1417 = arith.addf %scan3A_227, %max3A_1416 : vector<16xf32>
        scf.yield %add3A_1417 : vector<16xf32>
      }
      %scan3A_218 = arith.constant 4 : i32
      %add3A_219 = arith.constant 2 : i32
      %add3A_220 = arith.addi %add3A_164, %add3A_219 : i32
      %lt3A_221 = arith.constant 8 : i32
      %lt3A_222 = arith.cmpi slt, %add3A_220, %lt3A_221 : i32
      %convert_element_type3A_223 = arith.extui %lt3A_222 : i1 to i32
      %cond3A_224 = arith.constant 0 : i32
      %cond3A_225 = arith.cmpi ne, %convert_element_type3A_223, %cond3A_224 : i32
      scf.if %cond3A_225 {
        %add3A_226 = arith.constant 2 : i32
        %add3A_227 = arith.addi %add3A_164, %add3A_226 : i32
        %mul3A_228 = arith.constant 64 : i32
        %mul3A_229 = arith.muli %add3A_227, %mul3A_228 : i32
        %dma_start3A_230 = arith.constant 1 : i32
        %dma_start3A_231 = arith.constant 0 : i32
        %dma_start3A_232 = arith.constant 0 : i32
        %dma_start3A_233 = tpu.memref_slice %arg18[%dma_start3A_230, %dma_start3A_231, %dma_start3A_232] : memref<2x64x128xf32, #tpu.memory_space<vmem>> -> memref<1x64x128xf32, #tpu.memory_space<vmem>>
        %dma_start3A_234 = tpu.memref_squeeze %dma_start3A_233 : memref<1x64x128xf32, #tpu.memory_space<vmem>> -> memref<64x128xf32, #tpu.memory_space<vmem>>
        %dma_start3A_235 = tpu.memref_slice %arg15[%mul3A_229] : memref<512xi32, #tpu.memory_space<vmem>> -> memref<64xi32, #tpu.memory_space<vmem>>
        %dma_start3A_236 = arith.constant 0 : i32
        %dma_start3A_237 = arith.constant 0 : i32
        %dma_start3A_238 = tpu.memref_slice %arg7[%dma_start3A_236, %dma_start3A_237] : memref<262144x128xf32, #tpu.memory_space<hbm>> -> memref<262144x128xf32, #tpu.memory_space<hbm>>
        tpu.enqueue_indirect_dma source(%dma_start3A_238 : memref<262144x128xf32, #tpu.memory_space<hbm>>) target(%dma_start3A_234 : memref<64x128xf32, #tpu.memory_space<vmem>>) offsets(%dma_start3A_235 : memref<64xi32, #tpu.memory_space<vmem>>) semaphore(%arg24 : memref<!tpu.dma_semaphore, #tpu.memory_space<semaphore_mem>>)
        %dma_start3A_239 = arith.constant 1 : i32
        %dma_start3A_240 = arith.constant 0 : i32
        %dma_start3A_241 = arith.constant 0 : i32
        %dma_start3A_242 = tpu.memref_slice %arg19[%dma_start3A_239, %dma_start3A_240, %dma_start3A_241] : memref<2x64x128xf32, #tpu.memory_space<vmem>> -> memref<1x64x128xf32, #tpu.memory_space<vmem>>
        %dma_start3A_243 = tpu.memref_squeeze %dma_start3A_242 : memref<1x64x128xf32, #tpu.memory_space<vmem>> -> memref<64x128xf32, #tpu.memory_space<vmem>>
        %dma_start3A_244 = tpu.memref_slice %arg16[%mul3A_229] : memref<512xi32, #tpu.memory_space<vmem>> -> memref<64xi32, #tpu.memory_space<vmem>>
        %dma_start3A_245 = arith.constant 0 : i32
        %dma_start3A_246 = arith.constant 0 : i32
        %dma_start3A_247 = tpu.memref_slice %arg7[%dma_start3A_245, %dma_start3A_246] : memref<262144x128xf32, #tpu.memory_space<hbm>> -> memref<262144x128xf32, #tpu.memory_space<hbm>>
        tpu.enqueue_indirect_dma source(%dma_start3A_247 : memref<262144x128xf32, #tpu.memory_space<hbm>>) target(%dma_start3A_243 : memref<64x128xf32, #tpu.memory_space<vmem>>) offsets(%dma_start3A_244 : memref<64xi32, #tpu.memory_space<vmem>>) semaphore(%arg24 : memref<!tpu.dma_semaphore, #tpu.memory_space<semaphore_mem>>)
        %dma_start3A_248 = arith.constant 1 : i32
        %dma_start3A_249 = arith.constant 0 : i32
        %dma_start3A_250 = arith.constant 0 : i32
        %dma_start3A_251 = tpu.memref_slice %arg20[%dma_start3A_248, %dma_start3A_249, %dma_start3A_250] : memref<2x64x128xf32, #tpu.memory_space<vmem>> -> memref<1x64x128xf32, #tpu.memory_space<vmem>>
        %dma_start3A_252 = tpu.memref_squeeze %dma_start3A_251 : memref<1x64x128xf32, #tpu.memory_space<vmem>> -> memref<64x128xf32, #tpu.memory_space<vmem>>
        %dma_start3A_253 = tpu.memref_slice %arg17[%mul3A_229] : memref<512xi32, #tpu.memory_space<vmem>> -> memref<64xi32, #tpu.memory_space<vmem>>
        %dma_start3A_254 = arith.constant 0 : i32
        %dma_start3A_255 = arith.constant 0 : i32
        %dma_start3A_256 = tpu.memref_slice %arg7[%dma_start3A_254, %dma_start3A_255] : memref<262144x128xf32, #tpu.memory_space<hbm>> -> memref<262144x128xf32, #tpu.memory_space<hbm>>
        tpu.enqueue_indirect_dma source(%dma_start3A_256 : memref<262144x128xf32, #tpu.memory_space<hbm>>) target(%dma_start3A_252 : memref<64x128xf32, #tpu.memory_space<vmem>>) offsets(%dma_start3A_253 : memref<64xi32, #tpu.memory_space<vmem>>) semaphore(%arg24 : memref<!tpu.dma_semaphore, #tpu.memory_space<semaphore_mem>>)
      } else {
      }
      scf.yield %scan3A_217 : vector<16xf32>
    }
    %scan3A_95 = arith.constant 4 : i32
    %swap3A = arith.constant 0 : index
    %swap3A_96 = tpu.vector_load %arg22[%swap3A] {strides = array<i32>} : memref<16xf32, #tpu.memory_space<vmem>>, vector<16xf32>,
    tpu.vector_store %arg22[%swap3A], %scan3A_94 {strides = array<i32>} : memref<16xf32, #tpu.memory_space<vmem>>, vector<16xf32>,
    "tpu.region"() ({
      %run_scoped3A = tpu.sem_alloc : memref<!tpu.dma_semaphore, #tpu.memory_space<semaphore_mem>>
      %dma_start3A_97 = arith.constant 0 : i32
      %dma_start3A_98 = tpu.memref_slice %arg9[%add3A, %dma_start3A_97] : memref<32x16xf32, #tpu.memory_space<hbm>> -> memref<1x16xf32, #tpu.memory_space<hbm>>
      %dma_start3A_99 = tpu.memref_squeeze %dma_start3A_98 : memref<1x16xf32, #tpu.memory_space<hbm>> -> memref<16xf32, #tpu.memory_space<hbm>>
      %dma_start3A_100 = arith.constant 0 : i32
      %dma_start3A_101 = tpu.memref_slice %arg9[%add3A, %dma_start3A_100] : memref<32x16xf32, #tpu.memory_space<hbm>> -> memref<1x16xf32, #tpu.memory_space<hbm>>
      %dma_start3A_102 = tpu.memref_squeeze %dma_start3A_101 : memref<1x16xf32, #tpu.memory_space<hbm>> -> memref<16xf32, #tpu.memory_space<hbm>>
      tpu.enqueue_dma source(%arg22 : memref<16xf32, #tpu.memory_space<vmem>>) target(%dma_start3A_102 : memref<16xf32, #tpu.memory_space<hbm>>) target_semaphore(%run_scoped3A : memref<!tpu.dma_semaphore, #tpu.memory_space<semaphore_mem>>)
      %dma_wait3A_103 = arith.constant 0 : i32
      %dma_wait3A_104 = tpu.memref_slice %arg9[%add3A, %dma_wait3A_103] : memref<32x16xf32, #tpu.memory_space<hbm>> -> memref<1x16xf32, #tpu.memory_space<hbm>>
      %dma_wait3A_105 = tpu.memref_squeeze %dma_wait3A_104 : memref<1x16xf32, #tpu.memory_space<hbm>> -> memref<16xf32, #tpu.memory_space<hbm>>
      %dma_wait3A_106 = arith.constant 0 : i32
      %dma_wait3A_107 = tpu.memref_slice %arg9[%add3A, %dma_wait3A_106] : memref<32x16xf32, #tpu.memory_space<hbm>> -> memref<1x16xf32, #tpu.memory_space<hbm>>
      %dma_wait3A_108 = tpu.memref_squeeze %dma_wait3A_107 : memref<1x16xf32, #tpu.memory_space<hbm>> -> memref<16xf32, #tpu.memory_space<hbm>>
      tpu.wait_dma2 semaphore(%run_scoped3A : memref<!tpu.dma_semaphore, #tpu.memory_space<semaphore_mem>>) src(%arg22 : memref<16xf32, #tpu.memory_space<vmem>>) dst(%dma_wait3A_108 : memref<16xf32, #tpu.memory_space<hbm>>)
      tpu.yield
    }) : () -> ()
    return
  }
}

module attributes {stable_mosaic.version = 14 : i64} {
  func.func @_xpose_body(%arg0: i32, %arg1: memref<32x16384xf32, #tpu.memory_space<vmem>>, %arg2: memref<32x16384xf32, #tpu.memory_space<vmem>>, %arg3: memref<32x16384xf32, #tpu.memory_space<vmem>>, %arg4: memref<32x16384xf32, #tpu.memory_space<vmem>>, %arg5: memref<128x128xbf16, #tpu.memory_space<vmem>>, %arg6: memref<16384x128xf32, #tpu.memory_space<vmem>>) attributes {dimension_semantics = [#tpu.dimension_semantics<arbitrary>], iteration_bounds = array<i64: 16>, scalar_prefetch = 0 : i64, scratch_operands = 0 : i64, tpu.core_type = #tpu.core_type<tc>, window_params = [{transform_indices = @transform_0, window_bounds = array<i64: 32, 16384>}, {transform_indices = @transform_1, window_bounds = array<i64: 32, 16384>}, {transform_indices = @transform_2, window_bounds = array<i64: 32, 16384>}, {transform_indices = @transform_3, window_bounds = array<i64: 32, 16384>}, {pipeline_mode = #tpu.pipeline_mode<synchronous>, transform_indices = @transform_4, window_bounds = array<i64: 128, 128>}, {transform_indices = @transform_5, window_bounds = array<i64: 16384, 128>}]} {
    %get3A = arith.constant 0 : index
    %get3A_0 = arith.constant 0 : index
    %get3A_1 = vector.load %arg1[%get3A, %get3A_0] : memref<32x16384xf32, #tpu.memory_space<vmem>>, vector<32x16384xf32>
    %get3A_2 = arith.constant 0 : index
    %get3A_3 = arith.constant 0 : index
    %get3A_4 = vector.load %arg2[%get3A_2, %get3A_3] : memref<32x16384xf32, #tpu.memory_space<vmem>>, vector<32x16384xf32>
    %get3A_5 = arith.constant 0 : index
    %get3A_6 = arith.constant 0 : index
    %get3A_7 = vector.load %arg3[%get3A_5, %get3A_6] : memref<32x16384xf32, #tpu.memory_space<vmem>>, vector<32x16384xf32>
    %get3A_8 = arith.constant 0 : index
    %get3A_9 = arith.constant 0 : index
    %get3A_10 = vector.load %arg4[%get3A_8, %get3A_9] : memref<32x16384xf32, #tpu.memory_space<vmem>>, vector<32x16384xf32>
    %concatenate3A = tpu.concatenate %get3A_1, %get3A_4, %get3A_7, %get3A_10 in 0 : vector<32x16384xf32>, vector<32x16384xf32>, vector<32x16384xf32>, vector<32x16384xf32> -> vector<128x16384xf32>
    %convert_element_type3A = arith.truncf %concatenate3A : vector<128x16384xf32> to vector<128x16384xbf16>
    %get3A_11 = arith.constant 0 : index
    %get3A_12 = arith.constant 0 : index
    %get3A_13 = vector.load %arg5[%get3A_11, %get3A_12] : memref<128x128xbf16, #tpu.memory_space<vmem>>, vector<128x128xbf16>
    %dot_general3A = arith.constant dense<0.000000e+00> : vector<16384x128xf32>
    %dot_general3A_14 = tpu.matmul %convert_element_type3A, %get3A_13, %dot_general3A {dimension_numbers = #tpu.dot_dimension_numbers<[0], [0], [1], [1], [0, 1, 1, 1], [], []>, transpose_lhs_hint = true} : vector<128x16384xbf16>, vector<128x128xbf16>, vector<16384x128xf32> -> vector<16384x128xf32>
    %swap3A = arith.constant 0 : index
    %swap3A_15 = arith.constant 0 : index
    %swap3A_16 = vector.load %arg6[%swap3A, %swap3A_15] : memref<16384x128xf32, #tpu.memory_space<vmem>>, vector<16384x128xf32>
    tpu.vector_store %arg6[%swap3A, %swap3A_15], %dot_general3A_14 {strides = array<i32>} : memref<16384x128xf32, #tpu.memory_space<vmem>>, vector<16384x128xf32>,
    return
  }
  func.func @transform_0(%arg0: i32) -> (i32, i32) {
    %add3A = arith.constant 0 : i32
    %add3A_0 = arith.addi %add3A, %arg0 : i32
    %min3A = arith.constant 61 : i32
    %min3A_1 = arith.minsi %add3A_0, %min3A : i32
    %c0_i32 = arith.constant 0 : i32
    %c0_i32_2 = arith.constant 0 : i32
    return %c0_i32, %min3A_1 : i32, i32
  }
  func.func @transform_1(%arg0: i32) -> (i32, i32) {
    %add3A = arith.constant 16 : i32
    %add3A_0 = arith.addi %add3A, %arg0 : i32
    %min3A = arith.constant 61 : i32
    %min3A_1 = arith.minsi %add3A_0, %min3A : i32
    %c0_i32 = arith.constant 0 : i32
    %c0_i32_2 = arith.constant 0 : i32
    return %c0_i32, %min3A_1 : i32, i32
  }
  func.func @transform_2(%arg0: i32) -> (i32, i32) {
    %add3A = arith.constant 32 : i32
    %add3A_0 = arith.addi %add3A, %arg0 : i32
    %min3A = arith.constant 61 : i32
    %min3A_1 = arith.minsi %add3A_0, %min3A : i32
    %c0_i32 = arith.constant 0 : i32
    %c0_i32_2 = arith.constant 0 : i32
    return %c0_i32, %min3A_1 : i32, i32
  }
  func.func @transform_3(%arg0: i32) -> (i32, i32) {
    %add3A = arith.constant 48 : i32
    %add3A_0 = arith.addi %add3A, %arg0 : i32
    %min3A = arith.constant 61 : i32
    %min3A_1 = arith.minsi %add3A_0, %min3A : i32
    %c0_i32 = arith.constant 0 : i32
    %c0_i32_2 = arith.constant 0 : i32
    return %c0_i32, %min3A_1 : i32, i32
  }
  func.func @transform_4(%arg0: i32) -> (i32, i32) {
    %c0_i32 = arith.constant 0 : i32
    %c0_i32_0 = arith.constant 0 : i32
    %c0_i32_1 = arith.constant 0 : i32
    return %c0_i32, %c0_i32_0 : i32, i32
  }
  func.func @transform_5(%arg0: i32) -> (i32, i32) {
    %c0_i32 = arith.constant 0 : i32
    %c0_i32_0 = arith.constant 0 : i32
    return %arg0, %c0_i32 : i32, i32
  }
}

</mosaic_0001>

<sc_bundles>
// kernel: kernel.4.cloned.1.call-start
scs
__scs_entry_jumppad:
0x0: {  	(pc) =	sbr.rel $0x88, $3  }
0x1: {  	(tag) =	ssettag $0x0;
	lr =	simm.s32 $0x1  }
0x2: {  	[smem:$0x3F9A] =	sst lr;
	_ =	strace $0xD0000000  }
0x3: {  	_ = 	snop  }
0x4: {  	_ = 	snop  }
0x5: {  	_ = 	snop  }
0x6: {  	_ = 	snop  }
0x7: {  	_ = 	snop  }
__scs_overlays_trampoline_lowered:
0x8: {  	[smem:$0x3FA9] =	sst s0  }
0x9: {  	[smem:$0x3FAA] =	sst s1  }
0xa: {  	[smem:$0x3FAB] =	sst s2  }
0xb: {  	[smem:$0x3FAC] =	sst s3  }
0xc: {  	[smem:$0x3FAD] =	sst s4  }
0xd: {  	[smem:$0x3FAE] =	sst s5  }
0xe: {  	[smem:$0x3FAF] =	sst s6  }
0xf: {  	[smem:$0x3FB0] =	sst s7  }
0x10: {  	[smem:$0x3FB1] =	sst s8  }
0x11: {  	[smem:$0x3FB2] =	sst s9;
	s0 =	simm.s32 @!p0 $0x0  }
0x12: {  	s1 =	sld [smem:$0x3F98];
	s0 =	simm.s32 @p0 $0x1  }
0x13: {  	[smem:$0x3FB3] =	sst s0;
	s0 =	simm.s32 @!p1 $0x0  }
0x14: {  	s2 =	sld [smem:$0x3F97];
	s0 =	simm.s32 @p1 $0x1  }
0x15: {  	[smem:$0x3FB4] =	sst s0;
	s0 =	simm.s32 @!p2 $0x0  }
0x16: {  	s3 =	sld [smem:$0x3FDB];
	s0 =	simm.s32 @p2 $0x1  }
0x17: {  	s4 =	simm.s32 $0x1BF5;
	[smem:$0x3FB6] =	sst s0  }
0x18: {  	s0 =	sld [smem:$0x3F99];
	_ =	swait.ge [sflag:s4], $0x0  }
0x19: {  	s7 =	sld [smem:$0x3F9A]  }
0x1a: {  	s8 =	sadd.s32 $0xFFFFE003, lr  }
0x1b: {  	s9 =	sadd.s32 $0xFFFFFEF7, lr;
	s5 =	simm.s32 $0xFFFFFFFF;
	p2 =	slt.u32 s8, $0xFFFFF086  }
0x1c: {  	p1 =	slt.u32 s9, $0xF7A;
	s5 =	simm.s32 @!p2 $0x0  }
0x1d: {  	s5 =	simm.s32 @p1 $0x1;
	p0 =	seq.s32 s7, s2  }
0x1e: {  	s7 =	smul.u32 @!p0 $0xF7A, s2;
	p2 =	seq.s32 @!p0 s5, $0x0  }
0x1f: {  	s9 =	smul.u32 $0xF7A, s1;
	s8 =	simm.s32 @!p0 $0x1BF5;
	p2 =	por !p2, p0  }
0x20: {  	[sflag:s8] =	ssyncset.s32 @!p0 $0xFFFFF086;
	s6 =	sadd.s32 @!p0 s3, s7;
	s7 =	simm.s32 @!p0 $0x108  }
0x21: {  	s3 =	sadd.s32 s3, s9;
	s6 =	sadd.s32 @!p0 $0x88, s6;
	s7 =	simm.s32 @p2 $0x1082  }
0x22: {  	[simem:s7], [sflag:s8] =	dma.local @!p0 [hbm:s6], $0xF7A  }
0x23: {  	s9 =	sor.u32 $0xD0000000, s2;
	s6 =	simm.s32 $0x108;
	_ =	swait.ge @!p0 [sflag:s8], $0x0  }
0x24: {  	s3 =	sadd.s32 $0x88, s3;
	s6 =	simm.s32 @!p1 $0x1082;
	[sflag:s4] =	ssyncset.s32 $0xFFFFF086  }
0x25: {  	[simem:s6], [sflag:s4] =	dma.local [hbm:s3], $0xF7A  }
0x26: {  	[smem:$0x3F9A] =	sst s1;
	(tag) =	ssettag s2;
	_ =	strace s9  }
0x27: {  	s1 =	sld [smem:$0x3FAA]  }
0x28: {  	s2 =	sld [smem:$0x3FAB]  }
0x29: {  	s4 =	sld [smem:$0x3FAD]  }
0x2a: {  	p0 =	seq.s32 s5, $0x0;
	s5 =	sld [smem:$0x3FAE]  }
0x2b: {  	s6 =	sld [smem:$0x3FAF]  }
0x2c: {  	s7 =	sld [smem:$0x3FB0]  }
0x2d: {  	s3 =	simm.s32 $0x108;
	s8 =	sld [smem:$0x3FB1]  }
0x2e: {  	s3 =	simm.s32 @!p0 $0x1082;
	s9 =	sld [smem:$0x3FB2]  }
0x2f: {  	lr =	sadd.s32 s0, s3;
	s0 =	sld [smem:$0x3FA9]  }
0x30: {  	s3 =	sld [smem:$0x3FAC]  }
0x31: {  	[smem:$0x3FB5] =	sst s10  }
0x32: {  	s10 =	sld [smem:$0x3FB3];
	_ =	sdelay $0x3  }
0x33: {  	p0 =	seq.s32 s10, $0x1;
	s10 =	sld [smem:$0x3FB5];
	_ =	sdelay $0x3  }
0x34: {  	[smem:$0x3FB5] =	sst s10  }
0x35: {  	s10 =	sld [smem:$0x3FB4];
	_ =	sdelay $0x3  }
0x36: {  	p1 =	seq.s32 s10, $0x1;
	s10 =	sld [smem:$0x3FB5];
	_ =	sdelay $0x3  }
0x37: {  	[smem:$0x3FB5] =	sst s10  }
0x38: {  	s10 =	sld [smem:$0x3FB6]  }
0x39: {  	_ = 	snop;
	(pc) =	sbr.ind lr, $3  }
0x3a: {  	_ = 	snop  }
0x3b: {  	_ = 	snop  }
0x3c: {  	p2 =	seq.s32 s10, $0x1;
	s10 =	sld [smem:$0x3FB5]  }
0x3d: {  	_ =	shalt  }
0x3e: {  	_ =	shalt  }
0x3f: {  	_ =	shalt  }
0x40: {  	_ =	shalt  }
0x41: {  	_ =	shalt  }
0x42: {  	_ =	shalt  }
0x43: {  	_ =	shalt  }
0x44: {  	_ =	shalt  }
0x45: {  	_ =	shalt  }
0x46: {  	_ =	shalt  }
0x47: {  	_ =	shalt  }
0x48: {  	_ =	shalt  }
0x49: {  	_ =	shalt  }
0x4a: {  	_ =	shalt  }
0x4b: {  	_ =	shalt  }
0x4c: {  	_ =	shalt  }
0x4d: {  	_ =	shalt  }
0x4e: {  	_ =	shalt  }
0x4f: {  	_ =	shalt  }
0x50: {  	_ =	shalt  }
0x51: {  	_ =	shalt  }
0x52: {  	_ =	shalt  }
0x53: {  	_ =	shalt  }
0x54: {  	_ =	shalt  }
0x55: {  	_ =	shalt  }
0x56: {  	_ =	shalt  }
0x57: {  	_ =	shalt  }
0x58: {  	_ =	shalt  }
0x59: {  	_ =	shalt  }
0x5a: {  	_ =	shalt  }
0x5b: {  	_ =	shalt  }
0x5c: {  	_ =	shalt  }
0x5d: {  	_ =	shalt  }
0x5e: {  	_ =	shalt  }
0x5f: {  	_ =	shalt  }
0x60: {  	_ =	shalt  }
0x61: {  	_ =	shalt  }
0x62: {  	_ =	shalt  }
0x63: {  	_ =	shalt  }
0x64: {  	_ =	shalt  }
0x65: {  	_ =	shalt  }
0x66: {  	_ =	shalt  }
0x67: {  	_ =	shalt  }
0x68: {  	_ =	shalt  }
0x69: {  	_ =	shalt  }
0x6a: {  	_ =	shalt  }
0x6b: {  	_ =	shalt  }
0x6c: {  	_ =	shalt  }
0x6d: {  	_ =	shalt  }
0x6e: {  	_ =	shalt  }
0x6f: {  	_ =	shalt  }
0x70: {  	_ =	shalt  }
0x71: {  	_ =	shalt  }
0x72: {  	_ =	shalt  }
0x73: {  	_ =	shalt  }
0x74: {  	_ =	shalt  }
0x75: {  	_ =	shalt  }
0x76: {  	_ =	shalt  }
0x77: {  	_ =	shalt  }
0x78: {  	_ =	shalt  }
0x79: {  	_ =	shalt  }
0x7a: {  	_ =	shalt  }
0x7b: {  	_ =	shalt  }
0x7c: {  	_ =	shalt  }
0x7d: {  	_ =	shalt  }
0x7e: {  	_ =	shalt  }
0x7f: {  	_ =	shalt  }
0x80: {  	_ =	shalt  }
0x81: {  	_ =	shalt  }
0x82: {  	_ =	shalt  }
0x83: {  	_ =	shalt  }
0x84: {  	_ =	shalt  }
0x85: {  	_ =	shalt  }
0x86: {  	_ =	shalt  }
0x87: {  	_ =	shalt  }
.Lfunc_end0:
.L_simem_size_0:
called_computation_lowered:
.L_overlay_start_0:
0x88: {  	s2 =	sld [smem:$0x3FD9]  }
0x89: {  	s3 =	sld [smem:$0x3FFE];
	_ =	sdelay $0x1  }
0x8a: {  	s1 =	srdreg.scid  }
0x8b: {  	s0 =	sand.u32 $0x1, s1  }
0x8c: {  	s17 =	sshll.u32 s0, $0xA;
	s2 =	sadd.s32 s3, s2  }
0x8d: {  	s2 =	sadd.s32 s2, s17  }
0x8e: {  	[smem:$0x3FC1] =	sst s2  }
0x8f: {  	_ = 	snop  }
0x90: {  	s2 =	sld [smem:$0x3FC9]  }
0x91: {  	s18 =	sld [smem:$0x3FC8]  }
0x92: {  	s4 =	sld [smem:$0x3FC7]  }
0x93: {  	s5 =	sld [smem:$0x3FC6]  }
0x94: {  	s6 =	sld [smem:$0x3FC5]  }
0x95: {  	s7 =	sld [smem:$0x3FC3];
	(tm) =	ssettm $0x1  }
0x96: {  	s8 =	sld [smem:$0x3FFB];
	_ =	sdelay $0x3  }
0x97: {  	_ =	strace s8  }
0x98: {  	s8 =	sld [smem:$0x3FFC];
	_ =	sdelay $0x3  }
0x99: {  	_ =	strace s8  }
0x9a: {  	s8 =	sld [smem:$0x3FFD];
	_ =	sdelay $0x3  }
0x9b: {  	_ =	strace s8  }
0x9c: {  	_ =	strace $0x8FFFFFFF  }
0x9d: {  	s19 =	sld [smem:$0x3FDB];
	_ =	sdelay $0x1  }
0x9e: {  	s9 =	simm.s32 $_scs_section_size  }
0x9f: {  	s10 =	simm.s32 $_size__tile_overlayer_lowered;
	s11 =	simm.s32 $_tile_overlayer_lowered  }
0xa0: {  	s22 =	simm.s32 $0x1BFF;
	s21 =	sshll.u32 s11, $0x1;
	s8 =	sadd.s32 s9, s19  }
0xa1: {  	s12 =	simm.s32 $0x0;
	s20 =	sshll.u32 s10, $0x1;
	s10 =	sadd.s32 s21, s8  }
0xa2: {  	[timem:s12], [sflag:s22] =	dma.local [hbm:s10], s20  }
0xa3: {  	_ =	swait.ge [sflag:s22], s20  }
0xa4: {  	s9 =	ssub.s32 $0x0, s20;
	[sflag:s22] =	ssyncset.done $0x0  }
0xa5: {  	[sflag:s22] =	ssyncadd.s32 s9;
	_ =	sdelay $0x1  }
0xa6: {  	s23 =	simm.s32 $0x1B8B  }
0xa7: {  	_ =	swait.ge [sflag:s23], $0x1  }
0xa8: {  	[sflag:s23] =	ssyncset.done $0x0  }
0xa9: {  	s25 =	simm.s32 $0x1B8E;
	s24 =	sld [smem:$0x3FFE];
	[sflag:s23] =	ssyncadd.s32 $0xFFFFFFFF  }
0xaa: {  	s26 =	simm.s32 $execute0_lowered;
	[smem:$0x3FD2] =	sst s25  }
0xab: {  	s10 =	sshll.u32 s26, $0x1;
	_ =	strace $0x80000046;
	[dreg:$0x1] =	wrdreg $0xFFFFFFFF  }
0xac: {  	s28 =	simm.s32 $_size_execute0_lowered;
	s8 =	sadd.s32 s8, s10;
	[dreg:$0x0] =	wrdreg $0x0  }
0xad: {  	s10 =	sshll.u32 s28, $0x1;
	[dreg:$0x2] =	wrdreg s8  }
0xae: {  	[dreg:$0x3] =	wrdreg s10  }
0xaf: {  	[dreg:$0x4] =	wrdreg $0xC0  }
0xb0: {  	_ =	task [dreg:s12], $0x5FFFF  }
0xb1: {  	[dreg:$0x1] =	wrdreg $0xFFFFFFFF  }
0xb2: {  	[dreg:$0x0] =	wrdreg $0x60  }
0xb3: {  	[dreg:$0x2] =	wrdreg s2  }
0xb4: {  	[dreg:$0x3] =	wrdreg s18  }
0xb5: {  	[dreg:$0x4] =	wrdreg s4  }
0xb6: {  	[dreg:$0x5] =	wrdreg s5  }
0xb7: {  	[dreg:$0x6] =	wrdreg s6  }
0xb8: {  	[dreg:$0x7] =	wrdreg s24  }
0xb9: {  	[dreg:$0x8] =	wrdreg s7  }
0xba: {  	[dreg:$0x9] =	wrdreg $0x9  }
0xbb: {  	_ =	task.clear_ibuf [dreg:s12], $0xAFFFF;
	_ =	strace $0x90000046  }
0xbc: {  	s29 =	simm.s32 $0x9;
	_ =	strace $0x80000048  }
0xbd: {  	_ =	swait.ge [sflag:s29], $0x1  }
0xbe: {  	[sflag:s29] =	ssyncadd.s32 $0xFFFFFFFF  }
0xbf: {  	_ =	strace $0x90000048  }
0xc0: {  	_ =	sfence  }
0xc1: {  	s30 =	sld [smem:$0x0];
	_ =	sdelay $0x2  }
0xc2: {  	s31 =	sshll.u32 s1, $0xD;
	s1 =	sshrl.u32 s1, $0x2  }
0xc3: {  	s3 =	sand.u32 $0x4000, s31;
	s1 =	sadd.s32 s1, s30  }
0xc4: {  	s0 =	sor.u32 s3, s0;
	s1 =	sshll.u32 s1, $0x11  }
0xc5: {  	s0 =	sor.u32 s1, s0  }
0xc6: {  	s0 =	sadd.s32 $0x8F2B, s0  }
0xc7: {  	[sflag:s0] =	ssyncadd.remote.s32 $0x1  }
0xc8: {  	_ =	sfence.sel $0xFFFF  }
0xc9: {  	[dreg:$0x0] =	wrdreg $0xFFFFFFFF;
	(pc) =	sbr.abs _section_cstart, $3  }
0xca: {  	[dreg:$0x1] =	wrdreg $0xFFFFFFFF  }
0xcb: {  	_ =	task.clear_ibuf [dreg:s12], $0x2FFFF;
	_ =	strace $0x9FFFFFFF  }
0xcc: {  	(tm) =	ssettm $0x7FFFFFFF  }
0xcd: {  	_ =	shalt  }
tec
execute0_lowered:
.L_overlay_start_1:
0x0: {  	(tag) =	ssettag $0x1  }
0x1: {  	s0 =	rddreg [dreg:$0x0]  }
0x2: {  	s1 =	rddreg [dreg:$0x1]  }
0x3: {  	s3 =	rddreg [dreg:$0x2]  }
0x4: {  	s4 =	rddreg [dreg:$0x3]  }
0x5: {  	s5 =	rddreg [dreg:$0x4]  }
0x6: {  	s2 =	rddreg [dreg:$0x5]  }
0x7: {  	s6 =	srdreg.scid;
	s7 =	stileid.u32  }
0x8: {  	s10 =	simm.s32 $0x0;
	s12 =	simm.s32 $0xD000;
	s17 =	simm.s32 $0x2  }
0x9: {  	s18 =	simm.s32 $0x1;
	s20 =	simm.s32 $0x1000;
	s22 =	simm.s32 $0x5000  }
0xa: {  	s29 =	simm.s32 $0x7000;
	s6 =	sand.u32 $0x1, s6;
	s7 =	sshll.u32 s7, $0x1  }
0xb: {  	s31 =	simm.s32 $0xB000;
	s13 =	simm.s32 $0x0;
	s7 =	sor.u32 s6, s7  }
0xc: {  	s15 =	simm.s32 $0x0;
	s8 =	sshll.u32 s7, $0x4;
	s7 =	sshll.u32 s7, $0x6  }
0xd: {  	[smem:$0x7FF] =	sst s10;
	s6 =	ssub.s32 $0x2, s6;
	s0 =	sadd.s32 s0, s7  }
0xe: {  	_ =	strace $0x80000047;
	s23 =	sadd.s32 s1, s7;
	[dreg:$0x8] =	wrdreg s0  }
0xf: {  	s9 =	sshrl.u32 s6, $0x1;
	s24 =	sadd.s32 s3, s7;
	[dreg:$0x9] =	wrdreg s23  }
.Ltmp0:
0x10: {  	s25 =	sadd.s32 s4, s7;
	[dreg:$0xa] =	wrdreg s24;
	(pc) =	sbr.rel .LBB2_1-.Ltmp0, $4  }
0x11: {  	v0 =	vlaneseq.u32;
	s8 =	sadd.s32 s8, s2;
	s26 =	sadd.s32 s5, s7;
	[dreg:$0xb] =	wrdreg s25  }
0x12: {  	v36 =	vmul.u32 $0x80, v0;
	s6 =	ssub.s32 s6, s9;
	[dreg:$0xc] =	wrdreg s26;
	s28 =	sadd.s32 $0x400000, s8  }
0x13: {  	s3 =	simm.s32 $0x40;
	s30 =	smax.u32 s6, $0x1;
	[dreg:$0xd] =	wrdreg s28  }
0x14: {  	[tilespmem:$0x1FFF0] =	vst v36;
	s24 =	simm.s32 $0x9000;
	s26 =	simm.s32 $0x3000;
	[dreg:$0xe] =	wrdreg s30  }
.LBB2_10:
0x15: {  	s10 =	simm.s32 $0x0  }
0x16: {  	[tilespmem:$0x15000] =	vst v42;
	s0 =	rddreg [dreg:$0xd];
	s1 =	simm.s32 $0x15000;
	s28 =	simm.s32 $0x3  }
0x17: {  	[hbm4b:s0+s10] =	stream.linear.scatter [tilespmem:s1], [sflag:$0x3], $0x80, $0x38;
	[tilespmem:$0x15080] =	vst v63  }
0x18: {  	_ =	swait.ge [sflag:s28], $0x80  }
0x19: {  	s13 =	sadd.s32 $0x1, s13;
	s30 =	rddreg [dreg:$0xe]  }
0x1a: {  	p0 =	sne.s32 s13, s30  }
.Ltmp1:
0x1b: {  	_ = 	snop;
	(pc) =	sbr.rel @!p0 .LBB2_11-.Ltmp1, $3  }
0x1c: {  	_ =	sdelay $0x1  }
0x1d: {  	[sflag:s28] =	ssyncset.done $0x0  }
0x1e: {  	v36 =	vmov v35;
	[sflag:s28] =	ssyncadd.s32 $0xFFFFFF80  }
.LBB2_1:
0x1f: {  	s0 =	rddreg [dreg:$0x6]  }
0x20: {  	[tilespmem:s12], [sflag:$0x1] =	stream.linear.gather [hbm4b:s0+s10], $0x8000, $0x38;
	[tilespmem:$0x15080] =	vst v63  }
0x21: {  	s14 =	rddreg [dreg:$0x8]  }
0x22: {  	[tilespmem:s10], [sflag:$0x2] =	stream.linear.gather [hbm4b:s14+s10], $0x200, $0x38;
	[tilespmem:$0x15080] =	vst v63  }
0x23: {  	s16 =	rddreg [dreg:$0x9];
	s1 =	simm.s32 $0x200  }
0x24: {  	[tilespmem:s1], [sflag:$0x2] =	stream.linear.gather [hbm4b:s16+s10], $0x200, $0x38;
	[tilespmem:$0x15080] =	vst v63  }
0x25: {  	s19 =	rddreg [dreg:$0xa];
	s21 =	simm.s32 $0x400  }
0x26: {  	[tilespmem:s21], [sflag:$0x2] =	stream.linear.gather [hbm4b:s19+s10], $0x200, $0x38;
	[tilespmem:$0x15080] =	vst v63  }
0x27: {  	s23 =	rddreg [dreg:$0xb];
	s25 =	simm.s32 $0x600  }
0x28: {  	[tilespmem:s25], [sflag:$0x2] =	stream.linear.gather [hbm4b:s23+s10], $0x200, $0x38;
	[tilespmem:$0x15080] =	vst v63  }
0x29: {  	s28 =	rddreg [dreg:$0xc];
	s30 =	simm.s32 $0x800  }
0x2a: {  	[tilespmem:s30], [sflag:$0x2] =	stream.linear.gather [hbm4b:s28+s10], $0x200, $0x38;
	[tilespmem:$0x15080] =	vst v63  }
0x2b: {  	_ =	swait.ge [sflag:s17], $0x200  }
0x2c: {  	[sflag:s17] =	ssyncset.done $0x0  }
0x2d: {  	[sflag:s17] =	ssyncadd.s32 $0xFFFFFE00  }
0x2e: {  	_ =	swait.ge [sflag:s17], $0x200  }
0x2f: {  	[sflag:s17] =	ssyncset.done $0x0  }
0x30: {  	[sflag:s17] =	ssyncadd.s32 $0xFFFFFE00  }
0x31: {  	_ =	swait.ge [sflag:s17], $0x200  }
0x32: {  	[sflag:s17] =	ssyncset.done $0x0  }
0x33: {  	[sflag:s17] =	ssyncadd.s32 $0xFFFFFE00  }
0x34: {  	_ =	swait.ge [sflag:s17], $0x200  }
0x35: {  	[sflag:s17] =	ssyncset.done $0x0  }
0x36: {  	[sflag:s17] =	ssyncadd.s32 $0xFFFFFE00  }
0x37: {  	_ =	swait.ge [sflag:s17], $0x200  }
0x38: {  	[sflag:s17] =	ssyncset.done $0x0  }
0x39: {  	s0 =	simm.s32 $0x0;
	[sflag:s17] =	ssyncadd.s32 $0xFFFFFE00  }
0x3a: {  	v1 =	vld [tilespmem:s0+$0x600]  }
0x3b: {  	v2 =	vld [tilespmem:s0+$0x0]  }
0x3c: {  	s1 =	simm.s32 $0x40;
	v0 =	vld [tilespmem:s0+$0x400]  }
.LBB2_2:
0x3d: {  	p0 =	sne.s32 s1, $0x7C0  }
.Ltmp2:
0x3e: {  	_ = 	snop;
	(pc) =	sbr.rel @p0 .LBB2_2-.Ltmp2, $4  }
0x3f: {  	s4 =	sshra.s32 s1, $0x2;
	v3 =	vand.u32 $0x3FFFF, v1  }
0x40: {  	v1 =	vld [tilespmem:s4+$0x600];
	v4 =	vand.u32 $0x3FFFF, v2;
	[tilespmem:s0+$0xE00] =	vst v3  }
0x41: {  	v2 =	vld [tilespmem:s4+$0x0];
	[tilespmem:s0+$0xA00] =	vst v4;
	v3 =	vand.u32 $0x3FFFF, v0  }
0x42: {  	s1 =	sadd.s32 $0x40, s1;
	v0 =	vld [tilespmem:s4+$0x400];
	[tilespmem:s0+$0xC00] =	vst v3;
	s0 =	smov.u32 s4  }
0x43: {  	_ =	sdelay $0x1  }
0x44: {  	v1 =	vand.u32 $0x3FFFF, v1  }
0x45: {  	v2 =	vand.u32 $0x3FFFF, v2;
	[tilespmem:s0+$0xE00] =	vst v1  }
0x46: {  	[tilespmem:s0+$0xA00] =	vst v2;
	v0 =	vand.u32 $0x3FFFF, v0  }
0x47: {  	[tilespmem:s0+$0xC00] =	vst v0  }
0x48: {  	_ =	swait.ge [sflag:s18], $0x8000  }
0x49: {  	[sflag:s18] =	ssyncset.done $0x0  }
0x4a: {  	s14 =	simm.s32 $0x40;
	s11 =	simm.s32 $0xA00;
	[sflag:s18] =	ssyncadd.s32 $0xFFFF8000  }
0x4b: {  	[tilespmem:s20], [sflag:$0x1] =	stream.indirect.gather [hbm4b:s2+s14], $0x80, s11, s14, $0xb8;
	[tilespmem:$0x15080] =	vst v63  }
0x4c: {  	s16 =	simm.s32 $0xC00  }
0x4d: {  	[tilespmem:s22], [sflag:$0x1] =	stream.indirect.gather [hbm4b:s2+s14], $0x80, s16, s14, $0xb8;
	[tilespmem:$0x15080] =	vst v63  }
0x4e: {  	s19 =	simm.s32 $0xE00;
	s21 =	simm.s32 $0xA40  }
0x4f: {  	[tilespmem:s24], [sflag:$0x1] =	stream.indirect.gather [hbm4b:s2+s14], $0x80, s19, s14, $0xb8;
	[tilespmem:$0x15080] =	vst v63  }
0x50: {  	s23 =	simm.s32 $0xC40;
	s25 =	simm.s32 $0xE40;
	s4 =	simm.s32 $0x600  }
0x51: {  	[tilespmem:s26], [sflag:$0x2] =	stream.indirect.gather [hbm4b:s2+s14], $0x80, s21, s14, $0xb8;
	[tilespmem:$0x15080] =	vst v63  }
0x52: {  	s9 =	simm.s32 $0x200;
	s10 =	simm.s32 $0x800;
	s28 =	simm.s32 $0x640  }
0x53: {  	[tilespmem:s29], [sflag:$0x2] =	stream.indirect.gather [hbm4b:s2+s14], $0x80, s23, s14, $0xb8;
	[tilespmem:$0x15080] =	vst v63  }
0x54: {  	s30 =	simm.s32 $0x240;
	s1 =	simm.s32 $0x0;
	s6 =	simm.s32 $0x0  }
0x55: {  	[tilespmem:s31], [sflag:$0x2] =	stream.indirect.gather [hbm4b:s2+s14], $0x80, s25, s14, $0xb8;
	[tilespmem:$0x15080] =	vst v63  }
0x56: {  	v42 =	vimm.f32 $0.0e+00;
	s0 =	simm.s32 $0x840;
	s11 =	simm.s32 $0x400;
	s25 =	simm.s32 $0x440  }
.LBB2_4:
0x57: {  	[tilespmem:$0x1FA50] =	vst v42  }
0x58: {  	_ =	swait.ge [sflag:s18], $0x2000  }
0x59: {  	[sflag:s18] =	ssyncset.done $0x0  }
0x5a: {  	[sflag:s18] =	ssyncadd.s32 $0xFFFFE000  }
0x5b: {  	_ =	swait.ge [sflag:s18], $0x2000  }
0x5c: {  	[sflag:s18] =	ssyncset.done $0x0  }
0x5d: {  	[sflag:s18] =	ssyncadd.s32 $0xFFFFE000  }
0x5e: {  	_ =	swait.ge [sflag:s18], $0x2000  }
0x5f: {  	[sflag:s18] =	ssyncset.done $0x0  }
0x60: {  	[sflag:s18] =	ssyncadd.s32 $0xFFFFE000  }
0x61: {  	v0 =	vld [tilespmem:s9+$0x0];
	_ =	sdelay $0x4  }
0x62: {  	v2 =	vshll.u32 v0, $0x3  }
0x63: {  	v0 =	vand.u32 $0x7F, v0;
	v2 =	vand.u32 $0xFFFFFC00, v2  }
0x64: {  	v4 =	vor.u32 v0, v2  }
0x65: {  	v0 =	vadd.s32 $0x6380, v4  }
0x66: {  	v1 =	vld [tilespmem:s10+$0x0];
	_ =	sdelay $0x3  }
0x67: {  	v6 =	vadd.s32 $0x6280, v4;
	v0 =	vld.idx.msk [tilespmem:v0+s12+$0x0], $0xffff  }
0x68: {  	v3 =	vshll.u32 v1, $0x3  }
0x69: {  	v1 =	vand.u32 $0x7F, v1;
	v3 =	vand.u32 $0xFFFFFC00, v3  }
0x6a: {  	v1 =	vor.u32 v1, v3  }
0x6b: {  	v2 =	vadd.s32 $0x6380, v1  }
0x6c: {  	v8 =	vadd.s32 $0x6280, v1;
	[tilespmem:$0x1FBD0] =	vst v0;
	v0 =	vld.idx.msk [tilespmem:v6+s12+$0x0], $0xffff;
	_ =	sdelay $0x3  }
0x6d: {  	v5 =	vadd.s32 $0x6300, v1;
	v42 =	vld.idx.msk [tilespmem:v2+s12+$0x0], $0xffff  }
0x6e: {  	v2 =	vadd.s32 $0x6200, v1;
	[tilespmem:$0x1FC00] =	vst v0;
	v0 =	vld.idx.msk [tilespmem:v8+s12+$0x0], $0xffff;
	_ =	sdelay $0x3  }
0x6f: {  	v54 =	vld.idx.msk [tilespmem:v5+s12+$0x0], $0xffff  }
0x70: {  	v5 =	vadd.s32 $0x6180, v1;
	[tilespmem:$0x1FC30] =	vst v0;
	v0 =	vld.idx.msk [tilespmem:v2+s12+$0x0], $0xffff;
	_ =	sdelay $0x4  }
0x71: {  	v8 =	vadd.s32 $0x6100, v1;
	[tilespmem:$0x1FC60] =	vst v0;
	v0 =	vld.idx.msk [tilespmem:v5+s12+$0x0], $0xffff;
	_ =	sdelay $0x3  }
0x72: {  	v10 =	vadd.s32 $0x6180, v4  }
0x73: {  	v2 =	vadd.s32 $0x6080, v1;
	[tilespmem:$0x1FC90] =	vst v0;
	v0 =	vld.idx.msk [tilespmem:v8+s12+$0x0], $0xffff;
	_ =	sdelay $0x3  }
0x74: {  	v58 =	vld.idx.msk [tilespmem:v10+s12+$0x0], $0xffff  }
0x75: {  	v10 =	vadd.s32 $0x6000, v4;
	[tilespmem:$0x1FCB0] =	vst v0;
	v0 =	vld.idx.msk [tilespmem:v2+s12+$0x0], $0xffff;
	_ =	sdelay $0x3  }
0x76: {  	v6 =	vadd.s32 $0x6100, v4  }
0x77: {  	v5 =	vadd.s32 $0x6000, v1;
	[tilespmem:$0x1FCE0] =	vst v0;
	v0 =	vld.idx.msk [tilespmem:v10+s12+$0x0], $0xffff;
	_ =	sdelay $0x3  }
0x78: {  	v9 =	vadd.s32 $0x6200, v4;
	v60 =	vld.idx.msk [tilespmem:v6+s12+$0x0], $0xffff  }
0x79: {  	v6 =	vadd.s32 $0x4380, v4;
	[tilespmem:$0x1FCD0] =	vst v0;
	v0 =	vld.idx.msk [tilespmem:v5+s12+$0x0], $0xffff;
	_ =	sdelay $0x3  }
0x7a: {  	v62 =	vld.idx.msk [tilespmem:v9+s12+$0x0], $0xffff;
	v9 =	vadd.s32 $0x6080, v4  }
0x7b: {  	v8 =	vadd.s32 $0x4380, v1;
	[tilespmem:$0x1FD10] =	vst v0;
	v0 =	vld.idx.msk [tilespmem:v6+s12+$0x0], $0xffff;
	_ =	sdelay $0x3  }
0x7c: {  	v53 =	vld.idx.msk [tilespmem:v9+s12+$0x0], $0xffff  }
0x7d: {  	v9 =	vadd.s32 $0x4300, v4;
	[tilespmem:$0x1FCF0] =	vst v0;
	v0 =	vld.idx.msk [tilespmem:v8+s12+$0x0], $0xffff;
	_ =	sdelay $0x4  }
0x7e: {  	v2 =	vadd.s32 $0x4300, v1;
	[tilespmem:$0x1FD40] =	vst v0;
	v0 =	vld.idx.msk [tilespmem:v9+s12+$0x0], $0xffff;
	_ =	sdelay $0x4  }
0x7f: {  	v10 =	vadd.s32 $0x4280, v4;
	[tilespmem:$0x1FD20] =	vst v0;
	v0 =	vld.idx.msk [tilespmem:v2+s12+$0x0], $0xffff;
	_ =	sdelay $0x4  }
0x80: {  	v5 =	vadd.s32 $0x4280, v1;
	[tilespmem:$0x1FD70] =	vst v0;
	v0 =	vld.idx.msk [tilespmem:v10+s12+$0x0], $0xffff;
	_ =	sdelay $0x4  }
0x81: {  	v6 =	vadd.s32 $0x4200, v4;
	[tilespmem:$0x1FD50] =	vst v0;
	v0 =	vld.idx.msk [tilespmem:v5+s12+$0x0], $0xffff;
	_ =	sdelay $0x4  }
0x82: {  	v8 =	vadd.s32 $0x4200, v1;
	[tilespmem:$0x1FDA0] =	vst v0;
	v0 =	vld.idx.msk [tilespmem:v6+s12+$0x0], $0xffff;
	_ =	sdelay $0x4  }
0x83: {  	v9 =	vadd.s32 $0x4180, v4;
	[tilespmem:$0x1FD80] =	vst v0;
	v0 =	vld.idx.msk [tilespmem:v8+s12+$0x0], $0xffff;
	_ =	sdelay $0x4  }
0x84: {  	v2 =	vadd.s32 $0x4180, v1;
	[tilespmem:$0x1FDC0] =	vst v0;
	v0 =	vld.idx.msk [tilespmem:v9+s12+$0x0], $0xffff;
	_ =	sdelay $0x4  }
0x85: {  	v10 =	vadd.s32 $0x4100, v4;
	[tilespmem:$0x1FDB0] =	vst v0;
	v0 =	vld.idx.msk [tilespmem:v2+s12+$0x0], $0xffff;
	_ =	sdelay $0x4  }
0x86: {  	v5 =	vadd.s32 $0x4100, v1;
	[tilespmem:$0x1FDF0] =	vst v0;
	v0 =	vld.idx.msk [tilespmem:v10+s12+$0x0], $0xffff;
	_ =	sdelay $0x4  }
0x87: {  	v8 =	vadd.s32 $0x4080, v1;
	[tilespmem:$0x1FDD0] =	vst v0;
	v0 =	vld.idx.msk [tilespmem:v5+s12+$0x0], $0xffff;
	_ =	sdelay $0x4  }
0x88: {  	v9 =	vadd.s32 $0x4000, v4;
	[tilespmem:$0x1FE20] =	vst v0;
	v0 =	vld.idx.msk [tilespmem:v8+s12+$0x0], $0xffff;
	_ =	sdelay $0x4  }
0x89: {  	v2 =	vadd.s32 $0x4000, v1;
	[tilespmem:$0x1FE50] =	vst v0;
	v0 =	vld.idx.msk [tilespmem:v9+s12+$0x0], $0xffff;
	_ =	sdelay $0x4  }
0x8a: {  	v10 =	vadd.s32 $0x2380, v4;
	[tilespmem:$0x1FE30] =	vst v0;
	v0 =	vld.idx.msk [tilespmem:v2+s12+$0x0], $0xffff;
	_ =	sdelay $0x3  }
0x8b: {  	v6 =	vadd.s32 $0x4080, v4  }
0x8c: {  	v5 =	vadd.s32 $0x2380, v1;
	[tilespmem:$0x1FE70] =	vst v0;
	v0 =	vld.idx.msk [tilespmem:v10+s12+$0x0], $0xffff;
	_ =	sdelay $0x3  }
0x8d: {  	v59 =	vld.idx.msk [tilespmem:v6+s12+$0x0], $0xffff  }
0x8e: {  	v6 =	vadd.s32 $0x2300, v4;
	[tilespmem:$0x1FE60] =	vst v0;
	v0 =	vld.idx.msk [tilespmem:v5+s12+$0x0], $0xffff;
	_ =	sdelay $0x4  }
0x8f: {  	v8 =	vadd.s32 $0x2300, v1;
	[tilespmem:$0x1FEA0] =	vst v0;
	v0 =	vld.idx.msk [tilespmem:v6+s12+$0x0], $0xffff;
	_ =	sdelay $0x4  }
0x90: {  	v9 =	vadd.s32 $0x2280, v4;
	[tilespmem:$0x1FE80] =	vst v0;
	v0 =	vld.idx.msk [tilespmem:v8+s12+$0x0], $0xffff;
	_ =	sdelay $0x4  }
0x91: {  	v2 =	vadd.s32 $0x2280, v1;
	[tilespmem:$0x1FED0] =	vst v0;
	v0 =	vld.idx.msk [tilespmem:v9+s12+$0x0], $0xffff;
	_ =	sdelay $0x4  }
0x92: {  	v10 =	vadd.s32 $0x2200, v4;
	[tilespmem:$0x1FEC0] =	vst v0;
	v0 =	vld.idx.msk [tilespmem:v2+s12+$0x0], $0xffff;
	_ =	sdelay $0x4  }
0x93: {  	v11 =	vadd.s32 $0x2200, v1;
	[tilespmem:$0x1FF00] =	vst v0;
	v0 =	vld.idx.msk [tilespmem:v10+s12+$0x0], $0xffff;
	_ =	sdelay $0x4  }
0x94: {  	v6 =	vadd.s32 $0x2180, v4;
	[tilespmem:$0x1FEF0] =	vst v0;
	v0 =	vld.idx.msk [tilespmem:v11+s12+$0x0], $0xffff;
	_ =	sdelay $0x4  }
0x95: {  	v12 =	vadd.s32 $0x2180, v1;
	[tilespmem:$0x1FF30] =	vst v0;
	v0 =	vld.idx.msk [tilespmem:v6+s12+$0x0], $0xffff;
	_ =	sdelay $0x4  }
0x96: {  	v9 =	vadd.s32 $0x2100, v4;
	[tilespmem:$0x1FF20] =	vst v0;
	v0 =	vld.idx.msk [tilespmem:v12+s12+$0x0], $0xffff;
	_ =	sdelay $0x4  }
0x97: {  	v2 =	vadd.s32 $0x2100, v1;
	[tilespmem:$0x1FF50] =	vst v0;
	v0 =	vld.idx.msk [tilespmem:v9+s12+$0x0], $0xffff;
	_ =	sdelay $0x4  }
0x98: {  	v10 =	vadd.s32 $0x2080, v4;
	[tilespmem:$0x1FF40] =	vst v0;
	v0 =	vld.idx.msk [tilespmem:v2+s12+$0x0], $0xffff;
	_ =	sdelay $0x4  }
0x99: {  	v19 =	vadd.s32 $0x2080, v1;
	[tilespmem:$0x1FF70] =	vst v0;
	v0 =	vld.idx.msk [tilespmem:v10+s12+$0x0], $0xffff;
	_ =	sdelay $0x4  }
0x9a: {  	v6 =	vadd.s32 $0x2000, v4;
	[tilespmem:$0x1FF60] =	vst v0;
	v0 =	vld.idx.msk [tilespmem:v19+s12+$0x0], $0xffff;
	_ =	sdelay $0x4  }
0x9b: {  	v12 =	vadd.s32 $0x2000, v1;
	[tilespmem:$0x1FFA0] =	vst v0;
	v0 =	vld.idx.msk [tilespmem:v6+s12+$0x0], $0xffff;
	_ =	sdelay $0x4  }
0x9c: {  	v22 =	vor.u32 $0x380, v4;
	[tilespmem:$0x1FF90] =	vst v0;
	v0 =	vld.idx.msk [tilespmem:v12+s12+$0x0], $0xffff;
	_ =	sdelay $0x4  }
0x9d: {  	v2 =	vor.u32 $0x380, v1;
	[tilespmem:$0x1FFC0] =	vst v0;
	v0 =	vld.idx.msk [tilespmem:v22+s12+$0x0], $0xffff;
	_ =	sdelay $0x4  }
0x9e: {  	v10 =	vor.u32 $0x300, v4;
	[tilespmem:$0x1FFB0] =	vst v0;
	v0 =	vld.idx.msk [tilespmem:v2+s12+$0x0], $0xffff;
	_ =	sdelay $0x4  }
0x9f: {  	[tilespmem:$0x1FFE0] =	vst v0;
	v0 =	vld.idx.msk [tilespmem:v10+s12+$0x0], $0xffff;
	_ =	sdelay $0x4  }
0xa0: {  	[tilespmem:$0x1FFD0] =	vst v0;
	v0 =	vor.u32 $0x180, v4;
	_ =	sdelay $0x3  }
0xa1: {  	v2 =	vor.u32 $0x200, v1  }
0xa2: {  	v43 =	vor.u32 $0x180, v1;
	v0 =	vld.idx.msk [tilespmem:v0+s12+$0x0], $0xffff;
	_ =	sdelay $0x1  }
0xa3: {  	v7 =	vld [tilespmem:s11+$0x0]  }
0xa4: {  	v25 =	vld [tilespmem:s1+$0x0]  }
0xa5: {  	v2 =	vld.idx.msk [tilespmem:v2+s12+$0x0], $0xffff  }
0xa6: {  	v44 =	vor.u32 $0x100, v4;
	[tilespmem:$0x1FA90] =	vst v0;
	v0 =	vld.idx.msk [tilespmem:v43+s12+$0x0], $0xffff  }
0xa7: {  	v10 =	vmov s15  }
0xa8: {  	v7 =	vshra.s32 v7, $0xD;
	v51 =	vshll.u32 v10, $0x7  }
0xa9: {  	v56 =	vand.u32 $0xFFFFFF80, v7;
	v52 =	vor.u32 v36, v51  }
0xaa: {  	v7 =	vand.u32 $0x60, v7;
	v3 =	vadd.s32 $0x6300, v4;
	v57 =	vadd.s32 v52, v56;
	[tilespmem:$0x1FA80] =	vst v2  }
0xab: {  	v2 =	vor.u32 v7, v57;
	v7 =	vshra.s32 v25, $0xD;
	v25 =	vor.u32 $0x100, v1;
	[tilespmem:$0x1FAA0] =	vst v0;
	v0 =	vld.idx.msk [tilespmem:v44+s12+$0x0], $0xffff;
	_ =	sdelay $0x1  }
0xac: {  	v37 =	vor.u32 $0x280, v4  }
0xad: {  	v35 =	vld [tilespmem:s4+$0x0];
	v38 =	vor.u32 $0x280, v1  }
0xae: {  	v61 =	vld.idx.msk [tilespmem:v3+s12+$0x0], $0xffff  }
0xaf: {  	v46 =	vor.u32 $0x80, v4;
	[tilespmem:$0x1FAB0] =	vst v0;
	v0 =	vld.idx.msk [tilespmem:v25+s12+$0x0], $0xffff  }
0xb0: {  	v39 =	vor.u32 $0x200, v4;
	v57 =	vld.idx.msk [tilespmem:v4+s12+$0x0], $0xffff;
	v4 =	vand.u32 $0xFFFFFF80, v7  }
0xb1: {  	v3 =	vld.idx.msk [tilespmem:v37+s12+$0x0], $0xffff;
	v7 =	vand.u32 $0x60, v7;
	v4 =	vadd.s32 v52, v4  }
0xb2: {  	v47 =	vld.idx.msk [tilespmem:v38+s12+$0x0], $0xffff;
	v34 =	vor.u32 $0x1D, v2;
	v38 =	vor.u32 v7, v4  }
0xb3: {  	v25 =	vor.u32 $0x1F, v38  }
0xb4: {  	v35 =	vshra.s32 v35, $0xD;
	v7 =	vor.u32 $0x1F, v2;
	[tilespmem:$0x1FAC0] =	vst v0;
	v0 =	vld.idx.msk [tilespmem:v46+s12+$0x0], $0xffff  }
0xb5: {  	v32 =	vor.u32 $0x300, v1;
	v49 =	vor.u32 $0x80, v1;
	v56 =	vld.idx.msk [tilespmem:v1+s12+$0x0], $0xffff;
	v1 =	vand.u32 $0xFFFFFF80, v35  }
0xb6: {  	[tilespmem:$0x1FA60] =	vst v3;
	v3 =	vld.idx.msk [tilespmem:v39+s12+$0x0], $0xffff;
	v35 =	vand.u32 $0x60, v35;
	v1 =	vadd.s32 v52, v1  }
0xb7: {  	v12 =	vor.u32 v35, v1;
	v1 =	vld.idx.msk [tilespmem:v34+s22+$0x0], $0xffff  }
0xb8: {  	v13 =	vld.idx.msk [tilespmem:v25+s20+$0x0], $0xffff;
	v25 =	vor.u32 $0x1C, v2  }
0xb9: {  	[tilespmem:$0x1FAD0] =	vst v0;
	v0 =	vld.idx.msk [tilespmem:v7+s22+$0x0], $0xffff;
	v7 =	vor.u32 $0x1E, v38;
	_ =	sdelay $0x1  }
0xba: {  	v63 =	vor.u32 $0x1E, v2  }
0xbb: {  	[tilespmem:$0x1FA70] =	vst v3;
	v41 =	vor.u32 $0x1D, v12  }
0xbc: {  	v3 =	vor.u32 $0x1C, v38;
	[tilespmem:$0x1FB00] =	vst v1;
	v1 =	vld.idx.msk [tilespmem:v25+s22+$0x0], $0xffff  }
0xbd: {  	v52 =	vld.idx.msk [tilespmem:v7+s20+$0x0], $0xffff;
	v7 =	vor.u32 $0x1B, v2;
	_ =	sdelay $0x1  }
0xbe: {  	v35 =	vor.u32 $0x1F, v12;
	[tilespmem:$0x1FAE0] =	vst v0;
	v0 =	vld.idx.msk [tilespmem:v63+s22+$0x0], $0xffff  }
0xbf: {  	v51 =	vld.idx.msk [tilespmem:v41+s24+$0x0], $0xffff;
	v25 =	vor.u32 $0x1C, v12  }
0xc0: {  	v5 =	vor.u32 $0x1B, v38;
	v41 =	vld.idx.msk [tilespmem:v3+s20+$0x0], $0xffff  }
0xc1: {  	v3 =	vor.u32 $0x19, v2;
	[tilespmem:$0x1FB10] =	vst v1;
	v1 =	vld.idx.msk [tilespmem:v7+s22+$0x0], $0xffff;
	_ =	sdelay $0x1  }
0xc2: {  	v55 =	vld.idx.msk [tilespmem:v35+s24+$0x0], $0xffff;
	[tilespmem:$0x1FAF0] =	vst v0;
	v0 =	vor.u32 $0x1D, v38  }
0xc3: {  	v63 =	vld.idx.msk [tilespmem:v25+s24+$0x0], $0xffff;
	v25 =	vor.u32 $0x1A, v38  }
0xc4: {  	v37 =	vld.idx.msk [tilespmem:v5+s20+$0x0], $0xffff;
	v7 =	vor.u32 $0x1B, v12  }
0xc5: {  	v5 =	vor.u32 $0x18, v2;
	[tilespmem:$0x1FB20] =	vst v1;
	v1 =	vld.idx.msk [tilespmem:v3+s22+$0x0], $0xffff  }
0xc6: {  	v46 =	vld.idx.msk [tilespmem:v49+s12+$0x0], $0xffff  }
0xc7: {  	v48 =	vld.idx.msk [tilespmem:v0+s20+$0x0], $0xffff;
	v0 =	vor.u32 $0x1A, v2  }
0xc8: {  	v35 =	vld.idx.msk [tilespmem:v25+s20+$0x0], $0xffff  }
0xc9: {  	v49 =	vld.idx.msk [tilespmem:v7+s24+$0x0], $0xffff;
	v7 =	vor.u32 $0x19, v38  }
0xca: {  	v25 =	vor.u32 $0x17, v2;
	[tilespmem:$0x1FB40] =	vst v1;
	v1 =	vld.idx.msk [tilespmem:v5+s22+$0x0], $0xffff;
	_ =	sdelay $0x1  }
0xcb: {  	v0 =	vld.idx.msk [tilespmem:v0+s22+$0x0], $0xffff;
	_ =	sdelay $0x1  }
0xcc: {  	v40 =	vor.u32 $0x1E, v12;
	v33 =	vld.idx.msk [tilespmem:v7+s20+$0x0], $0xffff  }
0xcd: {  	v7 =	vor.u32 $0x16, v2;
	[tilespmem:$0x1FB50] =	vst v1;
	v1 =	vld.idx.msk [tilespmem:v25+s22+$0x0], $0xffff  }
0xce: {  	v3 =	vor.u32 $0x19, v12  }
0xcf: {  	[tilespmem:$0x1FB30] =	vst v0;
	v0 =	vor.u32 $0x1A, v12;
	_ =	sdelay $0x1  }
0xd0: {  	v10 =	vld.idx.msk [tilespmem:v40+s24+$0x0], $0xffff  }
0xd1: {  	[tilespmem:$0x1FB60] =	vst v1;
	v1 =	vld.idx.msk [tilespmem:v7+s22+$0x0], $0xffff;
	v7 =	vor.u32 $0x16, v12  }
0xd2: {  	v40 =	vld.idx.msk [tilespmem:v3+s24+$0x0], $0xffff;
	v3 =	vor.u32 $0x17, v38  }
0xd3: {  	v45 =	vld.idx.msk [tilespmem:v0+s24+$0x0], $0xffff;
	v0 =	vor.u32 $0x18, v38  }
0xd4: {  	v6 =	vor.u32 $0x13, v38;
	_ =	sdelay $0x1  }
0xd5: {  	v31 =	vld.idx.msk [tilespmem:v7+s24+$0x0], $0xffff;
	v7 =	vor.u32 $0x14, v38  }
0xd6: {  	v28 =	vld.idx.msk [tilespmem:v3+s20+$0x0], $0xffff;
	v3 =	vor.u32 $0x14, v2  }
0xd7: {  	v30 =	vld.idx.msk [tilespmem:v0+s20+$0x0], $0xffff;
	v0 =	vor.u32 $0x15, v2  }
0xd8: {  	v50 =	vld.idx.msk [tilespmem:v6+s20+$0x0], $0xffff;
	v5 =	vor.u32 $0x18, v12  }
0xd9: {  	v6 =	vld.idx.msk [tilespmem:v12+s24+$0x0], $0xffff;
	v25 =	vor.u32 $0x17, v12  }
0xda: {  	v17 =	vld.idx.msk [tilespmem:v7+s20+$0x0], $0xffff;
	v7 =	vor.u32 $0x12, v38  }
0xdb: {  	[tilespmem:$0x1FB70] =	vst v1;
	v1 =	vld.idx.msk [tilespmem:v3+s22+$0x0], $0xffff  }
0xdc: {  	v0 =	vld.idx.msk [tilespmem:v0+s22+$0x0], $0xffff  }
0xdd: {  	v36 =	vld.idx.msk [tilespmem:v5+s24+$0x0], $0xffff  }
0xde: {  	v5 =	vor.u32 $0x16, v38;
	v34 =	vld.idx.msk [tilespmem:v25+s24+$0x0], $0xffff  }
0xdf: {  	v15 =	vld.idx.msk [tilespmem:v7+s20+$0x0], $0xffff;
	v7 =	vor.u32 $0x10, v12  }
0xe0: {  	v25 =	vor.u32 $0x15, v38;
	[tilespmem:$0x1FB90] =	vst v1;
	v1 =	vadd.f32 v56, v6;
	v6 =	vld [tilespmem:$0x1FC00]  }
0xe1: {  	[tilespmem:$0x1FB80] =	vst v0;
	v0 =	vor.u32 $0x15, v12;
	_ =	sdelay $0x1  }
0xe2: {  	v18 =	vld.idx.msk [tilespmem:v5+s20+$0x0], $0xffff;
	v5 =	vor.u32 $0x13, v2  }
0xe3: {  	v19 =	vld.idx.msk [tilespmem:v7+s24+$0x0], $0xffff;
	v7 =	vadd.f32 v42, v55  }
0xe4: {  	v4 =	vld.idx.msk [tilespmem:v25+s20+$0x0], $0xffff;
	v55 =	vadd.f32 v6, v48;
	v6 =	vadd.f32 v62, v41  }
0xe5: {  	v29 =	vld.idx.msk [tilespmem:v0+s24+$0x0], $0xffff  }
0xe6: {  	[tilespmem:$0x1FC20] =	vst v6;
	v6 =	vld [tilespmem:$0x1FC30]  }
0xe7: {  	v25 =	vor.u32 $0x12, v2;
	v0 =	vld.idx.msk [tilespmem:v5+s22+$0x0], $0xffff;
	_ =	sdelay $0x1  }
0xe8: {  	[tilespmem:$0x1FBF0] =	vst v7;
	v7 =	vadd.f32 v54, v10  }
0xe9: {  	[tilespmem:$0x1FBC0] =	vst v1  }
0xea: {  	v1 =	vld [tilespmem:$0x1FBD0];
	[tilespmem:$0x1FC10] =	vst v7;
	v7 =	vadd.f32 v6, v51;
	v6 =	vadd.f32 v58, v37  }
0xeb: {  	[tilespmem:$0x1FBA0] =	vst v0;
	v0 =	vld.idx.msk [tilespmem:v25+s22+$0x0], $0xffff  }
0xec: {  	[tilespmem:$0x1FC50] =	vst v6;
	v6 =	vld [tilespmem:$0x1FC60];
	_ =	sdelay $0x3  }
0xed: {  	v56 =	vadd.f32 v1, v13;
	v1 =	vadd.f32 v61, v52;
	[tilespmem:$0x1FBB0] =	vst v0;
	v0 =	vor.u32 $0x11, v12  }
0xee: {  	[tilespmem:$0x1FC40] =	vst v7;
	v7 =	vadd.f32 v6, v63;
	v6 =	vadd.f32 v60, v35  }
0xef: {  	[tilespmem:$0x1FBE0] =	vst v1  }
0xf0: {  	v1 =	vor.u32 $0xB, v12;
	[tilespmem:$0x1FC80] =	vst v6;
	v6 =	vld [tilespmem:$0x1FC90];
	_ =	sdelay $0x1  }
0xf1: {  	v26 =	vld.idx.msk [tilespmem:v0+s24+$0x0], $0xffff;
	v0 =	vor.u32 $0xF, v38;
	_ =	sdelay $0x2  }
0xf2: {  	v60 =	vadd.f32 v6, v49;
	v6 =	vadd.f32 v53, v33;
	v33 =	vld.idx.msk [tilespmem:v1+s24+$0x0], $0xffff  }
0xf3: {  	v1 =	vld [tilespmem:$0x1FCB0]  }
0xf4: {  	v11 =	vld.idx.msk [tilespmem:v0+s20+$0x0], $0xffff;
	v0 =	vor.u32 $0xD, v12;
	_ =	sdelay $0x3  }
0xf5: {  	v1 =	vadd.f32 v1, v45  }
0xf6: {  	v13 =	vld.idx.msk [tilespmem:v0+s24+$0x0], $0xffff  }
0xf7: {  	v0 =	vor.u32 $0xA, v38;
	[tilespmem:$0x1FCC0] =	vst v1;
	v1 =	vld [tilespmem:$0x1FCD0];
	_ =	sdelay $0x4  }
0xf8: {  	v63 =	vadd.f32 v1, v30;
	v30 =	vld.idx.msk [tilespmem:v0+s20+$0x0], $0xffff  }
0xf9: {  	v0 =	vld [tilespmem:$0x1FCE0];
	_ =	sdelay $0x4  }
0xfa: {  	v53 =	vadd.f32 v0, v40;
	v0 =	vld [tilespmem:$0x1FCF0];
	_ =	sdelay $0x4  }
0xfb: {  	v0 =	vadd.f32 v0, v28;
	_ =	sdelay $0x1  }
0xfc: {  	[tilespmem:$0x1FD00] =	vst v0;
	v0 =	vld [tilespmem:$0x1FD10];
	_ =	sdelay $0x4  }
0xfd: {  	v51 =	vadd.f32 v0, v36;
	v0 =	vld [tilespmem:$0x1FD20];
	_ =	sdelay $0x4  }
0xfe: {  	v0 =	vadd.f32 v0, v18;
	_ =	sdelay $0x1  }
0xff: {  	[tilespmem:$0x1FD30] =	vst v0;
	v0 =	vld [tilespmem:$0x1FD40];
	_ =	sdelay $0x4  }
0x100: {  	v58 =	vadd.f32 v0, v34;
	v0 =	vld [tilespmem:$0x1FD50];
	_ =	sdelay $0x4  }
0x101: {  	v0 =	vadd.f32 v0, v4;
	_ =	sdelay $0x1  }
0x102: {  	[tilespmem:$0x1FD60] =	vst v0;
	v0 =	vld [tilespmem:$0x1FD70];
	_ =	sdelay $0x4  }
0x103: {  	v61 =	vadd.f32 v0, v31;
	v0 =	vld [tilespmem:$0x1FD80]  }
0x104: {  	v3 =	vor.u32 $0x14, v12;
	_ =	sdelay $0x3  }
0x105: {  	v0 =	vadd.f32 v0, v17  }
0x106: {  	v27 =	vld.idx.msk [tilespmem:v3+s24+$0x0], $0xffff  }
0x107: {  	[tilespmem:$0x1FD90] =	vst v0;
	v0 =	vld [tilespmem:$0x1FDA0]  }
0x108: {  	v1 =	vld [tilespmem:$0x1FDC0]  }
0x109: {  	v3 =	vor.u32 $0x10, v38;
	_ =	sdelay $0x1  }
0x10a: {  	v24 =	vld.idx.msk [tilespmem:v32+s12+$0x0], $0xffff  }
0x10b: {  	v52 =	vadd.f32 v0, v29;
	v0 =	vld [tilespmem:$0x1FDB0]  }
0x10c: {  	v8 =	vor.u32 $0x13, v12;
	v62 =	vadd.f32 v1, v27;
	v1 =	vld [tilespmem:$0x1FDD0]  }
0x10d: {  	v32 =	vld.idx.msk [tilespmem:v3+s20+$0x0], $0xffff;
	v3 =	vor.u32 $0xF, v12;
	_ =	sdelay $0x1  }
0x10e: {  	v25 =	vor.u32 $0x11, v38  }
0x10f: {  	v54 =	vadd.f32 v0, v50;
	v0 =	vor.u32 $0x5, v38  }
0x110: {  	v22 =	vld.idx.msk [tilespmem:v8+s24+$0x0], $0xffff;
	v1 =	vadd.f32 v1, v15  }
0x111: {  	v20 =	vld.idx.msk [tilespmem:v3+s24+$0x0], $0xffff  }
0x112: {  	[tilespmem:$0x1FDE0] =	vst v1;
	v1 =	vld [tilespmem:$0x1FDF0]  }
0x113: {  	v9 =	vor.u32 $0xD, v38;
	v16 =	vld.idx.msk [tilespmem:v25+s20+$0x0], $0xffff  }
0x114: {  	v40 =	vld.idx.msk [tilespmem:v0+s20+$0x0], $0xffff  }
0x115: {  	v5 =	vor.u32 $0x12, v12;
	v0 =	vld [tilespmem:$0x1FEA0];
	_ =	sdelay $0x1  }
0x116: {  	v1 =	vadd.f32 v1, v22  }
0x117: {  	v9 =	vld.idx.msk [tilespmem:v9+s20+$0x0], $0xffff  }
0x118: {  	v8 =	vor.u32 $0xE, v12;
	v25 =	vld.idx.msk [tilespmem:v38+s20+$0x0], $0xffff;
	[tilespmem:$0x1FE00] =	vst v1;
	v1 =	vadd.f32 v59, v16  }
0x119: {  	v43 =	vor.u32 $0x8, v12;
	v23 =	vld.idx.msk [tilespmem:v5+s24+$0x0], $0xffff;
	v0 =	vadd.f32 v0, v20  }
0x11a: {  	[tilespmem:$0x1FE10] =	vst v1;
	v1 =	vld [tilespmem:$0x1FE20]  }
0x11b: {  	[tilespmem:$0x1FEB0] =	vst v0;
	v0 =	vld [tilespmem:$0x1FEC0];
	_ =	sdelay $0x1  }
0x11c: {  	v21 =	vadd.f32 v57, v25;
	v25 =	vld.idx.msk [tilespmem:v8+s24+$0x0], $0xffff  }
0x11d: {  	v29 =	vld.idx.msk [tilespmem:v43+s24+$0x0], $0xffff  }
0x11e: {  	v43 =	vadd.f32 v1, v23;
	v1 =	vld [tilespmem:$0x1FE30]  }
0x11f: {  	v3 =	vor.u32 $0xC, v38;
	v57 =	vadd.f32 v0, v9;
	v0 =	vld [tilespmem:$0x1FED0];
	_ =	sdelay $0x3  }
0x120: {  	v1 =	vadd.f32 v1, v32  }
0x121: {  	v41 =	vld.idx.msk [tilespmem:v3+s20+$0x0], $0xffff;
	v0 =	vadd.f32 v0, v25  }
0x122: {  	[tilespmem:$0x1FE40] =	vst v1;
	v1 =	vld [tilespmem:$0x1FE50]  }
0x123: {  	[tilespmem:$0x1FEE0] =	vst v0;
	v0 =	vld [tilespmem:$0x1FEF0];
	_ =	sdelay $0x3  }
0x124: {  	v5 =	vor.u32 $0xE, v38;
	v44 =	vadd.f32 v1, v26;
	v1 =	vld [tilespmem:$0x1FE60]  }
0x125: {  	v4 =	vadd.f32 v0, v41;
	v0 =	vld [tilespmem:$0x1FF00]  }
0x126: {  	v8 =	vor.u32 $0xB, v38;
	_ =	sdelay $0x2  }
0x127: {  	v14 =	vld.idx.msk [tilespmem:v5+s20+$0x0], $0xffff  }
0x128: {  	v18 =	vadd.f32 v1, v11;
	v1 =	vld [tilespmem:$0x1FE70];
	v0 =	vadd.f32 v0, v13  }
0x129: {  	v5 =	vor.u32 $0xC, v12;
	v8 =	vld.idx.msk [tilespmem:v8+s20+$0x0], $0xffff  }
0x12a: {  	[tilespmem:$0x1FF10] =	vst v0;
	v0 =	vld [tilespmem:$0x1FF20];
	_ =	sdelay $0x2  }
0x12b: {  	v45 =	vadd.f32 v1, v19;
	v1 =	vld [tilespmem:$0x1FE80]  }
0x12c: {  	v37 =	vld.idx.msk [tilespmem:v5+s24+$0x0], $0xffff  }
0x12d: {  	v26 =	vadd.f32 v0, v8;
	v0 =	vld [tilespmem:$0x1FF30];
	_ =	sdelay $0x2  }
0x12e: {  	v1 =	vadd.f32 v1, v14;
	_ =	sdelay $0x1  }
0x12f: {  	[tilespmem:$0x1FE90] =	vst v1;
	v1 =	vadd.f32 v0, v37;
	v0 =	vld [tilespmem:$0x1FF40];
	_ =	sdelay $0x2  }
0x130: {  	v5 =	vor.u32 $0x9, v38  }
0x131: {  	v17 =	vor.u32 $0x6, v12  }
0x132: {  	v11 =	vadd.f32 v0, v30;
	v0 =	vld [tilespmem:$0x1FF50];
	_ =	sdelay $0x2  }
0x133: {  	v3 =	vor.u32 $0xA, v12;
	v36 =	vld.idx.msk [tilespmem:v5+s20+$0x0], $0xffff  }
0x134: {  	v23 =	vld.idx.msk [tilespmem:v17+s24+$0x0], $0xffff;
	v17 =	vor.u32 $0x3, v38  }
0x135: {  	v59 =	vadd.f32 v0, v33;
	v0 =	vld [tilespmem:$0x1FF60];
	_ =	sdelay $0x2  }
0x136: {  	[tilespmem:$0x1FC70] =	vst v7;
	v7 =	vld.idx.msk [tilespmem:v3+s24+$0x0], $0xffff  }
0x137: {  	v14 =	vld.idx.msk [tilespmem:v17+s20+$0x0], $0xffff  }
0x138: {  	v17 =	vadd.f32 v0, v36;
	v0 =	vld [tilespmem:$0x1FF70]  }
0x139: {  	v42 =	vor.u32 $0x8, v38;
	_ =	sdelay $0x3  }
0x13a: {  	v0 =	vadd.f32 v0, v7  }
0x13b: {  	v35 =	vor.u32 $0x9, v12;
	v31 =	vld.idx.msk [tilespmem:v42+s20+$0x0], $0xffff  }
0x13c: {  	[tilespmem:$0x1FF80] =	vst v0;
	v0 =	vld [tilespmem:$0x1FF90];
	_ =	sdelay $0x3  }
0x13d: {  	v28 =	vor.u32 $0x7, v38;
	v34 =	vld.idx.msk [tilespmem:v35+s24+$0x0], $0xffff  }
0x13e: {  	v20 =	vadd.f32 v0, v31;
	v0 =	vld [tilespmem:$0x1FFA0];
	_ =	sdelay $0x3  }
0x13f: {  	v15 =	vld.idx.msk [tilespmem:v28+s20+$0x0], $0xffff;
	v19 =	vor.u32 $0x3, v12  }
0x140: {  	[tilespmem:$0x1FCA0] =	vst v6;
	v6 =	vadd.f32 v0, v34;
	v0 =	vld [tilespmem:$0x1FFB0];
	_ =	sdelay $0x2  }
0x141: {  	v3 =	vor.u32 $0x6, v38  }
0x142: {  	v22 =	vor.u32 $0x4, v38;
	v30 =	vld.idx.msk [tilespmem:v19+s24+$0x0], $0xffff  }
0x143: {  	v19 =	vadd.f32 v0, v15;
	v0 =	vld [tilespmem:$0x1FFC0];
	_ =	sdelay $0x1  }
0x144: {  	v27 =	vor.u32 $0x5, v12  }
0x145: {  	v5 =	vor.u32 $0x7, v12;
	v35 =	vld.idx.msk [tilespmem:v3+s20+$0x0], $0xffff  }
0x146: {  	v41 =	vld.idx.msk [tilespmem:v22+s20+$0x0], $0xffff;
	v22 =	vor.u32 $0x2, v12  }
0x147: {  	v8 =	vadd.f32 v0, v29;
	v0 =	vld [tilespmem:$0x1FFD0];
	_ =	sdelay $0x1  }
0x148: {  	v28 =	vld.idx.msk [tilespmem:v27+s24+$0x0], $0xffff;
	v32 =	vor.u32 $0x4, v12  }
0x149: {  	v10 =	vor.u32 $0x1, v12;
	v16 =	vld.idx.msk [tilespmem:v5+s24+$0x0], $0xffff  }
0x14a: {  	v9 =	vor.u32 $0x2, v38;
	v31 =	vld.idx.msk [tilespmem:v22+s24+$0x0], $0xffff  }
0x14b: {  	v42 =	vor.u32 $0x1, v38;
	v22 =	vadd.f32 v0, v35;
	v0 =	vld [tilespmem:$0x1FFE0]  }
0x14c: {  	v5 =	vld.idx.msk [tilespmem:v2+s22+$0x0], $0xffff  }
0x14d: {  	v27 =	vld.idx.msk [tilespmem:v32+s24+$0x0], $0xffff  }
0x14e: {  	s7 =	sshll.u32 s6, $0x7;
	v37 =	vld.idx.msk [tilespmem:v10+s24+$0x0], $0xffff  }
0x14f: {  	s8 =	simm.s32 $0x10;
	s21 =	smov.u32 s9;
	s23 =	smov.u32 s10;
	v49 =	vor.u32 $0xF, v2;
	v36 =	vld.idx.msk [tilespmem:v9+s20+$0x0], $0xffff;
	v34 =	vor.u32 $0xE, v2;
	v29 =	vor.u32 $0x11, v2  }
0x150: {  	s16 =	smov.u32 s11;
	s5 =	smov.u32 s1;
	s19 =	smov.u32 s4;
	v9 =	vld.idx.msk [tilespmem:v42+s20+$0x0], $0xffff;
	v35 =	vor.u32 $0xD, v2;
	v15 =	vadd.f32 v0, v16;
	v16 =	vor.u32 $0x10, v2  }
.LBB2_5:
0x151: {  	v0 =	vld [tilespmem:$0x1FA60];
	_ =	sdelay $0x4  }
0x152: {  	[tilespmem:$0x1F670] =	vst v45;
	v45 =	vadd.f32 v0, v40;
	v0 =	vld [tilespmem:$0x1FA70];
	_ =	sdelay $0x4  }
0x153: {  	v48 =	vadd.f32 v0, v41;
	v0 =	vld [tilespmem:$0x1FA90];
	_ =	sdelay $0x4  }
0x154: {  	[tilespmem:$0x1F730] =	vst v53;
	v53 =	vadd.f32 v0, v14;
	v0 =	vld [tilespmem:$0x1FA80];
	_ =	sdelay $0x4  }
0x155: {  	v42 =	vadd.f32 v0, v27;
	v0 =	vld [tilespmem:$0x1FAB0];
	_ =	sdelay $0x4  }
0x156: {  	[tilespmem:$0x1F680] =	vst v44;
	v44 =	vadd.f32 v0, v36;
	v0 =	vld [tilespmem:$0x1FAA0];
	_ =	sdelay $0x3  }
0x157: {  	v32 =	vld.idx.msk [tilespmem:v49+s22+$0x0], $0xffff  }
0x158: {  	v49 =	vadd.f32 v0, v30;
	v0 =	vld [tilespmem:$0x1FAD0];
	_ =	sdelay $0x4  }
0x159: {  	v13 =	vadd.f32 v47, v28;
	v47 =	vadd.f32 v0, v9;
	v0 =	vld [tilespmem:$0x1FAC0];
	_ =	sdelay $0x4  }
0x15a: {  	[tilespmem:$0x1F690] =	vst v43;
	v43 =	vadd.f32 v0, v31;
	v0 =	vld [tilespmem:$0x1FBC0];
	_ =	sdelay $0x4  }
0x15b: {  	v7 =	vsub.f32 v0, v5;
	v0 =	vld [tilespmem:$0x1FAE0];
	_ =	sdelay $0x4  }
0x15c: {  	[tilespmem:$0x1FAE0] =	vst v0;
	v0 =	vsub.f32 v56, v0;
	_ =	sdelay $0x1  }
0x15d: {  	[tilespmem:$0x1F7B0] =	vst v0;
	v0 =	vld [tilespmem:$0x1FB00];
	_ =	sdelay $0x4  }
0x15e: {  	[tilespmem:$0x1FB00] =	vst v0;
	v0 =	vsub.f32 v55, v0  }
0x15f: {  	v3 =	vld [tilespmem:$0x1FAF0]  }
0x160: {  	[tilespmem:$0x1F790] =	vst v0;
	v0 =	vld [tilespmem:$0x1FBE0];
	_ =	sdelay $0x4  }
0x161: {  	v0 =	vsub.f32 v0, v3  }
0x162: {  	v28 =	vld [tilespmem:$0x1FB20]  }
0x163: {  	[tilespmem:$0x1F7A0] =	vst v0;
	v0 =	vld [tilespmem:$0x1FC50];
	_ =	sdelay $0x4  }
0x164: {  	v0 =	vsub.f32 v0, v28  }
0x165: {  	v31 =	vld [tilespmem:$0x1FB10]  }
0x166: {  	v40 =	vadd.f32 v24, v23;
	v23 =	vor.u32 $0x8, v2;
	[tilespmem:$0x1F770] =	vst v0;
	v0 =	vld [tilespmem:$0x1FC20];
	_ =	sdelay $0x4  }
0x167: {  	[tilespmem:$0x1F6D0] =	vst v61;
	v61 =	vld.idx.msk [tilespmem:v23+s22+$0x0], $0xffff;
	v0 =	vsub.f32 v0, v31  }
0x168: {  	v23 =	vld [tilespmem:$0x1FB40]  }
0x169: {  	[tilespmem:$0x1F780] =	vst v0;
	v0 =	vld [tilespmem:$0x1FCA0];
	_ =	sdelay $0x4  }
0x16a: {  	v0 =	vsub.f32 v0, v23  }
0x16b: {  	v56 =	vld [tilespmem:$0x1FB30]  }
0x16c: {  	v14 =	vor.u32 $0xA, v2;
	[tilespmem:$0x1F740] =	vst v0;
	v0 =	vld [tilespmem:$0x1FC80];
	_ =	sdelay $0x2  }
0x16d: {  	v33 =	vld.idx.msk [tilespmem:v16+s22+$0x0], $0xffff;
	v16 =	vor.u32 $0x9, v2;
	_ =	sdelay $0x1  }
0x16e: {  	v41 =	vld.idx.msk [tilespmem:v14+s22+$0x0], $0xffff;
	v0 =	vsub.f32 v0, v56  }
0x16f: {  	v14 =	vld [tilespmem:$0x1FB60]  }
0x170: {  	[tilespmem:$0x1F750] =	vst v0;
	v0 =	vld [tilespmem:$0x1FD00]  }
0x171: {  	[tilespmem:$0x1F6F0] =	vst v58;
	v58 =	vld.idx.msk [tilespmem:v16+s22+$0x0], $0xffff  }
0x172: {  	v16 =	vld [tilespmem:$0x1FB50]  }
0x173: {  	v50 =	vor.u32 $0x1, v2  }
0x174: {  	v12 =	vor.u32 $0xC, v2  }
0x175: {  	v36 =	vor.u32 $0x5, v2;
	v0 =	vsub.f32 v0, v14;
	_ =	sdelay $0x1  }
0x176: {  	v35 =	vld.idx.msk [tilespmem:v35+s22+$0x0], $0xffff;
	[tilespmem:$0x1F700] =	vst v0;
	v0 =	vsub.f32 v63, v16;
	v63 =	vor.u32 $0x2, v2  }
0x177: {  	[tilespmem:$0x1F760] =	vst v60;
	v60 =	vor.u32 $0x3, v2;
	v50 =	vld.idx.msk [tilespmem:v50+s22+$0x0], $0xffff  }
0x178: {  	v38 =	vld.idx.msk [tilespmem:v12+s22+$0x0], $0xffff  }
0x179: {  	[tilespmem:$0x1F6B0] =	vst v52;
	v10 =	vor.u32 $0xB, v2;
	v27 =	vor.u32 $0x7, v2;
	v52 =	vld.idx.msk [tilespmem:v36+s22+$0x0], $0xffff  }
0x17a: {  	v46 =	vadd.f32 v46, v37;
	v37 =	vor.u32 $0x4, v2;
	v30 =	vor.u32 $0x6, v2;
	v2 =	vmovc v1;
	v1 =	vld [tilespmem:$0x1FBA0]  }
0x17b: {  	v25 =	vsub.f32 v21, v5;
	v21 =	vsub.f32 v57, v35;
	v57 =	vld.idx.msk [tilespmem:v63+s22+$0x0], $0xffff  }
0x17c: {  	s21 =	sadd.s32 $0x10, s21;
	v46 =	vsub.f32 v46, v50;
	v55 =	vld.idx.msk [tilespmem:v60+s22+$0x0], $0xffff  }
0x17d: {  	v47 =	vsub.f32 v47, v50;
	v60 =	vld [tilespmem:s21+$0x0]  }
0x17e: {  	[tilespmem:$0x1F6A0] =	vst v62;
	v25 =	vand.u32 $0x7FFFFFFF, v25;
	v24 =	vsub.f32 v4, v38;
	v46 =	vand.u32 $0x7FFFFFFF, v46;
	v62 =	vld.idx.msk [tilespmem:v27+s22+$0x0], $0xffff  }
0x17f: {  	v45 =	vsub.f32 v45, v52;
	v47 =	vand.u32 $0x7FFFFFFF, v47;
	v27 =	vsub.f32 v54, v1;
	v54 =	vld.idx.msk [tilespmem:v37+s22+$0x0], $0xffff  }
0x180: {  	v25 =	vadd.f32 v47, v25;
	v7 =	vand.u32 $0x7FFFFFFF, v7;
	v44 =	vsub.f32 v44, v57  }
0x181: {  	v7 =	vadd.f32 v46, v7;
	v43 =	vsub.f32 v43, v57  }
0x182: {  	v53 =	vsub.f32 v53, v55;
	v50 =	vand.u32 $0x7F, v60;
	v44 =	vand.u32 $0x7FFFFFFF, v44  }
0x183: {  	[tilespmem:$0x1F710] =	vst v51;
	v51 =	vld.idx.msk [tilespmem:v30+s22+$0x0], $0xffff;
	v49 =	vsub.f32 v49, v55;
	v43 =	vand.u32 $0x7FFFFFFF, v43;
	v25 =	vadd.f32 v44, v25  }
0x184: {  	v53 =	vand.u32 $0x7FFFFFFF, v53;
	v48 =	vsub.f32 v48, v54;
	v7 =	vadd.f32 v43, v7  }
0x185: {  	v55 =	vand.u32 $0x7FFFFFFF, v49;
	v42 =	vsub.f32 v42, v54;
	v25 =	vadd.f32 v53, v25  }
0x186: {  	v57 =	vshll.u32 v60, $0x3;
	v60 =	vand.u32 $0x7FFFFFFF, v48;
	v7 =	vadd.f32 v55, v7  }
0x187: {  	v13 =	vsub.f32 v13, v52;
	v42 =	vand.u32 $0x7FFFFFFF, v42;
	v25 =	vadd.f32 v60, v25  }
0x188: {  	v22 =	vsub.f32 v22, v51;
	v49 =	vand.u32 $0x7FFFFFFF, v45;
	v7 =	vadd.f32 v42, v7  }
0x189: {  	v13 =	vand.u32 $0x7FFFFFFF, v13;
	v40 =	vsub.f32 v40, v51;
	v25 =	vadd.f32 v49, v25  }
0x18a: {  	v19 =	vsub.f32 v19, v62;
	v7 =	vadd.f32 v13, v7;
	v13 =	vand.u32 $0x7FFFFFFF, v22  }
0x18b: {  	v15 =	vsub.f32 v15, v62;
	v22 =	vand.u32 $0x7FFFFFFF, v40;
	v13 =	vadd.f32 v13, v25  }
0x18c: {  	v4 =	vld [tilespmem:$0x1FF80];
	v20 =	vsub.f32 v20, v61;
	v19 =	vand.u32 $0x7FFFFFFF, v19;
	v22 =	vadd.f32 v22, v7  }
0x18d: {  	v8 =	vsub.f32 v8, v61;
	v15 =	vand.u32 $0x7FFFFFFF, v15;
	v13 =	vadd.f32 v19, v13  }
0x18e: {  	v39 =	vld.idx.msk [tilespmem:v10+s22+$0x0], $0xffff;
	v17 =	vsub.f32 v17, v58;
	v15 =	vadd.f32 v15, v22;
	v19 =	vand.u32 $0x7FFFFFFF, v20  }
0x18f: {  	v6 =	vsub.f32 v6, v58;
	v8 =	vand.u32 $0x7FFFFFFF, v8;
	v13 =	vadd.f32 v19, v13  }
0x190: {  	v10 =	vld [tilespmem:$0x1FB80];
	v11 =	vsub.f32 v11, v41;
	v8 =	vadd.f32 v8, v15;
	v15 =	vand.u32 $0x7FFFFFFF, v17  }
0x191: {  	v6 =	vand.u32 $0x7FFFFFFF, v6;
	v4 =	vsub.f32 v4, v41;
	[tilespmem:$0x1F720] =	vst v0;
	v0 =	vld [tilespmem:$0x1FD60];
	v13 =	vadd.f32 v15, v13  }
0x192: {  	v6 =	vadd.f32 v6, v8;
	v8 =	vand.u32 $0x7FFFFFFF, v11  }
0x193: {  	v4 =	vand.u32 $0x7FFFFFFF, v4;
	v11 =	vsub.f32 v59, v39;
	v8 =	vadd.f32 v8, v13  }
0x194: {  	v4 =	vadd.f32 v4, v6;
	v13 =	vsub.f32 v2, v38  }
0x195: {  	v11 =	vand.u32 $0x7FFFFFFF, v11  }
0x196: {  	v0 =	vsub.f32 v0, v10;
	v4 =	vadd.f32 v11, v4;
	v11 =	vand.u32 $0x7FFFFFFF, v13;
	v13 =	vld [tilespmem:$0x1FF10]  }
0x197: {  	v12 =	vld [tilespmem:$0x1FB70]  }
0x198: {  	[tilespmem:$0x1F6C0] =	vst v0;
	v0 =	vld [tilespmem:$0x1FD30];
	_ =	sdelay $0x2  }
0x199: {  	v34 =	vld.idx.msk [tilespmem:v34+s22+$0x0], $0xffff;
	v13 =	vsub.f32 v13, v35  }
0x19a: {  	v9 =	vld [tilespmem:$0x1FB90];
	v4 =	vadd.f32 v11, v4  }
0x19b: {  	v26 =	vsub.f32 v26, v39;
	v0 =	vsub.f32 v0, v12;
	v11 =	vand.u32 $0x7FFFFFFF, v13;
	v13 =	vld [tilespmem:$0x1FEE0]  }
0x19c: {  	v4 =	vadd.f32 v11, v4;
	v11 =	vld [tilespmem:$0x1FEB0]  }
0x19d: {  	[tilespmem:$0x1F6E0] =	vst v0;
	v0 =	vld [tilespmem:$0x1FD90];
	v6 =	vand.u32 $0x7FFFFFFF, v26  }
0x19e: {  	v2 =	vld [tilespmem:$0x1F670];
	v6 =	vadd.f32 v6, v8  }
0x19f: {  	v8 =	vand.u32 $0x7FFFFFFF, v24  }
0x1a0: {  	v29 =	vld.idx.msk [tilespmem:v29+s22+$0x0], $0xffff;
	v6 =	vadd.f32 v8, v6;
	v13 =	vsub.f32 v13, v34  }
0x1a1: {  	v5 =	vld [tilespmem:$0x1FE40];
	v8 =	vand.u32 $0x7FFFFFFF, v21;
	v11 =	vsub.f32 v11, v32  }
0x1a2: {  	v30 =	vsub.f32 v0, v9;
	v0 =	vld [tilespmem:$0x1FE10];
	v6 =	vadd.f32 v8, v6;
	v8 =	vand.u32 $0x7FFFFFFF, v13  }
0x1a3: {  	v4 =	vadd.f32 v8, v4;
	v8 =	vand.u32 $0x7FFFFFFF, v11;
	v11 =	vsub.f32 v2, v33;
	v2 =	vld [tilespmem:$0x1F680];
	_ =	sdelay $0x1  }
0x1a4: {  	[tilespmem:$0x1FAF0] =	vst v3;
	v3 =	vld [tilespmem:$0x1FDE0]  }
0x1a5: {  	v37 =	vsub.f32 v18, v32;
	v18 =	vsub.f32 v5, v33;
	v5 =	vld [tilespmem:$0x1FE90]  }
0x1a6: {  	v36 =	vsub.f32 v0, v29;
	v0 =	vld [tilespmem:$0x1FBB0]  }
0x1a7: {  	v4 =	vadd.f32 v8, v4;
	v8 =	vand.u32 $0x7FFFFFFF, v11;
	v11 =	vsub.f32 v2, v29;
	v2 =	vld [tilespmem:$0x1F690];
	_ =	sdelay $0x3  }
0x1a8: {  	v5 =	vsub.f32 v5, v34;
	v3 =	vsub.f32 v3, v0  }
0x1a9: {  	v4 =	vadd.f32 v8, v4;
	v8 =	vand.u32 $0x7FFFFFFF, v11;
	v11 =	vsub.f32 v2, v0;
	v0 =	vld [tilespmem:$0x1FE00]  }
0x1aa: {  	v5 =	vand.u32 $0x7FFFFFFF, v5  }
0x1ab: {  	v5 =	vadd.f32 v5, v6  }
0x1ac: {  	v6 =	vand.u32 $0x7FFFFFFF, v37  }
0x1ad: {  	v5 =	vadd.f32 v6, v5  }
0x1ae: {  	v4 =	vadd.f32 v8, v4;
	v8 =	vsub.f32 v0, v1;
	v0 =	vld [tilespmem:$0x1F6A0]  }
0x1af: {  	v6 =	vand.u32 $0x7FFFFFFF, v18  }
0x1b0: {  	v5 =	vadd.f32 v6, v5;
	v1 =	vld [tilespmem:$0x1F6B0]  }
0x1b1: {  	v6 =	vand.u32 $0x7FFFFFFF, v36  }
0x1b2: {  	v5 =	vadd.f32 v6, v5;
	v6 =	vand.u32 $0x7FFFFFFF, v11  }
0x1b3: {  	v3 =	vand.u32 $0x7FFFFFFF, v3;
	v4 =	vadd.f32 v6, v4;
	v6 =	vsub.f32 v0, v9  }
0x1b4: {  	v3 =	vadd.f32 v3, v5;
	v5 =	vand.u32 $0x7FFFFFFF, v8  }
0x1b5: {  	v4 =	vadd.f32 v5, v4;
	v5 =	vand.u32 $0x7FFFFFFF, v6;
	v6 =	vsub.f32 v1, v10;
	v1 =	vld [tilespmem:$0x1F6C0];
	_ =	sdelay $0x1  }
0x1b6: {  	s23 =	sadd.s32 $0x10, s23;
	v2 =	vand.u32 $0x7FFFFFFF, v27  }
0x1b7: {  	v63 =	vld [tilespmem:s23+$0x0];
	v51 =	vand.u32 $0xFFFFFC00, v57;
	v3 =	vadd.f32 v2, v3  }
0x1b8: {  	v7 =	vor.u32 v50, v51;
	v0 =	vand.u32 $0x7FFFFFFF, v30  }
0x1b9: {  	v0 =	vadd.f32 v0, v3;
	v3 =	vadd.f32 v5, v4;
	v4 =	vand.u32 $0x7FFFFFFF, v1;
	v1 =	vld [tilespmem:$0x1F6D0];
	_ =	sdelay $0x2  }
0x1ba: {  	v48 =	vshll.u32 v63, $0x3  }
0x1bb: {  	v47 =	vand.u32 $0x7F, v63;
	v52 =	vand.u32 $0xFFFFFC00, v48  }
0x1bc: {  	v25 =	vor.u32 v47, v52;
	v5 =	vand.u32 $0x7FFFFFFF, v6;
	v6 =	vsub.f32 v1, v12;
	v1 =	vld.idx.msk [tilespmem:v7+s12+$0x0], $0xffff;
	_ =	sdelay $0x4  }
0x1bd: {  	[tilespmem:$0x1F7C0] =	vst v1;
	v1 =	vld.idx.msk [tilespmem:v25+s12+$0x0], $0xffff;
	_ =	sdelay $0x4  }
0x1be: {  	[tilespmem:$0x1F7D0] =	vst v1;
	v1 =	vld [tilespmem:$0x1F6E0];
	_ =	sdelay $0x4  }
0x1bf: {  	v17 =	vadd.s32 $0x6380, v7;
	v0 =	vadd.f32 v4, v0;
	v4 =	vand.u32 $0x7FFFFFFF, v1;
	v1 =	vld [tilespmem:$0x1F6F0];
	_ =	sdelay $0x3  }
0x1c0: {  	v15 =	vadd.s32 $0x6380, v25  }
0x1c1: {  	v3 =	vadd.f32 v5, v3;
	v5 =	vand.u32 $0x7FFFFFFF, v6;
	v6 =	vsub.f32 v1, v14;
	v1 =	vld.idx.msk [tilespmem:v17+s12+$0x0], $0xffff;
	_ =	sdelay $0x4  }
0x1c2: {  	[tilespmem:$0x1F7E0] =	vst v1;
	v1 =	vld.idx.msk [tilespmem:v15+s12+$0x0], $0xffff;
	_ =	sdelay $0x4  }
0x1c3: {  	[tilespmem:$0x1F800] =	vst v1;
	v1 =	vld [tilespmem:$0x1F700];
	_ =	sdelay $0x4  }
0x1c4: {  	v19 =	vadd.s32 $0x6300, v7;
	v0 =	vadd.f32 v4, v0;
	v4 =	vand.u32 $0x7FFFFFFF, v1;
	v1 =	vld [tilespmem:$0x1F710];
	_ =	sdelay $0x3  }
0x1c5: {  	v20 =	vadd.s32 $0x6300, v25  }
0x1c6: {  	v3 =	vadd.f32 v5, v3;
	v5 =	vand.u32 $0x7FFFFFFF, v6;
	v6 =	vsub.f32 v1, v16;
	v1 =	vld.idx.msk [tilespmem:v19+s12+$0x0], $0xffff;
	_ =	sdelay $0x4  }
0x1c7: {  	[tilespmem:$0x1F7F0] =	vst v1;
	v1 =	vld.idx.msk [tilespmem:v20+s12+$0x0], $0xffff;
	_ =	sdelay $0x4  }
0x1c8: {  	[tilespmem:$0x1F820] =	vst v1;
	v1 =	vld [tilespmem:$0x1F720];
	_ =	sdelay $0x4  }
0x1c9: {  	v21 =	vadd.s32 $0x6280, v7;
	v0 =	vadd.f32 v4, v0;
	v4 =	vand.u32 $0x7FFFFFFF, v1;
	v1 =	vld [tilespmem:$0x1F730];
	_ =	sdelay $0x3  }
0x1ca: {  	v13 =	vadd.s32 $0x6280, v25  }
0x1cb: {  	v3 =	vadd.f32 v5, v3;
	v5 =	vand.u32 $0x7FFFFFFF, v6;
	v6 =	vsub.f32 v1, v23;
	v1 =	vld.idx.msk [tilespmem:v21+s12+$0x0], $0xffff;
	_ =	sdelay $0x4  }
0x1cc: {  	[tilespmem:$0x1F810] =	vst v1;
	v1 =	vld.idx.msk [tilespmem:v13+s12+$0x0], $0xffff;
	_ =	sdelay $0x4  }
0x1cd: {  	[tilespmem:$0x1F840] =	vst v1;
	v1 =	vld [tilespmem:$0x1F740];
	_ =	sdelay $0x4  }
0x1ce: {  	v22 =	vadd.s32 $0x6200, v7;
	v0 =	vadd.f32 v4, v0;
	v4 =	vand.u32 $0x7FFFFFFF, v1;
	v1 =	vld [tilespmem:$0x1FCC0];
	_ =	sdelay $0x3  }
0x1cf: {  	v18 =	vadd.s32 $0x6200, v25  }
0x1d0: {  	v3 =	vadd.f32 v5, v3;
	v5 =	vand.u32 $0x7FFFFFFF, v6;
	v6 =	vsub.f32 v1, v56;
	v1 =	vld.idx.msk [tilespmem:v22+s12+$0x0], $0xffff;
	_ =	sdelay $0x4  }
0x1d1: {  	[tilespmem:$0x1F830] =	vst v1;
	v1 =	vld.idx.msk [tilespmem:v18+s12+$0x0], $0xffff;
	_ =	sdelay $0x4  }
0x1d2: {  	[tilespmem:$0x1F860] =	vst v1;
	v1 =	vld [tilespmem:$0x1F750];
	_ =	sdelay $0x4  }
0x1d3: {  	v24 =	vadd.s32 $0x6180, v7;
	v0 =	vadd.f32 v4, v0;
	v4 =	vand.u32 $0x7FFFFFFF, v1;
	v1 =	vld [tilespmem:$0x1F760];
	_ =	sdelay $0x3  }
0x1d4: {  	v11 =	vadd.s32 $0x6180, v25  }
0x1d5: {  	v3 =	vadd.f32 v5, v3;
	v5 =	vand.u32 $0x7FFFFFFF, v6;
	v6 =	vsub.f32 v1, v28;
	v1 =	vld.idx.msk [tilespmem:v24+s12+$0x0], $0xffff;
	_ =	sdelay $0x4  }
0x1d6: {  	[tilespmem:$0x1F850] =	vst v1;
	v1 =	vld.idx.msk [tilespmem:v11+s12+$0x0], $0xffff;
	_ =	sdelay $0x4  }
0x1d7: {  	[tilespmem:$0x1F880] =	vst v1;
	v1 =	vld [tilespmem:$0x1F770];
	_ =	sdelay $0x4  }
0x1d8: {  	v8 =	vadd.s32 $0x6100, v7;
	v0 =	vadd.f32 v4, v0;
	v4 =	vand.u32 $0x7FFFFFFF, v1;
	v1 =	vld [tilespmem:$0x1FC70];
	_ =	sdelay $0x3  }
0x1d9: {  	v26 =	vadd.s32 $0x6100, v25  }
0x1da: {  	v3 =	vadd.f32 v5, v3;
	v5 =	vand.u32 $0x7FFFFFFF, v6;
	v6 =	vsub.f32 v1, v31;
	v1 =	vld.idx.msk [tilespmem:v8+s12+$0x0], $0xffff;
	_ =	sdelay $0x4  }
0x1db: {  	[tilespmem:$0x1F870] =	vst v1;
	v1 =	vld.idx.msk [tilespmem:v26+s12+$0x0], $0xffff;
	_ =	sdelay $0x4  }
0x1dc: {  	[tilespmem:$0x1F8A0] =	vst v1;
	v1 =	vld [tilespmem:$0x1F780];
	_ =	sdelay $0x3  }
0x1dd: {  	v3 =	vadd.f32 v5, v3;
	v5 =	vand.u32 $0x7FFFFFFF, v6;
	v6 =	vld [tilespmem:$0x1FB00]  }
0x1de: {  	v29 =	vadd.s32 $0x6080, v7;
	v0 =	vadd.f32 v4, v0;
	v4 =	vand.u32 $0x7FFFFFFF, v1;
	v1 =	vld [tilespmem:$0x1FC40];
	_ =	sdelay $0x4  }
0x1df: {  	v30 =	vadd.s32 $0x6080, v25;
	v6 =	vsub.f32 v1, v6;
	v1 =	vld.idx.msk [tilespmem:v29+s12+$0x0], $0xffff;
	_ =	sdelay $0x4  }
0x1e0: {  	[tilespmem:$0x1F890] =	vst v1;
	v1 =	vld.idx.msk [tilespmem:v30+s12+$0x0], $0xffff;
	_ =	sdelay $0x4  }
0x1e1: {  	[tilespmem:$0x1F8C0] =	vst v1;
	v1 =	vld [tilespmem:$0x1F790];
	_ =	sdelay $0x3  }
0x1e2: {  	v3 =	vadd.f32 v5, v3;
	v5 =	vand.u32 $0x7FFFFFFF, v6;
	v6 =	vld [tilespmem:$0x1FAF0]  }
0x1e3: {  	v15 =	vadd.s32 $0x6000, v7;
	v0 =	vadd.f32 v4, v0;
	v4 =	vand.u32 $0x7FFFFFFF, v1;
	v1 =	vld [tilespmem:$0x1FC10];
	_ =	sdelay $0x4  }
0x1e4: {  	v17 =	vadd.s32 $0x6000, v25;
	v6 =	vsub.f32 v1, v6;
	v1 =	vld.idx.msk [tilespmem:v15+s12+$0x0], $0xffff;
	_ =	sdelay $0x4  }
0x1e5: {  	[tilespmem:$0x1F8B0] =	vst v1;
	v1 =	vld.idx.msk [tilespmem:v17+s12+$0x0], $0xffff;
	_ =	sdelay $0x4  }
0x1e6: {  	[tilespmem:$0x1F8E0] =	vst v1;
	v1 =	vld [tilespmem:$0x1F7A0];
	_ =	sdelay $0x3  }
0x1e7: {  	v3 =	vadd.f32 v5, v3;
	v5 =	vand.u32 $0x7FFFFFFF, v6;
	v6 =	vld [tilespmem:$0x1FAE0]  }
0x1e8: {  	v13 =	vadd.s32 $0x4380, v7;
	v0 =	vadd.f32 v4, v0;
	v4 =	vand.u32 $0x7FFFFFFF, v1;
	v1 =	vld [tilespmem:$0x1FBF0];
	_ =	sdelay $0x4  }
0x1e9: {  	v14 =	vadd.s32 $0x4380, v25;
	v6 =	vsub.f32 v1, v6;
	v1 =	vld.idx.msk [tilespmem:v13+s12+$0x0], $0xffff;
	_ =	sdelay $0x4  }
0x1ea: {  	[tilespmem:$0x1F8D0] =	vst v1;
	v1 =	vld.idx.msk [tilespmem:v14+s12+$0x0], $0xffff;
	_ =	sdelay $0x4  }
0x1eb: {  	[tilespmem:$0x1F900] =	vst v1;
	v1 =	vld [tilespmem:$0x1F7B0]  }
0x1ec: {  	v8 =	vadd.s32 $0x4300, v25;
	_ =	sdelay $0x2  }
0x1ed: {  	v3 =	vadd.f32 v5, v3;
	v0 =	vadd.f32 v4, v0  }
0x1ee: {  	v5 =	vand.u32 $0x7FFFFFFF, v6;
	v1 =	vand.u32 $0x7FFFFFFF, v1  }
0x1ef: {  	v0 =	vadd.f32 v1, v0;
	v1 =	vadd.f32 v5, v3;
	v3 =	vadd.s32 $0x4180, v7;
	v5 =	vld.idx.msk [tilespmem:v8+s12+$0x0], $0xffff;
	_ =	sdelay $0x1  }
0x1f0: {  	v10 =	vadd.s32 $0x4280, v7;
	_ =	sdelay $0x2  }
0x1f1: {  	[tilespmem:$0x1F920] =	vst v5;
	v5 =	vadd.s32 $0x4180, v25;
	v3 =	vld.idx.msk [tilespmem:v3+s12+$0x0], $0xffff;
	_ =	sdelay $0x1  }
0x1f2: {  	v9 =	vadd.s32 $0x4280, v25;
	v8 =	vld.idx.msk [tilespmem:v10+s12+$0x0], $0xffff;
	_ =	sdelay $0x2  }
0x1f3: {  	[tilespmem:$0x1F950] =	vst v3;
	v3 =	vld.idx.msk [tilespmem:v5+s12+$0x0], $0xffff  }
0x1f4: {  	v6 =	vadd.s32 $0x4200, v25  }
0x1f5: {  	[tilespmem:$0x1F910] =	vst v8;
	v8 =	vld.idx.msk [tilespmem:v9+s12+$0x0], $0xffff;
	_ =	sdelay $0x2  }
0x1f6: {  	v0 =	vsub.f32 v0, v1;
	[tilespmem:$0x1F980] =	vst v3;
	v3 =	vld [tilespmem:$0x1FA50]  }
0x1f7: {  	v6 =	vld.idx.msk [tilespmem:v6+s12+$0x0], $0xffff  }
0x1f8: {  	v0 =	vadd.f32 $1.000000000e+00, v0;
	[tilespmem:$0x1F940] =	vst v8;
	v8 =	vadd.s32 $0x4100, v25;
	_ =	sdelay $0x1  }
0x1f9: {  	v0 =	vmax.f32 v0, $0.0e+00  }
0x1fa: {  	v3 =	vadd.f32 v0, v3;
	v0 =	vadd.s32 $0x4000, v25  }
0x1fb: {  	[tilespmem:$0x1F960] =	vst v6  }
0x1fc: {  	v6 =	vadd.s32 $0x4080, v25;
	[tilespmem:$0x1FA50] =	vst v3;
	v3 =	vld.idx.msk [tilespmem:v8+s12+$0x0], $0xffff;
	_ =	sdelay $0x1  }
0x1fd: {  	v1 =	vadd.s32 $0x4100, v7  }
0x1fe: {  	v0 =	vld.idx.msk [tilespmem:v0+s12+$0x0], $0xffff;
	_ =	sdelay $0x1  }
0x1ff: {  	v8 =	vadd.s32 $0x2380, v25;
	[tilespmem:$0x1F990] =	vst v3;
	v3 =	vld.idx.msk [tilespmem:v6+s12+$0x0], $0xffff;
	_ =	sdelay $0x1  }
0x200: {  	v1 =	vld.idx.msk [tilespmem:v1+s12+$0x0], $0xffff  }
0x201: {  	[tilespmem:$0x1F9B0] =	vst v0;
	v0 =	vadd.s32 $0x2280, v25;
	_ =	sdelay $0x1  }
0x202: {  	v6 =	vadd.s32 $0x2300, v25;
	[tilespmem:$0x1F9A0] =	vst v3;
	v3 =	vld.idx.msk [tilespmem:v8+s12+$0x0], $0xffff;
	_ =	sdelay $0x1  }
0x203: {  	[tilespmem:$0x1F970] =	vst v1;
	v1 =	vadd.s32 $0x2380, v7  }
0x204: {  	v0 =	vld.idx.msk [tilespmem:v0+s12+$0x0], $0xffff;
	_ =	sdelay $0x1  }
0x205: {  	v8 =	vadd.s32 $0x2200, v25;
	[tilespmem:$0x1F9C0] =	vst v3;
	v3 =	vld.idx.msk [tilespmem:v6+s12+$0x0], $0xffff  }
0x206: {  	v9 =	vadd.s32 $0x4000, v7  }
0x207: {  	v28 =	vld.idx.msk [tilespmem:v1+s12+$0x0], $0xffff;
	v1 =	vadd.s32 $0x2200, v7  }
0x208: {  	s16 =	sadd.s32 $0x10, s16;
	[tilespmem:$0x1F9E0] =	vst v0;
	v0 =	vadd.s32 $0x2100, v25  }
0x209: {  	v53 =	vld [tilespmem:s16+$0x0]  }
0x20a: {  	v6 =	vadd.s32 $0x2180, v25;
	[tilespmem:$0x1F9D0] =	vst v3;
	v3 =	vld.idx.msk [tilespmem:v8+s12+$0x0], $0xffff  }
0x20b: {  	v40 =	vld.idx.msk [tilespmem:v9+s12+$0x0], $0xffff;
	v9 =	vadd.s32 $0x2280, v7  }
0x20c: {  	v26 =	vld.idx.msk [tilespmem:v1+s12+$0x0], $0xffff;
	v1 =	vadd.s32 $0x2080, v7  }
0x20d: {  	s5 =	sadd.s32 $0x10, s5;
	v11 =	vadd.s32 $0x4300, v7;
	v0 =	vld.idx.msk [tilespmem:v0+s12+$0x0], $0xffff  }
0x20e: {  	v2 =	vld [tilespmem:s5+$0x0];
	v10 =	vadd.s32 $0x2000, v7  }
0x20f: {  	v8 =	vadd.s32 $0x2080, v25;
	[tilespmem:$0x1F9F0] =	vst v3;
	v3 =	vld.idx.msk [tilespmem:v6+s12+$0x0], $0xffff  }
0x210: {  	v27 =	vld.idx.msk [tilespmem:v9+s12+$0x0], $0xffff;
	v9 =	vadd.s32 $0x2100, v7  }
0x211: {  	v17 =	vld.idx.msk [tilespmem:v1+s12+$0x0], $0xffff;
	v1 =	vor.u32 $0x300, v7  }
0x212: {  	v11 =	vld.idx.msk [tilespmem:v11+s12+$0x0], $0xffff;
	[tilespmem:$0x1FA10] =	vst v0;
	v0 =	vor.u32 $0x380, v25  }
0x213: {  	v20 =	vld.idx.msk [tilespmem:v10+s12+$0x0], $0xffff  }
0x214: {  	v12 =	vadd.s32 $0x2000, v25;
	[tilespmem:$0x1FA00] =	vst v3;
	v3 =	vld.idx.msk [tilespmem:v8+s12+$0x0], $0xffff  }
0x215: {  	v31 =	vld.idx.msk [tilespmem:v9+s12+$0x0], $0xffff  }
0x216: {  	v9 =	vor.u32 $0x380, v7;
	v22 =	vld.idx.msk [tilespmem:v1+s12+$0x0], $0xffff  }
0x217: {  	v16 =	vor.u32 $0x280, v25;
	v0 =	vld.idx.msk [tilespmem:v0+s12+$0x0], $0xffff  }
0x218: {  	v14 =	vor.u32 $0x300, v25;
	v1 =	vld [tilespmem:$0x1FFF0]  }
0x219: {  	s19 =	sadd.s32 $0x10, s19;
	v10 =	vor.u32 $0x280, v7;
	[tilespmem:$0x1FA20] =	vst v3;
	v3 =	vld.idx.msk [tilespmem:v12+s12+$0x0], $0xffff  }
0x21a: {  	v54 =	vld [tilespmem:s19+$0x0]  }
0x21b: {  	[tilespmem:$0x1F8F0] =	vst v11;
	v19 =	vld.idx.msk [tilespmem:v9+s12+$0x0], $0xffff;
	v9 =	vmov s8  }
0x21c: {  	v11 =	vld.idx.msk [tilespmem:v16+s12+$0x0], $0xffff;
	v16 =	vor.u32 $0x100, v7;
	[tilespmem:$0x1FA40] =	vst v0;
	v0 =	vshll.u32 v9, $0x7;
	v9 =	vshra.s32 v53, $0xD  }
0x21d: {  	v29 =	vor.u32 $0x200, v7;
	v15 =	vld.idx.msk [tilespmem:v14+s12+$0x0], $0xffff;
	v0 =	vor.u32 v1, v0;
	v1 =	vand.u32 $0xFFFFFF80, v9  }
0x21e: {  	v14 =	vshra.s32 v2, $0xD;
	v9 =	vand.u32 $0x60, v9;
	[tilespmem:$0x1FA30] =	vst v3;
	v1 =	vadd.s32 v0, v1;
	v3 =	vld.idx.msk [tilespmem:v10+s12+$0x0], $0xffff  }
0x21f: {  	v58 =	vshra.s32 v54, $0xD;
	v2 =	vor.u32 v9, v1;
	v1 =	vand.u32 $0xFFFFFF80, v14  }
0x220: {  	v9 =	vand.u32 $0x60, v14;
	v14 =	vand.u32 $0xFFFFFF80, v58;
	v1 =	vadd.s32 v0, v1  }
0x221: {  	v0 =	vadd.s32 v0, v14;
	v36 =	vor.u32 v9, v1;
	v1 =	vand.u32 $0x60, v58  }
0x222: {  	v14 =	vor.u32 v1, v0;
	v1 =	vld.idx.msk [tilespmem:v16+s12+$0x0], $0xffff  }
0x223: {  	[tilespmem:$0x1FA60] =	vst v3;
	v3 =	vld.idx.msk [tilespmem:v29+s12+$0x0], $0xffff;
	v29 =	vor.u32 $0x100, v25;
	_ =	sdelay $0x4  }
0x224: {  	v16 =	vor.u32 $0x1F, v2;
	[tilespmem:$0x1FAB0] =	vst v1;
	v1 =	vld.idx.msk [tilespmem:v29+s12+$0x0], $0xffff;
	_ =	sdelay $0x3  }
0x225: {  	v9 =	vor.u32 $0x80, v25  }
0x226: {  	v29 =	vor.u32 $0x1E, v2;
	[tilespmem:$0x1FAC0] =	vst v1;
	v1 =	vld.idx.msk [tilespmem:v16+s22+$0x0], $0xffff;
	_ =	sdelay $0x3  }
0x227: {  	v8 =	vld.idx.msk [tilespmem:v9+s12+$0x0], $0xffff  }
0x228: {  	v9 =	vor.u32 $0x1D, v2;
	[tilespmem:$0x1FAE0] =	vst v1;
	v1 =	vld.idx.msk [tilespmem:v29+s22+$0x0], $0xffff;
	_ =	sdelay $0x4  }
0x229: {  	v61 =	vor.u32 $0x1C, v2;
	[tilespmem:$0x1FAF0] =	vst v1;
	v1 =	vld.idx.msk [tilespmem:v9+s22+$0x0], $0xffff  }
0x22a: {  	v4 =	vadd.s32 $0x4200, v7;
	_ =	sdelay $0x3  }
0x22b: {  	v38 =	vor.u32 $0x1B, v2;
	[tilespmem:$0x1FB00] =	vst v1;
	v1 =	vld.idx.msk [tilespmem:v61+s22+$0x0], $0xffff  }
0x22c: {  	v4 =	vld.idx.msk [tilespmem:v4+s12+$0x0], $0xffff;
	_ =	sdelay $0x2  }
0x22d: {  	v55 =	vor.u32 $0x200, v25  }
0x22e: {  	v42 =	vor.u32 $0x1A, v2;
	[tilespmem:$0x1FB10] =	vst v1;
	v1 =	vld.idx.msk [tilespmem:v38+s22+$0x0], $0xffff  }
0x22f: {  	[tilespmem:$0x1F930] =	vst v4;
	v4 =	vadd.s32 $0x4080, v7;
	_ =	sdelay $0x1  }
0x230: {  	v60 =	vor.u32 $0x1E, v36  }
0x231: {  	[tilespmem:$0x1FA70] =	vst v3;
	v3 =	vld.idx.msk [tilespmem:v55+s12+$0x0], $0xffff;
	v38 =	vor.u32 $0x1A, v36  }
0x232: {  	v55 =	vor.u32 $0x19, v2;
	[tilespmem:$0x1FB20] =	vst v1;
	v1 =	vld.idx.msk [tilespmem:v42+s22+$0x0], $0xffff  }
0x233: {  	v23 =	vld.idx.msk [tilespmem:v4+s12+$0x0], $0xffff;
	v4 =	vadd.s32 $0x2300, v7  }
0x234: {  	v57 =	vor.u32 $0x180, v25  }
0x235: {  	v43 =	vor.u32 $0x1B, v14;
	v29 =	vld.idx.msk [tilespmem:v60+s20+$0x0], $0xffff  }
0x236: {  	v60 =	vld.idx.msk [tilespmem:v38+s20+$0x0], $0xffff;
	v38 =	vor.u32 $0x17, v36  }
0x237: {  	[tilespmem:$0x1FB30] =	vst v1;
	v1 =	vld.idx.msk [tilespmem:v55+s22+$0x0], $0xffff;
	v55 =	vor.u32 $0x12, v36  }
0x238: {  	v41 =	vld.idx.msk [tilespmem:v4+s12+$0x0], $0xffff  }
0x239: {  	v0 =	vld.idx.msk [tilespmem:v57+s12+$0x0], $0xffff  }
0x23a: {  	v56 =	vor.u32 $0x180, v7;
	v35 =	vld.idx.msk [tilespmem:v43+s24+$0x0], $0xffff  }
0x23b: {  	v43 =	vor.u32 $0x19, v14;
	v51 =	vld.idx.msk [tilespmem:v38+s20+$0x0], $0xffff  }
0x23c: {  	v38 =	vld.idx.msk [tilespmem:v55+s20+$0x0], $0xffff;
	v55 =	vor.u32 $0xE, v36  }
0x23d: {  	v6 =	vld [tilespmem:$0x1F7C0]  }
0x23e: {  	v4 =	vadd.s32 $0x2180, v7;
	[tilespmem:$0x1FAA0] =	vst v0;
	v0 =	vor.u32 $0x80, v7;
	v7 =	vld.idx.msk [tilespmem:v14+s24+$0x0], $0xffff  }
0x23f: {  	v59 =	vor.u32 $0x1F, v36;
	[tilespmem:$0x1FA80] =	vst v3;
	v3 =	vld.idx.msk [tilespmem:v56+s12+$0x0], $0xffff  }
0x240: {  	v53 =	vld.idx.msk [tilespmem:v43+s24+$0x0], $0xffff;
	v43 =	vor.u32 $0x16, v36  }
0x241: {  	v56 =	vor.u32 $0x12, v14;
	v24 =	vld.idx.msk [tilespmem:v55+s20+$0x0], $0xffff  }
0x242: {  	v55 =	vld [tilespmem:$0x1F7D0]  }
0x243: {  	v25 =	vld.idx.msk [tilespmem:v36+s20+$0x0], $0xffff  }
0x244: {  	v37 =	vld.idx.msk [tilespmem:v59+s20+$0x0], $0xffff  }
0x245: {  	v50 =	vld.idx.msk [tilespmem:v43+s20+$0x0], $0xffff  }
0x246: {  	v43 =	vld.idx.msk [tilespmem:v56+s24+$0x0], $0xffff;
	v56 =	vor.u32 $0xE, v14  }
0x247: {  	v7 =	vadd.f32 v55, v7;
	v55 =	vld [tilespmem:$0x1F7E0]  }
0x248: {  	v0 =	vld.idx.msk [tilespmem:v0+s12+$0x0], $0xffff;
	_ =	sdelay $0x2  }
0x249: {  	v21 =	vadd.f32 v6, v25;
	v6 =	vld.idx.msk [tilespmem:v56+s24+$0x0], $0xffff  }
0x24a: {  	v56 =	vadd.f32 v55, v37;
	v55 =	vld [tilespmem:$0x1F7F0]  }
0x24b: {  	[tilespmem:$0x1FAD0] =	vst v0;
	v0 =	vor.u32 $0x1F, v14;
	_ =	sdelay $0x3  }
0x24c: {  	v29 =	vadd.f32 v55, v29  }
0x24d: {  	v62 =	vor.u32 $0x1D, v36;
	v0 =	vld.idx.msk [tilespmem:v0+s24+$0x0], $0xffff  }
0x24e: {  	v18 =	vor.u32 $0xC, v36;
	[tilespmem:$0x1FBE0] =	vst v29;
	v29 =	vld [tilespmem:$0x1F800];
	_ =	sdelay $0x3  }
0x24f: {  	v34 =	vld.idx.msk [tilespmem:v62+s20+$0x0], $0xffff  }
0x250: {  	v16 =	vor.u32 $0x1E, v14;
	v0 =	vadd.f32 v29, v0;
	v29 =	vld.idx.msk [tilespmem:v18+s20+$0x0], $0xffff  }
0x251: {  	v18 =	vld [tilespmem:$0x1F810];
	_ =	sdelay $0x3  }
0x252: {  	v10 =	vor.u32 $0x1B, v36;
	v9 =	vld.idx.msk [tilespmem:v16+s24+$0x0], $0xffff  }
0x253: {  	v55 =	vadd.f32 v18, v34;
	v18 =	vld [tilespmem:$0x1F820];
	_ =	sdelay $0x3  }
0x254: {  	v48 =	vld.idx.msk [tilespmem:v10+s20+$0x0], $0xffff  }
0x255: {  	v9 =	vadd.f32 v18, v9;
	v18 =	vld [tilespmem:$0x1F850]  }
0x256: {  	v16 =	vor.u32 $0x1C, v14;
	_ =	sdelay $0x3  }
0x257: {  	v18 =	vadd.f32 v18, v48  }
0x258: {  	v16 =	vld.idx.msk [tilespmem:v16+s24+$0x0], $0xffff  }
0x259: {  	[tilespmem:$0x1FC50] =	vst v18;
	v18 =	vld [tilespmem:$0x1F860];
	_ =	sdelay $0x4  }
0x25a: {  	v16 =	vadd.f32 v18, v16;
	v18 =	vld [tilespmem:$0x1F870];
	_ =	sdelay $0x4  }
0x25b: {  	v63 =	vor.u32 $0x1D, v14;
	v18 =	vadd.f32 v18, v60  }
0x25c: {  	v46 =	vor.u32 $0x18, v36;
	[tilespmem:$0x1FBF0] =	vst v0  }
0x25d: {  	v0 =	vor.u32 $0xA, v14;
	[tilespmem:$0x1FC80] =	vst v18;
	v18 =	vld [tilespmem:$0x1F880];
	_ =	sdelay $0x2  }
0x25e: {  	v33 =	vld.idx.msk [tilespmem:v63+s24+$0x0], $0xffff  }
0x25f: {  	v63 =	vld.idx.msk [tilespmem:v46+s20+$0x0], $0xffff  }
0x260: {  	v60 =	vadd.f32 v18, v35;
	v35 =	vld.idx.msk [tilespmem:v0+s24+$0x0], $0xffff  }
0x261: {  	v0 =	vld [tilespmem:$0x1F8B0];
	_ =	sdelay $0x4  }
0x262: {  	v63 =	vadd.f32 v0, v63;
	v0 =	vld [tilespmem:$0x1F8C0];
	_ =	sdelay $0x4  }
0x263: {  	v53 =	vadd.f32 v0, v53;
	v0 =	vld [tilespmem:$0x1F8D0]  }
0x264: {  	v47 =	vor.u32 $0x18, v14;
	_ =	sdelay $0x1  }
0x265: {  	v39 =	vor.u32 $0x1C, v36;
	_ =	sdelay $0x1  }
0x266: {  	v0 =	vadd.f32 v0, v51  }
0x267: {  	v58 =	vld.idx.msk [tilespmem:v47+s24+$0x0], $0xffff  }
0x268: {  	[tilespmem:$0x1FD00] =	vst v0;
	v0 =	vld [tilespmem:$0x1F8E0]  }
0x269: {  	v45 =	vld.idx.msk [tilespmem:v39+s20+$0x0], $0xffff;
	v39 =	vor.u32 $0x1A, v14;
	_ =	sdelay $0x3  }
0x26a: {  	v51 =	vadd.f32 v0, v58;
	v0 =	vld [tilespmem:$0x1F8F0]  }
0x26b: {  	v49 =	vld.idx.msk [tilespmem:v39+s24+$0x0], $0xffff;
	v39 =	vor.u32 $0x17, v14;
	_ =	sdelay $0x1  }
0x26c: {  	v42 =	vor.u32 $0x18, v2;
	_ =	sdelay $0x1  }
0x26d: {  	v0 =	vadd.f32 v0, v50  }
0x26e: {  	v46 =	vor.u32 $0x15, v36;
	v61 =	vld.idx.msk [tilespmem:v39+s24+$0x0], $0xffff  }
0x26f: {  	[tilespmem:$0x1FD30] =	vst v0;
	v0 =	vld [tilespmem:$0x1F900]  }
0x270: {  	v44 =	vor.u32 $0x17, v2;
	[tilespmem:$0x1FB40] =	vst v1;
	v1 =	vld.idx.msk [tilespmem:v42+s22+$0x0], $0xffff;
	_ =	sdelay $0x2  }
0x271: {  	v54 =	vld.idx.msk [tilespmem:v46+s20+$0x0], $0xffff  }
0x272: {  	v58 =	vadd.f32 v0, v61;
	v0 =	vld [tilespmem:$0x1F910]  }
0x273: {  	[tilespmem:$0x1FB50] =	vst v1;
	v1 =	vld.idx.msk [tilespmem:v44+s22+$0x0], $0xffff;
	v44 =	vor.u32 $0x16, v14;
	_ =	sdelay $0x3  }
0x274: {  	v32 =	vor.u32 $0x16, v2;
	v0 =	vadd.f32 v0, v54  }
0x275: {  	v57 =	vor.u32 $0x14, v36;
	v62 =	vld.idx.msk [tilespmem:v44+s24+$0x0], $0xffff  }
0x276: {  	[tilespmem:$0x1FD60] =	vst v0;
	v0 =	vld [tilespmem:$0x1F920];
	_ =	sdelay $0x2  }
0x277: {  	[tilespmem:$0x1FB60] =	vst v1;
	v1 =	vld.idx.msk [tilespmem:v32+s22+$0x0], $0xffff  }
0x278: {  	v32 =	vld.idx.msk [tilespmem:v57+s20+$0x0], $0xffff  }
0x279: {  	v47 =	vor.u32 $0x15, v14;
	v61 =	vadd.f32 v0, v62;
	v0 =	vld [tilespmem:$0x1F930]  }
0x27a: {  	v42 =	vor.u32 $0x15, v2;
	_ =	sdelay $0x3  }
0x27b: {  	v52 =	vld.idx.msk [tilespmem:v47+s24+$0x0], $0xffff;
	v39 =	vor.u32 $0x13, v36;
	v0 =	vadd.f32 v0, v32  }
0x27c: {  	v13 =	vor.u32 $0x14, v2;
	[tilespmem:$0x1FB70] =	vst v1;
	v1 =	vld.idx.msk [tilespmem:v42+s22+$0x0], $0xffff  }
0x27d: {  	[tilespmem:$0x1FD90] =	vst v0;
	v0 =	vld [tilespmem:$0x1F940];
	_ =	sdelay $0x2  }
0x27e: {  	v39 =	vld.idx.msk [tilespmem:v39+s20+$0x0], $0xffff  }
0x27f: {  	[tilespmem:$0x1FB80] =	vst v1;
	v1 =	vld.idx.msk [tilespmem:v13+s22+$0x0], $0xffff;
	v13 =	vor.u32 $0x14, v14  }
0x280: {  	v52 =	vadd.f32 v0, v52;
	v0 =	vld [tilespmem:$0x1F950];
	_ =	sdelay $0x3  }
0x281: {  	v13 =	vld.idx.msk [tilespmem:v13+s24+$0x0], $0xffff  }
0x282: {  	v54 =	vadd.f32 v0, v39;
	v0 =	vld [tilespmem:$0x1F960]  }
0x283: {  	v12 =	vor.u32 $0x13, v2;
	_ =	sdelay $0x3  }
0x284: {  	v62 =	vadd.f32 v0, v13;
	v0 =	vld [tilespmem:$0x1F970]  }
0x285: {  	[tilespmem:$0x1FB90] =	vst v1;
	v1 =	vld.idx.msk [tilespmem:v12+s22+$0x0], $0xffff;
	v12 =	vor.u32 $0x13, v14;
	_ =	sdelay $0x2  }
0x286: {  	v57 =	vor.u32 $0x11, v36  }
0x287: {  	v0 =	vadd.f32 v0, v38  }
0x288: {  	v12 =	vld.idx.msk [tilespmem:v12+s24+$0x0], $0xffff  }
0x289: {  	[tilespmem:$0x1FDE0] =	vst v0;
	v0 =	vld [tilespmem:$0x1F980];
	_ =	sdelay $0x1  }
0x28a: {  	v44 =	vld.idx.msk [tilespmem:v57+s20+$0x0], $0xffff  }
0x28b: {  	v46 =	vor.u32 $0x10, v36;
	_ =	sdelay $0x1  }
0x28c: {  	v59 =	vor.u32 $0x12, v2;
	v0 =	vadd.f32 v0, v12;
	_ =	sdelay $0x1  }
0x28d: {  	v30 =	vld.idx.msk [tilespmem:v4+s12+$0x0], $0xffff;
	[tilespmem:$0x1FE00] =	vst v0;
	v0 =	vadd.f32 v23, v44  }
0x28e: {  	v4 =	vor.u32 $0xC, v14;
	v46 =	vld.idx.msk [tilespmem:v46+s20+$0x0], $0xffff  }
0x28f: {  	[tilespmem:$0x1FE10] =	vst v0;
	v0 =	vld [tilespmem:$0x1F990]  }
0x290: {  	[tilespmem:$0x1FBA0] =	vst v1;
	v1 =	vld.idx.msk [tilespmem:v59+s22+$0x0], $0xffff;
	v59 =	vor.u32 $0x11, v14;
	_ =	sdelay $0x2  }
0x291: {  	v34 =	vld.idx.msk [tilespmem:v4+s24+$0x0], $0xffff  }
0x292: {  	v4 =	vld [tilespmem:$0x1F830];
	v43 =	vadd.f32 v0, v43;
	v0 =	vadd.f32 v40, v46  }
0x293: {  	v47 =	vor.u32 $0x10, v14;
	v42 =	vld.idx.msk [tilespmem:v59+s24+$0x0], $0xffff  }
0x294: {  	[tilespmem:$0x1FE40] =	vst v0;
	v0 =	vld [tilespmem:$0x1F9A0];
	_ =	sdelay $0x3  }
0x295: {  	v47 =	vld.idx.msk [tilespmem:v47+s24+$0x0], $0xffff  }
0x296: {  	v4 =	vadd.f32 v4, v45;
	v45 =	vor.u32 $0x6, v36;
	v44 =	vadd.f32 v0, v42;
	v0 =	vld [tilespmem:$0x1F9B0]  }
0x297: {  	[tilespmem:$0x1FA90] =	vst v3;
	v3 =	vor.u32 $0xF, v14;
	_ =	sdelay $0x3  }
0x298: {  	v38 =	vld.idx.msk [tilespmem:v45+s20+$0x0], $0xffff;
	v45 =	vadd.f32 v0, v47;
	v0 =	vadd.f32 v41, v24  }
0x299: {  	v3 =	vld.idx.msk [tilespmem:v3+s24+$0x0], $0xffff  }
0x29a: {  	[tilespmem:$0x1FE90] =	vst v0;
	v0 =	vld [tilespmem:$0x1F9C0];
	_ =	sdelay $0x4  }
0x29b: {  	v0 =	vadd.f32 v0, v3;
	_ =	sdelay $0x1  }
0x29c: {  	[tilespmem:$0x1FEB0] =	vst v0;
	v0 =	vld [tilespmem:$0x1F9D0]  }
0x29d: {  	v59 =	vor.u32 $0xD, v14;
	_ =	sdelay $0x3  }
0x29e: {  	v0 =	vadd.f32 v0, v6  }
0x29f: {  	v10 =	vor.u32 $0x19, v36;
	[tilespmem:$0x1FBB0] =	vst v1;
	v59 =	vld.idx.msk [tilespmem:v59+s24+$0x0], $0xffff  }
0x2a0: {  	v1 =	vor.u32 $0xF, v36;
	[tilespmem:$0x1FEE0] =	vst v0;
	v0 =	vld [tilespmem:$0x1F9E0];
	_ =	sdelay $0x3  }
0x2a1: {  	v10 =	vld.idx.msk [tilespmem:v10+s20+$0x0], $0xffff;
	[tilespmem:$0x1FBC0] =	vst v7;
	v7 =	vor.u32 $0xB, v14  }
0x2a2: {  	v1 =	vld.idx.msk [tilespmem:v1+s20+$0x0], $0xffff;
	v0 =	vadd.f32 v0, v59  }
0x2a3: {  	v48 =	vld [tilespmem:$0x1F890];
	v18 =	vor.u32 $0x8, v14  }
0x2a4: {  	[tilespmem:$0x1FF10] =	vst v0;
	v0 =	vld [tilespmem:$0x1F9F0];
	_ =	sdelay $0x1  }
0x2a5: {  	v7 =	vld.idx.msk [tilespmem:v7+s24+$0x0], $0xffff  }
0x2a6: {  	[tilespmem:$0x1FC20] =	vst v4;
	v4 =	vld [tilespmem:$0x1F840]  }
0x2a7: {  	v10 =	vadd.f32 v48, v10;
	v50 =	vld.idx.msk [tilespmem:v18+s24+$0x0], $0xffff  }
0x2a8: {  	v18 =	vadd.f32 v28, v1;
	v1 =	vadd.f32 v0, v34;
	v0 =	vld [tilespmem:$0x1FA00]  }
0x2a9: {  	v25 =	vor.u32 $0xB, v36;
	[tilespmem:$0x1FCA0] =	vst v10;
	v10 =	vld [tilespmem:$0x1F8A0]  }
0x2aa: {  	v57 =	vor.u32 $0xD, v36  }
0x2ab: {  	v37 =	vor.u32 $0xA, v36;
	v4 =	vadd.f32 v4, v33  }
0x2ac: {  	v5 =	vld.idx.msk [tilespmem:v2+s22+$0x0], $0xffff;
	[tilespmem:$0x1FC10] =	vst v9;
	v9 =	vor.u32 $0x9, v36  }
0x2ad: {  	[tilespmem:$0x1FC40] =	vst v4;
	v4 =	vor.u32 $0x9, v14;
	v59 =	vadd.f32 v0, v7;
	v0 =	vld [tilespmem:$0x1FA10]  }
0x2ae: {  	v25 =	vld.idx.msk [tilespmem:v25+s20+$0x0], $0xffff;
	[tilespmem:$0x1FC70] =	vst v16;
	v16 =	vor.u32 $0x8, v36;
	v10 =	vadd.f32 v10, v49  }
0x2af: {  	v57 =	vld.idx.msk [tilespmem:v57+s20+$0x0], $0xffff  }
0x2b0: {  	v33 =	vld.idx.msk [tilespmem:v37+s20+$0x0], $0xffff;
	[tilespmem:$0x1FCC0] =	vst v10;
	v10 =	vor.u32 $0x7, v36  }
0x2b1: {  	v9 =	vld.idx.msk [tilespmem:v9+s20+$0x0], $0xffff;
	v32 =	vor.u32 $0x5, v14  }
0x2b2: {  	v37 =	vor.u32 $0x7, v14;
	v48 =	vld.idx.msk [tilespmem:v4+s24+$0x0], $0xffff;
	v0 =	vadd.f32 v0, v35  }
0x2b3: {  	v4 =	vor.u32 $0x6, v14;
	v49 =	vld.idx.msk [tilespmem:v16+s20+$0x0], $0xffff  }
0x2b4: {  	[tilespmem:$0x1FF80] =	vst v0;
	v0 =	vld [tilespmem:$0x1FA20]  }
0x2b5: {  	v16 =	vor.u32 $0x5, v36;
	v10 =	vld.idx.msk [tilespmem:v10+s20+$0x0], $0xffff  }
0x2b6: {  	v28 =	vld.idx.msk [tilespmem:v32+s24+$0x0], $0xffff;
	v13 =	vor.u32 $0x4, v36  }
0x2b7: {  	v39 =	vld.idx.msk [tilespmem:v37+s24+$0x0], $0xffff;
	v12 =	vor.u32 $0x4, v14  }
0x2b8: {  	v23 =	vld.idx.msk [tilespmem:v4+s24+$0x0], $0xffff;
	v42 =	vor.u32 $0x3, v14  }
0x2b9: {  	v6 =	vadd.f32 v0, v48;
	v0 =	vld [tilespmem:$0x1FA30]  }
0x2ba: {  	v40 =	vld.idx.msk [tilespmem:v16+s20+$0x0], $0xffff;
	v16 =	vor.u32 $0x2, v36  }
0x2bb: {  	v41 =	vld.idx.msk [tilespmem:v13+s20+$0x0], $0xffff;
	v13 =	vor.u32 $0x1, v36  }
0x2bc: {  	v57 =	vadd.f32 v27, v57;
	v37 =	vor.u32 $0x3, v36;
	v27 =	vld.idx.msk [tilespmem:v12+s24+$0x0], $0xffff  }
0x2bd: {  	v4 =	vadd.f32 v26, v29;
	v26 =	vadd.f32 v30, v25;
	v12 =	vor.u32 $0x1, v14;
	v30 =	vld.idx.msk [tilespmem:v42+s24+$0x0], $0xffff  }
0x2be: {  	p0 =	sne.s32 s8, $0x30;
	v46 =	vmov v8;
	v3 =	vor.u32 $0x2, v14;
	v8 =	vadd.f32 v0, v50;
	v0 =	vld [tilespmem:$0x1FA40]  }
.Ltmp3:
0x2bf: {  	v36 =	vld.idx.msk [tilespmem:v16+s20+$0x0], $0xffff;
	(pc) =	sbr.rel @p0 .LBB2_5-.Ltmp3, $4  }
0x2c0: {  	v17 =	vadd.f32 v17, v9;
	v20 =	vadd.f32 v20, v49;
	v9 =	vld.idx.msk [tilespmem:v13+s20+$0x0], $0xffff  }
0x2c1: {  	v49 =	vor.u32 $0xF, v2;
	v19 =	vadd.f32 v19, v10;
	v22 =	vadd.f32 v22, v38;
	v14 =	vld.idx.msk [tilespmem:v37+s20+$0x0], $0xffff  }
0x2c2: {  	v29 =	vor.u32 $0x11, v2;
	v47 =	vmovc v11;
	v11 =	vadd.f32 v31, v33;
	v16 =	vor.u32 $0x10, v2;
	v37 =	vld.idx.msk [tilespmem:v12+s24+$0x0], $0xffff  }
0x2c3: {  	s8 =	sadd.s32 $0x10, s8;
	v24 =	vmovc v15;
	v31 =	vld.idx.msk [tilespmem:v3+s24+$0x0], $0xffff;
	v34 =	vor.u32 $0xE, v2;
	v35 =	vor.u32 $0xD, v2;
	v15 =	vadd.f32 v0, v39  }
0x2c4: {  	_ =	sdelay $0x3  }
0x2c5: {  	v0 =	vld.idx.msk [tilespmem:v29+s22+$0x0], $0xffff;
	_ =	sdelay $0x4  }
0x2c6: {  	[tilespmem:$0x1F0E0] =	vst v0;
	v0 =	vld.idx.msk [tilespmem:v34+s22+$0x0], $0xffff;
	_ =	sdelay $0x4  }
0x2c7: {  	v3 =	vor.u32 $0xC, v2;
	[tilespmem:$0x1EFF0] =	vst v0;
	v0 =	vld.idx.msk [tilespmem:v35+s22+$0x0], $0xffff;
	_ =	sdelay $0x4  }
0x2c8: {  	v7 =	vor.u32 $0xB, v2;
	[tilespmem:$0x1EFE0] =	vst v0;
	v0 =	vld.idx.msk [tilespmem:v3+s22+$0x0], $0xffff  }
0x2c9: {  	v10 =	vor.u32 $0xA, v2  }
0x2ca: {  	v12 =	vor.u32 $0x9, v2  }
0x2cb: {  	v50 =	vld.idx.msk [tilespmem:v16+s22+$0x0], $0xffff;
	v13 =	vor.u32 $0x8, v2  }
0x2cc: {  	v49 =	vld.idx.msk [tilespmem:v49+s22+$0x0], $0xffff;
	v3 =	vor.u32 $0x7, v2  }
0x2cd: {  	[tilespmem:$0x1EFD0] =	vst v0;
	v0 =	vld.idx.msk [tilespmem:v7+s22+$0x0], $0xffff;
	v7 =	vor.u32 $0x6, v2  }
0x2ce: {  	v48 =	vld.idx.msk [tilespmem:v10+s22+$0x0], $0xffff;
	v10 =	vor.u32 $0x5, v2  }
0x2cf: {  	v16 =	vld.idx.msk [tilespmem:v12+s22+$0x0], $0xffff;
	v12 =	vor.u32 $0x4, v2  }
0x2d0: {  	v33 =	vld.idx.msk [tilespmem:v13+s22+$0x0], $0xffff;
	v13 =	vor.u32 $0x3, v2  }
0x2d1: {  	v29 =	vld.idx.msk [tilespmem:v3+s22+$0x0], $0xffff;
	v3 =	vor.u32 $0x1, v2  }
0x2d2: {  	v2 =	vor.u32 $0x2, v2;
	v35 =	vld.idx.msk [tilespmem:v7+s22+$0x0], $0xffff  }
0x2d3: {  	v7 =	vld.idx.msk [tilespmem:v10+s22+$0x0], $0xffff  }
0x2d4: {  	v10 =	vld.idx.msk [tilespmem:v12+s22+$0x0], $0xffff  }
0x2d5: {  	p0 =	seq.s32 s6, $0x3;
	v12 =	vld.idx.msk [tilespmem:v13+s22+$0x0], $0xffff  }
0x2d6: {  	s5 =	sadd.s32 @!p0 $0xA80, s7;
	s8 =	simm.s32 @!p0 $0x40;
	s16 =	simm.s32 @!p0 $0x1000;
	v3 =	vld.idx.msk [tilespmem:v3+s22+$0x0], $0xffff  }
0x2d7: {  	v13 =	vld.idx.msk [tilespmem:v2+s22+$0x0], $0xffff;
	[tilespmem:s16], [sflag:$0x1] =	stream.indirect.gather @!p0 [hbm4b:s2+s8], $0x80, s5, s8, $0xb8  }
0x2d8: {  	s5 =	sadd.s32 @!p0 $0xC80, s7;
	s16 =	simm.s32 @!p0 $0x5000  }
0x2d9: {  	[tilespmem:s16], [sflag:$0x1] =	stream.indirect.gather @!p0 [hbm4b:s2+s8], $0x80, s5, s8, $0xb8;
	[tilespmem:$0x15080] =	vst v63  }
0x2da: {  	[tilespmem:$0x1EFC0] =	vst v0;
	s5 =	sadd.s32 @!p0 $0xE80, s7;
	s16 =	simm.s32 @!p0 $0x9000  }
0x2db: {  	[tilespmem:s16], [sflag:$0x1] =	stream.indirect.gather @!p0 [hbm4b:s2+s8], $0x80, s5, s8, $0xb8;
	[tilespmem:$0x15080] =	vst v63  }
0x2dc: {  	_ =	swait.ge [sflag:s17], $0x2000  }
0x2dd: {  	[sflag:s17] =	ssyncset.done $0x0  }
0x2de: {  	[sflag:s17] =	ssyncadd.s32 $0xFFFFE000  }
0x2df: {  	_ =	swait.ge [sflag:s17], $0x2000  }
0x2e0: {  	v2 =	vmov s30;
	[sflag:s17] =	ssyncset.done $0x0  }
0x2e1: {  	v25 =	vmov s0;
	[sflag:s17] =	ssyncadd.s32 $0xFFFFE000  }
0x2e2: {  	_ =	swait.ge [sflag:s17], $0x2000  }
0x2e3: {  	[sflag:s17] =	ssyncset.done $0x0  }
0x2e4: {  	s23 =	simm.s32 $0x0;
	[sflag:s17] =	ssyncadd.s32 $0xFFFFE000  }
0x2e5: {  	[tilespmem:$0x1EFA0] =	vst v2;
	v2 =	vld.idx.msk [tilespmem:v2+s23+$0x0 ss:$0x1], $0xffff  }
0x2e6: {  	[tilespmem:$0x1EFB0] =	vst v25;
	v25 =	vld.idx.msk [tilespmem:v25+s23+$0x0 ss:$0x1], $0xffff;
	_ =	sdelay $0x3  }
0x2e7: {  	v32 =	vshll.u32 v2, $0x3  }
0x2e8: {  	v2 =	vand.u32 $0x7F, v2;
	v39 =	vshll.u32 v25, $0x3;
	v32 =	vand.u32 $0xFFFFFC00, v32  }
0x2e9: {  	v25 =	vand.u32 $0x7F, v25;
	v42 =	vand.u32 $0xFFFFFC00, v39;
	v2 =	vor.u32 v2, v32  }
0x2ea: {  	v34 =	vor.u32 v25, v42;
	v25 =	vadd.s32 $0x6380, v2;
	_ =	sdelay $0x4  }
0x2eb: {  	v32 =	vadd.s32 $0x6380, v34;
	v0 =	vld.idx.msk [tilespmem:v25+s12+$0x0], $0xffff;
	_ =	sdelay $0x4  }
0x2ec: {  	v38 =	vadd.s32 $0x6300, v2;
	[tilespmem:$0x1F230] =	vst v0;
	v0 =	vld.idx.msk [tilespmem:v32+s12+$0x0], $0xffff;
	_ =	sdelay $0x4  }
0x2ed: {  	[tilespmem:$0x1F250] =	vst v0;
	v0 =	vld.idx.msk [tilespmem:v38+s12+$0x0], $0xffff;
	_ =	sdelay $0x4  }
0x2ee: {  	v39 =	vadd.s32 $0x6300, v34;
	[tilespmem:$0x1F240] =	vst v0;
	v0 =	vld [tilespmem:$0x1FA60];
	_ =	sdelay $0x4  }
0x2ef: {  	v40 =	vadd.f32 v0, v40;
	v0 =	vld.idx.msk [tilespmem:v39+s12+$0x0], $0xffff;
	_ =	sdelay $0x4  }
0x2f0: {  	v42 =	vadd.s32 $0x6280, v2;
	[tilespmem:$0x1F280] =	vst v0;
	v0 =	vld [tilespmem:$0x1FA70];
	_ =	sdelay $0x4  }
0x2f1: {  	v41 =	vadd.f32 v0, v41;
	v0 =	vld.idx.msk [tilespmem:v42+s12+$0x0], $0xffff;
	_ =	sdelay $0x4  }
0x2f2: {  	[tilespmem:$0x1F270] =	vst v0;
	v0 =	vld [tilespmem:$0x1FA90];
	_ =	sdelay $0x4  }
0x2f3: {  	v25 =	vadd.s32 $0x6280, v34;
	v14 =	vadd.f32 v0, v14;
	v0 =	vld [tilespmem:$0x1FA80];
	_ =	sdelay $0x4  }
0x2f4: {  	v27 =	vadd.f32 v0, v27;
	v0 =	vld.idx.msk [tilespmem:v25+s12+$0x0], $0xffff;
	_ =	sdelay $0x4  }
0x2f5: {  	[tilespmem:$0x1F2B0] =	vst v0;
	v0 =	vld [tilespmem:$0x1FAB0];
	_ =	sdelay $0x4  }
0x2f6: {  	v32 =	vadd.s32 $0x6200, v2;
	v36 =	vadd.f32 v0, v36;
	v0 =	vld [tilespmem:$0x1FAA0];
	_ =	sdelay $0x4  }
0x2f7: {  	v30 =	vadd.f32 v0, v30;
	v0 =	vld.idx.msk [tilespmem:v32+s12+$0x0], $0xffff;
	_ =	sdelay $0x4  }
0x2f8: {  	[tilespmem:$0x1F2A0] =	vst v0;
	v0 =	vld [tilespmem:$0x1FAD0];
	_ =	sdelay $0x4  }
0x2f9: {  	v38 =	vadd.s32 $0x6200, v34;
	v9 =	vadd.f32 v0, v9;
	v0 =	vld [tilespmem:$0x1FAC0];
	_ =	sdelay $0x4  }
0x2fa: {  	v39 =	vadd.s32 $0x6180, v2;
	v31 =	vadd.f32 v0, v31;
	v0 =	vld.idx.msk [tilespmem:v38+s12+$0x0], $0xffff;
	_ =	sdelay $0x4  }
0x2fb: {  	[tilespmem:$0x1F2E0] =	vst v0;
	v0 =	vld.idx.msk [tilespmem:v39+s12+$0x0], $0xffff;
	_ =	sdelay $0x4  }
0x2fc: {  	v42 =	vadd.s32 $0x6180, v34;
	[tilespmem:$0x1F2D0] =	vst v0;
	v0 =	vld [tilespmem:$0x1FBC0];
	_ =	sdelay $0x4  }
0x2fd: {  	v21 =	vsub.f32 v21, v5;
	v25 =	vadd.s32 $0x6100, v2;
	v5 =	vsub.f32 v0, v5;
	v0 =	vld.idx.msk [tilespmem:v42+s12+$0x0], $0xffff;
	_ =	sdelay $0x4  }
0x2fe: {  	v32 =	vadd.s32 $0x6100, v34;
	[tilespmem:$0x1F310] =	vst v0;
	v0 =	vld.idx.msk [tilespmem:v25+s12+$0x0], $0xffff;
	_ =	sdelay $0x4  }
0x2ff: {  	v38 =	vadd.s32 $0x6080, v2;
	[tilespmem:$0x1F300] =	vst v0;
	v0 =	vld.idx.msk [tilespmem:v32+s12+$0x0], $0xffff;
	_ =	sdelay $0x4  }
0x300: {  	v28 =	vadd.f32 v47, v28;
	v47 =	vadd.s32 $0x6080, v34;
	[tilespmem:$0x1F340] =	vst v0;
	v0 =	vld.idx.msk [tilespmem:v38+s12+$0x0], $0xffff;
	_ =	sdelay $0x3  }
0x301: {  	v23 =	vadd.f32 v24, v23  }
0x302: {  	v24 =	vmov v6;
	v6 =	vsub.f32 v9, v3;
	v9 =	vadd.s32 $0x6000, v2;
	[tilespmem:$0x1F330] =	vst v0;
	v0 =	vld.idx.msk [tilespmem:v47+s12+$0x0], $0xffff;
	_ =	sdelay $0x4  }
0x303: {  	v25 =	vadd.s32 $0x6000, v34;
	[tilespmem:$0x1F380] =	vst v0;
	v0 =	vld.idx.msk [tilespmem:v9+s12+$0x0], $0xffff;
	_ =	sdelay $0x4  }
0x304: {  	v37 =	vadd.f32 v46, v37;
	v46 =	vadd.s32 $0x4380, v2;
	[tilespmem:$0x1F360] =	vst v0;
	v0 =	vld.idx.msk [tilespmem:v25+s12+$0x0], $0xffff;
	_ =	sdelay $0x3  }
0x305: {  	v21 =	vand.u32 $0x7FFFFFFF, v21;
	v6 =	vand.u32 $0x7FFFFFFF, v6  }
0x306: {  	v6 =	vadd.f32 v6, v21;
	v21 =	vadd.s32 $0x4380, v34;
	[tilespmem:$0x1F3C0] =	vst v0;
	v0 =	vld.idx.msk [tilespmem:v46+s12+$0x0], $0xffff;
	_ =	sdelay $0x4  }
0x307: {  	v36 =	vsub.f32 v36, v13;
	v13 =	vsub.f32 v31, v13;
	v31 =	vadd.s32 $0x4300, v2;
	[tilespmem:$0x1F3A0] =	vst v0;
	v0 =	vld.idx.msk [tilespmem:v21+s12+$0x0], $0xffff;
	_ =	sdelay $0x4  }
0x308: {  	v9 =	vadd.s32 $0x4300, v34;
	[tilespmem:$0x1F400] =	vst v0;
	v0 =	vld.idx.msk [tilespmem:v31+s12+$0x0], $0xffff;
	_ =	sdelay $0x4  }
0x309: {  	v25 =	vadd.s32 $0x4280, v2;
	[tilespmem:$0x1F3E0] =	vst v0;
	v0 =	vld.idx.msk [tilespmem:v9+s12+$0x0], $0xffff  }
0x30a: {  	v3 =	vsub.f32 v37, v3;
	_ =	sdelay $0x1  }
0x30b: {  	v3 =	vand.u32 $0x7FFFFFFF, v3;
	v5 =	vand.u32 $0x7FFFFFFF, v5  }
0x30c: {  	v3 =	vadd.f32 v3, v5;
	v5 =	vsub.f32 v14, v12;
	v14 =	vand.u32 $0x7FFFFFFF, v36  }
0x30d: {  	v6 =	vadd.f32 v14, v6;
	v14 =	vadd.s32 $0x4280, v34;
	[tilespmem:$0x1F440] =	vst v0;
	v0 =	vld.idx.msk [tilespmem:v25+s12+$0x0], $0xffff;
	_ =	sdelay $0x4  }
0x30e: {  	v21 =	vadd.s32 $0x4200, v2;
	[tilespmem:$0x1F420] =	vst v0;
	v0 =	vld.idx.msk [tilespmem:v14+s12+$0x0], $0xffff;
	_ =	sdelay $0x2  }
0x30f: {  	v13 =	vand.u32 $0x7FFFFFFF, v13  }
0x310: {  	v3 =	vadd.f32 v13, v3  }
0x311: {  	v13 =	vsub.f32 v41, v10;
	v10 =	vsub.f32 v27, v10;
	v27 =	vadd.s32 $0x4200, v34;
	[tilespmem:$0x1F470] =	vst v0;
	v0 =	vld.idx.msk [tilespmem:v21+s12+$0x0], $0xffff;
	_ =	sdelay $0x4  }
0x312: {  	v9 =	vadd.s32 $0x4180, v2;
	[tilespmem:$0x1F450] =	vst v0;
	v0 =	vld.idx.msk [tilespmem:v27+s12+$0x0], $0xffff;
	_ =	sdelay $0x2  }
0x313: {  	v12 =	vsub.f32 v30, v12  }
0x314: {  	v5 =	vand.u32 $0x7FFFFFFF, v5  }
0x315: {  	v5 =	vadd.f32 v5, v6;
	v6 =	vand.u32 $0x7FFFFFFF, v12;
	v12 =	vadd.s32 $0x4180, v34;
	[tilespmem:$0x1F4A0] =	vst v0;
	v0 =	vld.idx.msk [tilespmem:v9+s12+$0x0], $0xffff;
	_ =	sdelay $0x4  }
0x316: {  	v14 =	vadd.s32 $0x4100, v2;
	[tilespmem:$0x1F490] =	vst v0;
	v0 =	vld.idx.msk [tilespmem:v12+s12+$0x0], $0xffff;
	_ =	sdelay $0x3  }
0x317: {  	v13 =	vand.u32 $0x7FFFFFFF, v13  }
0x318: {  	v5 =	vadd.f32 v13, v5;
	v13 =	vadd.s32 $0x4100, v34;
	[tilespmem:$0x1F4E0] =	vst v0;
	v0 =	vld.idx.msk [tilespmem:v14+s12+$0x0], $0xffff;
	_ =	sdelay $0x4  }
0x319: {  	v21 =	vadd.s32 $0x4080, v2;
	[tilespmem:$0x1F4C0] =	vst v0;
	v0 =	vld.idx.msk [tilespmem:v13+s12+$0x0], $0xffff;
	_ =	sdelay $0x4  }
0x31a: {  	v9 =	vadd.s32 $0x4080, v34;
	[tilespmem:$0x1F520] =	vst v0;
	v0 =	vld.idx.msk [tilespmem:v21+s12+$0x0], $0xffff;
	_ =	sdelay $0x1  }
0x31b: {  	v3 =	vadd.f32 v6, v3;
	v6 =	vsub.f32 v40, v7  }
0x31c: {  	v7 =	vsub.f32 v28, v7  }
0x31d: {  	v6 =	vand.u32 $0x7FFFFFFF, v6  }
0x31e: {  	v5 =	vadd.f32 v6, v5;
	v6 =	vand.u32 $0x7FFFFFFF, v7;
	v7 =	vadd.s32 $0x4000, v2;
	[tilespmem:$0x1F500] =	vst v0;
	v0 =	vld.idx.msk [tilespmem:v9+s12+$0x0], $0xffff;
	_ =	sdelay $0x4  }
0x31f: {  	v12 =	vadd.s32 $0x4000, v34;
	[tilespmem:$0x1F540] =	vst v0;
	v0 =	vld.idx.msk [tilespmem:v7+s12+$0x0], $0xffff;
	_ =	sdelay $0x4  }
0x320: {  	v13 =	vadd.s32 $0x2380, v2;
	[tilespmem:$0x1F530] =	vst v0;
	v0 =	vld.idx.msk [tilespmem:v12+s12+$0x0], $0xffff;
	_ =	sdelay $0x4  }
0x321: {  	v14 =	vsub.f32 v15, v29;
	v15 =	vadd.s32 $0x2380, v34;
	[tilespmem:$0x1F570] =	vst v0;
	v0 =	vld.idx.msk [tilespmem:v13+s12+$0x0], $0xffff;
	_ =	sdelay $0x4  }
0x322: {  	v9 =	vadd.s32 $0x2300, v2;
	[tilespmem:$0x1F560] =	vst v0;
	v0 =	vld.idx.msk [tilespmem:v15+s12+$0x0], $0xffff;
	_ =	sdelay $0x4  }
0x323: {  	v7 =	vadd.s32 $0x2300, v34;
	[tilespmem:$0x1F590] =	vst v0;
	v0 =	vld.idx.msk [tilespmem:v9+s12+$0x0], $0xffff;
	_ =	sdelay $0x4  }
0x324: {  	[tilespmem:$0x1F580] =	vst v0;
	v0 =	vld.idx.msk [tilespmem:v7+s12+$0x0], $0xffff  }
0x325: {  	v10 =	vand.u32 $0x7FFFFFFF, v10  }
0x326: {  	v3 =	vadd.f32 v10, v3  }
0x327: {  	v10 =	vsub.f32 v22, v35  }
0x328: {  	v22 =	vsub.f32 v23, v35;
	v3 =	vadd.f32 v6, v3  }
0x329: {  	v6 =	vsub.f32 v19, v29;
	v10 =	vand.u32 $0x7FFFFFFF, v10;
	v12 =	vadd.s32 $0x2280, v2;
	[tilespmem:$0x1F5B0] =	vst v0;
	v0 =	vld [tilespmem:$0x1FF80]  }
0x32a: {  	v5 =	vadd.f32 v10, v5;
	v10 =	vand.u32 $0x7FFFFFFF, v22  }
0x32b: {  	v3 =	vadd.f32 v10, v3;
	v10 =	vsub.f32 v20, v33;
	v6 =	vand.u32 $0x7FFFFFFF, v6  }
0x32c: {  	v5 =	vadd.f32 v6, v5  }
0x32d: {  	v10 =	vand.u32 $0x7FFFFFFF, v10  }
0x32e: {  	v5 =	vadd.f32 v10, v5;
	v13 =	vadd.s32 $0x2280, v34;
	v10 =	vsub.f32 v0, v48;
	v0 =	vld.idx.msk [tilespmem:v12+s12+$0x0], $0xffff;
	_ =	sdelay $0x4  }
0x32f: {  	v15 =	vadd.s32 $0x2200, v2;
	[tilespmem:$0x1F5A0] =	vst v0;
	v0 =	vld.idx.msk [tilespmem:v13+s12+$0x0], $0xffff;
	_ =	sdelay $0x4  }
0x330: {  	v9 =	vadd.s32 $0x2200, v34;
	[tilespmem:$0x1F5D0] =	vst v0;
	v0 =	vld.idx.msk [tilespmem:v15+s12+$0x0], $0xffff;
	_ =	sdelay $0x4  }
0x331: {  	v7 =	vadd.s32 $0x2180, v2;
	[tilespmem:$0x1F5C0] =	vst v0;
	v0 =	vld.idx.msk [tilespmem:v9+s12+$0x0], $0xffff;
	_ =	sdelay $0x1  }
0x332: {  	v8 =	vsub.f32 v8, v33;
	v6 =	vand.u32 $0x7FFFFFFF, v14  }
0x333: {  	v3 =	vadd.f32 v6, v3  }
0x334: {  	v8 =	vand.u32 $0x7FFFFFFF, v8  }
0x335: {  	v3 =	vadd.f32 v8, v3;
	v8 =	vsub.f32 v11, v48;
	v11 =	vadd.s32 $0x2180, v34;
	[tilespmem:$0x1F600] =	vst v0;
	v0 =	vld.idx.msk [tilespmem:v7+s12+$0x0], $0xffff;
	_ =	sdelay $0x4  }
0x336: {  	v12 =	vadd.s32 $0x2100, v2;
	[tilespmem:$0x1F5F0] =	vst v0;
	v0 =	vld.idx.msk [tilespmem:v11+s12+$0x0], $0xffff;
	_ =	sdelay $0x4  }
0x337: {  	v13 =	vadd.s32 $0x2100, v34;
	[tilespmem:$0x1F620] =	vst v0;
	v0 =	vld.idx.msk [tilespmem:v12+s12+$0x0], $0xffff;
	_ =	sdelay $0x4  }
0x338: {  	v9 =	vadd.s32 $0x2080, v2;
	[tilespmem:$0x1F610] =	vst v0;
	v0 =	vld.idx.msk [tilespmem:v13+s12+$0x0], $0xffff;
	_ =	sdelay $0x2  }
0x339: {  	v6 =	vsub.f32 v17, v16  }
0x33a: {  	v14 =	vsub.f32 v24, v16;
	v15 =	vld [tilespmem:$0x1EFD0]  }
0x33b: {  	v6 =	vand.u32 $0x7FFFFFFF, v6;
	[tilespmem:$0x1F640] =	vst v0;
	v0 =	vld.idx.msk [tilespmem:v9+s12+$0x0], $0xffff  }
0x33c: {  	v5 =	vadd.f32 v6, v5;
	v6 =	vand.u32 $0x7FFFFFFF, v14  }
0x33d: {  	v3 =	vadd.f32 v6, v3;
	v8 =	vand.u32 $0x7FFFFFFF, v8  }
0x33e: {  	v5 =	vadd.f32 v8, v5;
	v8 =	vand.u32 $0x7FFFFFFF, v10  }
0x33f: {  	v3 =	vadd.f32 v8, v3;
	v8 =	vsub.f32 v4, v15;
	v4 =	vld [tilespmem:$0x1EFE0]  }
0x340: {  	v7 =	vadd.s32 $0x2080, v34;
	[tilespmem:$0x1F630] =	vst v0;
	v0 =	vld [tilespmem:$0x1FF10];
	_ =	sdelay $0x4  }
0x341: {  	v10 =	vadd.s32 $0x2000, v2;
	v9 =	vsub.f32 v0, v4;
	v0 =	vld.idx.msk [tilespmem:v7+s12+$0x0], $0xffff;
	_ =	sdelay $0x4  }
0x342: {  	[tilespmem:$0x1F660] =	vst v0;
	v0 =	vld.idx.msk [tilespmem:v10+s12+$0x0], $0xffff;
	_ =	sdelay $0x3  }
0x343: {  	v10 =	vld [tilespmem:$0x1EFF0]  }
0x344: {  	[tilespmem:$0x1F650] =	vst v0;
	v0 =	vld [tilespmem:$0x1FE90]  }
0x345: {  	v47 =	vld [tilespmem:$0x1EFC0];
	_ =	sdelay $0x2  }
0x346: {  	v11 =	vsub.f32 v1, v15  }
0x347: {  	v1 =	vsub.f32 v57, v4;
	v13 =	vor.u32 $0x380, v2;
	v4 =	vsub.f32 v0, v10;
	v0 =	vld [tilespmem:$0x1FEE0]  }
0x348: {  	v6 =	vsub.f32 v26, v47  }
0x349: {  	v14 =	vsub.f32 v59, v47  }
0x34a: {  	v6 =	vand.u32 $0x7FFFFFFF, v6  }
0x34b: {  	v5 =	vadd.f32 v6, v5;
	v6 =	vand.u32 $0x7FFFFFFF, v14  }
0x34c: {  	v3 =	vadd.f32 v6, v3;
	v6 =	vor.u32 $0x380, v34;
	v10 =	vsub.f32 v0, v10;
	v0 =	vld.idx.msk [tilespmem:v13+s12+$0x0], $0xffff;
	_ =	sdelay $0x4  }
0x34d: {  	v7 =	vor.u32 $0x300, v2;
	[tilespmem:$0x1F000] =	vst v0;
	v0 =	vld.idx.msk [tilespmem:v6+s12+$0x0], $0xffff;
	_ =	sdelay $0x4  }
0x34e: {  	[tilespmem:$0x1F010] =	vst v0;
	v0 =	vld.idx.msk [tilespmem:v7+s12+$0x0], $0xffff;
	_ =	sdelay $0x2  }
0x34f: {  	v8 =	vand.u32 $0x7FFFFFFF, v8  }
0x350: {  	v5 =	vadd.f32 v8, v5;
	v8 =	vand.u32 $0x7FFFFFFF, v11  }
0x351: {  	v3 =	vadd.f32 v8, v3;
	v8 =	vor.u32 $0x300, v34;
	[tilespmem:$0x1F020] =	vst v0;
	v0 =	vld [tilespmem:$0x1FEB0];
	_ =	sdelay $0x4  }
0x352: {  	v6 =	vsub.f32 v0, v49;
	v0 =	vld.idx.msk [tilespmem:v8+s12+$0x0], $0xffff;
	_ =	sdelay $0x4  }
0x353: {  	v11 =	vor.u32 $0x280, v2;
	[tilespmem:$0x1F040] =	vst v0;
	v0 =	vld [tilespmem:$0x1FE40]  }
0x354: {  	v1 =	vand.u32 $0x7FFFFFFF, v1  }
0x355: {  	v1 =	vadd.f32 v1, v5;
	v5 =	vand.u32 $0x7FFFFFFF, v9  }
0x356: {  	v3 =	vadd.f32 v5, v3;
	v4 =	vand.u32 $0x7FFFFFFF, v4  }
0x357: {  	v1 =	vadd.f32 v4, v1;
	v4 =	vand.u32 $0x7FFFFFFF, v10  }
0x358: {  	v9 =	vor.u32 $0x280, v34;
	v3 =	vadd.f32 v4, v3;
	v4 =	vsub.f32 v0, v50;
	v0 =	vld.idx.msk [tilespmem:v11+s12+$0x0], $0xffff;
	_ =	sdelay $0x4  }
0x359: {  	v8 =	vor.u32 $0x200, v2;
	[tilespmem:$0x1F050] =	vst v0;
	v0 =	vld.idx.msk [tilespmem:v9+s12+$0x0], $0xffff;
	_ =	sdelay $0x2  }
0x35a: {  	v13 =	vmov s28;
	_ =	sdelay $0x1  }
0x35b: {  	v5 =	vsub.f32 v18, v49;
	v10 =	vor.u32 $0x200, v34;
	[tilespmem:$0x1F080] =	vst v0;
	v0 =	vld.idx.msk [tilespmem:v8+s12+$0x0], $0xffff;
	_ =	sdelay $0x1  }
0x35c: {  	v5 =	vand.u32 $0x7FFFFFFF, v5  }
0x35d: {  	v1 =	vadd.f32 v5, v1;
	v5 =	vld.idx.msk [tilespmem:v13+s23+$0x0 ss:$0x1], $0xffff  }
0x35e: {  	[tilespmem:$0x1F070] =	vst v13;
	v13 =	vld [tilespmem:$0x1FFF0]  }
0x35f: {  	v9 =	vor.u32 $0x180, v2;
	[tilespmem:$0x1F090] =	vst v0;
	v0 =	vld.idx.msk [tilespmem:v10+s12+$0x0], $0xffff;
	_ =	sdelay $0x1  }
0x360: {  	s8 =	simm.s32 $0x0;
	v6 =	vand.u32 $0x7FFFFFFF, v6  }
0x361: {  	v3 =	vadd.f32 v6, v3;
	v6 =	vmov s8  }
0x362: {  	v12 =	vadd.s32 $0x2000, v34;
	v6 =	vshll.u32 v6, $0x7  }
0x363: {  	v6 =	vor.u32 v13, v6;
	v13 =	vor.u32 $0x180, v34;
	[tilespmem:$0x1F0A0] =	vst v0;
	v0 =	vld.idx.msk [tilespmem:v9+s12+$0x0], $0xffff;
	_ =	sdelay $0x1  }
0x364: {  	v14 =	vmov s25;
	_ =	sdelay $0x1  }
0x365: {  	v27 =	vmov v63;
	v63 =	vld.idx.msk [tilespmem:v12+s12+$0x0], $0xffff;
	v12 =	vmov s14  }
0x366: {  	v10 =	vor.u32 $0x100, v2;
	[tilespmem:$0x1F0B0] =	vst v0;
	v0 =	vld.idx.msk [tilespmem:v13+s12+$0x0], $0xffff;
	_ =	sdelay $0x1  }
0x367: {  	v7 =	vld.idx.msk [tilespmem:v14+s23+$0x0 ss:$0x1], $0xffff;
	_ =	sdelay $0x1  }
0x368: {  	[tilespmem:$0x1F060] =	vst v12;
	v12 =	vld.idx.msk [tilespmem:v12+s23+$0x0 ss:$0x1], $0xffff  }
0x369: {  	[tilespmem:$0x1F0C0] =	vst v0;
	v0 =	vld.idx.msk [tilespmem:v10+s12+$0x0], $0xffff;
	_ =	sdelay $0x1  }
0x36a: {  	v7 =	vshra.s32 v7, $0xD  }
0x36b: {  	v8 =	vand.u32 $0xFFFFFF80, v7  }
0x36c: {  	v7 =	vand.u32 $0x60, v7;
	v8 =	vadd.s32 v6, v8;
	v13 =	vld [tilespmem:$0x1F0E0]  }
0x36d: {  	v32 =	vor.u32 v7, v8;
	v7 =	vshra.s32 v12, $0xD;
	v12 =	vor.u32 $0x100, v34;
	[tilespmem:$0x1F0D0] =	vst v0;
	v0 =	vld [tilespmem:$0x1FE10]  }
0x36e: {  	v15 =	vand.u32 $0xFFFFFF80, v7  }
0x36f: {  	[tilespmem:$0x1F030] =	vst v14;
	v14 =	vshra.s32 v5, $0xD;
	v7 =	vand.u32 $0x60, v7;
	v9 =	vadd.s32 v6, v15  }
0x370: {  	v26 =	vor.u32 v7, v9;
	v7 =	vand.u32 $0xFFFFFF80, v14  }
0x371: {  	v8 =	vld.idx.msk [tilespmem:v2+s12+$0x0], $0xffff;
	v6 =	vadd.s32 v6, v7;
	v7 =	vand.u32 $0x60, v14  }
0x372: {  	v2 =	vor.u32 $0x80, v2;
	v21 =	vor.u32 v7, v6;
	v6 =	vsub.f32 v0, v13;
	v0 =	vld.idx.msk [tilespmem:v12+s12+$0x0], $0xffff;
	_ =	sdelay $0x4  }
0x373: {  	v16 =	vor.u32 $0x80, v34;
	[tilespmem:$0x1F0F0] =	vst v0;
	v0 =	vld.idx.msk [tilespmem:v2+s12+$0x0], $0xffff;
	_ =	sdelay $0x4  }
0x374: {  	[tilespmem:$0x1F100] =	vst v0;
	v0 =	vld.idx.msk [tilespmem:v16+s12+$0x0], $0xffff  }
0x375: {  	v11 =	vsub.f32 v45, v50;
	_ =	sdelay $0x1  }
0x376: {  	v2 =	vand.u32 $0x7FFFFFFF, v11  }
0x377: {  	v3 =	vadd.f32 v2, v3;
	v2 =	vld [tilespmem:$0x1FDE0]  }
0x378: {  	v9 =	vor.u32 $0x1F, v32;
	[tilespmem:$0x1F110] =	vst v0;
	v0 =	vld [tilespmem:$0x1FBB0];
	_ =	sdelay $0x4  }
0x379: {  	v10 =	vor.u32 $0x1E, v32;
	v11 =	vsub.f32 v2, v0;
	v2 =	vld.idx.msk [tilespmem:v9+s29+$0x0], $0xffff;
	_ =	sdelay $0x2  }
0x37a: {  	v12 =	vsub.f32 v44, v13;
	v13 =	vor.u32 $0x1F, v21  }
0x37b: {  	v4 =	vand.u32 $0x7FFFFFFF, v4  }
0x37c: {  	v1 =	vadd.f32 v4, v1;
	[tilespmem:$0x1F120] =	vst v2;
	v2 =	vand.u32 $0x7FFFFFFF, v6;
	v6 =	vld.idx.msk [tilespmem:v10+s29+$0x0], $0xffff  }
0x37d: {  	v17 =	vld [tilespmem:$0x1FB90]  }
0x37e: {  	v15 =	vld [tilespmem:$0x1FBA0];
	v14 =	vsub.f32 v43, v0;
	v10 =	vand.u32 $0x7FFFFFFF, v12;
	v1 =	vadd.f32 v2, v1  }
0x37f: {  	v0 =	vld.idx.msk [tilespmem:v13+s31+$0x0], $0xffff;
	v11 =	vand.u32 $0x7FFFFFFF, v11;
	v3 =	vadd.f32 v10, v3  }
0x380: {  	v7 =	vor.u32 $0x1F, v26;
	v13 =	vld [tilespmem:$0x1FE00];
	v1 =	vadd.f32 v11, v1;
	v11 =	vand.u32 $0x7FFFFFFF, v14  }
0x381: {  	v11 =	vadd.f32 v11, v3;
	v3 =	vld [tilespmem:$0x1FD90];
	[tilespmem:$0x1F130] =	vst v6;
	v6 =	vor.u32 $0x1E, v21;
	_ =	sdelay $0x2  }
0x382: {  	v10 =	vsub.f32 v54, v15  }
0x383: {  	v13 =	vsub.f32 v13, v15;
	v2 =	vld.idx.msk [tilespmem:v7+s26+$0x0], $0xffff  }
0x384: {  	v7 =	vor.u32 $0x1C, v32;
	v14 =	vsub.f32 v3, v17;
	v3 =	vld.idx.msk [tilespmem:v6+s31+$0x0], $0xffff;
	v6 =	vand.u32 $0x7FFFFFFF, v10  }
0x385: {  	v15 =	vor.u32 $0x1D, v21;
	v1 =	vadd.f32 v6, v1;
	v6 =	vand.u32 $0x7FFFFFFF, v13;
	v13 =	vld [tilespmem:$0x1FB80]  }
0x386: {  	v16 =	vor.u32 $0x1C, v26;
	v11 =	vadd.f32 v6, v11;
	v6 =	vld [tilespmem:$0x1FD60];
	_ =	sdelay $0x2  }
0x387: {  	v7 =	vld.idx.msk [tilespmem:v7+s29+$0x0], $0xffff  }
0x388: {  	v57 =	vld.idx.msk [tilespmem:v15+s31+$0x0], $0xffff;
	v17 =	vsub.f32 v62, v17  }
0x389: {  	v15 =	vld.idx.msk [tilespmem:v16+s26+$0x0], $0xffff;
	v20 =	vsub.f32 v52, v13;
	v18 =	vsub.f32 v6, v13;
	v13 =	vand.u32 $0x7FFFFFFF, v14  }
0x38a: {  	v16 =	vld [tilespmem:$0x1FB70];
	v1 =	vadd.f32 v13, v1;
	v13 =	vand.u32 $0x7FFFFFFF, v17  }
0x38b: {  	v19 =	vor.u32 $0x1B, v26;
	v11 =	vadd.f32 v13, v11;
	v13 =	vld [tilespmem:$0x1FD30];
	_ =	sdelay $0x2  }
0x38c: {  	v14 =	vor.u32 $0x19, v32  }
0x38d: {  	[tilespmem:$0x1F150] =	vst v7;
	v7 =	vor.u32 $0x1C, v21;
	v23 =	vsub.f32 v61, v16  }
0x38e: {  	v17 =	vld.idx.msk [tilespmem:v19+s26+$0x0], $0xffff;
	v19 =	vor.u32 $0x18, v32;
	v22 =	vsub.f32 v13, v16;
	v16 =	vand.u32 $0x7FFFFFFF, v18  }
0x38f: {  	v18 =	vld [tilespmem:$0x1FB60];
	v1 =	vadd.f32 v16, v1;
	v16 =	vand.u32 $0x7FFFFFFF, v20  }
0x390: {  	v11 =	vadd.f32 v16, v11;
	v16 =	vld [tilespmem:$0x1FD00]  }
0x391: {  	v14 =	vld.idx.msk [tilespmem:v14+s29+$0x0], $0xffff  }
0x392: {  	v13 =	vld.idx.msk [tilespmem:v7+s31+$0x0], $0xffff;
	v7 =	vor.u32 $0x1A, v26  }
0x393: {  	v19 =	vld.idx.msk [tilespmem:v19+s29+$0x0], $0xffff;
	_ =	sdelay $0x1  }
0x394: {  	v25 =	vld [tilespmem:$0x1FB50];
	v24 =	vsub.f32 v58, v18;
	v20 =	vsub.f32 v16, v18;
	v18 =	vand.u32 $0x7FFFFFFF, v22  }
0x395: {  	v1 =	vadd.f32 v18, v1;
	v18 =	vand.u32 $0x7FFFFFFF, v23  }
0x396: {  	[tilespmem:$0x1F180] =	vst v14;
	v14 =	vld.idx.msk [tilespmem:v7+s26+$0x0], $0xffff;
	v7 =	vor.u32 $0x17, v32;
	v11 =	vadd.f32 v18, v11  }
0x397: {  	v28 =	vld [tilespmem:$0x1FB40];
	[tilespmem:$0x1F190] =	vst v19;
	v19 =	vand.u32 $0x7FFFFFFF, v24  }
0x398: {  	v22 =	vor.u32 $0x19, v21;
	v11 =	vadd.f32 v19, v11;
	v19 =	vld [tilespmem:$0x1FCA0]  }
0x399: {  	v23 =	vsub.f32 v27, v25;
	v20 =	vand.u32 $0x7FFFFFFF, v20  }
0x39a: {  	v1 =	vadd.f32 v20, v1  }
0x39b: {  	v25 =	vsub.f32 v51, v25;
	v23 =	vand.u32 $0x7FFFFFFF, v23;
	v7 =	vld.idx.msk [tilespmem:v7+s29+$0x0], $0xffff  }
0x39c: {  	v30 =	vld [tilespmem:$0x1FB30];
	v1 =	vadd.f32 v23, v1  }
0x39d: {  	v23 =	vand.u32 $0x7FFFFFFF, v25;
	v24 =	vsub.f32 v19, v28;
	v19 =	vld.idx.msk [tilespmem:v22+s31+$0x0], $0xffff;
	v22 =	vor.u32 $0x17, v26  }
0x39e: {  	v23 =	vadd.f32 v23, v11;
	v11 =	vld [tilespmem:$0x1FC80];
	v28 =	vsub.f32 v53, v28  }
0x39f: {  	v31 =	vld [tilespmem:$0x1FCC0];
	v4 =	vor.u32 $0x1D, v32;
	v24 =	vand.u32 $0x7FFFFFFF, v24  }
0x3a0: {  	[tilespmem:$0x1F1A0] =	vst v7;
	v7 =	vor.u32 $0x17, v21;
	v1 =	vadd.f32 v24, v1;
	v24 =	vand.u32 $0x7FFFFFFF, v28  }
0x3a1: {  	v12 =	vor.u32 $0x1D, v26;
	v23 =	vadd.f32 v24, v23;
	v24 =	vld [tilespmem:$0x1FC50]  }
0x3a2: {  	v53 =	vld.idx.msk [tilespmem:v22+s26+$0x0], $0xffff  }
0x3a3: {  	v25 =	vsub.f32 v11, v30;
	v22 =	vld [tilespmem:$0x1FB20]  }
0x3a4: {  	v4 =	vld.idx.msk [tilespmem:v4+s29+$0x0], $0xffff;
	v9 =	vor.u32 $0x1E, v26;
	v30 =	vsub.f32 v31, v30  }
0x3a5: {  	v31 =	vld.idx.msk [tilespmem:v7+s31+$0x0], $0xffff;
	v7 =	vand.u32 $0x7FFFFFFF, v25  }
0x3a6: {  	v10 =	vld.idx.msk [tilespmem:v12+s26+$0x0], $0xffff;
	v12 =	vor.u32 $0x1A, v32;
	v1 =	vadd.f32 v7, v1;
	v7 =	vand.u32 $0x7FFFFFFF, v30  }
0x3a7: {  	v23 =	vadd.f32 v7, v23;
	v7 =	vld [tilespmem:$0x1FB10]  }
0x3a8: {  	v24 =	vsub.f32 v24, v22;
	v59 =	vsub.f32 v60, v22;
	v22 =	vld [tilespmem:$0x1FC20]  }
0x3a9: {  	[tilespmem:$0x1F140] =	vst v4;
	v4 =	vld.idx.msk [tilespmem:v9+s26+$0x0], $0xffff;
	v9 =	vor.u32 $0x1B, v32;
	_ =	sdelay $0x1  }
0x3aa: {  	v12 =	vld.idx.msk [tilespmem:v12+s29+$0x0], $0xffff;
	_ =	sdelay $0x1  }
0x3ab: {  	v28 =	vor.u32 $0x14, v32;
	v30 =	vsub.f32 v22, v7;
	v22 =	vld [tilespmem:$0x1FC70]  }
0x3ac: {  	v9 =	vld.idx.msk [tilespmem:v9+s29+$0x0], $0xffff;
	_ =	sdelay $0x1  }
0x3ad: {  	[tilespmem:$0x1F170] =	vst v12;
	v12 =	vor.u32 $0x1A, v21;
	_ =	sdelay $0x1  }
0x3ae: {  	v60 =	vsub.f32 v22, v7;
	v7 =	vld.idx.msk [tilespmem:v28+s29+$0x0], $0xffff  }
0x3af: {  	[tilespmem:$0x1F160] =	vst v9;
	v9 =	vor.u32 $0x1B, v21;
	_ =	sdelay $0x1  }
0x3b0: {  	v61 =	vld.idx.msk [tilespmem:v12+s31+$0x0], $0xffff;
	v12 =	vor.u32 $0x18, v26  }
0x3b1: {  	v22 =	vld [tilespmem:$0x1FC40]  }
0x3b2: {  	v25 =	vor.u32 $0x13, v32;
	[tilespmem:$0x1F1D0] =	vst v7;
	v7 =	vld [tilespmem:$0x1FB00]  }
0x3b3: {  	v16 =	vld.idx.msk [tilespmem:v9+s31+$0x0], $0xffff;
	v9 =	vor.u32 $0x19, v26;
	_ =	sdelay $0x1  }
0x3b4: {  	v29 =	vld.idx.msk [tilespmem:v12+s26+$0x0], $0xffff;
	v12 =	vor.u32 $0x15, v32;
	_ =	sdelay $0x1  }
0x3b5: {  	v45 =	vsub.f32 v55, v7;
	v46 =	vsub.f32 v22, v7;
	v7 =	vld.idx.msk [tilespmem:v25+s29+$0x0], $0xffff  }
0x3b6: {  	v20 =	vld.idx.msk [tilespmem:v9+s26+$0x0], $0xffff;
	v9 =	vor.u32 $0x16, v32;
	_ =	sdelay $0x1  }
0x3b7: {  	v12 =	vld.idx.msk [tilespmem:v12+s29+$0x0], $0xffff  }
0x3b8: {  	v22 =	vld [tilespmem:$0x1FBE0]  }
0x3b9: {  	[tilespmem:$0x1F1E0] =	vst v7;
	v7 =	vld [tilespmem:$0x1FAF0]  }
0x3ba: {  	v9 =	vld.idx.msk [tilespmem:v9+s29+$0x0], $0xffff  }
0x3bb: {  	v24 =	vand.u32 $0x7FFFFFFF, v24  }
0x3bc: {  	[tilespmem:$0x1F1C0] =	vst v12;
	v12 =	vor.u32 $0x15, v21;
	v1 =	vadd.f32 v24, v1  }
0x3bd: {  	v30 =	vand.u32 $0x7FFFFFFF, v30  }
0x3be: {  	v62 =	vor.u32 $0x12, v32;
	v1 =	vadd.f32 v30, v1;
	v30 =	vsub.f32 v22, v7;
	v22 =	vld [tilespmem:$0x1FC10]  }
0x3bf: {  	[tilespmem:$0x1F1B0] =	vst v9;
	v9 =	vor.u32 $0x16, v21;
	_ =	sdelay $0x1  }
0x3c0: {  	v38 =	vld.idx.msk [tilespmem:v12+s31+$0x0], $0xffff;
	v12 =	vor.u32 $0x13, v26;
	_ =	sdelay $0x1  }
0x3c1: {  	v49 =	vsub.f32 v22, v7;
	v7 =	vld.idx.msk [tilespmem:v62+s29+$0x0], $0xffff  }
0x3c2: {  	v37 =	vld.idx.msk [tilespmem:v9+s31+$0x0], $0xffff;
	v9 =	vor.u32 $0x14, v26;
	_ =	sdelay $0x1  }
0x3c3: {  	v39 =	vld.idx.msk [tilespmem:v12+s26+$0x0], $0xffff;
	v12 =	vor.u32 $0x11, v21  }
0x3c4: {  	v24 =	vand.u32 $0x7FFFFFFF, v59;
	v22 =	vld [tilespmem:$0x1FBF0]  }
0x3c5: {  	v23 =	vadd.f32 v24, v23;
	[tilespmem:$0x1F1F0] =	vst v7;
	v7 =	vld [tilespmem:$0x1FAE0]  }
0x3c6: {  	v42 =	vld.idx.msk [tilespmem:v9+s26+$0x0], $0xffff;
	v9 =	vor.u32 $0x12, v26;
	v25 =	vand.u32 $0x7FFFFFFF, v60  }
0x3c7: {  	v58 =	vor.u32 $0x15, v26;
	v23 =	vadd.f32 v25, v23  }
0x3c8: {  	v36 =	vand.u32 $0x7FFFFFFF, v45;
	v52 =	vand.u32 $0x7FFFFFFF, v46;
	v46 =	vld.idx.msk [tilespmem:v12+s31+$0x0], $0xffff;
	v12 =	vor.u32 $0xF, v26  }
0x3c9: {  	v1 =	vadd.f32 v36, v1;
	v23 =	vadd.f32 v52, v23;
	v30 =	vand.u32 $0x7FFFFFFF, v30  }
0x3ca: {  	v5 =	vld.idx.msk [tilespmem:v34+s12+$0x0], $0xffff;
	v41 =	vand.u32 $0x7FFFFFFF, v49;
	v54 =	vsub.f32 v56, v7;
	v56 =	vsub.f32 v22, v7  }
0x3cb: {  	v45 =	vld.idx.msk [tilespmem:v9+s26+$0x0], $0xffff;
	v1 =	vadd.f32 v30, v1;
	v9 =	vadd.f32 v41, v23  }
0x3cc: {  	v34 =	vld.idx.msk [tilespmem:v58+s26+$0x0], $0xffff;
	v30 =	vand.u32 $0x7FFFFFFF, v54;
	v58 =	vand.u32 $0x7FFFFFFF, v56  }
0x3cd: {  	v1 =	vadd.f32 v30, v1;
	v9 =	vadd.f32 v58, v9  }
0x3ce: {  	v52 =	vld.idx.msk [tilespmem:v12+s26+$0x0], $0xffff  }
0x3cf: {  	v12 =	vld [tilespmem:$0x1FA50];
	v1 =	vsub.f32 v1, v9;
	_ =	sdelay $0x1  }
0x3d0: {  	v9 =	vld.idx.msk [tilespmem:v26+s26+$0x0], $0xffff;
	v1 =	vadd.f32 $1.000000000e+00, v1;
	_ =	sdelay $0x1  }
0x3d1: {  	v6 =	vld.idx.msk [tilespmem:v21+s31+$0x0], $0xffff;
	v1 =	vmax.f32 v1, $0.0e+00  }
0x3d2: {  	v1 =	vadd.f32 v1, v12;
	_ =	sdelay $0x1  }
0x3d3: {  	[tilespmem:$0x1F200] =	vst v1;
	v1 =	vadd.f32 v8, v9;
	_ =	sdelay $0x1  }
0x3d4: {  	[tilespmem:$0x1F210] =	vst v1;
	v1 =	vadd.f32 v5, v6;
	_ =	sdelay $0x1  }
0x3d5: {  	[tilespmem:$0x1F220] =	vst v1;
	v1 =	vld [tilespmem:$0x1F230];
	_ =	sdelay $0x4  }
0x3d6: {  	v40 =	vadd.f32 v1, v2;
	v1 =	vld [tilespmem:$0x1F240]  }
0x3d7: {  	v2 =	vor.u32 $0xB, v21;
	_ =	sdelay $0x3  }
0x3d8: {  	v58 =	vadd.f32 v1, v4;
	v1 =	vld [tilespmem:$0x1F250]  }
0x3d9: {  	v9 =	vld.idx.msk [tilespmem:v2+s31+$0x0], $0xffff  }
0x3da: {  	v2 =	vld [tilespmem:$0x1F340];
	_ =	sdelay $0x4  }
0x3db: {  	v0 =	vadd.f32 v1, v0;
	v1 =	vld [tilespmem:$0x1F280];
	v2 =	vadd.f32 v2, v61;
	_ =	sdelay $0x1  }
0x3dc: {  	[tilespmem:$0x1F350] =	vst v2;
	v2 =	vld [tilespmem:$0x1F360];
	_ =	sdelay $0x2  }
0x3dd: {  	v1 =	vadd.f32 v1, v3  }
0x3de: {  	v48 =	vor.u32 $0x12, v21  }
0x3df: {  	[tilespmem:$0x1F290] =	vst v1;
	v1 =	vld [tilespmem:$0x1F2A0];
	v2 =	vadd.f32 v2, v29;
	_ =	sdelay $0x1  }
0x3e0: {  	[tilespmem:$0x1F370] =	vst v2;
	v2 =	vld [tilespmem:$0x1F380]  }
0x3e1: {  	v51 =	vor.u32 $0x11, v26  }
0x3e2: {  	v23 =	vld.idx.msk [tilespmem:v48+s31+$0x0], $0xffff  }
0x3e3: {  	v59 =	vor.u32 $0x10, v21;
	v48 =	vadd.f32 v1, v15;
	v1 =	vld [tilespmem:$0x1F2B0]  }
0x3e4: {  	v60 =	vor.u32 $0xE, v26  }
0x3e5: {  	[tilespmem:$0x1F260] =	vst v0;
	v0 =	vld [tilespmem:$0x1F270];
	v2 =	vadd.f32 v2, v19  }
0x3e6: {  	v44 =	vld.idx.msk [tilespmem:v51+s26+$0x0], $0xffff  }
0x3e7: {  	[tilespmem:$0x1F390] =	vst v2;
	v2 =	vld [tilespmem:$0x1F3A0]  }
0x3e8: {  	v27 =	vor.u32 $0x18, v21;
	v51 =	vld.idx.msk [tilespmem:v59+s31+$0x0], $0xffff;
	v1 =	vadd.f32 v1, v57  }
0x3e9: {  	v59 =	vld.idx.msk [tilespmem:v60+s26+$0x0], $0xffff  }
0x3ea: {  	v60 =	vadd.f32 v0, v10;
	v0 =	vor.u32 $0xA, v26;
	[tilespmem:$0x1F2C0] =	vst v1;
	v1 =	vld [tilespmem:$0x1F2D0];
	_ =	sdelay $0x1  }
0x3eb: {  	v2 =	vadd.f32 v2, v53  }
0x3ec: {  	v11 =	vld.idx.msk [tilespmem:v27+s31+$0x0], $0xffff  }
0x3ed: {  	v28 =	vor.u32 $0x14, v21;
	[tilespmem:$0x1F3B0] =	vst v2;
	v2 =	vld [tilespmem:$0x1F3C0]  }
0x3ee: {  	v18 =	vadd.f32 v1, v17;
	v17 =	vld.idx.msk [tilespmem:v0+s26+$0x0], $0xffff;
	v0 =	vor.u32 $0x8, v21;
	_ =	sdelay $0x2  }
0x3ef: {  	v27 =	vor.u32 $0x16, v26  }
0x3f0: {  	v50 =	vld.idx.msk [tilespmem:v28+s31+$0x0], $0xffff  }
0x3f1: {  	v2 =	vadd.f32 v2, v11;
	v11 =	vld.idx.msk [tilespmem:v0+s31+$0x0], $0xffff  }
0x3f2: {  	v0 =	vld [tilespmem:$0x1F4A0]  }
0x3f3: {  	v3 =	vor.u32 $0xA, v21  }
0x3f4: {  	v27 =	vld.idx.msk [tilespmem:v27+s26+$0x0], $0xffff  }
0x3f5: {  	[tilespmem:$0x1F3D0] =	vst v2;
	v2 =	vld [tilespmem:$0x1F3E0];
	_ =	sdelay $0x1  }
0x3f6: {  	v0 =	vadd.f32 v0, v50  }
0x3f7: {  	v47 =	vor.u32 $0x13, v21;
	v19 =	vld.idx.msk [tilespmem:v3+s31+$0x0], $0xffff  }
0x3f8: {  	v3 =	vor.u32 $0x7, v26;
	[tilespmem:$0x1F4B0] =	vst v0;
	v0 =	vld [tilespmem:$0x1F4C0]  }
0x3f9: {  	v2 =	vadd.f32 v2, v27;
	_ =	sdelay $0x1  }
0x3fa: {  	[tilespmem:$0x1F3F0] =	vst v2;
	v2 =	vld [tilespmem:$0x1F400]  }
0x3fb: {  	v43 =	vld.idx.msk [tilespmem:v47+s31+$0x0], $0xffff  }
0x3fc: {  	v50 =	vld.idx.msk [tilespmem:v3+s26+$0x0], $0xffff;
	v0 =	vadd.f32 v0, v45  }
0x3fd: {  	v3 =	vld [tilespmem:$0x1F540]  }
0x3fe: {  	[tilespmem:$0x1F4D0] =	vst v0;
	v0 =	vld [tilespmem:$0x1F4E0]  }
0x3ff: {  	v2 =	vadd.f32 v2, v31;
	_ =	sdelay $0x1  }
0x400: {  	[tilespmem:$0x1F410] =	vst v2;
	v2 =	vld [tilespmem:$0x1F420]  }
0x401: {  	v3 =	vadd.f32 v3, v46  }
0x402: {  	v0 =	vadd.f32 v0, v43  }
0x403: {  	[tilespmem:$0x1F550] =	vst v3;
	v3 =	vld [tilespmem:$0x1F560]  }
0x404: {  	v55 =	vor.u32 $0x10, v26;
	[tilespmem:$0x1F4F0] =	vst v0;
	v0 =	vld [tilespmem:$0x1F500]  }
0x405: {  	v2 =	vadd.f32 v2, v34;
	_ =	sdelay $0x1  }
0x406: {  	[tilespmem:$0x1F430] =	vst v2;
	v2 =	vld [tilespmem:$0x1F440]  }
0x407: {  	v22 =	vadd.f32 v3, v52;
	v3 =	vld [tilespmem:$0x1F570]  }
0x408: {  	v47 =	vld.idx.msk [tilespmem:v55+s26+$0x0], $0xffff;
	v55 =	vor.u32 $0xD, v21;
	v0 =	vadd.f32 v0, v44  }
0x409: {  	v30 =	vor.u32 $0xF, v21  }
0x40a: {  	v4 =	vld [tilespmem:$0x1F2E0];
	[tilespmem:$0x1F510] =	vst v0;
	v0 =	vor.u32 $0x4, v26  }
0x40b: {  	v53 =	vadd.f32 v2, v37;
	v2 =	vld [tilespmem:$0x1F450]  }
0x40c: {  	v37 =	vadd.f32 v3, v51;
	v3 =	vld [tilespmem:$0x1F580]  }
0x40d: {  	v36 =	vor.u32 $0xD, v26;
	v54 =	vld.idx.msk [tilespmem:v55+s31+$0x0], $0xffff  }
0x40e: {  	v7 =	vld.idx.msk [tilespmem:v30+s31+$0x0], $0xffff  }
0x40f: {  	v6 =	vor.u32 $0xB, v26;
	v55 =	vld.idx.msk [tilespmem:v0+s26+$0x0], $0xffff  }
0x410: {  	v4 =	vadd.f32 v4, v13;
	v0 =	vld [tilespmem:$0x1F5D0]  }
0x411: {  	v2 =	vadd.f32 v2, v42;
	v42 =	vadd.f32 v3, v59;
	v3 =	vld [tilespmem:$0x1F590]  }
0x412: {  	v8 =	vld.idx.msk [tilespmem:v36+s26+$0x0], $0xffff  }
0x413: {  	[tilespmem:$0x1F2F0] =	vst v4;
	v4 =	vld [tilespmem:$0x1F300]  }
0x414: {  	v62 =	vor.u32 $0xE, v21;
	v13 =	vld.idx.msk [tilespmem:v6+s26+$0x0], $0xffff  }
0x415: {  	v33 =	vor.u32 $0xC, v21;
	[tilespmem:$0x1F460] =	vst v2;
	v2 =	vld [tilespmem:$0x1F470];
	v0 =	vadd.f32 v0, v54  }
0x416: {  	v45 =	vadd.f32 v3, v7;
	v3 =	vld [tilespmem:$0x1F5A0]  }
0x417: {  	[tilespmem:$0x1F5E0] =	vst v0;
	v0 =	vld [tilespmem:$0x1F5F0]  }
0x418: {  	v49 =	vadd.f32 v4, v14;
	v4 =	vld [tilespmem:$0x1F310]  }
0x419: {  	v24 =	vld.idx.msk [tilespmem:v62+s31+$0x0], $0xffff;
	v30 =	vor.u32 $0xC, v26  }
0x41a: {  	v1 =	vld.idx.msk [tilespmem:v33+s31+$0x0], $0xffff  }
0x41b: {  	v43 =	vadd.f32 v3, v8;
	v3 =	vld [tilespmem:$0x1F5B0]  }
0x41c: {  	v2 =	vadd.f32 v2, v38;
	v38 =	vadd.f32 v0, v13;
	v0 =	vld [tilespmem:$0x1F600]  }
0x41d: {  	v4 =	vadd.f32 v4, v16  }
0x41e: {  	v15 =	vld.idx.msk [tilespmem:v30+s26+$0x0], $0xffff  }
0x41f: {  	[tilespmem:$0x1F320] =	vst v4;
	v4 =	vld [tilespmem:$0x1F330]  }
0x420: {  	v36 =	vadd.f32 v3, v24;
	v3 =	vld [tilespmem:$0x1F5C0]  }
0x421: {  	v1 =	vadd.f32 v0, v1;
	v0 =	vld [tilespmem:$0x1F610]  }
0x422: {  	v6 =	vor.u32 $0x9, v21  }
0x423: {  	v10 =	vor.u32 $0x9, v26;
	_ =	sdelay $0x1  }
0x424: {  	v62 =	vadd.f32 v4, v20;
	v4 =	vor.u32 $0x7, v21  }
0x425: {  	v44 =	vadd.f32 v3, v15;
	v15 =	vadd.f32 v0, v17;
	v0 =	vld [tilespmem:$0x1F620]  }
0x426: {  	v28 =	vld.idx.msk [tilespmem:v6+s31+$0x0], $0xffff  }
0x427: {  	v61 =	vor.u32 $0x6, v21;
	v56 =	vld.idx.msk [tilespmem:v10+s26+$0x0], $0xffff  }
0x428: {  	[tilespmem:$0x1F480] =	vst v2;
	v2 =	vld [tilespmem:$0x1F490]  }
0x429: {  	v27 =	vld.idx.msk [tilespmem:v4+s31+$0x0], $0xffff;
	v4 =	vor.u32 $0x3, v26  }
0x42a: {  	v6 =	vadd.f32 v0, v9;
	v0 =	vld [tilespmem:$0x1F630];
	_ =	sdelay $0x1  }
0x42b: {  	v16 =	vor.u32 $0x8, v26;
	v46 =	vld.idx.msk [tilespmem:v61+s31+$0x0], $0xffff  }
0x42c: {  	v39 =	vadd.f32 v2, v39;
	v2 =	vld [tilespmem:$0x1F520]  }
0x42d: {  	v61 =	vor.u32 $0x3, v21;
	v57 =	vld.idx.msk [tilespmem:v4+s26+$0x0], $0xffff  }
0x42e: {  	v4 =	vadd.f32 v0, v56;
	v0 =	vld [tilespmem:$0x1F640];
	_ =	sdelay $0x1  }
0x42f: {  	v16 =	vld.idx.msk [tilespmem:v16+s26+$0x0], $0xffff  }
0x430: {  	v33 =	vor.u32 $0x5, v26;
	v41 =	vadd.f32 v2, v23;
	v2 =	vld [tilespmem:$0x1F530]  }
0x431: {  	v35 =	vor.u32 $0x6, v26;
	v56 =	vld.idx.msk [tilespmem:v61+s31+$0x0], $0xffff  }
0x432: {  	v61 =	vadd.f32 v0, v19;
	v0 =	vld [tilespmem:$0x1F650]  }
0x433: {  	v34 =	vor.u32 $0x5, v21  }
0x434: {  	v8 =	vor.u32 $0x2, v26  }
0x435: {  	v14 =	vor.u32 $0x2, v21;
	v52 =	vld.idx.msk [tilespmem:v33+s26+$0x0], $0xffff  }
0x436: {  	v23 =	vld.idx.msk [tilespmem:v35+s26+$0x0], $0xffff;
	v35 =	vor.u32 $0x4, v21  }
0x437: {  	v2 =	vadd.f32 v2, v47;
	v47 =	vadd.f32 v0, v16;
	v0 =	vld [tilespmem:$0x1F660]  }
0x438: {  	v51 =	vld.idx.msk [tilespmem:v34+s31+$0x0], $0xffff  }
0x439: {  	v59 =	vld.idx.msk [tilespmem:v8+s26+$0x0], $0xffff  }
0x43a: {  	v8 =	vld.idx.msk [tilespmem:v14+s31+$0x0], $0xffff  }
0x43b: {  	v26 =	vor.u32 $0x1, v26;
	v14 =	vor.u32 $0xF, v32;
	v17 =	vor.u32 $0x10, v32;
	v54 =	vld.idx.msk [tilespmem:v35+s31+$0x0], $0xffff  }
0x43c: {  	s5 =	simm.s32 $0x40;
	v19 =	vld.idx.msk [tilespmem:v32+s29+$0x0], $0xffff;
	v5 =	vadd.f32 v0, v28;
	v28 =	vor.u32 $0x1, v21;
	v21 =	vor.u32 $0x11, v32  }
.LBB2_7:
0x43d: {  	v0 =	vld [tilespmem:$0x1F000];
	_ =	sdelay $0x4  }
0x43e: {  	v29 =	vadd.f32 v0, v50;
	v0 =	vld [tilespmem:$0x1F020];
	_ =	sdelay $0x4  }
0x43f: {  	v30 =	vadd.f32 v0, v23;
	v0 =	vld [tilespmem:$0x1F010];
	_ =	sdelay $0x4  }
0x440: {  	v50 =	vadd.f32 v0, v27;
	v0 =	vld [tilespmem:$0x1F050];
	_ =	sdelay $0x4  }
0x441: {  	v31 =	vadd.f32 v0, v52;
	v0 =	vld [tilespmem:$0x1F040];
	_ =	sdelay $0x3  }
0x442: {  	v7 =	vld.idx.msk [tilespmem:v26+s26+$0x0], $0xffff  }
0x443: {  	v26 =	vadd.f32 v63, v11;
	v11 =	vadd.f32 v0, v46;
	v0 =	vld [tilespmem:$0x1F090]  }
0x444: {  	v3 =	vld [tilespmem:$0x1F0B0];
	_ =	sdelay $0x2  }
0x445: {  	v46 =	vld.idx.msk [tilespmem:v21+s29+$0x0], $0xffff  }
0x446: {  	v21 =	vadd.f32 v0, v55;
	v0 =	vld [tilespmem:$0x1F080]  }
0x447: {  	v57 =	vadd.f32 v3, v57;
	v3 =	vld [tilespmem:$0x1F0A0]  }
0x448: {  	v9 =	vld [tilespmem:$0x1F0D0];
	_ =	sdelay $0x2  }
0x449: {  	v25 =	vadd.f32 v0, v51;
	v51 =	vld.idx.msk [tilespmem:v17+s29+$0x0], $0xffff  }
0x44a: {  	v17 =	vadd.f32 v3, v54;
	v54 =	vld.idx.msk [tilespmem:v14+s29+$0x0], $0xffff  }
0x44b: {  	v27 =	vor.u32 $0xC, v32;
	v14 =	vadd.f32 v9, v59;
	v9 =	vld [tilespmem:$0x1F0C0]  }
0x44c: {  	v3 =	vor.u32 $0xA, v32;
	_ =	sdelay $0x3  }
0x44d: {  	v34 =	vadd.f32 v9, v56;
	v56 =	vld.idx.msk [tilespmem:v27+s29+$0x0], $0xffff  }
0x44e: {  	v27 =	vld.idx.msk [tilespmem:v3+s29+$0x0], $0xffff  }
0x44f: {  	v3 =	vld [tilespmem:$0x1F140];
	_ =	sdelay $0x4  }
0x450: {  	[tilespmem:$0x1F140] =	vst v3;
	v3 =	vsub.f32 v60, v3;
	_ =	sdelay $0x1  }
0x451: {  	[tilespmem:$0x1ED10] =	vst v3;
	v3 =	vld [tilespmem:$0x1F130];
	_ =	sdelay $0x4  }
0x452: {  	[tilespmem:$0x1F130] =	vst v3;
	v3 =	vsub.f32 v58, v3;
	_ =	sdelay $0x1  }
0x453: {  	v24 =	vor.u32 $0xE, v32;
	[tilespmem:$0x1ED20] =	vst v3;
	v3 =	vld [tilespmem:$0x1F160];
	_ =	sdelay $0x3  }
0x454: {  	v33 =	vor.u32 $0x9, v32  }
0x455: {  	v52 =	vld.idx.msk [tilespmem:v24+s29+$0x0], $0xffff;
	v24 =	vor.u32 $0x8, v32;
	[tilespmem:$0x1F160] =	vst v3;
	v3 =	vsub.f32 v18, v3;
	_ =	sdelay $0x1  }
0x456: {  	[tilespmem:$0x1ECF0] =	vst v3;
	v3 =	vld [tilespmem:$0x1F150]  }
0x457: {  	v12 =	vld [tilespmem:$0x1F180]  }
0x458: {  	[tilespmem:$0x1EC50] =	vst v41;
	v41 =	vld.idx.msk [tilespmem:v33+s29+$0x0], $0xffff  }
0x459: {  	v33 =	vld.idx.msk [tilespmem:v24+s29+$0x0], $0xffff  }
0x45a: {  	v63 =	vor.u32 $0x7, v32;
	v24 =	vld [tilespmem:$0x1F170]  }
0x45b: {  	[tilespmem:$0x1F150] =	vst v3;
	v3 =	vsub.f32 v48, v3;
	_ =	sdelay $0x1  }
0x45c: {  	[tilespmem:$0x1ED00] =	vst v3;
	v3 =	vsub.f32 v62, v12  }
0x45d: {  	[tilespmem:$0x1EC30] =	vst v36  }
0x45e: {  	v36 =	vld.idx.msk [tilespmem:v63+s29+$0x0], $0xffff;
	[tilespmem:$0x1ECD0] =	vst v3;
	v3 =	vsub.f32 v49, v24  }
0x45f: {  	v63 =	vld [tilespmem:$0x1F1A0]  }
0x460: {  	[tilespmem:$0x1ECE0] =	vst v3;
	v3 =	vld [tilespmem:$0x1F3B0];
	_ =	sdelay $0x4  }
0x461: {  	v9 =	vld [tilespmem:$0x1F100];
	v3 =	vsub.f32 v3, v63  }
0x462: {  	v49 =	vld [tilespmem:$0x1F190]  }
0x463: {  	[tilespmem:$0x1ECB0] =	vst v3;
	v3 =	vld [tilespmem:$0x1F370];
	_ =	sdelay $0x4  }
0x464: {  	v7 =	vadd.f32 v9, v7;
	v9 =	vld [tilespmem:$0x1F0F0];
	v3 =	vsub.f32 v3, v49  }
0x465: {  	v10 =	vld [tilespmem:$0x1F1C0]  }
0x466: {  	v23 =	vor.u32 $0xD, v32;
	[tilespmem:$0x1ECC0] =	vst v3;
	v3 =	vld [tilespmem:$0x1F430];
	_ =	sdelay $0x2  }
0x467: {  	v8 =	vadd.f32 v9, v8;
	v9 =	vld [tilespmem:$0x1F210]  }
0x468: {  	v28 =	vld.idx.msk [tilespmem:v28+s31+$0x0], $0xffff  }
0x469: {  	v55 =	vld.idx.msk [tilespmem:v23+s29+$0x0], $0xffff;
	v3 =	vsub.f32 v3, v10  }
0x46a: {  	v58 =	vld [tilespmem:$0x1F1B0]  }
0x46b: {  	[tilespmem:$0x1EC80] =	vst v3;
	v3 =	vld [tilespmem:$0x1F3F0]  }
0x46c: {  	v23 =	vsub.f32 v9, v19;
	v9 =	vld [tilespmem:$0x1F110];
	_ =	sdelay $0x2  }
0x46d: {  	v0 =	vor.u32 $0xB, v32  }
0x46e: {  	v3 =	vsub.f32 v3, v58  }
0x46f: {  	v35 =	vadd.f32 v9, v28;
	v9 =	vld [tilespmem:$0x1F220]  }
0x470: {  	[tilespmem:$0x1ECA0] =	vst v3;
	v3 =	vld [tilespmem:$0x1F1E0];
	_ =	sdelay $0x1  }
0x471: {  	v59 =	vld.idx.msk [tilespmem:v0+s29+$0x0], $0xffff  }
0x472: {  	v0 =	vld [tilespmem:$0x1F120];
	_ =	sdelay $0x1  }
0x473: {  	v16 =	vsub.f32 v9, v19;
	v9 =	vsub.f32 v39, v3  }
0x474: {  	v13 =	vld [tilespmem:$0x1F460]  }
0x475: {  	[tilespmem:$0x1EC60] =	vst v9;
	v9 =	vld [tilespmem:$0x1F1D0]  }
0x476: {  	v20 =	vmov v45;
	v45 =	vor.u32 $0x3, v32;
	[tilespmem:$0x1F120] =	vst v0;
	v0 =	vsub.f32 v40, v0;
	_ =	sdelay $0x1  }
0x477: {  	[tilespmem:$0x1ED30] =	vst v0;
	v0 =	vor.u32 $0x5, v32;
	_ =	sdelay $0x1  }
0x478: {  	v40 =	vor.u32 $0x4, v32;
	v13 =	vsub.f32 v13, v9  }
0x479: {  	v45 =	vld.idx.msk [tilespmem:v45+s29+$0x0], $0xffff;
	v48 =	vor.u32 $0x1, v32  }
0x47a: {  	[tilespmem:$0x1EC70] =	vst v13;
	v13 =	vld [tilespmem:$0x1F510]  }
0x47b: {  	[tilespmem:$0x1EC90] =	vst v53;
	v53 =	vor.u32 $0x6, v32;
	v0 =	vld.idx.msk [tilespmem:v0+s29+$0x0], $0xffff;
	v32 =	vor.u32 $0x2, v32  }
0x47c: {  	v18 =	vld [tilespmem:$0x1F4D0]  }
0x47d: {  	v62 =	vld.idx.msk [tilespmem:v40+s29+$0x0], $0xffff  }
0x47e: {  	v48 =	vld.idx.msk [tilespmem:v48+s29+$0x0], $0xffff  }
0x47f: {  	v28 =	vsub.f32 v13, v46;
	v13 =	vld [tilespmem:$0x1F1F0]  }
0x480: {  	v32 =	vld.idx.msk [tilespmem:v32+s29+$0x0], $0xffff;
	_ =	sdelay $0x1  }
0x481: {  	v57 =	vsub.f32 v57, v45;
	v31 =	vsub.f32 v31, v0  }
0x482: {  	v7 =	vsub.f32 v7, v48;
	v35 =	vsub.f32 v35, v48  }
0x483: {  	[tilespmem:$0x1EC40] =	vst v37;
	v23 =	vand.u32 $0x7FFFFFFF, v23;
	v37 =	vsub.f32 v18, v13;
	v18 =	vsub.f32 v2, v51;
	v2 =	vld [tilespmem:$0x1EFA0]  }
0x484: {  	v16 =	vand.u32 $0x7FFFFFFF, v16;
	v21 =	vsub.f32 v21, v62;
	v14 =	vsub.f32 v14, v32  }
0x485: {  	v8 =	vsub.f32 v8, v32;
	v7 =	vand.u32 $0x7FFFFFFF, v7;
	v48 =	vand.u32 $0x7FFFFFFF, v35  }
0x486: {  	v7 =	vadd.f32 v7, v23;
	v16 =	vadd.f32 v48, v16  }
0x487: {  	v14 =	vand.u32 $0x7FFFFFFF, v14;
	v8 =	vand.u32 $0x7FFFFFFF, v8;
	v23 =	vsub.f32 v34, v45  }
0x488: {  	v53 =	vld.idx.msk [tilespmem:v53+s29+$0x0], $0xffff;
	v7 =	vadd.f32 v14, v7;
	v8 =	vadd.f32 v8, v16  }
0x489: {  	v17 =	vsub.f32 v17, v62;
	v14 =	vand.u32 $0x7FFFFFFF, v57;
	v16 =	vand.u32 $0x7FFFFFFF, v23  }
0x48a: {  	s16 =	sshra.s32 s5, $0x2;
	v7 =	vadd.f32 v14, v7;
	v8 =	vadd.f32 v16, v8  }
0x48b: {  	v14 =	vand.u32 $0x7FFFFFFF, v21;
	v39 =	vsub.f32 v42, v52;
	v42 =	vsub.f32 v44, v56;
	v44 =	vld.idx.msk [tilespmem:v2+s16+$0x0 ss:$0x1], $0xffff  }
0x48c: {  	v0 =	vsub.f32 v25, v0;
	v16 =	vand.u32 $0x7FFFFFFF, v17;
	v7 =	vadd.f32 v14, v7;
	v2 =	vld [tilespmem:$0x1EFB0]  }
0x48d: {  	v30 =	vsub.f32 v30, v53;
	v8 =	vadd.f32 v16, v8;
	v14 =	vand.u32 $0x7FFFFFFF, v31  }
0x48e: {  	v0 =	vand.u32 $0x7FFFFFFF, v0;
	v7 =	vadd.f32 v14, v7  }
0x48f: {  	v29 =	vsub.f32 v29, v36;
	v0 =	vadd.f32 v0, v8;
	v8 =	vand.u32 $0x7FFFFFFF, v30  }
0x490: {  	v11 =	vsub.f32 v11, v53;
	v7 =	vadd.f32 v8, v7  }
0x491: {  	v47 =	vsub.f32 v47, v33;
	v8 =	vand.u32 $0x7FFFFFFF, v29  }
0x492: {  	v11 =	vand.u32 $0x7FFFFFFF, v11;
	v14 =	vsub.f32 v50, v36;
	v7 =	vadd.f32 v8, v7  }
0x493: {  	v4 =	vsub.f32 v4, v41;
	v0 =	vadd.f32 v11, v0;
	v8 =	vand.u32 $0x7FFFFFFF, v47  }
0x494: {  	v11 =	vand.u32 $0x7FFFFFFF, v14;
	v14 =	vsub.f32 v26, v33;
	v7 =	vadd.f32 v8, v7;
	v60 =	vld.idx.msk [tilespmem:v2+s16+$0x0 ss:$0x1], $0xffff  }
0x495: {  	v4 =	vand.u32 $0x7FFFFFFF, v4;
	v15 =	vsub.f32 v15, v27;
	v0 =	vadd.f32 v11, v0;
	v2 =	vld [tilespmem:$0x1F5E0]  }
0x496: {  	v11 =	vand.u32 $0x7FFFFFFF, v14;
	v14 =	vsub.f32 v5, v41;
	v4 =	vadd.f32 v4, v7  }
0x497: {  	v38 =	vsub.f32 v38, v59;
	v0 =	vadd.f32 v11, v0;
	v7 =	vand.u32 $0x7FFFFFFF, v15  }
0x498: {  	v8 =	vand.u32 $0x7FFFFFFF, v14;
	v4 =	vadd.f32 v7, v4  }
0x499: {  	v11 =	vsub.f32 v61, v27;
	v0 =	vadd.f32 v8, v0;
	v7 =	vand.u32 $0x7FFFFFFF, v38  }
0x49a: {  	v4 =	vadd.f32 v7, v4;
	v7 =	vsub.f32 v2, v55;
	v2 =	vld [tilespmem:$0x1EC30]  }
0x49b: {  	v6 =	vsub.f32 v6, v59;
	v8 =	vand.u32 $0x7FFFFFFF, v11  }
0x49c: {  	v1 =	vsub.f32 v1, v56;
	v0 =	vadd.f32 v8, v0  }
0x49d: {  	v6 =	vand.u32 $0x7FFFFFFF, v6  }
0x49e: {  	v1 =	vand.u32 $0x7FFFFFFF, v1;
	v0 =	vadd.f32 v6, v0;
	v6 =	vand.u32 $0x7FFFFFFF, v42  }
0x49f: {  	v4 =	vadd.f32 v6, v4;
	v6 =	vand.u32 $0x7FFFFFFF, v7;
	v7 =	vsub.f32 v2, v52;
	v2 =	vld [tilespmem:$0x1EC40]  }
0x4a0: {  	v0 =	vadd.f32 v1, v0;
	_ =	sdelay $0x1  }
0x4a1: {  	v0 =	vadd.f32 v6, v0;
	v6 =	vand.u32 $0x7FFFFFFF, v7;
	v7 =	vsub.f32 v20, v54;
	_ =	sdelay $0x1  }
0x4a2: {  	v0 =	vadd.f32 v6, v0;
	v6 =	vand.u32 $0x7FFFFFFF, v7;
	v7 =	vsub.f32 v2, v51;
	v2 =	vld [tilespmem:$0x1F550];
	_ =	sdelay $0x4  }
0x4a3: {  	v0 =	vadd.f32 v6, v0;
	v6 =	vand.u32 $0x7FFFFFFF, v7;
	v7 =	vsub.f32 v2, v46;
	v2 =	vld [tilespmem:$0x1EC50]  }
0x4a4: {  	v43 =	vsub.f32 v43, v55;
	_ =	sdelay $0x1  }
0x4a5: {  	v1 =	vand.u32 $0x7FFFFFFF, v43  }
0x4a6: {  	v1 =	vadd.f32 v1, v4  }
0x4a7: {  	v0 =	vadd.f32 v6, v0;
	v6 =	vand.u32 $0x7FFFFFFF, v7;
	v7 =	vsub.f32 v2, v13;
	v2 =	vld [tilespmem:$0x1F4F0]  }
0x4a8: {  	v40 =	vsub.f32 v22, v54;
	v4 =	vand.u32 $0x7FFFFFFF, v39  }
0x4a9: {  	v1 =	vadd.f32 v4, v1  }
0x4aa: {  	v4 =	vand.u32 $0x7FFFFFFF, v40  }
0x4ab: {  	v1 =	vadd.f32 v4, v1  }
0x4ac: {  	v4 =	vand.u32 $0x7FFFFFFF, v18;
	v0 =	vadd.f32 v6, v0;
	v6 =	vsub.f32 v2, v3;
	v2 =	vld [tilespmem:$0x1EC60]  }
0x4ad: {  	v1 =	vadd.f32 v4, v1  }
0x4ae: {  	v4 =	vand.u32 $0x7FFFFFFF, v28  }
0x4af: {  	v1 =	vadd.f32 v4, v1  }
0x4b0: {  	v4 =	vand.u32 $0x7FFFFFFF, v37  }
0x4b1: {  	v1 =	vadd.f32 v4, v1;
	v4 =	vand.u32 $0x7FFFFFFF, v2;
	v2 =	vld [tilespmem:$0x1F4B0];
	_ =	sdelay $0x3  }
0x4b2: {  	v5 =	vand.u32 $0x7FFFFFFF, v7  }
0x4b3: {  	v0 =	vadd.f32 v5, v0;
	v5 =	vand.u32 $0x7FFFFFFF, v6;
	v6 =	vsub.f32 v2, v9;
	v2 =	vld [tilespmem:$0x1F030];
	_ =	sdelay $0x7  }
0x4b4: {  	v7 =	vld.idx.msk [tilespmem:v2+s16+$0x0 ss:$0x1], $0xffff  }
0x4b5: {  	v2 =	vld [tilespmem:$0x1EC70];
	_ =	sdelay $0x4  }
0x4b6: {  	v1 =	vadd.f32 v4, v1;
	v4 =	vand.u32 $0x7FFFFFFF, v2;
	v2 =	vld [tilespmem:$0x1F480];
	_ =	sdelay $0x4  }
0x4b7: {  	v0 =	vadd.f32 v5, v0;
	v5 =	vand.u32 $0x7FFFFFFF, v6;
	v6 =	vsub.f32 v2, v10;
	v2 =	vld [tilespmem:$0x1F060];
	_ =	sdelay $0x7  }
0x4b8: {  	v8 =	vld.idx.msk [tilespmem:v2+s16+$0x0 ss:$0x1], $0xffff  }
0x4b9: {  	v2 =	vld [tilespmem:$0x1F070];
	_ =	sdelay $0x7  }
0x4ba: {  	v15 =	vld.idx.msk [tilespmem:v2+s16+$0x0 ss:$0x1], $0xffff  }
0x4bb: {  	v2 =	vld [tilespmem:$0x1EC80];
	_ =	sdelay $0x2  }
0x4bc: {  	v17 =	vshll.u32 v60, $0x3  }
0x4bd: {  	v48 =	vand.u32 $0x7F, v60;
	v17 =	vand.u32 $0xFFFFFC00, v17  }
0x4be: {  	v32 =	vor.u32 v48, v17;
	v1 =	vadd.f32 v4, v1;
	v4 =	vand.u32 $0x7FFFFFFF, v2;
	v2 =	vld [tilespmem:$0x1EC90];
	_ =	sdelay $0x4  }
0x4bf: {  	v0 =	vadd.f32 v5, v0;
	v5 =	vand.u32 $0x7FFFFFFF, v6;
	v6 =	vsub.f32 v2, v58;
	v2 =	vld.idx.msk [tilespmem:v32+s12+$0x0], $0xffff;
	_ =	sdelay $0x4  }
0x4c0: {  	[tilespmem:$0x1ED40] =	vst v2;
	v2 =	vld [tilespmem:$0x1ECA0]  }
0x4c1: {  	v11 =	vadd.s32 $0x6380, v32;
	_ =	sdelay $0x2  }
0x4c2: {  	v1 =	vadd.f32 v4, v1  }
0x4c3: {  	v2 =	vand.u32 $0x7FFFFFFF, v2  }
0x4c4: {  	v1 =	vadd.f32 v2, v1;
	v2 =	vld.idx.msk [tilespmem:v11+s12+$0x0], $0xffff;
	_ =	sdelay $0x4  }
0x4c5: {  	[tilespmem:$0x1ED70] =	vst v2;
	v2 =	vld [tilespmem:$0x1ECB0]  }
0x4c6: {  	v17 =	vadd.s32 $0x6300, v32;
	_ =	sdelay $0x3  }
0x4c7: {  	v2 =	vand.u32 $0x7FFFFFFF, v2  }
0x4c8: {  	v1 =	vadd.f32 v2, v1;
	v2 =	vld.idx.msk [tilespmem:v17+s12+$0x0], $0xffff;
	_ =	sdelay $0x4  }
0x4c9: {  	[tilespmem:$0x1ED90] =	vst v2;
	v2 =	vld [tilespmem:$0x1ECC0]  }
0x4ca: {  	v21 =	vadd.s32 $0x6280, v32;
	_ =	sdelay $0x3  }
0x4cb: {  	v2 =	vand.u32 $0x7FFFFFFF, v2  }
0x4cc: {  	v1 =	vadd.f32 v2, v1;
	v2 =	vld.idx.msk [tilespmem:v21+s12+$0x0], $0xffff;
	_ =	sdelay $0x4  }
0x4cd: {  	[tilespmem:$0x1EDB0] =	vst v2;
	v2 =	vld [tilespmem:$0x1ECD0]  }
0x4ce: {  	v18 =	vadd.s32 $0x6200, v32  }
0x4cf: {  	v23 =	vshll.u32 v44, $0x3  }
0x4d0: {  	v35 =	vand.u32 $0x7F, v44;
	v16 =	vand.u32 $0xFFFFFC00, v23  }
0x4d1: {  	v16 =	vor.u32 v35, v16  }
0x4d2: {  	v26 =	vadd.s32 $0x6380, v16;
	v3 =	vld [tilespmem:$0x1F410];
	v2 =	vand.u32 $0x7FFFFFFF, v2  }
0x4d3: {  	v1 =	vadd.f32 v2, v1;
	v2 =	vld.idx.msk [tilespmem:v18+s12+$0x0], $0xffff;
	_ =	sdelay $0x3  }
0x4d4: {  	v0 =	vadd.f32 v5, v0;
	v5 =	vsub.f32 v3, v63;
	v3 =	vld.idx.msk [tilespmem:v26+s12+$0x0], $0xffff  }
0x4d5: {  	[tilespmem:$0x1EDD0] =	vst v2;
	v2 =	vld [tilespmem:$0x1ECE0]  }
0x4d6: {  	v25 =	vadd.s32 $0x6180, v32;
	_ =	sdelay $0x2  }
0x4d7: {  	v14 =	vadd.s32 $0x6300, v16;
	[tilespmem:$0x1ED50] =	vst v3;
	v3 =	vld [tilespmem:$0x1F3D0]  }
0x4d8: {  	v2 =	vand.u32 $0x7FFFFFFF, v2  }
0x4d9: {  	v1 =	vadd.f32 v2, v1;
	v2 =	vld.idx.msk [tilespmem:v25+s12+$0x0], $0xffff;
	_ =	sdelay $0x1  }
0x4da: {  	v4 =	vand.u32 $0x7FFFFFFF, v6  }
0x4db: {  	v0 =	vadd.f32 v4, v0;
	v4 =	vand.u32 $0x7FFFFFFF, v5;
	v5 =	vsub.f32 v3, v49;
	v3 =	vld.idx.msk [tilespmem:v14+s12+$0x0], $0xffff;
	_ =	sdelay $0x1  }
0x4dc: {  	v23 =	vadd.s32 $0x6200, v16;
	[tilespmem:$0x1EDF0] =	vst v2;
	v2 =	vld [tilespmem:$0x1ECF0]  }
0x4dd: {  	v10 =	vadd.s32 $0x6100, v32;
	_ =	sdelay $0x1  }
0x4de: {  	v19 =	vadd.s32 $0x6280, v16;
	[tilespmem:$0x1ED60] =	vst v3;
	v3 =	vld [tilespmem:$0x1F390];
	_ =	sdelay $0x1  }
0x4df: {  	v9 =	vld.idx.msk [tilespmem:v23+s12+$0x0], $0xffff;
	v0 =	vadd.f32 v4, v0;
	v2 =	vand.u32 $0x7FFFFFFF, v2  }
0x4e0: {  	v4 =	vand.u32 $0x7FFFFFFF, v5;
	v1 =	vadd.f32 v2, v1;
	v2 =	vld.idx.msk [tilespmem:v10+s12+$0x0], $0xffff  }
0x4e1: {  	v0 =	vadd.f32 v4, v0;
	v4 =	vld [tilespmem:$0x1F350]  }
0x4e2: {  	v5 =	vsub.f32 v3, v12;
	v3 =	vld.idx.msk [tilespmem:v19+s12+$0x0], $0xffff;
	_ =	sdelay $0x2  }
0x4e3: {  	[tilespmem:$0x1EE10] =	vst v2;
	v2 =	vld [tilespmem:$0x1ED00]  }
0x4e4: {  	[tilespmem:$0x1EDA0] =	vst v9;
	v6 =	vadd.s32 $0x6080, v32;
	v4 =	vsub.f32 v4, v24  }
0x4e5: {  	v9 =	vld [tilespmem:$0x1F160];
	[tilespmem:$0x1ED80] =	vst v3;
	v3 =	vand.u32 $0x7FFFFFFF, v5  }
0x4e6: {  	v20 =	vadd.s32 $0x6180, v16;
	v0 =	vadd.f32 v3, v0;
	v3 =	vand.u32 $0x7FFFFFFF, v4;
	v4 =	vld [tilespmem:$0x1F320];
	_ =	sdelay $0x1  }
0x4e7: {  	v2 =	vand.u32 $0x7FFFFFFF, v2  }
0x4e8: {  	v1 =	vadd.f32 v2, v1;
	v2 =	vld.idx.msk [tilespmem:v6+s12+$0x0], $0xffff;
	_ =	sdelay $0x1  }
0x4e9: {  	v4 =	vsub.f32 v4, v9;
	v9 =	vld.idx.msk [tilespmem:v20+s12+$0x0], $0xffff;
	_ =	sdelay $0x2  }
0x4ea: {  	[tilespmem:$0x1EE30] =	vst v2;
	v2 =	vld [tilespmem:$0x1ED10]  }
0x4eb: {  	v13 =	vadd.s32 $0x6000, v32;
	v0 =	vadd.f32 v3, v0;
	v3 =	vand.u32 $0x7FFFFFFF, v4;
	v4 =	vld [tilespmem:$0x1F2F0]  }
0x4ec: {  	v22 =	vadd.s32 $0x6100, v16;
	[tilespmem:$0x1EDC0] =	vst v9;
	v9 =	vld [tilespmem:$0x1F150];
	_ =	sdelay $0x2  }
0x4ed: {  	v2 =	vand.u32 $0x7FFFFFFF, v2  }
0x4ee: {  	v1 =	vadd.f32 v2, v1;
	v2 =	vld.idx.msk [tilespmem:v13+s12+$0x0], $0xffff  }
0x4ef: {  	v4 =	vsub.f32 v4, v9;
	v9 =	vld.idx.msk [tilespmem:v22+s12+$0x0], $0xffff;
	_ =	sdelay $0x2  }
0x4f0: {  	v0 =	vadd.f32 v3, v0;
	v3 =	vand.u32 $0x7FFFFFFF, v4;
	v4 =	vld [tilespmem:$0x1F2C0]  }
0x4f1: {  	v27 =	vadd.s32 $0x6080, v16;
	[tilespmem:$0x1EE50] =	vst v2;
	v2 =	vld [tilespmem:$0x1ED20]  }
0x4f2: {  	v14 =	vadd.s32 $0x4380, v32;
	[tilespmem:$0x1EDE0] =	vst v9;
	v9 =	vld [tilespmem:$0x1F140];
	_ =	sdelay $0x3  }
0x4f3: {  	v11 =	vadd.s32 $0x6000, v16;
	v10 =	vld.idx.msk [tilespmem:v27+s12+$0x0], $0xffff;
	v2 =	vand.u32 $0x7FFFFFFF, v2  }
0x4f4: {  	v4 =	vsub.f32 v4, v9;
	v1 =	vadd.f32 v2, v1;
	v2 =	vld.idx.msk [tilespmem:v14+s12+$0x0], $0xffff;
	_ =	sdelay $0x1  }
0x4f5: {  	v0 =	vadd.f32 v3, v0;
	v3 =	vand.u32 $0x7FFFFFFF, v4;
	v4 =	vld [tilespmem:$0x1F290]  }
0x4f6: {  	v6 =	vld [tilespmem:$0x1F130]  }
0x4f7: {  	[tilespmem:$0x1EE00] =	vst v10;
	v10 =	vld.idx.msk [tilespmem:v11+s12+$0x0], $0xffff  }
0x4f8: {  	[tilespmem:$0x1EE70] =	vst v2;
	v2 =	vld [tilespmem:$0x1ED30]  }
0x4f9: {  	v9 =	vadd.s32 $0x4300, v32;
	_ =	sdelay $0x1  }
0x4fa: {  	v4 =	vsub.f32 v4, v6  }
0x4fb: {  	[tilespmem:$0x1EE20] =	vst v10;
	v10 =	vld [tilespmem:$0x1F120]  }
0x4fc: {  	v0 =	vadd.f32 v3, v0;
	v3 =	vand.u32 $0x7FFFFFFF, v4;
	v4 =	vld [tilespmem:$0x1F260];
	v2 =	vand.u32 $0x7FFFFFFF, v2  }
0x4fd: {  	v6 =	vadd.s32 $0x4280, v16;
	v1 =	vadd.f32 v2, v1;
	v2 =	vld.idx.msk [tilespmem:v9+s12+$0x0], $0xffff;
	_ =	sdelay $0x3  }
0x4fe: {  	v5 =	vadd.s32 $0x4380, v16  }
0x4ff: {  	v4 =	vsub.f32 v4, v10;
	v10 =	vadd.s32 $0x4280, v32;
	[tilespmem:$0x1EE90] =	vst v2;
	v2 =	vld.idx.msk [tilespmem:v6+s12+$0x0], $0xffff;
	_ =	sdelay $0x3  }
0x500: {  	v5 =	vld.idx.msk [tilespmem:v5+s12+$0x0], $0xffff  }
0x501: {  	v0 =	vadd.f32 v3, v0;
	v3 =	vadd.s32 $0x4200, v16;
	[tilespmem:$0x1EE80] =	vst v2;
	v2 =	vld.idx.msk [tilespmem:v10+s12+$0x0], $0xffff;
	_ =	sdelay $0x3  }
0x502: {  	[tilespmem:$0x1EE40] =	vst v5  }
0x503: {  	v5 =	vadd.s32 $0x4200, v32;
	[tilespmem:$0x1EEB0] =	vst v2;
	v2 =	vld.idx.msk [tilespmem:v3+s12+$0x0], $0xffff;
	_ =	sdelay $0x4  }
0x504: {  	v9 =	vadd.s32 $0x4180, v32;
	[tilespmem:$0x1EEA0] =	vst v2;
	v2 =	vld.idx.msk [tilespmem:v5+s12+$0x0], $0xffff;
	_ =	sdelay $0x4  }
0x505: {  	[tilespmem:$0x1EEC0] =	vst v2;
	v2 =	vld.idx.msk [tilespmem:v9+s12+$0x0], $0xffff  }
0x506: {  	v17 =	vadd.s32 $0x4300, v16  }
0x507: {  	v4 =	vand.u32 $0x7FFFFFFF, v4  }
0x508: {  	v0 =	vadd.f32 v4, v0;
	_ =	sdelay $0x1  }
0x509: {  	v0 =	vsub.f32 v1, v0;
	[tilespmem:$0x1EEE0] =	vst v2;
	v2 =	vld [tilespmem:$0x1F200]  }
0x50a: {  	v11 =	vld.idx.msk [tilespmem:v17+s12+$0x0], $0xffff  }
0x50b: {  	v0 =	vadd.f32 $1.000000000e+00, v0;
	v6 =	vadd.s32 $0x4100, v32;
	_ =	sdelay $0x1  }
0x50c: {  	v0 =	vmax.f32 v0, $0.0e+00  }
0x50d: {  	v2 =	vadd.f32 v0, v2  }
0x50e: {  	[tilespmem:$0x1EE60] =	vst v11  }
0x50f: {  	v11 =	vadd.s32 $0x4080, v16;
	[tilespmem:$0x1F200] =	vst v2;
	v2 =	vld.idx.msk [tilespmem:v6+s12+$0x0], $0xffff;
	_ =	sdelay $0x2  }
0x510: {  	v1 =	vadd.s32 $0x4100, v16  }
0x511: {  	v4 =	vadd.s32 $0x4180, v16  }
0x512: {  	v12 =	vadd.s32 $0x4080, v32;
	[tilespmem:$0x1EF00] =	vst v2;
	v2 =	vld.idx.msk [tilespmem:v11+s12+$0x0], $0xffff;
	_ =	sdelay $0x2  }
0x513: {  	v1 =	vld.idx.msk [tilespmem:v1+s12+$0x0], $0xffff  }
0x514: {  	v27 =	vld.idx.msk [tilespmem:v4+s12+$0x0], $0xffff  }
0x515: {  	v4 =	vadd.s32 $0x4000, v16;
	[tilespmem:$0x1EEF0] =	vst v2;
	v2 =	vld.idx.msk [tilespmem:v12+s12+$0x0], $0xffff;
	_ =	sdelay $0x2  }
0x516: {  	[tilespmem:$0x1EED0] =	vst v1;
	v1 =	vadd.s32 $0x2380, v16;
	_ =	sdelay $0x1  }
0x517: {  	v6 =	vadd.s32 $0x2380, v32;
	[tilespmem:$0x1EF20] =	vst v2;
	v2 =	vld.idx.msk [tilespmem:v4+s12+$0x0], $0xffff;
	_ =	sdelay $0x2  }
0x518: {  	v34 =	vld.idx.msk [tilespmem:v1+s12+$0x0], $0xffff;
	v1 =	vadd.s32 $0x2200, v16  }
0x519: {  	v12 =	vadd.s32 $0x2200, v32  }
0x51a: {  	v11 =	vadd.s32 $0x2300, v32;
	[tilespmem:$0x1EF10] =	vst v2;
	v2 =	vld.idx.msk [tilespmem:v6+s12+$0x0], $0xffff;
	_ =	sdelay $0x2  }
0x51b: {  	v28 =	vld.idx.msk [tilespmem:v1+s12+$0x0], $0xffff;
	v0 =	vadd.s32 $0x4000, v32  }
0x51c: {  	v1 =	vld.idx.msk [tilespmem:v12+s12+$0x0], $0xffff  }
0x51d: {  	[tilespmem:$0x1EF40] =	vst v2;
	v2 =	vld.idx.msk [tilespmem:v11+s12+$0x0], $0xffff;
	v11 =	vadd.s32 $0x2180, v32;
	_ =	sdelay $0x2  }
0x51e: {  	v0 =	vld.idx.msk [tilespmem:v0+s12+$0x0], $0xffff;
	_ =	sdelay $0x1  }
0x51f: {  	v12 =	vadd.s32 $0x2080, v32;
	[tilespmem:$0x1EF70] =	vst v1;
	v1 =	vld.idx.msk [tilespmem:v11+s12+$0x0], $0xffff;
	_ =	sdelay $0x2  }
0x520: {  	[tilespmem:$0x1EF30] =	vst v0;
	v0 =	vadd.s32 $0x2280, v32  }
0x521: {  	v14 =	vadd.s32 $0x2080, v16  }
0x522: {  	v17 =	vor.u32 $0x380, v16;
	[tilespmem:$0x1EF80] =	vst v1;
	v1 =	vld.idx.msk [tilespmem:v12+s12+$0x0], $0xffff;
	_ =	sdelay $0x2  }
0x523: {  	v0 =	vld.idx.msk [tilespmem:v0+s12+$0x0], $0xffff  }
0x524: {  	v24 =	vld.idx.msk [tilespmem:v14+s12+$0x0], $0xffff;
	v9 =	vadd.s32 $0x2300, v16  }
0x525: {  	v14 =	vor.u32 $0x300, v16;
	[tilespmem:$0x1EF90] =	vst v1;
	v1 =	vld.idx.msk [tilespmem:v17+s12+$0x0], $0xffff;
	_ =	sdelay $0x2  }
0x526: {  	[tilespmem:$0x1EF60] =	vst v0;
	v0 =	vadd.s32 $0x2100, v32  }
0x527: {  	v33 =	vld.idx.msk [tilespmem:v9+s12+$0x0], $0xffff;
	v9 =	vadd.s32 $0x2180, v16  }
0x528: {  	v12 =	vor.u32 $0x300, v32;
	[tilespmem:$0x1F000] =	vst v1;
	v1 =	vld.idx.msk [tilespmem:v14+s12+$0x0], $0xffff;
	_ =	sdelay $0x2  }
0x529: {  	v31 =	vld.idx.msk [tilespmem:v0+s12+$0x0], $0xffff;
	v0 =	vor.u32 $0x380, v32  }
0x52a: {  	v30 =	vld.idx.msk [tilespmem:v9+s12+$0x0], $0xffff;
	v9 =	vadd.s32 $0x2000, v16  }
0x52b: {  	[tilespmem:$0x1F020] =	vst v1;
	v1 =	vld.idx.msk [tilespmem:v12+s12+$0x0], $0xffff;
	_ =	sdelay $0x2  }
0x52c: {  	v0 =	vld.idx.msk [tilespmem:v0+s12+$0x0], $0xffff  }
0x52d: {  	v47 =	vld.idx.msk [tilespmem:v9+s12+$0x0], $0xffff;
	v11 =	vadd.s32 $0x2000, v32  }
0x52e: {  	v9 =	vor.u32 $0x280, v16;
	[tilespmem:$0x1F040] =	vst v1;
	v1 =	vld [tilespmem:$0x1FFF0];
	_ =	sdelay $0x1  }
0x52f: {  	s8 =	sadd.s32 $0x10, s8  }
0x530: {  	[tilespmem:$0x1F010] =	vst v0;
	v0 =	vmov s8  }
0x531: {  	v0 =	vshll.u32 v0, $0x7;
	v13 =	vld.idx.msk [tilespmem:v11+s12+$0x0], $0xffff  }
0x532: {  	v11 =	vor.u32 $0x280, v32;
	v0 =	vor.u32 v1, v0;
	v1 =	vld.idx.msk [tilespmem:v9+s12+$0x0], $0xffff;
	_ =	sdelay $0x4  }
0x533: {  	v17 =	vor.u32 $0x200, v16;
	[tilespmem:$0x1F050] =	vst v1;
	v1 =	vld.idx.msk [tilespmem:v11+s12+$0x0], $0xffff  }
0x534: {  	v4 =	vadd.s32 $0x2280, v16;
	_ =	sdelay $0x3  }
0x535: {  	v23 =	vor.u32 $0x100, v32;
	v20 =	vor.u32 $0x200, v32;
	[tilespmem:$0x1F080] =	vst v1;
	v1 =	vld.idx.msk [tilespmem:v17+s12+$0x0], $0xffff  }
0x536: {  	v7 =	vshra.s32 v7, $0xD;
	v8 =	vshra.s32 v8, $0xD;
	v26 =	vld.idx.msk [tilespmem:v4+s12+$0x0], $0xffff;
	v4 =	vadd.s32 $0x2100, v16  }
0x537: {  	v14 =	vor.u32 $0x180, v16;
	v11 =	vshra.s32 v15, $0xD;
	v15 =	vand.u32 $0x60, v7  }
0x538: {  	v7 =	vand.u32 $0xFFFFFF80, v7;
	v17 =	vand.u32 $0x60, v8;
	v8 =	vand.u32 $0xFFFFFF80, v8  }
0x539: {  	v12 =	vor.u32 $0x180, v32;
	v7 =	vadd.s32 v0, v7;
	v8 =	vadd.s32 v0, v8  }
0x53a: {  	[tilespmem:$0x1F090] =	vst v1;
	v1 =	vld.idx.msk [tilespmem:v20+s12+$0x0], $0xffff;
	v20 =	vor.u32 $0x80, v32;
	v32 =	vor.u32 v15, v7;
	v7 =	vand.u32 $0xFFFFFF80, v11  }
0x53b: {  	v36 =	vld.idx.msk [tilespmem:v16+s12+$0x0], $0xffff;
	v21 =	vor.u32 v17, v8;
	v8 =	vand.u32 $0x60, v11;
	v0 =	vadd.s32 v0, v7  }
0x53c: {  	v9 =	vor.u32 $0x100, v16;
	v16 =	vor.u32 $0x80, v16;
	v38 =	vor.u32 v8, v0;
	v0 =	vld.idx.msk [tilespmem:v23+s12+$0x0], $0xffff;
	_ =	sdelay $0x4  }
0x53d: {  	[tilespmem:$0x1F0F0] =	vst v0;
	v0 =	vld.idx.msk [tilespmem:v16+s12+$0x0], $0xffff;
	_ =	sdelay $0x3  }
0x53e: {  	[tilespmem:$0x1F0A0] =	vst v1;
	v1 =	vld.idx.msk [tilespmem:v14+s12+$0x0], $0xffff  }
0x53f: {  	[tilespmem:$0x1F100] =	vst v0;
	v0 =	vor.u32 $0x1F, v32;
	_ =	sdelay $0x3  }
0x540: {  	[tilespmem:$0x1F0B0] =	vst v1;
	v1 =	vld.idx.msk [tilespmem:v12+s12+$0x0], $0xffff  }
0x541: {  	v7 =	vor.u32 $0x1E, v32;
	v0 =	vld.idx.msk [tilespmem:v0+s29+$0x0], $0xffff;
	_ =	sdelay $0x3  }
0x542: {  	[tilespmem:$0x1F0C0] =	vst v1;
	v1 =	vld.idx.msk [tilespmem:v9+s12+$0x0], $0xffff  }
0x543: {  	[tilespmem:$0x1F120] =	vst v0;
	v0 =	vld.idx.msk [tilespmem:v7+s29+$0x0], $0xffff;
	_ =	sdelay $0x3  }
0x544: {  	v14 =	vor.u32 $0x1D, v32;
	[tilespmem:$0x1F0D0] =	vst v1;
	v1 =	vld.idx.msk [tilespmem:v20+s12+$0x0], $0xffff  }
0x545: {  	[tilespmem:$0x1F130] =	vst v0;
	v0 =	vor.u32 $0x1E, v38  }
0x546: {  	v7 =	vor.u32 $0x1C, v32;
	_ =	sdelay $0x2  }
0x547: {  	[tilespmem:$0x1F110] =	vst v1;
	v1 =	vld.idx.msk [tilespmem:v14+s29+$0x0], $0xffff  }
0x548: {  	v14 =	vld.idx.msk [tilespmem:v0+s31+$0x0], $0xffff  }
0x549: {  	v0 =	vld.idx.msk [tilespmem:v7+s29+$0x0], $0xffff;
	_ =	sdelay $0x4  }
0x54a: {  	[tilespmem:$0x1F150] =	vst v0;
	v0 =	vor.u32 $0x1C, v38  }
0x54b: {  	v7 =	vor.u32 $0x1A, v32;
	_ =	sdelay $0x3  }
0x54c: {  	v43 =	vld.idx.msk [tilespmem:v0+s31+$0x0], $0xffff  }
0x54d: {  	v59 =	vor.u32 $0x18, v21;
	v0 =	vld.idx.msk [tilespmem:v7+s29+$0x0], $0xffff  }
0x54e: {  	v11 =	vor.u32 $0x1F, v38;
	v12 =	vld.idx.msk [tilespmem:v21+s26+$0x0], $0xffff;
	_ =	sdelay $0x1  }
0x54f: {  	v18 =	vld [tilespmem:$0x1ED90]  }
0x550: {  	v29 =	vld.idx.msk [tilespmem:v4+s12+$0x0], $0xffff;
	v23 =	vor.u32 $0x1B, v32  }
0x551: {  	v51 =	vld.idx.msk [tilespmem:v59+s26+$0x0], $0xffff;
	[tilespmem:$0x1F170] =	vst v0;
	v0 =	vor.u32 $0x1A, v38  }
0x552: {  	v15 =	vld.idx.msk [tilespmem:v11+s31+$0x0], $0xffff;
	v5 =	vadd.f32 v36, v12;
	v7 =	vor.u32 $0x18, v32  }
0x553: {  	v8 =	vor.u32 $0x1F, v21;
	v9 =	vld.idx.msk [tilespmem:v38+s31+$0x0], $0xffff  }
0x554: {  	v48 =	vor.u32 $0x15, v38;
	[tilespmem:$0x1F210] =	vst v5;
	v5 =	vld [tilespmem:$0x1ED40]  }
0x555: {  	v11 =	vor.u32 $0x1D, v38;
	[tilespmem:$0x1F140] =	vst v1;
	v1 =	vld.idx.msk [tilespmem:v23+s29+$0x0], $0xffff  }
0x556: {  	v57 =	vor.u32 $0x19, v32;
	v4 =	vld.idx.msk [tilespmem:v0+s31+$0x0], $0xffff  }
0x557: {  	v58 =	vor.u32 $0x17, v32;
	v0 =	vld.idx.msk [tilespmem:v7+s29+$0x0], $0xffff  }
0x558: {  	v25 =	vor.u32 $0x1C, v21;
	v17 =	vld.idx.msk [tilespmem:v8+s26+$0x0], $0xffff  }
0x559: {  	v54 =	vld.idx.msk [tilespmem:v48+s31+$0x0], $0xffff  }
0x55a: {  	v61 =	vor.u32 $0x17, v21;
	v39 =	vld.idx.msk [tilespmem:v11+s31+$0x0], $0xffff  }
0x55b: {  	v40 =	vor.u32 $0x14, v32;
	[tilespmem:$0x1F160] =	vst v1;
	v1 =	vld.idx.msk [tilespmem:v57+s29+$0x0], $0xffff  }
0x55c: {  	v60 =	vor.u32 $0x16, v32;
	v5 =	vadd.f32 v5, v9;
	[tilespmem:$0x1F190] =	vst v0;
	v0 =	vld.idx.msk [tilespmem:v58+s29+$0x0], $0xffff  }
0x55d: {  	v11 =	vld.idx.msk [tilespmem:v25+s26+$0x0], $0xffff;
	v20 =	vor.u32 $0x1E, v21  }
0x55e: {  	[tilespmem:$0x1F220] =	vst v5;
	v5 =	vld [tilespmem:$0x1ED50]  }
0x55f: {  	v57 =	vld.idx.msk [tilespmem:v61+s26+$0x0], $0xffff;
	v61 =	vor.u32 $0x13, v38  }
0x560: {  	[tilespmem:$0x1F180] =	vst v1;
	v1 =	vld.idx.msk [tilespmem:v40+s29+$0x0], $0xffff;
	v40 =	vor.u32 $0xD, v21  }
0x561: {  	[tilespmem:$0x1F1A0] =	vst v0;
	v0 =	vld.idx.msk [tilespmem:v60+s29+$0x0], $0xffff;
	v60 =	vor.u32 $0x14, v38  }
0x562: {  	v48 =	vor.u32 $0xC, v38;
	v20 =	vld.idx.msk [tilespmem:v20+s26+$0x0], $0xffff  }
0x563: {  	v14 =	vadd.f32 v18, v14;
	v18 =	vld [tilespmem:$0x1EDA0]  }
0x564: {  	v59 =	vld.idx.msk [tilespmem:v61+s31+$0x0], $0xffff  }
0x565: {  	v35 =	vor.u32 $0x16, v21;
	v61 =	vld.idx.msk [tilespmem:v40+s26+$0x0], $0xffff  }
0x566: {  	v41 =	vor.u32 $0x15, v21;
	v56 =	vld.idx.msk [tilespmem:v60+s31+$0x0], $0xffff  }
0x567: {  	v8 =	vor.u32 $0x1D, v21;
	v60 =	vld.idx.msk [tilespmem:v48+s31+$0x0], $0xffff  }
0x568: {  	v58 =	vor.u32 $0xE, v21;
	v48 =	vadd.f32 v18, v11;
	v11 =	vld [tilespmem:$0x1EDB0]  }
0x569: {  	v40 =	vadd.f32 v5, v17;
	v5 =	vld [tilespmem:$0x1ED60]  }
0x56a: {  	v49 =	vor.u32 $0x13, v32;
	v55 =	vld.idx.msk [tilespmem:v35+s26+$0x0], $0xffff  }
0x56b: {  	v62 =	vor.u32 $0x17, v38;
	v53 =	vld.idx.msk [tilespmem:v41+s26+$0x0], $0xffff  }
0x56c: {  	v42 =	vld.idx.msk [tilespmem:v8+s26+$0x0], $0xffff;
	v8 =	vor.u32 $0x1B, v21  }
0x56d: {  	v25 =	vor.u32 $0x1A, v21;
	v6 =	vld.idx.msk [tilespmem:v58+s26+$0x0], $0xffff;
	v11 =	vadd.f32 v11, v39  }
0x56e: {  	v58 =	vadd.f32 v5, v20;
	v20 =	vld [tilespmem:$0x1EDD0]  }
0x56f: {  	v3 =	vld.idx.msk [tilespmem:v49+s29+$0x0], $0xffff;
	[tilespmem:$0x1F2C0] =	vst v11;
	v11 =	vor.u32 $0x9, v38  }
0x570: {  	v46 =	vld.idx.msk [tilespmem:v62+s31+$0x0], $0xffff  }
0x571: {  	v49 =	vor.u32 $0xE, v38;
	v50 =	vld.idx.msk [tilespmem:v8+s26+$0x0], $0xffff  }
0x572: {  	v25 =	vld.idx.msk [tilespmem:v25+s26+$0x0], $0xffff;
	v23 =	vor.u32 $0x1B, v38  }
0x573: {  	v20 =	vadd.f32 v20, v43;
	v43 =	vld [tilespmem:$0x1EDE0]  }
0x574: {  	v62 =	vor.u32 $0x11, v21;
	v39 =	vld.idx.msk [tilespmem:v11+s31+$0x0], $0xffff  }
0x575: {  	v8 =	vor.u32 $0x19, v21;
	v11 =	vld [tilespmem:$0x1EE60]  }
0x576: {  	v36 =	vld.idx.msk [tilespmem:v49+s31+$0x0], $0xffff  }
0x577: {  	v44 =	vld.idx.msk [tilespmem:v23+s31+$0x0], $0xffff  }
0x578: {  	v49 =	vadd.f32 v43, v25;
	v25 =	vld [tilespmem:$0x1EDF0]  }
0x579: {  	v41 =	vld.idx.msk [tilespmem:v62+s26+$0x0], $0xffff  }
0x57a: {  	v8 =	vld.idx.msk [tilespmem:v8+s26+$0x0], $0xffff;
	v11 =	vadd.f32 v11, v55  }
0x57b: {  	v5 =	vld [tilespmem:$0x1ED70]  }
0x57c: {  	v62 =	vor.u32 $0xD, v38;
	[tilespmem:$0x1F3F0] =	vst v11;
	v11 =	vld [tilespmem:$0x1EE70]  }
0x57d: {  	v25 =	vadd.f32 v25, v44;
	v44 =	vld [tilespmem:$0x1EE00];
	_ =	sdelay $0x2  }
0x57e: {  	v15 =	vadd.f32 v5, v15  }
0x57f: {  	v10 =	vld.idx.msk [tilespmem:v62+s31+$0x0], $0xffff;
	v11 =	vadd.f32 v11, v46  }
0x580: {  	v37 =	vor.u32 $0x16, v38;
	[tilespmem:$0x1F260] =	vst v15;
	v62 =	vadd.f32 v44, v8;
	v8 =	vld [tilespmem:$0x1EE10]  }
0x581: {  	v15 =	vor.u32 $0xA, v38;
	[tilespmem:$0x1F410] =	vst v11;
	v11 =	vld [tilespmem:$0x1EE80];
	_ =	sdelay $0x2  }
0x582: {  	[tilespmem:$0x1EF50] =	vst v2;
	v2 =	vor.u32 $0x13, v21  }
0x583: {  	v52 =	vld.idx.msk [tilespmem:v37+s31+$0x0], $0xffff  }
0x584: {  	v4 =	vadd.f32 v8, v4;
	v8 =	vld.idx.msk [tilespmem:v15+s31+$0x0], $0xffff;
	v11 =	vadd.f32 v11, v53  }
0x585: {  	v23 =	vor.u32 $0x19, v38;
	[tilespmem:$0x1F320] =	vst v25;
	v15 =	vld [tilespmem:$0x1EE20]  }
0x586: {  	v25 =	vor.u32 $0x8, v38;
	[tilespmem:$0x1F430] =	vst v11;
	v11 =	vld [tilespmem:$0x1EE90]  }
0x587: {  	v2 =	vld.idx.msk [tilespmem:v2+s26+$0x0], $0xffff;
	_ =	sdelay $0x2  }
0x588: {  	v23 =	vld.idx.msk [tilespmem:v23+s31+$0x0], $0xffff  }
0x589: {  	[tilespmem:$0x1F1E0] =	vst v3;
	v3 =	vor.u32 $0x12, v21;
	v15 =	vadd.f32 v15, v51;
	v53 =	vadd.f32 v11, v52;
	v11 =	vld.idx.msk [tilespmem:v25+s31+$0x0], $0xffff  }
0x58a: {  	v63 =	vor.u32 $0x15, v32;
	v25 =	vadd.f32 v27, v2;
	v2 =	vld [tilespmem:$0x1EEC0]  }
0x58b: {  	[tilespmem:$0x1F370] =	vst v15;
	v15 =	vld [tilespmem:$0x1EE30];
	_ =	sdelay $0x2  }
0x58c: {  	v3 =	vld.idx.msk [tilespmem:v3+s26+$0x0], $0xffff  }
0x58d: {  	[tilespmem:$0x1F1B0] =	vst v0;
	v0 =	vld.idx.msk [tilespmem:v63+s29+$0x0], $0xffff;
	v2 =	vadd.f32 v2, v56  }
0x58e: {  	[tilespmem:$0x1F1D0] =	vst v1;
	v1 =	vor.u32 $0x12, v32;
	v15 =	vadd.f32 v15, v23;
	v23 =	vld [tilespmem:$0x1EE40]  }
0x58f: {  	v7 =	vor.u32 $0x18, v38;
	[tilespmem:$0x1F4B0] =	vst v2;
	v2 =	vld [tilespmem:$0x1EED0];
	_ =	sdelay $0x3  }
0x590: {  	v1 =	vld.idx.msk [tilespmem:v1+s29+$0x0], $0xffff;
	v23 =	vadd.f32 v23, v57  }
0x591: {  	v7 =	vld.idx.msk [tilespmem:v7+s31+$0x0], $0xffff;
	[tilespmem:$0x1F1C0] =	vst v0;
	v0 =	vor.u32 $0x14, v21;
	v2 =	vadd.f32 v2, v3  }
0x592: {  	[tilespmem:$0x1F3B0] =	vst v23;
	v23 =	vld [tilespmem:$0x1EE50]  }
0x593: {  	v45 =	vor.u32 $0x10, v38;
	[tilespmem:$0x1F4D0] =	vst v2;
	v2 =	vld [tilespmem:$0x1EEE0]  }
0x594: {  	v35 =	vor.u32 $0xF, v38  }
0x595: {  	v19 =	vld.idx.msk [tilespmem:v32+s29+$0x0], $0xffff  }
0x596: {  	v16 =	vor.u32 $0x12, v38;
	v0 =	vld.idx.msk [tilespmem:v0+s26+$0x0], $0xffff  }
0x597: {  	v37 =	vor.u32 $0xF, v21;
	v7 =	vadd.f32 v23, v7;
	v23 =	vld [tilespmem:$0x1EEA0]  }
0x598: {  	v45 =	vld.idx.msk [tilespmem:v45+s31+$0x0], $0xffff;
	[tilespmem:$0x1F1F0] =	vst v1;
	v1 =	vor.u32 $0x11, v38;
	v2 =	vadd.f32 v2, v59  }
0x599: {  	v35 =	vld.idx.msk [tilespmem:v35+s31+$0x0], $0xffff;
	[tilespmem:$0x1F390] =	vst v15  }
0x59a: {  	v15 =	vor.u32 $0x7, v38;
	[tilespmem:$0x1F4F0] =	vst v2;
	v2 =	vld [tilespmem:$0x1EEF0]  }
0x59b: {  	v16 =	vld.idx.msk [tilespmem:v16+s31+$0x0], $0xffff  }
0x59c: {  	v37 =	vld.idx.msk [tilespmem:v37+s26+$0x0], $0xffff;
	v0 =	vadd.f32 v23, v0  }
0x59d: {  	v12 =	vor.u32 $0xB, v21;
	v1 =	vld.idx.msk [tilespmem:v1+s31+$0x0], $0xffff  }
0x59e: {  	v9 =	vor.u32 $0xB, v38;
	[tilespmem:$0x1F460] =	vst v0;
	v0 =	vld [tilespmem:$0x1EEB0]  }
0x59f: {  	[tilespmem:$0x1F290] =	vst v14;
	v14 =	vor.u32 $0x9, v21;
	v27 =	vld.idx.msk [tilespmem:v15+s31+$0x0], $0xffff;
	v2 =	vadd.f32 v2, v41  }
0x5a0: {  	v63 =	vor.u32 $0x10, v21;
	v15 =	vld [tilespmem:$0x1EF20]  }
0x5a1: {  	[tilespmem:$0x1F510] =	vst v2;
	v2 =	vld [tilespmem:$0x1EF00]  }
0x5a2: {  	v12 =	vld.idx.msk [tilespmem:v12+s26+$0x0], $0xffff  }
0x5a3: {  	v9 =	vld.idx.msk [tilespmem:v9+s31+$0x0], $0xffff;
	v17 =	vor.u32 $0xA, v21;
	v0 =	vadd.f32 v0, v54  }
0x5a4: {  	v14 =	vld.idx.msk [tilespmem:v14+s26+$0x0], $0xffff  }
0x5a5: {  	v22 =	vld.idx.msk [tilespmem:v63+s26+$0x0], $0xffff;
	v1 =	vadd.f32 v15, v1;
	[tilespmem:$0x1F480] =	vst v0;
	v0 =	vor.u32 $0x5, v38  }
0x5a6: {  	v41 =	vadd.f32 v2, v16;
	v2 =	vld [tilespmem:$0x1EF10]  }
0x5a7: {  	[tilespmem:$0x1F550] =	vst v1;
	v1 =	vld [tilespmem:$0x1EF30]  }
0x5a8: {  	v17 =	vld.idx.msk [tilespmem:v17+s26+$0x0], $0xffff  }
0x5a9: {  	v18 =	vld [tilespmem:$0x1EDC0];
	[tilespmem:$0x1F2F0] =	vst v20;
	v20 =	vor.u32 $0x8, v21  }
0x5aa: {  	v63 =	vor.u32 $0xC, v21;
	v51 =	vld.idx.msk [tilespmem:v0+s31+$0x0], $0xffff  }
0x5ab: {  	[tilespmem:$0x1F350] =	vst v4;
	v4 =	vor.u32 $0x7, v21;
	v0 =	vld [tilespmem:$0x1EF40];
	v2 =	vadd.f32 v2, v22  }
0x5ac: {  	v22 =	vadd.f32 v34, v37;
	v37 =	vadd.f32 v1, v45;
	v1 =	vld [tilespmem:$0x1EF50]  }
0x5ad: {  	v5 =	vld [tilespmem:$0x1ED80];
	v46 =	vor.u32 $0x6, v38  }
0x5ae: {  	v20 =	vld.idx.msk [tilespmem:v20+s26+$0x0], $0xffff;
	[tilespmem:$0x1F3D0] =	vst v7;
	v7 =	vor.u32 $0x6, v21  }
0x5af: {  	v63 =	vld.idx.msk [tilespmem:v63+s26+$0x0], $0xffff;
	v3 =	vor.u32 $0x4, v38  }
0x5b0: {  	v18 =	vadd.f32 v18, v50;
	v50 =	vld.idx.msk [tilespmem:v4+s26+$0x0], $0xffff  }
0x5b1: {  	v45 =	vadd.f32 v0, v35;
	v0 =	vor.u32 $0x2, v38;
	v36 =	vadd.f32 v1, v36;
	v1 =	vld [tilespmem:$0x1EF60]  }
0x5b2: {  	v46 =	vld.idx.msk [tilespmem:v46+s31+$0x0], $0xffff  }
0x5b3: {  	v23 =	vld.idx.msk [tilespmem:v7+s26+$0x0], $0xffff  }
0x5b4: {  	v4 =	vor.u32 $0x4, v21;
	v54 =	vld.idx.msk [tilespmem:v3+s31+$0x0], $0xffff  }
0x5b5: {  	v43 =	vadd.f32 v26, v61;
	v57 =	vor.u32 $0x5, v21;
	v3 =	vld [tilespmem:$0x1EF80]  }
0x5b6: {  	v61 =	vadd.f32 v31, v8;
	v15 =	vor.u32 $0x3, v38;
	v8 =	vld.idx.msk [tilespmem:v0+s31+$0x0], $0xffff;
	v1 =	vadd.f32 v1, v10  }
0x5b7: {  	v7 =	vor.u32 $0x3, v21;
	v0 =	vld [tilespmem:$0x1EF90]  }
0x5b8: {  	p1 =	sne.s32 s5, $0xC0;
	v5 =	vadd.f32 v5, v42;
	v16 =	vor.u32 $0x2, v21;
	[tilespmem:$0x1F5E0] =	vst v1;
	v1 =	vld [tilespmem:$0x1EF70]  }
.Ltmp4:
0x5b9: {  	v42 =	vadd.f32 v33, v6;
	v26 =	vor.u32 $0x1, v21;
	v47 =	vadd.f32 v47, v20;
	v55 =	vld.idx.msk [tilespmem:v4+s26+$0x0], $0xffff;
	(pc) =	sbr.rel @p1 .LBB2_7-.Ltmp4, $4  }
0x5ba: {  	v44 =	vadd.f32 v28, v63;
	v28 =	vor.u32 $0x1, v38;
	v4 =	vadd.f32 v24, v14;
	v52 =	vld.idx.msk [tilespmem:v57+s26+$0x0], $0xffff  }
0x5bb: {  	v14 =	vor.u32 $0xF, v32;
	v56 =	vld.idx.msk [tilespmem:v15+s31+$0x0], $0xffff;
	v15 =	vadd.f32 v29, v17;
	v17 =	vor.u32 $0x10, v32  }
0x5bc: {  	v63 =	vmovc v13;
	v57 =	vld.idx.msk [tilespmem:v7+s26+$0x0], $0xffff;
	v6 =	vadd.f32 v3, v9;
	v21 =	vor.u32 $0x11, v32;
	v38 =	vadd.f32 v30, v12  }
0x5bd: {  	s5 =	sadd.s32 $0x40, s5;
	v59 =	vld.idx.msk [tilespmem:v16+s26+$0x0], $0xffff;
	v1 =	vadd.f32 v1, v60;
	v60 =	vmovc v5;
	v5 =	vadd.f32 v0, v39;
	v39 =	vmov v25  }
0x5be: {  	_ = 	snop  }
0x5bf: {  	v24 =	vld [tilespmem:$0x1F040]  }
0x5c0: {  	v13 =	vld [tilespmem:$0x1F050]  }
0x5c1: {  	v3 =	vld [tilespmem:$0x1F000]  }
0x5c2: {  	v12 =	vld.idx.msk [tilespmem:v26+s26+$0x0], $0xffff  }
0x5c3: {  	v0 =	vor.u32 $0x1, v32;
	v16 =	vld [tilespmem:$0x1F010]  }
0x5c4: {  	v24 =	vadd.f32 v24, v46;
	v46 =	vld [tilespmem:$0x1F080]  }
0x5c5: {  	v20 =	vadd.f32 v13, v52;
	v52 =	vld [tilespmem:$0x1F090]  }
0x5c6: {  	v3 =	vadd.f32 v3, v50;
	v50 =	vld [tilespmem:$0x1F020]  }
0x5c7: {  	v10 =	vld [tilespmem:$0x1F210]  }
0x5c8: {  	v0 =	vld.idx.msk [tilespmem:v0+s29+$0x0], $0xffff  }
0x5c9: {  	v16 =	vadd.f32 v16, v27;
	v27 =	vadd.f32 v46, v51;
	v51 =	vld [tilespmem:$0x1F0A0]  }
0x5ca: {  	v25 =	vadd.f32 v52, v55;
	v52 =	vld [tilespmem:$0x1F0D0]  }
0x5cb: {  	v9 =	vadd.f32 v63, v11;
	v11 =	vadd.f32 v50, v23;
	v50 =	vld [tilespmem:$0x1F0B0]  }
0x5cc: {  	v33 =	vor.u32 $0x4, v32;
	v23 =	vld.idx.msk [tilespmem:v28+s31+$0x0], $0xffff  }
0x5cd: {  	v7 =	vor.u32 $0x2, v32;
	v55 =	vld [tilespmem:$0x1F100]  }
0x5ce: {  	v63 =	vor.u32 $0x3, v32;
	v29 =	vadd.f32 v51, v54;
	v54 =	vld [tilespmem:$0x1F0C0]  }
0x5cf: {  	v30 =	vadd.f32 v52, v59;
	v59 =	vld [tilespmem:$0x1F220]  }
0x5d0: {  	v28 =	vadd.f32 v50, v57;
	v57 =	vld [tilespmem:$0x1F110]  }
0x5d1: {  	v34 =	vsub.f32 v10, v19;
	v51 =	vld.idx.msk [tilespmem:v33+s29+$0x0], $0xffff  }
0x5d2: {  	v7 =	vld.idx.msk [tilespmem:v7+s29+$0x0], $0xffff;
	v12 =	vadd.f32 v55, v12;
	v55 =	vor.u32 $0x7, v32  }
0x5d3: {  	v63 =	vld.idx.msk [tilespmem:v63+s29+$0x0], $0xffff;
	v50 =	vand.u32 $0x7FFFFFFF, v34  }
0x5d4: {  	v31 =	vadd.f32 v54, v56;
	v56 =	vld [tilespmem:$0x1F0F0];
	v10 =	vsub.f32 v59, v19;
	v19 =	vor.u32 $0x5, v32  }
0x5d5: {  	v52 =	vor.u32 $0x6, v32;
	v12 =	vsub.f32 v12, v0;
	v23 =	vadd.f32 v57, v23  }
0x5d6: {  	v33 =	vor.u32 $0x9, v32;
	v57 =	vsub.f32 v29, v51;
	v59 =	vor.u32 $0x8, v32  }
0x5d7: {  	v46 =	vsub.f32 v30, v7;
	v12 =	vand.u32 $0x7FFFFFFF, v12;
	v30 =	vld.idx.msk [tilespmem:v55+s29+$0x0], $0xffff;
	v0 =	vsub.f32 v23, v0  }
0x5d8: {  	v10 =	vand.u32 $0x7FFFFFFF, v10;
	v13 =	vsub.f32 v31, v63;
	v31 =	vand.u32 $0x7FFFFFFF, v57  }
0x5d9: {  	v57 =	vor.u32 $0xD, v32;
	v0 =	vand.u32 $0x7FFFFFFF, v0;
	v8 =	vadd.f32 v56, v8;
	v23 =	vld.idx.msk [tilespmem:v19+s29+$0x0], $0xffff  }
0x5da: {  	v26 =	vand.u32 $0x7FFFFFFF, v46;
	v54 =	vsub.f32 v28, v63;
	v0 =	vadd.f32 v0, v10;
	v10 =	vld.idx.msk [tilespmem:v52+s29+$0x0], $0xffff  }
0x5db: {  	v46 =	vor.u32 $0xA, v32;
	v34 =	vld.idx.msk [tilespmem:v59+s29+$0x0], $0xffff;
	v7 =	vsub.f32 v8, v7;
	v8 =	vadd.f32 v12, v50  }
0x5dc: {  	v56 =	vsub.f32 v25, v51;
	v3 =	vsub.f32 v3, v30;
	v51 =	vor.u32 $0xB, v32;
	v52 =	vld.idx.msk [tilespmem:v33+s29+$0x0], $0xffff  }
0x5dd: {  	v16 =	vsub.f32 v16, v30;
	v7 =	vand.u32 $0x7FFFFFFF, v7;
	v8 =	vadd.f32 v26, v8  }
0x5de: {  	v13 =	vand.u32 $0x7FFFFFFF, v13;
	v25 =	vld.idx.msk [tilespmem:v57+s29+$0x0], $0xffff;
	v0 =	vadd.f32 v7, v0;
	v63 =	vsub.f32 v20, v23  }
0x5df: {  	v12 =	vand.u32 $0x7FFFFFFF, v54;
	v29 =	vsub.f32 v27, v23;
	v11 =	vsub.f32 v11, v10  }
0x5e0: {  	v7 =	vand.u32 $0x7FFFFFFF, v56;
	v10 =	vsub.f32 v24, v10;
	v55 =	vsub.f32 v47, v34;
	v56 =	vld.idx.msk [tilespmem:v46+s29+$0x0], $0xffff  }
0x5e1: {  	v54 =	vor.u32 $0xC, v32;
	v59 =	vld.idx.msk [tilespmem:v51+s29+$0x0], $0xffff;
	v4 =	vsub.f32 v4, v52;
	v8 =	vadd.f32 v12, v8  }
0x5e2: {  	v23 =	vsub.f32 v5, v52;
	v0 =	vadd.f32 v13, v0;
	v12 =	vand.u32 $0x7FFFFFFF, v63  }
0x5e3: {  	v63 =	vor.u32 $0xE, v32;
	v33 =	vsub.f32 v43, v25;
	v7 =	vadd.f32 v7, v8  }
0x5e4: {  	v3 =	vand.u32 $0x7FFFFFFF, v3;
	v32 =	vld.idx.msk [tilespmem:v14+s29+$0x0], $0xffff;
	v8 =	vsub.f32 v9, v34;
	v0 =	vadd.f32 v31, v0  }
0x5e5: {  	v50 =	vand.u32 $0x7FFFFFFF, v29;
	v7 =	vadd.f32 v12, v7;
	v24 =	vsub.f32 v15, v56  }
0x5e6: {  	v11 =	vand.u32 $0x7FFFFFFF, v11;
	v27 =	vsub.f32 v38, v59;
	v38 =	vld.idx.msk [tilespmem:v17+s29+$0x0], $0xffff;
	v0 =	vadd.f32 v50, v0  }
0x5e7: {  	v10 =	vand.u32 $0x7FFFFFFF, v10;
	v9 =	vsub.f32 v61, v56;
	v6 =	vsub.f32 v6, v59  }
0x5e8: {  	v16 =	vand.u32 $0x7FFFFFFF, v16;
	v7 =	vadd.f32 v11, v7;
	v28 =	vld.idx.msk [tilespmem:v63+s29+$0x0], $0xffff;
	v0 =	vadd.f32 v10, v0  }
0x5e9: {  	v29 =	vand.u32 $0x7FFFFFFF, v9;
	v46 =	vsub.f32 v22, v32;
	v9 =	vsub.f32 v45, v32;
	v63 =	vld [tilespmem:$0x1F1E0]  }
0x5ea: {  	v8 =	vand.u32 $0x7FFFFFFF, v8;
	v10 =	vld.idx.msk [tilespmem:v54+s29+$0x0], $0xffff;
	v3 =	vadd.f32 v3, v7;
	v0 =	vadd.f32 v16, v0  }
0x5eb: {  	v19 =	vld [tilespmem:$0x1F480];
	v11 =	vand.u32 $0x7FFFFFFF, v55;
	v2 =	vsub.f32 v2, v38;
	v51 =	vsub.f32 v37, v38  }
0x5ec: {  	v4 =	vand.u32 $0x7FFFFFFF, v4;
	v34 =	vld [tilespmem:$0x1F5E0];
	v3 =	vadd.f32 v11, v3;
	v0 =	vadd.f32 v8, v0  }
0x5ed: {  	v26 =	vand.u32 $0x7FFFFFFF, v23;
	v55 =	vld [tilespmem:$0x1F550];
	v43 =	vsub.f32 v42, v28;
	v7 =	vsub.f32 v36, v28  }
0x5ee: {  	v52 =	vand.u32 $0x7FFFFFFF, v9;
	v37 =	vld [tilespmem:$0x1F170];
	v3 =	vadd.f32 v4, v3;
	v0 =	vadd.f32 v26, v0  }
0x5ef: {  	v32 =	vld [tilespmem:$0x1F180];
	v8 =	vand.u32 $0x7FFFFFFF, v24;
	v9 =	vsub.f32 v39, v63;
	v30 =	vsub.f32 v44, v10  }
0x5f0: {  	v31 =	vand.u32 $0x7FFFFFFF, v27;
	v44 =	vld.idx.msk [tilespmem:v21+s29+$0x0], $0xffff;
	v3 =	vadd.f32 v8, v3;
	v0 =	vadd.f32 v29, v0  }
0x5f1: {  	v57 =	vld [tilespmem:$0x1F1F0];
	v6 =	vand.u32 $0x7FFFFFFF, v6;
	v1 =	vsub.f32 v1, v10;
	v4 =	vsub.f32 v34, v25  }
0x5f2: {  	v10 =	vld [tilespmem:$0x1F4F0];
	v3 =	vadd.f32 v31, v3;
	v0 =	vadd.f32 v6, v0  }
0x5f3: {  	v14 =	vld [tilespmem:$0x1F4B0];
	v8 =	vand.u32 $0x7FFFFFFF, v30;
	v1 =	vand.u32 $0x7FFFFFFF, v1;
	v38 =	vsub.f32 v49, v37  }
0x5f4: {  	v42 =	vld [tilespmem:$0x1F160];
	v4 =	vand.u32 $0x7FFFFFFF, v4;
	v3 =	vadd.f32 v8, v3;
	v0 =	vadd.f32 v1, v0  }
0x5f5: {  	v54 =	vld [tilespmem:$0x1F510];
	v6 =	vand.u32 $0x7FFFFFFF, v33;
	v5 =	vsub.f32 v55, v44;
	v33 =	vsub.f32 v62, v32  }
0x5f6: {  	v16 =	vld [tilespmem:$0x1F1C0];
	v47 =	vand.u32 $0x7FFFFFFF, v7;
	v3 =	vadd.f32 v6, v3;
	v0 =	vadd.f32 v4, v0  }
0x5f7: {  	v59 =	vld [tilespmem:$0x1F4D0];
	v1 =	vand.u32 $0x7FFFFFFF, v43;
	v61 =	vand.u32 $0x7FFFFFFF, v5;
	v5 =	vsub.f32 v10, v63  }
0x5f8: {  	v12 =	vld [tilespmem:$0x1F1D0];
	v50 =	vand.u32 $0x7FFFFFFF, v46;
	v1 =	vadd.f32 v1, v3;
	v0 =	vadd.f32 v47, v0  }
0x5f9: {  	v2 =	vand.u32 $0x7FFFFFFF, v2;
	v24 =	vld [tilespmem:$0x1F1A0];
	v43 =	vsub.f32 v18, v42;
	v4 =	vsub.f32 v41, v57  }
0x5fa: {  	v56 =	vand.u32 $0x7FFFFFFF, v51;
	v26 =	vld [tilespmem:$0x1F410];
	v1 =	vadd.f32 v50, v1;
	v0 =	vadd.f32 v52, v0  }
0x5fb: {  	v13 =	vld [tilespmem:$0x1F460];
	v15 =	vand.u32 $0x7FFFFFFF, v5;
	v5 =	vsub.f32 v19, v16;
	v3 =	vsub.f32 v54, v44  }
0x5fc: {  	v46 =	vld [tilespmem:$0x1F150];
	v11 =	vand.u32 $0x7FFFFFFF, v4;
	v1 =	vadd.f32 v2, v1;
	v0 =	vadd.f32 v56, v0  }
0x5fd: {  	v17 =	vld [tilespmem:$0x1F430];
	v4 =	vsub.f32 v14, v12;
	v3 =	vand.u32 $0x7FFFFFFF, v3;
	v2 =	vsub.f32 v59, v57  }
0x5fe: {  	v21 =	vld [tilespmem:$0x1F1B0];
	v1 =	vadd.f32 v3, v1;
	v0 =	vadd.f32 v61, v0  }
0x5ff: {  	v22 =	vld [tilespmem:$0x1F3F0];
	v23 =	vand.u32 $0x7FFFFFFF, v5;
	v5 =	vsub.f32 v26, v24;
	v2 =	vand.u32 $0x7FFFFFFF, v2  }
0x600: {  	v34 =	vld [tilespmem:$0x1F390];
	v1 =	vadd.f32 v2, v1;
	v0 =	vadd.f32 v11, v0  }
0x601: {  	v28 =	vld [tilespmem:$0x1F190];
	v47 =	vsub.f32 v48, v46;
	v3 =	vand.u32 $0x7FFFFFFF, v9;
	v2 =	vsub.f32 v13, v12  }
0x602: {  	v25 =	vld [tilespmem:$0x1F3B0];
	v20 =	vand.u32 $0x7FFFFFFF, v4;
	v1 =	vadd.f32 v3, v1;
	v0 =	vadd.f32 v15, v0  }
0x603: {  	v30 =	vld [tilespmem:$0x1F3D0];
	v4 =	vsub.f32 v53, v21;
	v3 =	vsub.f32 v17, v16;
	v2 =	vand.u32 $0x7FFFFFFF, v2  }
0x604: {  	v29 =	vld [tilespmem:$0x1F370];
	v31 =	vand.u32 $0x7FFFFFFF, v5;
	v1 =	vadd.f32 v2, v1;
	v0 =	vadd.f32 v20, v0  }
0x605: {  	v5 =	vsub.f32 v34, v32;
	v2 =	vsub.f32 v22, v21;
	v3 =	vand.u32 $0x7FFFFFFF, v3  }
0x606: {  	v44 =	vld [tilespmem:$0x1F320];
	v1 =	vadd.f32 v3, v1;
	v0 =	vadd.f32 v23, v0  }
0x607: {  	v39 =	vld [tilespmem:$0x1F350];
	v27 =	vand.u32 $0x7FFFFFFF, v4;
	v3 =	vsub.f32 v25, v24;
	v2 =	vand.u32 $0x7FFFFFFF, v2  }
0x608: {  	v54 =	vld [tilespmem:$0x1F130];
	v1 =	vadd.f32 v2, v1;
	v0 =	vadd.f32 v27, v0  }
0x609: {  	v4 =	vsub.f32 v30, v28;
	v2 =	vsub.f32 v29, v28;
	v3 =	vand.u32 $0x7FFFFFFF, v3  }
0x60a: {  	v50 =	vld [tilespmem:$0x1F140];
	v41 =	vand.u32 $0x7FFFFFFF, v5;
	v1 =	vadd.f32 v3, v1;
	v0 =	vadd.f32 v31, v0  }
0x60b: {  	v48 =	vld [tilespmem:$0x1F2F0];
	v5 =	vsub.f32 v44, v42;
	v36 =	vand.u32 $0x7FFFFFFF, v4;
	v2 =	vand.u32 $0x7FFFFFFF, v2  }
0x60c: {  	v52 =	vld [tilespmem:$0x1F2C0];
	v1 =	vadd.f32 v2, v1;
	v0 =	vadd.f32 v36, v0  }
0x60d: {  	v55 =	vsub.f32 v58, v54;
	v4 =	vsub.f32 v39, v37;
	v3 =	vand.u32 $0x7FFFFFFF, v33  }
0x60e: {  	v1 =	vadd.f32 v3, v1;
	v0 =	vadd.f32 v41, v0  }
0x60f: {  	v56 =	vld [tilespmem:$0x1F290];
	v51 =	vsub.f32 v60, v50;
	v45 =	vand.u32 $0x7FFFFFFF, v4;
	v2 =	vand.u32 $0x7FFFFFFF, v38  }
0x610: {  	v58 =	vld [tilespmem:$0x1F120];
	v49 =	vand.u32 $0x7FFFFFFF, v5;
	v1 =	vadd.f32 v2, v1;
	v0 =	vadd.f32 v45, v0  }
0x611: {  	v5 =	vsub.f32 v52, v50;
	v4 =	vsub.f32 v48, v46;
	v3 =	vand.u32 $0x7FFFFFFF, v43  }
0x612: {  	v60 =	vld [tilespmem:$0x1F260];
	v1 =	vadd.f32 v3, v1;
	v0 =	vadd.f32 v49, v0  }
0x613: {  	v53 =	vand.u32 $0x7FFFFFFF, v4;
	v2 =	vand.u32 $0x7FFFFFFF, v47  }
0x614: {  	v57 =	vand.u32 $0x7FFFFFFF, v5;
	v1 =	vadd.f32 v2, v1;
	v0 =	vadd.f32 v53, v0  }
0x615: {  	v59 =	vsub.f32 v40, v58;
	v4 =	vsub.f32 v56, v54;
	v3 =	vand.u32 $0x7FFFFFFF, v51  }
0x616: {  	v1 =	vadd.f32 v3, v1;
	v0 =	vadd.f32 v57, v0  }
0x617: {  	v5 =	vsub.f32 v60, v58;
	v4 =	vand.u32 $0x7FFFFFFF, v4;
	v2 =	vand.u32 $0x7FFFFFFF, v55  }
0x618: {  	v1 =	vadd.f32 v2, v1;
	v0 =	vadd.f32 v4, v0  }
0x619: {  	v61 =	vand.u32 $0x7FFFFFFF, v59;
	v62 =	vand.u32 $0x7FFFFFFF, v5  }
0x61a: {  	v1 =	vadd.f32 v61, v1;
	v0 =	vadd.f32 v62, v0;
	_ =	sdelay $0x1  }
0x61b: {  	v63 =	vld [tilespmem:$0x1F200];
	v0 =	vsub.f32 v1, v0  }
.Ltmp5:
0x61c: {  	_ = 	snop;
	(pc) =	sbr.rel @p0 .LBB2_10-.Ltmp5, $3  }
0x61d: {  	v0 =	vadd.f32 $1.000000000e+00, v0;
	_ =	sdelay $0x1  }
0x61e: {  	v0 =	vmax.f32 v0, $0.0e+00  }
0x61f: {  	v35 =	vld [tilespmem:$0x1FFF0];
	v42 =	vadd.f32 v0, v63  }
0x620: {  	s5 =	sadd.s32 $0xAC0, s7;
	s21 =	sadd.s32 $0xCC0, s7;
	s23 =	sadd.s32 $0xEC0, s7  }
0x621: {  	s6 =	sadd.s32 $0x1, s6;
	s1 =	sadd.s32 $0x80, s1;
	s11 =	sadd.s32 $0x80, s11  }
0x622: {  	[tilespmem:s26], [sflag:$0x2] =	stream.indirect.gather [hbm4b:s2+s3], $0x80, s5, s3, $0xb8;
	[tilespmem:$0x15080] =	vst v63  }
.Ltmp6:
0x623: {  	s4 =	sadd.s32 $0x80, s4;
	s9 =	sadd.s32 $0x80, s9;
	(pc) =	sbr.rel .LBB2_4-.Ltmp6, $4  }
0x624: {  	s10 =	sadd.s32 $0x80, s10;
	s14 =	sadd.s32 $0x80, s14;
	s25 =	sadd.s32 $0x80, s25  }
0x625: {  	[tilespmem:s29], [sflag:$0x2] =	stream.indirect.gather [hbm4b:s2+s3], $0x80, s21, s3, $0xb8;
	[tilespmem:$0x15080] =	vst v63  }
0x626: {  	s28 =	sadd.s32 $0x80, s28;
	s30 =	sadd.s32 $0x80, s30;
	s0 =	sadd.s32 $0x80, s0  }
0x627: {  	v36 =	vmov v35;
	[tilespmem:s31], [sflag:$0x2] =	stream.indirect.gather [hbm4b:s2+s3], $0x80, s23, s3, $0xb8;
	[tilespmem:$0x15080] =	vst v63  }
.LBB2_11:
0x628: {  	_ =	sfence.sel $0x180000  }
0x629: {  	[bflag:$0x0] =	sbarrier.arrive $0xFFFF  }
0x62a: {  	_ =	strace $0x90000047  }
0x62b: {  	s0 =	stileid.u32;
	[bflag:$0x2] =	sbarrier.arrive $0xFFFF  }
0x62c: {  	p0 =	sne.s32 s0, $0x0;
	s0 =	rddreg [dreg:$0x7]  }
0x62d: {  	s0 =	sadd.s32 @!p0 $0x100000, s0  }
0x62e: {  	[sflag:s0] =	ssyncadd.tile.s32 @!p0 $0x1;
	_ =	shalt  }
.Lfunc_end2:
_tile_overlayer_lowered:
.L_overlay_start_2:
0x62f: {  	(tag) =	ssettag $0x2  }
0x630: {  	s0 =	rddreg [dreg:$0x0];
	s2 =	stileid.u32  }
0x631: {  	s1 =	rddreg [dreg:$0x1];
	p0 =	sne.s32 s2, $0x0  }
0x632: {  	s3 =	rddreg [dreg:$0x2];
	[bflag:$0x3] =	sbarrier.arrive $0xFFFF;
	s2 =	simm.s32 @!p0 $0x1C03  }
0x633: {  	[timem:s3], [sflag:s2] =	dma.local @!p0 [hbm:s0], s1  }
0x634: {  	s0 =	simm.s32 @!p0 $0x3  }
0x635: {  	_ =	swait.ge @!p0 [sflag:s0], s1  }
0x636: {  	s1 =	ssub.s32 @!p0 $0x0, s1;
	[sflag:s0] =	ssyncset.done @!p0 $0x0  }
0x637: {  	[sflag:s0] =	ssyncadd.s32 @!p0 s1  }
0x638: {  	[bflag:$0x3] =	sbarrier.arrive $0xFFFF  }
0x639: {  	_ =	shalt  }

</sc_bundles>
